<compile_context>
chip_gen: v7x
topology: tpu7x:2x2x1
jax: 0.10.2.dev20260603
libtpu: 0.0.44.dev20260713+nightly
codegen_flags: <defaults>
</compile_context>

<pallas_src>
import ml_dtypes
import numpy as np
import jax
import jax.numpy as jnp
from jax import lax
from jax.experimental import pallas as pl
from jax.experimental.pallas import tpu as pltpu
from jax.experimental.pallas import tpu_sc as plsc

_VOCAB = 100000
_DIM = 1024
_MAX_LEN = 2048
_B = 4
_S = 2048

_NC = 2
_NS = 16
_NW = _NC * _NS
_PPW = _S // _NW
_CH = 32
_QPB = _PPW // _CH
_NCH = _B * _QPB
_L = 16
_VPR = _DIM // _L


def _pe_table() -> np.ndarray:
    pos = np.arange(_MAX_LEN, dtype=np.float32)[:, None]
    i = np.arange(_DIM, dtype=np.float32)[None, :]
    angle_rates = 1.0 / np.power(10000.0, (2.0 * np.floor(i / 2.0)) / _DIM)
    angles = pos * angle_rates
    pe = np.zeros((_MAX_LEN, _DIM), dtype=np.float32)
    pe[:, 0::2] = np.sin(angles[:, 0::2])
    pe[:, 1::2] = np.cos(angles[:, 1::2])
    return pe


def _pack_pe() -> np.ndarray:
    g = _pe_table().reshape(-1, 2, 16)
    lo = g[:, 0, :].astype(ml_dtypes.bfloat16).view(np.uint16).astype(np.uint32)
    hi = g[:, 1, :].astype(ml_dtypes.bfloat16).view(np.uint16).astype(np.uint32)
    return (lo | (hi << 16)).view(np.int32).reshape(-1)


_PE_W = _pack_pe().reshape(_NW, _PPW, _DIM // 2)
_PE_H0 = np.ascontiguousarray(_PE_W[:, : _PPW // 2]).reshape(-1)
_PE_H1 = np.ascontiguousarray(_PE_W[:, _PPW // 2:]).reshape(-1)


def _embed_body(x_hbm, tab_hbm, pe0_hbm, pe1_hbm, out_hbm,
                idx_v, pe_buf, buf0, buf1,
                sem_pe, sem_i, sem_g0, sem_g1, sem_s0, sem_s1):
    wid = lax.axis_index("s") * _NC + lax.axis_index("c")
    pbase = wid * _PPW

    bufs = (buf0, buf1)
    gsems = (sem_g0, sem_g1)
    ssems = (sem_s0, sem_s1)

    def pe_load(q):
        src = (pe0_hbm, pe1_hbm)[q]
        return pltpu.async_copy(
            src.at[pl.ds(wid * (_CH * _DIM // 2), _CH * _DIM // 2)],
            pe_buf, sem_pe)

    def ioff(c):
        return (c % _B) * _PPW + (c // _B) * _CH

    def out_slice(c):
        return out_hbm.at[c % _B, pl.ds(pbase + (c // _B) * _CH, _CH), :]

    def gather(c, k):
        return pltpu.async_copy(
            tab_hbm.at[idx_v.at[pl.ds(ioff(c), _CH)]], bufs[k], gsems[k])

    pe_cp = pe_load(0)
    idx_cps = [
        pltpu.async_copy(x_hbm.at[b, pl.ds(pbase, _PPW)],
                         idx_v.at[pl.ds(b * _PPW, _PPW)], sem_i)
        for b in range(_B)
    ]
    for cp in idx_cps:
        cp.wait()
    gather(0, 0)
    gather(1, 1)
    pe_cp.wait()

    def _round(r, carry):
        c0 = 2 * r
        for k in range(2):
            c = c0 + k
            buf, gsem, ssem = bufs[k], gsems[k], ssems[k]
            pltpu.make_async_copy(
                tab_hbm.at[idx_v.at[pl.ds(ioff(c), _CH)]], buf, gsem).wait()

            @pl.when(c == _NCH // 2)
            def _():
                pltpu.make_async_copy(
                    pe1_hbm.at[pl.ds(wid * (_CH * _DIM // 2),
                                     _CH * _DIM // 2)],
                    pe_buf, sem_pe).wait()

            @plsc.parallel_loop(0, _CH, step=1)
            def _row(rr):
                rbase = rr * (_DIM // 2)
                for j in range(_VPR // 2):
                    w = pe_buf[pl.ds(rbase + j * _L, _L)]
                    a = lax.bitcast_convert_type(w << 16, jnp.float32)
                    b = lax.bitcast_convert_type((w >> 16) << 16, jnp.float32)
                    plsc.addupdate(buf.at[rr, pl.ds(j * 2 * _L, _L)], a)
                    plsc.addupdate(buf.at[rr, pl.ds(j * 2 * _L + _L, _L)], b)

            st = pltpu.async_copy(buf, out_slice(c), ssem)

            @pl.when(c == _NCH // 2 - 1)
            def _():
                pe_load(1)

            @pl.when(c + 2 < _NCH)
            def _():
                st.wait()
                gather(c + 2, k)
        return carry

    lax.fori_loop(0, _NCH // 2, _round, 0)
    for k in range(2):
        pltpu.make_async_copy(bufs[k], out_slice(_NCH - 2 + k),
                              ssems[k]).wait()


_embed = pl.kernel(
    _embed_body,
    out_type=jax.ShapeDtypeStruct((_B, _S, _DIM), jnp.float32),
    mesh=plsc.VectorSubcoreMesh(core_axis_name="c", subcore_axis_name="s"),
    scratch_types=[
        pltpu.VMEM((_B * _PPW,), jnp.int32),
        pltpu.VMEM((_CH * _DIM // 2,), jnp.int32),
        pltpu.VMEM((_CH, _DIM), jnp.float32),
        pltpu.VMEM((_CH, _DIM), jnp.float32),
        pltpu.SemaphoreType.DMA,
        pltpu.SemaphoreType.DMA,
        pltpu.SemaphoreType.DMA,
        pltpu.SemaphoreType.DMA,
        pltpu.SemaphoreType.DMA,
        pltpu.SemaphoreType.DMA,
    ],
)


@jax.jit
def kernel(x, token_table):
    return _embed(x, token_table, jnp.asarray(_PE_H0), jnp.asarray(_PE_H1))

# --- scband reference (transcript-rebuilt; emitter-appended) ---
"""Pipeline reference for scband-transformer-embedding-25529285607632 (READ-ONLY COPY).

The authoritative reference and input builder live on the scoring server;
editing this copy changes nothing except your own understanding.
"""

import jax, jax.numpy as jnp
import numpy as np

VOCAB = 100000
DIM = 1024
MAX_LEN = 2048
B = 4
S = 2048


def _sinusoidal_pe(max_len, dim):
    pos = np.arange(max_len, dtype=np.float32)[:, None]
    i = np.arange(dim, dtype=np.float32)[None, :]
    angle_rates = 1.0 / np.power(10000.0, (2.0 * np.floor(i / 2.0)) / dim)
    angles = pos * angle_rates
    pe = np.zeros((max_len, dim), dtype=np.float32)
    pe[:, 0::2] = np.sin(angles[:, 0::2])
    pe[:, 1::2] = np.cos(angles[:, 1::2])
    return jnp.asarray(pe)


def setup_inputs(seed: int = 0) -> dict:
    key = jax.random.key(seed)
    k_idx, k_tab = jax.random.split(key)
    x = jax.random.randint(k_idx, (B, S), 0, VOCAB, dtype=jnp.int32)
    token_table = jax.random.normal(k_tab, (VOCAB, DIM), dtype=jnp.float32) * 0.02
    return {"x": x, "token_table": token_table}


def reference(x, token_table):
    # TokenEmbedding: gather rows from the embedding table
    token_embd = jnp.take(token_table, x, axis=0)  # [B, S, DIM]
    # PositionalEmbedding: sinusoidal buffer, sliced to seq_len
    pe = _sinusoidal_pe(MAX_LEN, DIM)
    seq_len = x.shape[1]
    position_embd = pe[:seq_len][None, :, :]  # [1, S, DIM]
    # Dropout is identity in eval/inference mode
    return token_embd + position_embd

if __name__ == "__main__":
    import jax
    _d = setup_inputs()
    print(jax.jit(kernel)(*tuple(_d.values())))

</pallas_src>

<mosaic_0001>
#map = affine_map<(d0, d1) -> (0, 0)>
#map1 = affine_map<(d0, d1) -> (0)>
#map2 = affine_map<(d0, d1) -> (0, 0, 0)>
module attributes {stable_mosaic.version = 14 : i64} {
  func.func @_embed_body(%arg0: i32, %arg1: i32, %arg2: memref<4x2048xi32, #tpu.memory_space<hbm>>, %arg3: memref<100000x1024xf32, #tpu.memory_space<hbm>>, %arg4: memref<524288xi32, #tpu.memory_space<hbm>>, %arg5: memref<524288xi32, #tpu.memory_space<hbm>>, %arg6: memref<4x2048x1024xf32, #tpu.memory_space<hbm>>, %arg7: memref<256xi32, #tpu.memory_space<vmem>>, %arg8: memref<16384xi32, #tpu.memory_space<vmem>>, %arg9: memref<32x1024xf32, #tpu.memory_space<vmem>>, %arg10: memref<32x1024xf32, #tpu.memory_space<vmem>>, %arg11: memref<!tpu.dma_semaphore, #tpu.memory_space<semaphore_mem>>, %arg12: memref<!tpu.dma_semaphore, #tpu.memory_space<semaphore_mem>>, %arg13: memref<!tpu.dma_semaphore, #tpu.memory_space<semaphore_mem>>, %arg14: memref<!tpu.dma_semaphore, #tpu.memory_space<semaphore_mem>>, %arg15: memref<!tpu.dma_semaphore, #tpu.memory_space<semaphore_mem>>, %arg16: memref<!tpu.dma_semaphore, #tpu.memory_space<semaphore_mem>>) attributes {dimension_semantics = [#tpu.dimension_semantics<core_parallel>, #tpu.dimension_semantics<subcore_parallel>], iteration_bounds = array<i64: 2, 16>, scalar_prefetch = 0 : i64, scratch_operands = 10 : i64, tpu.core_type = #tpu.core_type<sc_vector_subcore>, window_params = [{transform_indices = #map}, {transform_indices = #map}, {transform_indices = #map1}, {transform_indices = #map1}, {transform_indices = #map2}]} {
    %mul3A = arith.constant 2 : i32
    %mul3A_0 = arith.muli %arg1, %mul3A : i32
    %add3A = arith.addi %mul3A_0, %arg0 : i32
    %mul3A_1 = arith.constant 64 : i32
    %mul3A_2 = arith.muli %add3A, %mul3A_1 : i32
    %mul3A_3 = arith.constant 16384 : i32
    %mul3A_4 = arith.muli %add3A, %mul3A_3 : i32
    %dma_start3A = tpu.memref_slice %arg4[%mul3A_4] : memref<524288xi32, #tpu.memory_space<hbm>> -> memref<16384xi32, #tpu.memory_space<hbm>>
    %dma_start3A_5 = tpu.memref_slice %arg4[%mul3A_4] : memref<524288xi32, #tpu.memory_space<hbm>> -> memref<16384xi32, #tpu.memory_space<hbm>>
    tpu.enqueue_dma source(%dma_start3A_5 : memref<16384xi32, #tpu.memory_space<hbm>>) target(%arg8 : memref<16384xi32, #tpu.memory_space<vmem>>) target_semaphore(%arg11 : memref<!tpu.dma_semaphore, #tpu.memory_space<semaphore_mem>>)
    %dma_start3A_6 = arith.constant 0 : i32
    %dma_start3A_7 = arith.constant 0 : i32
    %dma_start3A_8 = tpu.memref_slice %arg7[%dma_start3A_7] : memref<256xi32, #tpu.memory_space<vmem>> -> memref<64xi32, #tpu.memory_space<vmem>>
    %dma_start3A_9 = tpu.memref_slice %arg2[%dma_start3A_6, %mul3A_2] : memref<4x2048xi32, #tpu.memory_space<hbm>> -> memref<1x64xi32, #tpu.memory_space<hbm>>
    %dma_start3A_10 = tpu.memref_squeeze %dma_start3A_9 : memref<1x64xi32, #tpu.memory_space<hbm>> -> memref<64xi32, #tpu.memory_space<hbm>>
    %dma_start3A_11 = arith.constant 0 : i32
    %dma_start3A_12 = tpu.memref_slice %arg7[%dma_start3A_11] : memref<256xi32, #tpu.memory_space<vmem>> -> memref<64xi32, #tpu.memory_space<vmem>>
    %dma_start3A_13 = tpu.memref_slice %arg2[%dma_start3A_6, %mul3A_2] : memref<4x2048xi32, #tpu.memory_space<hbm>> -> memref<1x64xi32, #tpu.memory_space<hbm>>
    %dma_start3A_14 = tpu.memref_squeeze %dma_start3A_13 : memref<1x64xi32, #tpu.memory_space<hbm>> -> memref<64xi32, #tpu.memory_space<hbm>>
    tpu.enqueue_dma source(%dma_start3A_14 : memref<64xi32, #tpu.memory_space<hbm>>) target(%dma_start3A_12 : memref<64xi32, #tpu.memory_space<vmem>>) target_semaphore(%arg12 : memref<!tpu.dma_semaphore, #tpu.memory_space<semaphore_mem>>)
    %dma_start3A_15 = arith.constant 1 : i32
    %dma_start3A_16 = arith.constant 64 : i32
    %dma_start3A_17 = tpu.memref_slice %arg7[%dma_start3A_16] : memref<256xi32, #tpu.memory_space<vmem>> -> memref<64xi32, #tpu.memory_space<vmem>>
    %dma_start3A_18 = tpu.memref_slice %arg2[%dma_start3A_15, %mul3A_2] : memref<4x2048xi32, #tpu.memory_space<hbm>> -> memref<1x64xi32, #tpu.memory_space<hbm>>
    %dma_start3A_19 = tpu.memref_squeeze %dma_start3A_18 : memref<1x64xi32, #tpu.memory_space<hbm>> -> memref<64xi32, #tpu.memory_space<hbm>>
    %dma_start3A_20 = arith.constant 64 : i32
    %dma_start3A_21 = tpu.memref_slice %arg7[%dma_start3A_20] : memref<256xi32, #tpu.memory_space<vmem>> -> memref<64xi32, #tpu.memory_space<vmem>>
    %dma_start3A_22 = tpu.memref_slice %arg2[%dma_start3A_15, %mul3A_2] : memref<4x2048xi32, #tpu.memory_space<hbm>> -> memref<1x64xi32, #tpu.memory_space<hbm>>
    %dma_start3A_23 = tpu.memref_squeeze %dma_start3A_22 : memref<1x64xi32, #tpu.memory_space<hbm>> -> memref<64xi32, #tpu.memory_space<hbm>>
    tpu.enqueue_dma source(%dma_start3A_23 : memref<64xi32, #tpu.memory_space<hbm>>) target(%dma_start3A_21 : memref<64xi32, #tpu.memory_space<vmem>>) target_semaphore(%arg12 : memref<!tpu.dma_semaphore, #tpu.memory_space<semaphore_mem>>)
    %dma_start3A_24 = arith.constant 2 : i32
    %dma_start3A_25 = arith.constant 128 : i32
    %dma_start3A_26 = tpu.memref_slice %arg7[%dma_start3A_25] : memref<256xi32, #tpu.memory_space<vmem>> -> memref<64xi32, #tpu.memory_space<vmem>>
    %dma_start3A_27 = tpu.memref_slice %arg2[%dma_start3A_24, %mul3A_2] : memref<4x2048xi32, #tpu.memory_space<hbm>> -> memref<1x64xi32, #tpu.memory_space<hbm>>
    %dma_start3A_28 = tpu.memref_squeeze %dma_start3A_27 : memref<1x64xi32, #tpu.memory_space<hbm>> -> memref<64xi32, #tpu.memory_space<hbm>>
    %dma_start3A_29 = arith.constant 128 : i32
    %dma_start3A_30 = tpu.memref_slice %arg7[%dma_start3A_29] : memref<256xi32, #tpu.memory_space<vmem>> -> memref<64xi32, #tpu.memory_space<vmem>>
    %dma_start3A_31 = tpu.memref_slice %arg2[%dma_start3A_24, %mul3A_2] : memref<4x2048xi32, #tpu.memory_space<hbm>> -> memref<1x64xi32, #tpu.memory_space<hbm>>
    %dma_start3A_32 = tpu.memref_squeeze %dma_start3A_31 : memref<1x64xi32, #tpu.memory_space<hbm>> -> memref<64xi32, #tpu.memory_space<hbm>>
    tpu.enqueue_dma source(%dma_start3A_32 : memref<64xi32, #tpu.memory_space<hbm>>) target(%dma_start3A_30 : memref<64xi32, #tpu.memory_space<vmem>>) target_semaphore(%arg12 : memref<!tpu.dma_semaphore, #tpu.memory_space<semaphore_mem>>)
    %dma_start3A_33 = arith.constant 3 : i32
    %dma_start3A_34 = arith.constant 192 : i32
    %dma_start3A_35 = tpu.memref_slice %arg7[%dma_start3A_34] : memref<256xi32, #tpu.memory_space<vmem>> -> memref<64xi32, #tpu.memory_space<vmem>>
    %dma_start3A_36 = tpu.memref_slice %arg2[%dma_start3A_33, %mul3A_2] : memref<4x2048xi32, #tpu.memory_space<hbm>> -> memref<1x64xi32, #tpu.memory_space<hbm>>
    %dma_start3A_37 = tpu.memref_squeeze %dma_start3A_36 : memref<1x64xi32, #tpu.memory_space<hbm>> -> memref<64xi32, #tpu.memory_space<hbm>>
    %dma_start3A_38 = arith.constant 192 : i32
    %dma_start3A_39 = tpu.memref_slice %arg7[%dma_start3A_38] : memref<256xi32, #tpu.memory_space<vmem>> -> memref<64xi32, #tpu.memory_space<vmem>>
    %dma_start3A_40 = tpu.memref_slice %arg2[%dma_start3A_33, %mul3A_2] : memref<4x2048xi32, #tpu.memory_space<hbm>> -> memref<1x64xi32, #tpu.memory_space<hbm>>
    %dma_start3A_41 = tpu.memref_squeeze %dma_start3A_40 : memref<1x64xi32, #tpu.memory_space<hbm>> -> memref<64xi32, #tpu.memory_space<hbm>>
    tpu.enqueue_dma source(%dma_start3A_41 : memref<64xi32, #tpu.memory_space<hbm>>) target(%dma_start3A_39 : memref<64xi32, #tpu.memory_space<vmem>>) target_semaphore(%arg12 : memref<!tpu.dma_semaphore, #tpu.memory_space<semaphore_mem>>)
    %dma_wait3A = arith.constant 0 : i32
    %dma_wait3A_42 = arith.constant 0 : i32
    %dma_wait3A_43 = tpu.memref_slice %arg7[%dma_wait3A_42] : memref<256xi32, #tpu.memory_space<vmem>> -> memref<64xi32, #tpu.memory_space<vmem>>
    %dma_wait3A_44 = tpu.memref_slice %arg2[%dma_wait3A, %mul3A_2] : memref<4x2048xi32, #tpu.memory_space<hbm>> -> memref<1x64xi32, #tpu.memory_space<hbm>>
    %dma_wait3A_45 = tpu.memref_squeeze %dma_wait3A_44 : memref<1x64xi32, #tpu.memory_space<hbm>> -> memref<64xi32, #tpu.memory_space<hbm>>
    %dma_wait3A_46 = arith.constant 0 : i32
    %dma_wait3A_47 = tpu.memref_slice %arg7[%dma_wait3A_46] : memref<256xi32, #tpu.memory_space<vmem>> -> memref<64xi32, #tpu.memory_space<vmem>>
    %dma_wait3A_48 = tpu.memref_slice %arg2[%dma_wait3A, %mul3A_2] : memref<4x2048xi32, #tpu.memory_space<hbm>> -> memref<1x64xi32, #tpu.memory_space<hbm>>
    %dma_wait3A_49 = tpu.memref_squeeze %dma_wait3A_48 : memref<1x64xi32, #tpu.memory_space<hbm>> -> memref<64xi32, #tpu.memory_space<hbm>>
    tpu.wait_dma2 semaphore(%arg12 : memref<!tpu.dma_semaphore, #tpu.memory_space<semaphore_mem>>) src(%dma_wait3A_49 : memref<64xi32, #tpu.memory_space<hbm>>) dst(%dma_wait3A_47 : memref<64xi32, #tpu.memory_space<vmem>>)
    %dma_wait3A_50 = arith.constant 1 : i32
    %dma_wait3A_51 = arith.constant 64 : i32
    %dma_wait3A_52 = tpu.memref_slice %arg7[%dma_wait3A_51] : memref<256xi32, #tpu.memory_space<vmem>> -> memref<64xi32, #tpu.memory_space<vmem>>
    %dma_wait3A_53 = tpu.memref_slice %arg2[%dma_wait3A_50, %mul3A_2] : memref<4x2048xi32, #tpu.memory_space<hbm>> -> memref<1x64xi32, #tpu.memory_space<hbm>>
    %dma_wait3A_54 = tpu.memref_squeeze %dma_wait3A_53 : memref<1x64xi32, #tpu.memory_space<hbm>> -> memref<64xi32, #tpu.memory_space<hbm>>
    %dma_wait3A_55 = arith.constant 64 : i32
    %dma_wait3A_56 = tpu.memref_slice %arg7[%dma_wait3A_55] : memref<256xi32, #tpu.memory_space<vmem>> -> memref<64xi32, #tpu.memory_space<vmem>>
    %dma_wait3A_57 = tpu.memref_slice %arg2[%dma_wait3A_50, %mul3A_2] : memref<4x2048xi32, #tpu.memory_space<hbm>> -> memref<1x64xi32, #tpu.memory_space<hbm>>
    %dma_wait3A_58 = tpu.memref_squeeze %dma_wait3A_57 : memref<1x64xi32, #tpu.memory_space<hbm>> -> memref<64xi32, #tpu.memory_space<hbm>>
    tpu.wait_dma2 semaphore(%arg12 : memref<!tpu.dma_semaphore, #tpu.memory_space<semaphore_mem>>) src(%dma_wait3A_58 : memref<64xi32, #tpu.memory_space<hbm>>) dst(%dma_wait3A_56 : memref<64xi32, #tpu.memory_space<vmem>>)
    %dma_wait3A_59 = arith.constant 2 : i32
    %dma_wait3A_60 = arith.constant 128 : i32
    %dma_wait3A_61 = tpu.memref_slice %arg7[%dma_wait3A_60] : memref<256xi32, #tpu.memory_space<vmem>> -> memref<64xi32, #tpu.memory_space<vmem>>
    %dma_wait3A_62 = tpu.memref_slice %arg2[%dma_wait3A_59, %mul3A_2] : memref<4x2048xi32, #tpu.memory_space<hbm>> -> memref<1x64xi32, #tpu.memory_space<hbm>>
    %dma_wait3A_63 = tpu.memref_squeeze %dma_wait3A_62 : memref<1x64xi32, #tpu.memory_space<hbm>> -> memref<64xi32, #tpu.memory_space<hbm>>
    %dma_wait3A_64 = arith.constant 128 : i32
    %dma_wait3A_65 = tpu.memref_slice %arg7[%dma_wait3A_64] : memref<256xi32, #tpu.memory_space<vmem>> -> memref<64xi32, #tpu.memory_space<vmem>>
    %dma_wait3A_66 = tpu.memref_slice %arg2[%dma_wait3A_59, %mul3A_2] : memref<4x2048xi32, #tpu.memory_space<hbm>> -> memref<1x64xi32, #tpu.memory_space<hbm>>
    %dma_wait3A_67 = tpu.memref_squeeze %dma_wait3A_66 : memref<1x64xi32, #tpu.memory_space<hbm>> -> memref<64xi32, #tpu.memory_space<hbm>>
    tpu.wait_dma2 semaphore(%arg12 : memref<!tpu.dma_semaphore, #tpu.memory_space<semaphore_mem>>) src(%dma_wait3A_67 : memref<64xi32, #tpu.memory_space<hbm>>) dst(%dma_wait3A_65 : memref<64xi32, #tpu.memory_space<vmem>>)
    %dma_wait3A_68 = arith.constant 3 : i32
    %dma_wait3A_69 = arith.constant 192 : i32
    %dma_wait3A_70 = tpu.memref_slice %arg7[%dma_wait3A_69] : memref<256xi32, #tpu.memory_space<vmem>> -> memref<64xi32, #tpu.memory_space<vmem>>
    %dma_wait3A_71 = tpu.memref_slice %arg2[%dma_wait3A_68, %mul3A_2] : memref<4x2048xi32, #tpu.memory_space<hbm>> -> memref<1x64xi32, #tpu.memory_space<hbm>>
    %dma_wait3A_72 = tpu.memref_squeeze %dma_wait3A_71 : memref<1x64xi32, #tpu.memory_space<hbm>> -> memref<64xi32, #tpu.memory_space<hbm>>
    %dma_wait3A_73 = arith.constant 192 : i32
    %dma_wait3A_74 = tpu.memref_slice %arg7[%dma_wait3A_73] : memref<256xi32, #tpu.memory_space<vmem>> -> memref<64xi32, #tpu.memory_space<vmem>>
    %dma_wait3A_75 = tpu.memref_slice %arg2[%dma_wait3A_68, %mul3A_2] : memref<4x2048xi32, #tpu.memory_space<hbm>> -> memref<1x64xi32, #tpu.memory_space<hbm>>
    %dma_wait3A_76 = tpu.memref_squeeze %dma_wait3A_75 : memref<1x64xi32, #tpu.memory_space<hbm>> -> memref<64xi32, #tpu.memory_space<hbm>>
    tpu.wait_dma2 semaphore(%arg12 : memref<!tpu.dma_semaphore, #tpu.memory_space<semaphore_mem>>) src(%dma_wait3A_76 : memref<64xi32, #tpu.memory_space<hbm>>) dst(%dma_wait3A_74 : memref<64xi32, #tpu.memory_space<vmem>>)
    %dma_start3A_77 = arith.constant 0 : i32
    %dma_start3A_78 = tpu.memref_slice %arg7[%dma_start3A_77] : memref<256xi32, #tpu.memory_space<vmem>> -> memref<32xi32, #tpu.memory_space<vmem>>
    %dma_start3A_79 = arith.constant 0 : i32
    %dma_start3A_80 = arith.constant 0 : i32
    %dma_start3A_81 = tpu.memref_slice %arg3[%dma_start3A_79, %dma_start3A_80] : memref<100000x1024xf32, #tpu.memory_space<hbm>> -> memref<100000x1024xf32, #tpu.memory_space<hbm>>
    tpu.enqueue_indirect_dma source(%dma_start3A_81 : memref<100000x1024xf32, #tpu.memory_space<hbm>>) target(%arg9 : memref<32x1024xf32, #tpu.memory_space<vmem>>) offsets(%dma_start3A_78 : memref<32xi32, #tpu.memory_space<vmem>>) semaphore(%arg13 : memref<!tpu.dma_semaphore, #tpu.memory_space<semaphore_mem>>)
    %dma_start3A_82 = arith.constant 64 : i32
    %dma_start3A_83 = tpu.memref_slice %arg7[%dma_start3A_82] : memref<256xi32, #tpu.memory_space<vmem>> -> memref<32xi32, #tpu.memory_space<vmem>>
    %dma_start3A_84 = arith.constant 0 : i32
    %dma_start3A_85 = arith.constant 0 : i32
    %dma_start3A_86 = tpu.memref_slice %arg3[%dma_start3A_84, %dma_start3A_85] : memref<100000x1024xf32, #tpu.memory_space<hbm>> -> memref<100000x1024xf32, #tpu.memory_space<hbm>>
    tpu.enqueue_indirect_dma source(%dma_start3A_86 : memref<100000x1024xf32, #tpu.memory_space<hbm>>) target(%arg10 : memref<32x1024xf32, #tpu.memory_space<vmem>>) offsets(%dma_start3A_83 : memref<32xi32, #tpu.memory_space<vmem>>) semaphore(%arg14 : memref<!tpu.dma_semaphore, #tpu.memory_space<semaphore_mem>>)
    %dma_wait3A_87 = tpu.memref_slice %arg4[%mul3A_4] : memref<524288xi32, #tpu.memory_space<hbm>> -> memref<16384xi32, #tpu.memory_space<hbm>>
    %dma_wait3A_88 = tpu.memref_slice %arg4[%mul3A_4] : memref<524288xi32, #tpu.memory_space<hbm>> -> memref<16384xi32, #tpu.memory_space<hbm>>
    tpu.wait_dma2 semaphore(%arg11 : memref<!tpu.dma_semaphore, #tpu.memory_space<semaphore_mem>>) src(%dma_wait3A_88 : memref<16384xi32, #tpu.memory_space<hbm>>) dst(%arg8 : memref<16384xi32, #tpu.memory_space<vmem>>)
    %scan3A = arith.constant 0 : i32
    %scan3A_89 = arith.constant 0 : i32
    %scan3A_90 = arith.constant 4 : i32
    %scan3A_91 = arith.addi %scan3A_89, %scan3A_90 : i32
    %scan3A_92 = arith.constant 1 : i32
    scf.for %scan3A_112 = %scan3A_89 to %scan3A_91 step %scan3A_92  : i32 {
      %mul3A_113 = arith.constant 2 : i32
      %mul3A_114 = arith.muli %mul3A_113, %scan3A_112 : i32
      %add3A_115 = arith.constant 0 : i32
      %add3A_116 = arith.addi %mul3A_114, %add3A_115 : i32
      %jit3A = arith.constant 4 : i32
      %eq3A = arith.constant 0 : i32
      %eq3A_117 = arith.cmpi eq, %jit3A, %eq3A : i32
      %jit3A_118 = arith.constant 1 : i32
      %select_n3A = arith.select %eq3A_117, %jit3A_118, %jit3A : i32
      %rem3A = arith.remsi %add3A_116, %select_n3A : i32
      %ne3A = arith.constant 0 : i32
      %ne3A_119 = arith.cmpi ne, %rem3A, %ne3A : i32
      %lt3A = arith.constant 0 : i32
      %lt3A_120 = arith.cmpi slt, %rem3A, %lt3A : i32
      %lt3A_121 = arith.constant 0 : i32
      %lt3A_122 = arith.cmpi slt, %select_n3A, %lt3A_121 : i32
      %ne3A_123 = arith.xori %lt3A_120, %lt3A_122 : i1
      %and3A = arith.andi %ne3A_123, %ne3A_119 : i1
      %add3A_124 = arith.addi %rem3A, %select_n3A : i32
      %select_n3A_125 = arith.select %and3A, %add3A_124, %rem3A : i32
      %mul3A_126 = arith.constant 64 : i32
      %mul3A_127 = arith.muli %select_n3A_125, %mul3A_126 : i32
      %jit3A_128 = arith.constant 4 : i32
      %div3A = arith.divsi %add3A_116, %jit3A_128 : i32
      %sign3A = arith.constant 0 : i32
      %sign3A_129 = arith.cmpi sgt, %add3A_116, %sign3A : i32
      %sign3A_130 = arith.extui %sign3A_129 : i1 to i32
      %sign3A_131 = arith.constant 0 : i32
      %sign3A_132 = arith.cmpi slt, %add3A_116, %sign3A_131 : i32
      %sign3A_133 = arith.extui %sign3A_132 : i1 to i32
      %sign3A_134 = arith.subi %sign3A_130, %sign3A_133 : i32
      %sign3A_135 = arith.constant 0 : i32
      %sign3A_136 = arith.cmpi sgt, %jit3A_128, %sign3A_135 : i32
      %sign3A_137 = arith.extui %sign3A_136 : i1 to i32
      %sign3A_138 = arith.constant 0 : i32
      %sign3A_139 = arith.cmpi slt, %jit3A_128, %sign3A_138 : i32
      %sign3A_140 = arith.extui %sign3A_139 : i1 to i32
      %sign3A_141 = arith.subi %sign3A_137, %sign3A_140 : i32
      %ne3A_142 = arith.cmpi ne, %sign3A_134, %sign3A_141 : i32
      %rem3A_143 = arith.remsi %add3A_116, %jit3A_128 : i32
      %ne3A_144 = arith.constant 0 : i32
      %ne3A_145 = arith.cmpi ne, %rem3A_143, %ne3A_144 : i32
      %and3A_146 = arith.andi %ne3A_142, %ne3A_145 : i1
      %sub3A = arith.constant 1 : i32
      %sub3A_147 = arith.subi %div3A, %sub3A : i32
      %select_n3A_148 = arith.select %and3A_146, %sub3A_147, %div3A : i32
      %mul3A_149 = arith.constant 32 : i32
      %mul3A_150 = arith.muli %select_n3A_148, %mul3A_149 : i32
      %add3A_151 = arith.addi %mul3A_127, %mul3A_150 : i32
      %dma_wait3A_152 = tpu.memref_slice %arg7[%add3A_151] : memref<256xi32, #tpu.memory_space<vmem>> -> memref<32xi32, #tpu.memory_space<vmem>>
      %dma_wait3A_153 = arith.constant 0 : i32
      %dma_wait3A_154 = arith.constant 0 : i32
      %dma_wait3A_155 = tpu.memref_slice %arg3[%dma_wait3A_153, %dma_wait3A_154] : memref<100000x1024xf32, #tpu.memory_space<hbm>> -> memref<100000x1024xf32, #tpu.memory_space<hbm>>
      tpu.wait_indirect_dma semaphore(%arg13 : memref<!tpu.dma_semaphore, #tpu.memory_space<semaphore_mem>>) src(%dma_wait3A_155 : memref<100000x1024xf32, #tpu.memory_space<hbm>>) dst(%arg9 : memref<32x1024xf32, #tpu.memory_space<vmem>>)
      %eq3A_156 = arith.constant 4 : i32
      %eq3A_157 = arith.cmpi eq, %add3A_116, %eq3A_156 : i32
      %convert_element_type3A = arith.extui %eq3A_157 : i1 to i32
      %cond3A = arith.constant 0 : i32
      %cond3A_158 = arith.cmpi ne, %convert_element_type3A, %cond3A : i32
      scf.if %cond3A_158 {
        %mul3A_342 = arith.constant 16384 : i32
        %mul3A_343 = arith.muli %add3A, %mul3A_342 : i32
        %dma_wait3A_344 = tpu.memref_slice %arg5[%mul3A_343] : memref<524288xi32, #tpu.memory_space<hbm>> -> memref<16384xi32, #tpu.memory_space<hbm>>
        %dma_wait3A_345 = tpu.memref_slice %arg5[%mul3A_343] : memref<524288xi32, #tpu.memory_space<hbm>> -> memref<16384xi32, #tpu.memory_space<hbm>>
        tpu.wait_dma2 semaphore(%arg11 : memref<!tpu.dma_semaphore, #tpu.memory_space<semaphore_mem>>) src(%dma_wait3A_345 : memref<16384xi32, #tpu.memory_space<hbm>>) dst(%arg8 : memref<16384xi32, #tpu.memory_space<vmem>>)
      } else {
      }
      %parallel_loop3A = arith.constant 0 : i32
      %parallel_loop3A_159 = arith.constant 32 : i32
      %parallel_loop3A_160 = arith.constant 1 : i32
      scf.for %parallel_loop3A_342 = %parallel_loop3A to %parallel_loop3A_159 step %parallel_loop3A_160  : i32 {
        %parallel_loop3A_343 = arith.constant 512 : i32
        %parallel_loop3A_344 = arith.muli %parallel_loop3A_342, %parallel_loop3A_343 : i32
        %parallel_loop3A_345 = arith.constant 0 : i32
        %parallel_loop3A_346 = arith.addi %parallel_loop3A_344, %parallel_loop3A_345 : i32
        %parallel_loop3A_347 = arith.index_cast %parallel_loop3A_346 : i32 to index
        %parallel_loop3A_348 = tpu.vector_load %arg8[%parallel_loop3A_347] {strides = array<i32>} : memref<16384xi32, #tpu.memory_space<vmem>>, vector<16xi32>,
        %parallel_loop3A_349 = vector.shape_cast %parallel_loop3A_348 : vector<16xi32> to vector<16xi32>
        %parallel_loop3A_350 = arith.constant 16 : i32
        %parallel_loop3A_351 = vector.broadcast %parallel_loop3A_350 : i32 to vector<16xi32>
        %parallel_loop3A_352 = arith.shli %parallel_loop3A_349, %parallel_loop3A_351 : vector<16xi32>
        %parallel_loop3A_353 = tpu.bitcast %parallel_loop3A_352 : vector<16xi32> -> vector<16xf32>
        %parallel_loop3A_354 = arith.constant 16 : i32
        %parallel_loop3A_355 = vector.broadcast %parallel_loop3A_354 : i32 to vector<16xi32>
        %parallel_loop3A_356 = arith.shrsi %parallel_loop3A_349, %parallel_loop3A_355 : vector<16xi32>
        %parallel_loop3A_357 = arith.constant 16 : i32
        %parallel_loop3A_358 = vector.broadcast %parallel_loop3A_357 : i32 to vector<16xi32>
        %parallel_loop3A_359 = arith.shli %parallel_loop3A_356, %parallel_loop3A_358 : vector<16xi32>
        %parallel_loop3A_360 = tpu.bitcast %parallel_loop3A_359 : vector<16xi32> -> vector<16xf32>
        %parallel_loop3A_361 = arith.index_cast %parallel_loop3A_342 : i32 to index
        %parallel_loop3A_362 = arith.constant 0 : index
        %parallel_loop3A_363 = tpu.vector_load %arg9[%parallel_loop3A_361, %parallel_loop3A_362] {strides = array<i32>} : memref<32x1024xf32, #tpu.memory_space<vmem>>, vector<1x16xf32>,
        %parallel_loop3A_364 = vector.shape_cast %parallel_loop3A_363 : vector<1x16xf32> to vector<16xf32>
        %parallel_loop3A_365 = vector.shape_cast %parallel_loop3A_353 : vector<16xf32> to vector<1x16xf32>
        tpu.vector_store %arg9[%parallel_loop3A_361, %parallel_loop3A_362], %parallel_loop3A_365 {add = true, strides = array<i32>} : memref<32x1024xf32, #tpu.memory_space<vmem>>, vector<1x16xf32>,
        %parallel_loop3A_366 = arith.index_cast %parallel_loop3A_342 : i32 to index
        %parallel_loop3A_367 = arith.constant 16 : index
        %parallel_loop3A_368 = tpu.vector_load %arg9[%parallel_loop3A_366, %parallel_loop3A_367] {strides = array<i32>} : memref<32x1024xf32, #tpu.memory_space<vmem>>, vector<1x16xf32>,
        %parallel_loop3A_369 = vector.shape_cast %parallel_loop3A_368 : vector<1x16xf32> to vector<16xf32>
        %parallel_loop3A_370 = vector.shape_cast %parallel_loop3A_360 : vector<16xf32> to vector<1x16xf32>
        tpu.vector_store %arg9[%parallel_loop3A_366, %parallel_loop3A_367], %parallel_loop3A_370 {add = true, strides = array<i32>} : memref<32x1024xf32, #tpu.memory_space<vmem>>, vector<1x16xf32>,
        %parallel_loop3A_371 = arith.constant 16 : i32
        %parallel_loop3A_372 = arith.addi %parallel_loop3A_344, %parallel_loop3A_371 : i32
        %parallel_loop3A_373 = arith.index_cast %parallel_loop3A_372 : i32 to index
        %parallel_loop3A_374 = tpu.vector_load %arg8[%parallel_loop3A_373] {strides = array<i32>} : memref<16384xi32, #tpu.memory_space<vmem>>, vector<16xi32>,
        %parallel_loop3A_375 = vector.shape_cast %parallel_loop3A_374 : vector<16xi32> to vector<16xi32>
        %parallel_loop3A_376 = arith.constant 16 : i32
        %parallel_loop3A_377 = vector.broadcast %parallel_loop3A_376 : i32 to vector<16xi32>
        %parallel_loop3A_378 = arith.shli %parallel_loop3A_375, %parallel_loop3A_377 : vector<16xi32>
        %parallel_loop3A_379 = tpu.bitcast %parallel_loop3A_378 : vector<16xi32> -> vector<16xf32>
        %parallel_loop3A_380 = arith.constant 16 : i32
        %parallel_loop3A_381 = vector.broadcast %parallel_loop3A_380 : i32 to vector<16xi32>
        %parallel_loop3A_382 = arith.shrsi %parallel_loop3A_375, %parallel_loop3A_381 : vector<16xi32>
        %parallel_loop3A_383 = arith.constant 16 : i32
        %parallel_loop3A_384 = vector.broadcast %parallel_loop3A_383 : i32 to vector<16xi32>
        %parallel_loop3A_385 = arith.shli %parallel_loop3A_382, %parallel_loop3A_384 : vector<16xi32>
        %parallel_loop3A_386 = tpu.bitcast %parallel_loop3A_385 : vector<16xi32> -> vector<16xf32>
        %parallel_loop3A_387 = arith.index_cast %parallel_loop3A_342 : i32 to index
        %parallel_loop3A_388 = arith.constant 32 : index
        %parallel_loop3A_389 = tpu.vector_load %arg9[%parallel_loop3A_387, %parallel_loop3A_388] {strides = array<i32>} : memref<32x1024xf32, #tpu.memory_space<vmem>>, vector<1x16xf32>,
        %parallel_loop3A_390 = vector.shape_cast %parallel_loop3A_389 : vector<1x16xf32> to vector<16xf32>
        %parallel_loop3A_391 = vector.shape_cast %parallel_loop3A_379 : vector<16xf32> to vector<1x16xf32>
        tpu.vector_store %arg9[%parallel_loop3A_387, %parallel_loop3A_388], %parallel_loop3A_391 {add = true, strides = array<i32>} : memref<32x1024xf32, #tpu.memory_space<vmem>>, vector<1x16xf32>,
        %parallel_loop3A_392 = arith.index_cast %parallel_loop3A_342 : i32 to index
        %parallel_loop3A_393 = arith.constant 48 : index
        %parallel_loop3A_394 = tpu.vector_load %arg9[%parallel_loop3A_392, %parallel_loop3A_393] {strides = array<i32>} : memref<32x1024xf32, #tpu.memory_space<vmem>>, vector<1x16xf32>,
        %parallel_loop3A_395 = vector.shape_cast %parallel_loop3A_394 : vector<1x16xf32> to vector<16xf32>
        %parallel_loop3A_396 = vector.shape_cast %parallel_loop3A_386 : vector<16xf32> to vector<1x16xf32>
        tpu.vector_store %arg9[%parallel_loop3A_392, %parallel_loop3A_393], %parallel_loop3A_396 {add = true, strides = array<i32>} : memref<32x1024xf32, #tpu.memory_space<vmem>>, vector<1x16xf32>,
        %parallel_loop3A_397 = arith.constant 32 : i32
        %parallel_loop3A_398 = arith.addi %parallel_loop3A_344, %parallel_loop3A_397 : i32
        %parallel_loop3A_399 = arith.index_cast %parallel_loop3A_398 : i32 to index
        %parallel_loop3A_400 = tpu.vector_load %arg8[%parallel_loop3A_399] {strides = array<i32>} : memref<16384xi32, #tpu.memory_space<vmem>>, vector<16xi32>,
        %parallel_loop3A_401 = vector.shape_cast %parallel_loop3A_400 : vector<16xi32> to vector<16xi32>
        %parallel_loop3A_402 = arith.constant 16 : i32
        %parallel_loop3A_403 = vector.broadcast %parallel_loop3A_402 : i32 to vector<16xi32>
        %parallel_loop3A_404 = arith.shli %parallel_loop3A_401, %parallel_loop3A_403 : vector<16xi32>
        %parallel_loop3A_405 = tpu.bitcast %parallel_loop3A_404 : vector<16xi32> -> vector<16xf32>
        %parallel_loop3A_406 = arith.constant 16 : i32
        %parallel_loop3A_407 = vector.broadcast %parallel_loop3A_406 : i32 to vector<16xi32>
        %parallel_loop3A_408 = arith.shrsi %parallel_loop3A_401, %parallel_loop3A_407 : vector<16xi32>
        %parallel_loop3A_409 = arith.constant 16 : i32
        %parallel_loop3A_410 = vector.broadcast %parallel_loop3A_409 : i32 to vector<16xi32>
        %parallel_loop3A_411 = arith.shli %parallel_loop3A_408, %parallel_loop3A_410 : vector<16xi32>
        %parallel_loop3A_412 = tpu.bitcast %parallel_loop3A_411 : vector<16xi32> -> vector<16xf32>
        %parallel_loop3A_413 = arith.index_cast %parallel_loop3A_342 : i32 to index
        %parallel_loop3A_414 = arith.constant 64 : index
        %parallel_loop3A_415 = tpu.vector_load %arg9[%parallel_loop3A_413, %parallel_loop3A_414] {strides = array<i32>} : memref<32x1024xf32, #tpu.memory_space<vmem>>, vector<1x16xf32>,
        %parallel_loop3A_416 = vector.shape_cast %parallel_loop3A_415 : vector<1x16xf32> to vector<16xf32>
        %parallel_loop3A_417 = vector.shape_cast %parallel_loop3A_405 : vector<16xf32> to vector<1x16xf32>
        tpu.vector_store %arg9[%parallel_loop3A_413, %parallel_loop3A_414], %parallel_loop3A_417 {add = true, strides = array<i32>} : memref<32x1024xf32, #tpu.memory_space<vmem>>, vector<1x16xf32>,
        %parallel_loop3A_418 = arith.index_cast %parallel_loop3A_342 : i32 to index
        %parallel_loop3A_419 = arith.constant 80 : index
        %parallel_loop3A_420 = tpu.vector_load %arg9[%parallel_loop3A_418, %parallel_loop3A_419] {strides = array<i32>} : memref<32x1024xf32, #tpu.memory_space<vmem>>, vector<1x16xf32>,
        %parallel_loop3A_421 = vector.shape_cast %parallel_loop3A_420 : vector<1x16xf32> to vector<16xf32>
        %parallel_loop3A_422 = vector.shape_cast %parallel_loop3A_412 : vector<16xf32> to vector<1x16xf32>
        tpu.vector_store %arg9[%parallel_loop3A_418, %parallel_loop3A_419], %parallel_loop3A_422 {add = true, strides = array<i32>} : memref<32x1024xf32, #tpu.memory_space<vmem>>, vector<1x16xf32>,
        %parallel_loop3A_423 = arith.constant 48 : i32
        %parallel_loop3A_424 = arith.addi %parallel_loop3A_344, %parallel_loop3A_423 : i32
        %parallel_loop3A_425 = arith.index_cast %parallel_loop3A_424 : i32 to index
        %parallel_loop3A_426 = tpu.vector_load %arg8[%parallel_loop3A_425] {strides = array<i32>} : memref<16384xi32, #tpu.memory_space<vmem>>, vector<16xi32>,
        %parallel_loop3A_427 = vector.shape_cast %parallel_loop3A_426 : vector<16xi32> to vector<16xi32>
        %parallel_loop3A_428 = arith.constant 16 : i32
        %parallel_loop3A_429 = vector.broadcast %parallel_loop3A_428 : i32 to vector<16xi32>
        %parallel_loop3A_430 = arith.shli %parallel_loop3A_427, %parallel_loop3A_429 : vector<16xi32>
        %parallel_loop3A_431 = tpu.bitcast %parallel_loop3A_430 : vector<16xi32> -> vector<16xf32>
        %parallel_loop3A_432 = arith.constant 16 : i32
        %parallel_loop3A_433 = vector.broadcast %parallel_loop3A_432 : i32 to vector<16xi32>
        %parallel_loop3A_434 = arith.shrsi %parallel_loop3A_427, %parallel_loop3A_433 : vector<16xi32>
        %parallel_loop3A_435 = arith.constant 16 : i32
        %parallel_loop3A_436 = vector.broadcast %parallel_loop3A_435 : i32 to vector<16xi32>
        %parallel_loop3A_437 = arith.shli %parallel_loop3A_434, %parallel_loop3A_436 : vector<16xi32>
        %parallel_loop3A_438 = tpu.bitcast %parallel_loop3A_437 : vector<16xi32> -> vector<16xf32>
        %parallel_loop3A_439 = arith.index_cast %parallel_loop3A_342 : i32 to index
        %parallel_loop3A_440 = arith.constant 96 : index
        %parallel_loop3A_441 = tpu.vector_load %arg9[%parallel_loop3A_439, %parallel_loop3A_440] {strides = array<i32>} : memref<32x1024xf32, #tpu.memory_space<vmem>>, vector<1x16xf32>,
        %parallel_loop3A_442 = vector.shape_cast %parallel_loop3A_441 : vector<1x16xf32> to vector<16xf32>
        %parallel_loop3A_443 = vector.shape_cast %parallel_loop3A_431 : vector<16xf32> to vector<1x16xf32>
        tpu.vector_store %arg9[%parallel_loop3A_439, %parallel_loop3A_440], %parallel_loop3A_443 {add = true, strides = array<i32>} : memref<32x1024xf32, #tpu.memory_space<vmem>>, vector<1x16xf32>,
        %parallel_loop3A_444 = arith.index_cast %parallel_loop3A_342 : i32 to index
        %parallel_loop3A_445 = arith.constant 112 : index
        %parallel_loop3A_446 = tpu.vector_load %arg9[%parallel_loop3A_444, %parallel_loop3A_445] {strides = array<i32>} : memref<32x1024xf32, #tpu.memory_space<vmem>>, vector<1x16xf32>,
        %parallel_loop3A_447 = vector.shape_cast %parallel_loop3A_446 : vector<1x16xf32> to vector<16xf32>
        %parallel_loop3A_448 = vector.shape_cast %parallel_loop3A_438 : vector<16xf32> to vector<1x16xf32>
        tpu.vector_store %arg9[%parallel_loop3A_444, %parallel_loop3A_445], %parallel_loop3A_448 {add = true, strides = array<i32>} : memref<32x1024xf32, #tpu.memory_space<vmem>>, vector<1x16xf32>,
        %parallel_loop3A_449 = arith.constant 64 : i32
        %parallel_loop3A_450 = arith.addi %parallel_loop3A_344, %parallel_loop3A_449 : i32
        %parallel_loop3A_451 = arith.index_cast %parallel_loop3A_450 : i32 to index
        %parallel_loop3A_452 = tpu.vector_load %arg8[%parallel_loop3A_451] {strides = array<i32>} : memref<16384xi32, #tpu.memory_space<vmem>>, vector<16xi32>,
        %parallel_loop3A_453 = vector.shape_cast %parallel_loop3A_452 : vector<16xi32> to vector<16xi32>
        %parallel_loop3A_454 = arith.constant 16 : i32
        %parallel_loop3A_455 = vector.broadcast %parallel_loop3A_454 : i32 to vector<16xi32>
        %parallel_loop3A_456 = arith.shli %parallel_loop3A_453, %parallel_loop3A_455 : vector<16xi32>
        %parallel_loop3A_457 = tpu.bitcast %parallel_loop3A_456 : vector<16xi32> -> vector<16xf32>
        %parallel_loop3A_458 = arith.constant 16 : i32
        %parallel_loop3A_459 = vector.broadcast %parallel_loop3A_458 : i32 to vector<16xi32>
        %parallel_loop3A_460 = arith.shrsi %parallel_loop3A_453, %parallel_loop3A_459 : vector<16xi32>
        %parallel_loop3A_461 = arith.constant 16 : i32
        %parallel_loop3A_462 = vector.broadcast %parallel_loop3A_461 : i32 to vector<16xi32>
        %parallel_loop3A_463 = arith.shli %parallel_loop3A_460, %parallel_loop3A_462 : vector<16xi32>
        %parallel_loop3A_464 = tpu.bitcast %parallel_loop3A_463 : vector<16xi32> -> vector<16xf32>
        %parallel_loop3A_465 = arith.index_cast %parallel_loop3A_342 : i32 to index
        %parallel_loop3A_466 = arith.constant 128 : index
        %parallel_loop3A_467 = tpu.vector_load %arg9[%parallel_loop3A_465, %parallel_loop3A_466] {strides = array<i32>} : memref<32x1024xf32, #tpu.memory_space<vmem>>, vector<1x16xf32>,
        %parallel_loop3A_468 = vector.shape_cast %parallel_loop3A_467 : vector<1x16xf32> to vector<16xf32>
        %parallel_loop3A_469 = vector.shape_cast %parallel_loop3A_457 : vector<16xf32> to vector<1x16xf32>
        tpu.vector_store %arg9[%parallel_loop3A_465, %parallel_loop3A_466], %parallel_loop3A_469 {add = true, strides = array<i32>} : memref<32x1024xf32, #tpu.memory_space<vmem>>, vector<1x16xf32>,
        %parallel_loop3A_470 = arith.index_cast %parallel_loop3A_342 : i32 to index
        %parallel_loop3A_471 = arith.constant 144 : index
        %parallel_loop3A_472 = tpu.vector_load %arg9[%parallel_loop3A_470, %parallel_loop3A_471] {strides = array<i32>} : memref<32x1024xf32, #tpu.memory_space<vmem>>, vector<1x16xf32>,
        %parallel_loop3A_473 = vector.shape_cast %parallel_loop3A_472 : vector<1x16xf32> to vector<16xf32>
        %parallel_loop3A_474 = vector.shape_cast %parallel_loop3A_464 : vector<16xf32> to vector<1x16xf32>
        tpu.vector_store %arg9[%parallel_loop3A_470, %parallel_loop3A_471], %parallel_loop3A_474 {add = true, strides = array<i32>} : memref<32x1024xf32, #tpu.memory_space<vmem>>, vector<1x16xf32>,
        %parallel_loop3A_475 = arith.constant 80 : i32
        %parallel_loop3A_476 = arith.addi %parallel_loop3A_344, %parallel_loop3A_475 : i32
        %parallel_loop3A_477 = arith.index_cast %parallel_loop3A_476 : i32 to index
        %parallel_loop3A_478 = tpu.vector_load %arg8[%parallel_loop3A_477] {strides = array<i32>} : memref<16384xi32, #tpu.memory_space<vmem>>, vector<16xi32>,
        %parallel_loop3A_479 = vector.shape_cast %parallel_loop3A_478 : vector<16xi32> to vector<16xi32>
        %parallel_loop3A_480 = arith.constant 16 : i32
        %parallel_loop3A_481 = vector.broadcast %parallel_loop3A_480 : i32 to vector<16xi32>
        %parallel_loop3A_482 = arith.shli %parallel_loop3A_479, %parallel_loop3A_481 : vector<16xi32>
        %parallel_loop3A_483 = tpu.bitcast %parallel_loop3A_482 : vector<16xi32> -> vector<16xf32>
        %parallel_loop3A_484 = arith.constant 16 : i32
        %parallel_loop3A_485 = vector.broadcast %parallel_loop3A_484 : i32 to vector<16xi32>
        %parallel_loop3A_486 = arith.shrsi %parallel_loop3A_479, %parallel_loop3A_485 : vector<16xi32>
        %parallel_loop3A_487 = arith.constant 16 : i32
        %parallel_loop3A_488 = vector.broadcast %parallel_loop3A_487 : i32 to vector<16xi32>
        %parallel_loop3A_489 = arith.shli %parallel_loop3A_486, %parallel_loop3A_488 : vector<16xi32>
        %parallel_loop3A_490 = tpu.bitcast %parallel_loop3A_489 : vector<16xi32> -> vector<16xf32>
        %parallel_loop3A_491 = arith.index_cast %parallel_loop3A_342 : i32 to index
        %parallel_loop3A_492 = arith.constant 160 : index
        %parallel_loop3A_493 = tpu.vector_load %arg9[%parallel_loop3A_491, %parallel_loop3A_492] {strides = array<i32>} : memref<32x1024xf32, #tpu.memory_space<vmem>>, vector<1x16xf32>,
        %parallel_loop3A_494 = vector.shape_cast %parallel_loop3A_493 : vector<1x16xf32> to vector<16xf32>
        %parallel_loop3A_495 = vector.shape_cast %parallel_loop3A_483 : vector<16xf32> to vector<1x16xf32>
        tpu.vector_store %arg9[%parallel_loop3A_491, %parallel_loop3A_492], %parallel_loop3A_495 {add = true, strides = array<i32>} : memref<32x1024xf32, #tpu.memory_space<vmem>>, vector<1x16xf32>,
        %parallel_loop3A_496 = arith.index_cast %parallel_loop3A_342 : i32 to index
        %parallel_loop3A_497 = arith.constant 176 : index
        %parallel_loop3A_498 = tpu.vector_load %arg9[%parallel_loop3A_496, %parallel_loop3A_497] {strides = array<i32>} : memref<32x1024xf32, #tpu.memory_space<vmem>>, vector<1x16xf32>,
        %parallel_loop3A_499 = vector.shape_cast %parallel_loop3A_498 : vector<1x16xf32> to vector<16xf32>
        %parallel_loop3A_500 = vector.shape_cast %parallel_loop3A_490 : vector<16xf32> to vector<1x16xf32>
        tpu.vector_store %arg9[%parallel_loop3A_496, %parallel_loop3A_497], %parallel_loop3A_500 {add = true, strides = array<i32>} : memref<32x1024xf32, #tpu.memory_space<vmem>>, vector<1x16xf32>,
        %parallel_loop3A_501 = arith.constant 96 : i32
        %parallel_loop3A_502 = arith.addi %parallel_loop3A_344, %parallel_loop3A_501 : i32
        %parallel_loop3A_503 = arith.index_cast %parallel_loop3A_502 : i32 to index
        %parallel_loop3A_504 = tpu.vector_load %arg8[%parallel_loop3A_503] {strides = array<i32>} : memref<16384xi32, #tpu.memory_space<vmem>>, vector<16xi32>,
        %parallel_loop3A_505 = vector.shape_cast %parallel_loop3A_504 : vector<16xi32> to vector<16xi32>
        %parallel_loop3A_506 = arith.constant 16 : i32
        %parallel_loop3A_507 = vector.broadcast %parallel_loop3A_506 : i32 to vector<16xi32>
        %parallel_loop3A_508 = arith.shli %parallel_loop3A_505, %parallel_loop3A_507 : vector<16xi32>
        %parallel_loop3A_509 = tpu.bitcast %parallel_loop3A_508 : vector<16xi32> -> vector<16xf32>
        %parallel_loop3A_510 = arith.constant 16 : i32
        %parallel_loop3A_511 = vector.broadcast %parallel_loop3A_510 : i32 to vector<16xi32>
        %parallel_loop3A_512 = arith.shrsi %parallel_loop3A_505, %parallel_loop3A_511 : vector<16xi32>
        %parallel_loop3A_513 = arith.constant 16 : i32
        %parallel_loop3A_514 = vector.broadcast %parallel_loop3A_513 : i32 to vector<16xi32>
        %parallel_loop3A_515 = arith.shli %parallel_loop3A_512, %parallel_loop3A_514 : vector<16xi32>
        %parallel_loop3A_516 = tpu.bitcast %parallel_loop3A_515 : vector<16xi32> -> vector<16xf32>
        %parallel_loop3A_517 = arith.index_cast %parallel_loop3A_342 : i32 to index
        %parallel_loop3A_518 = arith.constant 192 : index
        %parallel_loop3A_519 = tpu.vector_load %arg9[%parallel_loop3A_517, %parallel_loop3A_518] {strides = array<i32>} : memref<32x1024xf32, #tpu.memory_space<vmem>>, vector<1x16xf32>,
        %parallel_loop3A_520 = vector.shape_cast %parallel_loop3A_519 : vector<1x16xf32> to vector<16xf32>
        %parallel_loop3A_521 = vector.shape_cast %parallel_loop3A_509 : vector<16xf32> to vector<1x16xf32>
        tpu.vector_store %arg9[%parallel_loop3A_517, %parallel_loop3A_518], %parallel_loop3A_521 {add = true, strides = array<i32>} : memref<32x1024xf32, #tpu.memory_space<vmem>>, vector<1x16xf32>,
        %parallel_loop3A_522 = arith.index_cast %parallel_loop3A_342 : i32 to index
        %parallel_loop3A_523 = arith.constant 208 : index
        %parallel_loop3A_524 = tpu.vector_load %arg9[%parallel_loop3A_522, %parallel_loop3A_523] {strides = array<i32>} : memref<32x1024xf32, #tpu.memory_space<vmem>>, vector<1x16xf32>,
        %parallel_loop3A_525 = vector.shape_cast %parallel_loop3A_524 : vector<1x16xf32> to vector<16xf32>
        %parallel_loop3A_526 = vector.shape_cast %parallel_loop3A_516 : vector<16xf32> to vector<1x16xf32>
        tpu.vector_store %arg9[%parallel_loop3A_522, %parallel_loop3A_523], %parallel_loop3A_526 {add = true, strides = array<i32>} : memref<32x1024xf32, #tpu.memory_space<vmem>>, vector<1x16xf32>,
        %parallel_loop3A_527 = arith.constant 112 : i32
        %parallel_loop3A_528 = arith.addi %parallel_loop3A_344, %parallel_loop3A_527 : i32
        %parallel_loop3A_529 = arith.index_cast %parallel_loop3A_528 : i32 to index
        %parallel_loop3A_530 = tpu.vector_load %arg8[%parallel_loop3A_529] {strides = array<i32>} : memref<16384xi32, #tpu.memory_space<vmem>>, vector<16xi32>,
        %parallel_loop3A_531 = vector.shape_cast %parallel_loop3A_530 : vector<16xi32> to vector<16xi32>
        %parallel_loop3A_532 = arith.constant 16 : i32
        %parallel_loop3A_533 = vector.broadcast %parallel_loop3A_532 : i32 to vector<16xi32>
        %parallel_loop3A_534 = arith.shli %parallel_loop3A_531, %parallel_loop3A_533 : vector<16xi32>
        %parallel_loop3A_535 = tpu.bitcast %parallel_loop3A_534 : vector<16xi32> -> vector<16xf32>
        %parallel_loop3A_536 = arith.constant 16 : i32
        %parallel_loop3A_537 = vector.broadcast %parallel_loop3A_536 : i32 to vector<16xi32>
        %parallel_loop3A_538 = arith.shrsi %parallel_loop3A_531, %parallel_loop3A_537 : vector<16xi32>
        %parallel_loop3A_539 = arith.constant 16 : i32
        %parallel_loop3A_540 = vector.broadcast %parallel_loop3A_539 : i32 to vector<16xi32>
        %parallel_loop3A_541 = arith.shli %parallel_loop3A_538, %parallel_loop3A_540 : vector<16xi32>
        %parallel_loop3A_542 = tpu.bitcast %parallel_loop3A_541 : vector<16xi32> -> vector<16xf32>
        %parallel_loop3A_543 = arith.index_cast %parallel_loop3A_342 : i32 to index
        %parallel_loop3A_544 = arith.constant 224 : index
        %parallel_loop3A_545 = tpu.vector_load %arg9[%parallel_loop3A_543, %parallel_loop3A_544] {strides = array<i32>} : memref<32x1024xf32, #tpu.memory_space<vmem>>, vector<1x16xf32>,
        %parallel_loop3A_546 = vector.shape_cast %parallel_loop3A_545 : vector<1x16xf32> to vector<16xf32>
        %parallel_loop3A_547 = vector.shape_cast %parallel_loop3A_535 : vector<16xf32> to vector<1x16xf32>
        tpu.vector_store %arg9[%parallel_loop3A_543, %parallel_loop3A_544], %parallel_loop3A_547 {add = true, strides = array<i32>} : memref<32x1024xf32, #tpu.memory_space<vmem>>, vector<1x16xf32>,
        %parallel_loop3A_548 = arith.index_cast %parallel_loop3A_342 : i32 to index
        %parallel_loop3A_549 = arith.constant 240 : index
        %parallel_loop3A_550 = tpu.vector_load %arg9[%parallel_loop3A_548, %parallel_loop3A_549] {strides = array<i32>} : memref<32x1024xf32, #tpu.memory_space<vmem>>, vector<1x16xf32>,
        %parallel_loop3A_551 = vector.shape_cast %parallel_loop3A_550 : vector<1x16xf32> to vector<16xf32>
        %parallel_loop3A_552 = vector.shape_cast %parallel_loop3A_542 : vector<16xf32> to vector<1x16xf32>
        tpu.vector_store %arg9[%parallel_loop3A_548, %parallel_loop3A_549], %parallel_loop3A_552 {add = true, strides = array<i32>} : memref<32x1024xf32, #tpu.memory_space<vmem>>, vector<1x16xf32>,
        %parallel_loop3A_553 = arith.constant 128 : i32
        %parallel_loop3A_554 = arith.addi %parallel_loop3A_344, %parallel_loop3A_553 : i32
        %parallel_loop3A_555 = arith.index_cast %parallel_loop3A_554 : i32 to index
        %parallel_loop3A_556 = tpu.vector_load %arg8[%parallel_loop3A_555] {strides = array<i32>} : memref<16384xi32, #tpu.memory_space<vmem>>, vector<16xi32>,
        %parallel_loop3A_557 = vector.shape_cast %parallel_loop3A_556 : vector<16xi32> to vector<16xi32>
        %parallel_loop3A_558 = arith.constant 16 : i32
        %parallel_loop3A_559 = vector.broadcast %parallel_loop3A_558 : i32 to vector<16xi32>
        %parallel_loop3A_560 = arith.shli %parallel_loop3A_557, %parallel_loop3A_559 : vector<16xi32>
        %parallel_loop3A_561 = tpu.bitcast %parallel_loop3A_560 : vector<16xi32> -> vector<16xf32>
        %parallel_loop3A_562 = arith.constant 16 : i32
        %parallel_loop3A_563 = vector.broadcast %parallel_loop3A_562 : i32 to vector<16xi32>
        %parallel_loop3A_564 = arith.shrsi %parallel_loop3A_557, %parallel_loop3A_563 : vector<16xi32>
        %parallel_loop3A_565 = arith.constant 16 : i32
        %parallel_loop3A_566 = vector.broadcast %parallel_loop3A_565 : i32 to vector<16xi32>
        %parallel_loop3A_567 = arith.shli %parallel_loop3A_564, %parallel_loop3A_566 : vector<16xi32>
        %parallel_loop3A_568 = tpu.bitcast %parallel_loop3A_567 : vector<16xi32> -> vector<16xf32>
        %parallel_loop3A_569 = arith.index_cast %parallel_loop3A_342 : i32 to index
        %parallel_loop3A_570 = arith.constant 256 : index
        %parallel_loop3A_571 = tpu.vector_load %arg9[%parallel_loop3A_569, %parallel_loop3A_570] {strides = array<i32>} : memref<32x1024xf32, #tpu.memory_space<vmem>>, vector<1x16xf32>,
        %parallel_loop3A_572 = vector.shape_cast %parallel_loop3A_571 : vector<1x16xf32> to vector<16xf32>
        %parallel_loop3A_573 = vector.shape_cast %parallel_loop3A_561 : vector<16xf32> to vector<1x16xf32>
        tpu.vector_store %arg9[%parallel_loop3A_569, %parallel_loop3A_570], %parallel_loop3A_573 {add = true, strides = array<i32>} : memref<32x1024xf32, #tpu.memory_space<vmem>>, vector<1x16xf32>,
        %parallel_loop3A_574 = arith.index_cast %parallel_loop3A_342 : i32 to index
        %parallel_loop3A_575 = arith.constant 272 : index
        %parallel_loop3A_576 = tpu.vector_load %arg9[%parallel_loop3A_574, %parallel_loop3A_575] {strides = array<i32>} : memref<32x1024xf32, #tpu.memory_space<vmem>>, vector<1x16xf32>,
        %parallel_loop3A_577 = vector.shape_cast %parallel_loop3A_576 : vector<1x16xf32> to vector<16xf32>
        %parallel_loop3A_578 = vector.shape_cast %parallel_loop3A_568 : vector<16xf32> to vector<1x16xf32>
        tpu.vector_store %arg9[%parallel_loop3A_574, %parallel_loop3A_575], %parallel_loop3A_578 {add = true, strides = array<i32>} : memref<32x1024xf32, #tpu.memory_space<vmem>>, vector<1x16xf32>,
        %parallel_loop3A_579 = arith.constant 144 : i32
        %parallel_loop3A_580 = arith.addi %parallel_loop3A_344, %parallel_loop3A_579 : i32
        %parallel_loop3A_581 = arith.index_cast %parallel_loop3A_580 : i32 to index
        %parallel_loop3A_582 = tpu.vector_load %arg8[%parallel_loop3A_581] {strides = array<i32>} : memref<16384xi32, #tpu.memory_space<vmem>>, vector<16xi32>,
        %parallel_loop3A_583 = vector.shape_cast %parallel_loop3A_582 : vector<16xi32> to vector<16xi32>
        %parallel_loop3A_584 = arith.constant 16 : i32
        %parallel_loop3A_585 = vector.broadcast %parallel_loop3A_584 : i32 to vector<16xi32>
        %parallel_loop3A_586 = arith.shli %parallel_loop3A_583, %parallel_loop3A_585 : vector<16xi32>
        %parallel_loop3A_587 = tpu.bitcast %parallel_loop3A_586 : vector<16xi32> -> vector<16xf32>
        %parallel_loop3A_588 = arith.constant 16 : i32
        %parallel_loop3A_589 = vector.broadcast %parallel_loop3A_588 : i32 to vector<16xi32>
        %parallel_loop3A_590 = arith.shrsi %parallel_loop3A_583, %parallel_loop3A_589 : vector<16xi32>
        %parallel_loop3A_591 = arith.constant 16 : i32
        %parallel_loop3A_592 = vector.broadcast %parallel_loop3A_591 : i32 to vector<16xi32>
        %parallel_loop3A_593 = arith.shli %parallel_loop3A_590, %parallel_loop3A_592 : vector<16xi32>
        %parallel_loop3A_594 = tpu.bitcast %parallel_loop3A_593 : vector<16xi32> -> vector<16xf32>
        %parallel_loop3A_595 = arith.index_cast %parallel_loop3A_342 : i32 to index
        %parallel_loop3A_596 = arith.constant 288 : index
        %parallel_loop3A_597 = tpu.vector_load %arg9[%parallel_loop3A_595, %parallel_loop3A_596] {strides = array<i32>} : memref<32x1024xf32, #tpu.memory_space<vmem>>, vector<1x16xf32>,
        %parallel_loop3A_598 = vector.shape_cast %parallel_loop3A_597 : vector<1x16xf32> to vector<16xf32>
        %parallel_loop3A_599 = vector.shape_cast %parallel_loop3A_587 : vector<16xf32> to vector<1x16xf32>
        tpu.vector_store %arg9[%parallel_loop3A_595, %parallel_loop3A_596], %parallel_loop3A_599 {add = true, strides = array<i32>} : memref<32x1024xf32, #tpu.memory_space<vmem>>, vector<1x16xf32>,
        %parallel_loop3A_600 = arith.index_cast %parallel_loop3A_342 : i32 to index
        %parallel_loop3A_601 = arith.constant 304 : index
        %parallel_loop3A_602 = tpu.vector_load %arg9[%parallel_loop3A_600, %parallel_loop3A_601] {strides = array<i32>} : memref<32x1024xf32, #tpu.memory_space<vmem>>, vector<1x16xf32>,
        %parallel_loop3A_603 = vector.shape_cast %parallel_loop3A_602 : vector<1x16xf32> to vector<16xf32>
        %parallel_loop3A_604 = vector.shape_cast %parallel_loop3A_594 : vector<16xf32> to vector<1x16xf32>
        tpu.vector_store %arg9[%parallel_loop3A_600, %parallel_loop3A_601], %parallel_loop3A_604 {add = true, strides = array<i32>} : memref<32x1024xf32, #tpu.memory_space<vmem>>, vector<1x16xf32>,
        %parallel_loop3A_605 = arith.constant 160 : i32
        %parallel_loop3A_606 = arith.addi %parallel_loop3A_344, %parallel_loop3A_605 : i32
        %parallel_loop3A_607 = arith.index_cast %parallel_loop3A_606 : i32 to index
        %parallel_loop3A_608 = tpu.vector_load %arg8[%parallel_loop3A_607] {strides = array<i32>} : memref<16384xi32, #tpu.memory_space<vmem>>, vector<16xi32>,
        %parallel_loop3A_609 = vector.shape_cast %parallel_loop3A_608 : vector<16xi32> to vector<16xi32>
        %parallel_loop3A_610 = arith.constant 16 : i32
        %parallel_loop3A_611 = vector.broadcast %parallel_loop3A_610 : i32 to vector<16xi32>
        %parallel_loop3A_612 = arith.shli %parallel_loop3A_609, %parallel_loop3A_611 : vector<16xi32>
        %parallel_loop3A_613 = tpu.bitcast %parallel_loop3A_612 : vector<16xi32> -> vector<16xf32>
        %parallel_loop3A_614 = arith.constant 16 : i32
        %parallel_loop3A_615 = vector.broadcast %parallel_loop3A_614 : i32 to vector<16xi32>
        %parallel_loop3A_616 = arith.shrsi %parallel_loop3A_609, %parallel_loop3A_615 : vector<16xi32>
        %parallel_loop3A_617 = arith.constant 16 : i32
        %parallel_loop3A_618 = vector.broadcast %parallel_loop3A_617 : i32 to vector<16xi32>
        %parallel_loop3A_619 = arith.shli %parallel_loop3A_616, %parallel_loop3A_618 : vector<16xi32>
        %parallel_loop3A_620 = tpu.bitcast %parallel_loop3A_619 : vector<16xi32> -> vector<16xf32>
        %parallel_loop3A_621 = arith.index_cast %parallel_loop3A_342 : i32 to index
        %parallel_loop3A_622 = arith.constant 320 : index
        %parallel_loop3A_623 = tpu.vector_load %arg9[%parallel_loop3A_621, %parallel_loop3A_622] {strides = array<i32>} : memref<32x1024xf32, #tpu.memory_space<vmem>>, vector<1x16xf32>,
        %parallel_loop3A_624 = vector.shape_cast %parallel_loop3A_623 : vector<1x16xf32> to vector<16xf32>
        %parallel_loop3A_625 = vector.shape_cast %parallel_loop3A_613 : vector<16xf32> to vector<1x16xf32>
        tpu.vector_store %arg9[%parallel_loop3A_621, %parallel_loop3A_622], %parallel_loop3A_625 {add = true, strides = array<i32>} : memref<32x1024xf32, #tpu.memory_space<vmem>>, vector<1x16xf32>,
        %parallel_loop3A_626 = arith.index_cast %parallel_loop3A_342 : i32 to index
        %parallel_loop3A_627 = arith.constant 336 : index
        %parallel_loop3A_628 = tpu.vector_load %arg9[%parallel_loop3A_626, %parallel_loop3A_627] {strides = array<i32>} : memref<32x1024xf32, #tpu.memory_space<vmem>>, vector<1x16xf32>,
        %parallel_loop3A_629 = vector.shape_cast %parallel_loop3A_628 : vector<1x16xf32> to vector<16xf32>
        %parallel_loop3A_630 = vector.shape_cast %parallel_loop3A_620 : vector<16xf32> to vector<1x16xf32>
        tpu.vector_store %arg9[%parallel_loop3A_626, %parallel_loop3A_627], %parallel_loop3A_630 {add = true, strides = array<i32>} : memref<32x1024xf32, #tpu.memory_space<vmem>>, vector<1x16xf32>,
        %parallel_loop3A_631 = arith.constant 176 : i32
        %parallel_loop3A_632 = arith.addi %parallel_loop3A_344, %parallel_loop3A_631 : i32
        %parallel_loop3A_633 = arith.index_cast %parallel_loop3A_632 : i32 to index
        %parallel_loop3A_634 = tpu.vector_load %arg8[%parallel_loop3A_633] {strides = array<i32>} : memref<16384xi32, #tpu.memory_space<vmem>>, vector<16xi32>,
        %parallel_loop3A_635 = vector.shape_cast %parallel_loop3A_634 : vector<16xi32> to vector<16xi32>
        %parallel_loop3A_636 = arith.constant 16 : i32
        %parallel_loop3A_637 = vector.broadcast %parallel_loop3A_636 : i32 to vector<16xi32>
        %parallel_loop3A_638 = arith.shli %parallel_loop3A_635, %parallel_loop3A_637 : vector<16xi32>
        %parallel_loop3A_639 = tpu.bitcast %parallel_loop3A_638 : vector<16xi32> -> vector<16xf32>
        %parallel_loop3A_640 = arith.constant 16 : i32
        %parallel_loop3A_641 = vector.broadcast %parallel_loop3A_640 : i32 to vector<16xi32>
        %parallel_loop3A_642 = arith.shrsi %parallel_loop3A_635, %parallel_loop3A_641 : vector<16xi32>
        %parallel_loop3A_643 = arith.constant 16 : i32
        %parallel_loop3A_644 = vector.broadcast %parallel_loop3A_643 : i32 to vector<16xi32>
        %parallel_loop3A_645 = arith.shli %parallel_loop3A_642, %parallel_loop3A_644 : vector<16xi32>
        %parallel_loop3A_646 = tpu.bitcast %parallel_loop3A_645 : vector<16xi32> -> vector<16xf32>
        %parallel_loop3A_647 = arith.index_cast %parallel_loop3A_342 : i32 to index
        %parallel_loop3A_648 = arith.constant 352 : index
        %parallel_loop3A_649 = tpu.vector_load %arg9[%parallel_loop3A_647, %parallel_loop3A_648] {strides = array<i32>} : memref<32x1024xf32, #tpu.memory_space<vmem>>, vector<1x16xf32>,
        %parallel_loop3A_650 = vector.shape_cast %parallel_loop3A_649 : vector<1x16xf32> to vector<16xf32>
        %parallel_loop3A_651 = vector.shape_cast %parallel_loop3A_639 : vector<16xf32> to vector<1x16xf32>
        tpu.vector_store %arg9[%parallel_loop3A_647, %parallel_loop3A_648], %parallel_loop3A_651 {add = true, strides = array<i32>} : memref<32x1024xf32, #tpu.memory_space<vmem>>, vector<1x16xf32>,
        %parallel_loop3A_652 = arith.index_cast %parallel_loop3A_342 : i32 to index
        %parallel_loop3A_653 = arith.constant 368 : index
        %parallel_loop3A_654 = tpu.vector_load %arg9[%parallel_loop3A_652, %parallel_loop3A_653] {strides = array<i32>} : memref<32x1024xf32, #tpu.memory_space<vmem>>, vector<1x16xf32>,
        %parallel_loop3A_655 = vector.shape_cast %parallel_loop3A_654 : vector<1x16xf32> to vector<16xf32>
        %parallel_loop3A_656 = vector.shape_cast %parallel_loop3A_646 : vector<16xf32> to vector<1x16xf32>
        tpu.vector_store %arg9[%parallel_loop3A_652, %parallel_loop3A_653], %parallel_loop3A_656 {add = true, strides = array<i32>} : memref<32x1024xf32, #tpu.memory_space<vmem>>, vector<1x16xf32>,
        %parallel_loop3A_657 = arith.constant 192 : i32
        %parallel_loop3A_658 = arith.addi %parallel_loop3A_344, %parallel_loop3A_657 : i32
        %parallel_loop3A_659 = arith.index_cast %parallel_loop3A_658 : i32 to index
        %parallel_loop3A_660 = tpu.vector_load %arg8[%parallel_loop3A_659] {strides = array<i32>} : memref<16384xi32, #tpu.memory_space<vmem>>, vector<16xi32>,
        %parallel_loop3A_661 = vector.shape_cast %parallel_loop3A_660 : vector<16xi32> to vector<16xi32>
        %parallel_loop3A_662 = arith.constant 16 : i32
        %parallel_loop3A_663 = vector.broadcast %parallel_loop3A_662 : i32 to vector<16xi32>
        %parallel_loop3A_664 = arith.shli %parallel_loop3A_661, %parallel_loop3A_663 : vector<16xi32>
        %parallel_loop3A_665 = tpu.bitcast %parallel_loop3A_664 : vector<16xi32> -> vector<16xf32>
        %parallel_loop3A_666 = arith.constant 16 : i32
        %parallel_loop3A_667 = vector.broadcast %parallel_loop3A_666 : i32 to vector<16xi32>
        %parallel_loop3A_668 = arith.shrsi %parallel_loop3A_661, %parallel_loop3A_667 : vector<16xi32>
        %parallel_loop3A_669 = arith.constant 16 : i32
        %parallel_loop3A_670 = vector.broadcast %parallel_loop3A_669 : i32 to vector<16xi32>
        %parallel_loop3A_671 = arith.shli %parallel_loop3A_668, %parallel_loop3A_670 : vector<16xi32>
        %parallel_loop3A_672 = tpu.bitcast %parallel_loop3A_671 : vector<16xi32> -> vector<16xf32>
        %parallel_loop3A_673 = arith.index_cast %parallel_loop3A_342 : i32 to index
        %parallel_loop3A_674 = arith.constant 384 : index
        %parallel_loop3A_675 = tpu.vector_load %arg9[%parallel_loop3A_673, %parallel_loop3A_674] {strides = array<i32>} : memref<32x1024xf32, #tpu.memory_space<vmem>>, vector<1x16xf32>,
        %parallel_loop3A_676 = vector.shape_cast %parallel_loop3A_675 : vector<1x16xf32> to vector<16xf32>
        %parallel_loop3A_677 = vector.shape_cast %parallel_loop3A_665 : vector<16xf32> to vector<1x16xf32>
        tpu.vector_store %arg9[%parallel_loop3A_673, %parallel_loop3A_674], %parallel_loop3A_677 {add = true, strides = array<i32>} : memref<32x1024xf32, #tpu.memory_space<vmem>>, vector<1x16xf32>,
        %parallel_loop3A_678 = arith.index_cast %parallel_loop3A_342 : i32 to index
        %parallel_loop3A_679 = arith.constant 400 : index
        %parallel_loop3A_680 = tpu.vector_load %arg9[%parallel_loop3A_678, %parallel_loop3A_679] {strides = array<i32>} : memref<32x1024xf32, #tpu.memory_space<vmem>>, vector<1x16xf32>,
        %parallel_loop3A_681 = vector.shape_cast %parallel_loop3A_680 : vector<1x16xf32> to vector<16xf32>
        %parallel_loop3A_682 = vector.shape_cast %parallel_loop3A_672 : vector<16xf32> to vector<1x16xf32>
        tpu.vector_store %arg9[%parallel_loop3A_678, %parallel_loop3A_679], %parallel_loop3A_682 {add = true, strides = array<i32>} : memref<32x1024xf32, #tpu.memory_space<vmem>>, vector<1x16xf32>,
        %parallel_loop3A_683 = arith.constant 208 : i32
        %parallel_loop3A_684 = arith.addi %parallel_loop3A_344, %parallel_loop3A_683 : i32
        %parallel_loop3A_685 = arith.index_cast %parallel_loop3A_684 : i32 to index
        %parallel_loop3A_686 = tpu.vector_load %arg8[%parallel_loop3A_685] {strides = array<i32>} : memref<16384xi32, #tpu.memory_space<vmem>>, vector<16xi32>,
        %parallel_loop3A_687 = vector.shape_cast %parallel_loop3A_686 : vector<16xi32> to vector<16xi32>
        %parallel_loop3A_688 = arith.constant 16 : i32
        %parallel_loop3A_689 = vector.broadcast %parallel_loop3A_688 : i32 to vector<16xi32>
        %parallel_loop3A_690 = arith.shli %parallel_loop3A_687, %parallel_loop3A_689 : vector<16xi32>
        %parallel_loop3A_691 = tpu.bitcast %parallel_loop3A_690 : vector<16xi32> -> vector<16xf32>
        %parallel_loop3A_692 = arith.constant 16 : i32
        %parallel_loop3A_693 = vector.broadcast %parallel_loop3A_692 : i32 to vector<16xi32>
        %parallel_loop3A_694 = arith.shrsi %parallel_loop3A_687, %parallel_loop3A_693 : vector<16xi32>
        %parallel_loop3A_695 = arith.constant 16 : i32
        %parallel_loop3A_696 = vector.broadcast %parallel_loop3A_695 : i32 to vector<16xi32>
        %parallel_loop3A_697 = arith.shli %parallel_loop3A_694, %parallel_loop3A_696 : vector<16xi32>
        %parallel_loop3A_698 = tpu.bitcast %parallel_loop3A_697 : vector<16xi32> -> vector<16xf32>
        %parallel_loop3A_699 = arith.index_cast %parallel_loop3A_342 : i32 to index
        %parallel_loop3A_700 = arith.constant 416 : index
        %parallel_loop3A_701 = tpu.vector_load %arg9[%parallel_loop3A_699, %parallel_loop3A_700] {strides = array<i32>} : memref<32x1024xf32, #tpu.memory_space<vmem>>, vector<1x16xf32>,
        %parallel_loop3A_702 = vector.shape_cast %parallel_loop3A_701 : vector<1x16xf32> to vector<16xf32>
        %parallel_loop3A_703 = vector.shape_cast %parallel_loop3A_691 : vector<16xf32> to vector<1x16xf32>
        tpu.vector_store %arg9[%parallel_loop3A_699, %parallel_loop3A_700], %parallel_loop3A_703 {add = true, strides = array<i32>} : memref<32x1024xf32, #tpu.memory_space<vmem>>, vector<1x16xf32>,
        %parallel_loop3A_704 = arith.index_cast %parallel_loop3A_342 : i32 to index
        %parallel_loop3A_705 = arith.constant 432 : index
        %parallel_loop3A_706 = tpu.vector_load %arg9[%parallel_loop3A_704, %parallel_loop3A_705] {strides = array<i32>} : memref<32x1024xf32, #tpu.memory_space<vmem>>, vector<1x16xf32>,
        %parallel_loop3A_707 = vector.shape_cast %parallel_loop3A_706 : vector<1x16xf32> to vector<16xf32>
        %parallel_loop3A_708 = vector.shape_cast %parallel_loop3A_698 : vector<16xf32> to vector<1x16xf32>
        tpu.vector_store %arg9[%parallel_loop3A_704, %parallel_loop3A_705], %parallel_loop3A_708 {add = true, strides = array<i32>} : memref<32x1024xf32, #tpu.memory_space<vmem>>, vector<1x16xf32>,
        %parallel_loop3A_709 = arith.constant 224 : i32
        %parallel_loop3A_710 = arith.addi %parallel_loop3A_344, %parallel_loop3A_709 : i32
        %parallel_loop3A_711 = arith.index_cast %parallel_loop3A_710 : i32 to index
        %parallel_loop3A_712 = tpu.vector_load %arg8[%parallel_loop3A_711] {strides = array<i32>} : memref<16384xi32, #tpu.memory_space<vmem>>, vector<16xi32>,
        %parallel_loop3A_713 = vector.shape_cast %parallel_loop3A_712 : vector<16xi32> to vector<16xi32>
        %parallel_loop3A_714 = arith.constant 16 : i32
        %parallel_loop3A_715 = vector.broadcast %parallel_loop3A_714 : i32 to vector<16xi32>
        %parallel_loop3A_716 = arith.shli %parallel_loop3A_713, %parallel_loop3A_715 : vector<16xi32>
        %parallel_loop3A_717 = tpu.bitcast %parallel_loop3A_716 : vector<16xi32> -> vector<16xf32>
        %parallel_loop3A_718 = arith.constant 16 : i32
        %parallel_loop3A_719 = vector.broadcast %parallel_loop3A_718 : i32 to vector<16xi32>
        %parallel_loop3A_720 = arith.shrsi %parallel_loop3A_713, %parallel_loop3A_719 : vector<16xi32>
        %parallel_loop3A_721 = arith.constant 16 : i32
        %parallel_loop3A_722 = vector.broadcast %parallel_loop3A_721 : i32 to vector<16xi32>
        %parallel_loop3A_723 = arith.shli %parallel_loop3A_720, %parallel_loop3A_722 : vector<16xi32>
        %parallel_loop3A_724 = tpu.bitcast %parallel_loop3A_723 : vector<16xi32> -> vector<16xf32>
        %parallel_loop3A_725 = arith.index_cast %parallel_loop3A_342 : i32 to index
        %parallel_loop3A_726 = arith.constant 448 : index
        %parallel_loop3A_727 = tpu.vector_load %arg9[%parallel_loop3A_725, %parallel_loop3A_726] {strides = array<i32>} : memref<32x1024xf32, #tpu.memory_space<vmem>>, vector<1x16xf32>,
        %parallel_loop3A_728 = vector.shape_cast %parallel_loop3A_727 : vector<1x16xf32> to vector<16xf32>
        %parallel_loop3A_729 = vector.shape_cast %parallel_loop3A_717 : vector<16xf32> to vector<1x16xf32>
        tpu.vector_store %arg9[%parallel_loop3A_725, %parallel_loop3A_726], %parallel_loop3A_729 {add = true, strides = array<i32>} : memref<32x1024xf32, #tpu.memory_space<vmem>>, vector<1x16xf32>,
        %parallel_loop3A_730 = arith.index_cast %parallel_loop3A_342 : i32 to index
        %parallel_loop3A_731 = arith.constant 464 : index
        %parallel_loop3A_732 = tpu.vector_load %arg9[%parallel_loop3A_730, %parallel_loop3A_731] {strides = array<i32>} : memref<32x1024xf32, #tpu.memory_space<vmem>>, vector<1x16xf32>,
        %parallel_loop3A_733 = vector.shape_cast %parallel_loop3A_732 : vector<1x16xf32> to vector<16xf32>
        %parallel_loop3A_734 = vector.shape_cast %parallel_loop3A_724 : vector<16xf32> to vector<1x16xf32>
        tpu.vector_store %arg9[%parallel_loop3A_730, %parallel_loop3A_731], %parallel_loop3A_734 {add = true, strides = array<i32>} : memref<32x1024xf32, #tpu.memory_space<vmem>>, vector<1x16xf32>,
        %parallel_loop3A_735 = arith.constant 240 : i32
        %parallel_loop3A_736 = arith.addi %parallel_loop3A_344, %parallel_loop3A_735 : i32
        %parallel_loop3A_737 = arith.index_cast %parallel_loop3A_736 : i32 to index
        %parallel_loop3A_738 = tpu.vector_load %arg8[%parallel_loop3A_737] {strides = array<i32>} : memref<16384xi32, #tpu.memory_space<vmem>>, vector<16xi32>,
        %parallel_loop3A_739 = vector.shape_cast %parallel_loop3A_738 : vector<16xi32> to vector<16xi32>
        %parallel_loop3A_740 = arith.constant 16 : i32
        %parallel_loop3A_741 = vector.broadcast %parallel_loop3A_740 : i32 to vector<16xi32>
        %parallel_loop3A_742 = arith.shli %parallel_loop3A_739, %parallel_loop3A_741 : vector<16xi32>
        %parallel_loop3A_743 = tpu.bitcast %parallel_loop3A_742 : vector<16xi32> -> vector<16xf32>
        %parallel_loop3A_744 = arith.constant 16 : i32
        %parallel_loop3A_745 = vector.broadcast %parallel_loop3A_744 : i32 to vector<16xi32>
        %parallel_loop3A_746 = arith.shrsi %parallel_loop3A_739, %parallel_loop3A_745 : vector<16xi32>
        %parallel_loop3A_747 = arith.constant 16 : i32
        %parallel_loop3A_748 = vector.broadcast %parallel_loop3A_747 : i32 to vector<16xi32>
        %parallel_loop3A_749 = arith.shli %parallel_loop3A_746, %parallel_loop3A_748 : vector<16xi32>
        %parallel_loop3A_750 = tpu.bitcast %parallel_loop3A_749 : vector<16xi32> -> vector<16xf32>
        %parallel_loop3A_751 = arith.index_cast %parallel_loop3A_342 : i32 to index
        %parallel_loop3A_752 = arith.constant 480 : index
        %parallel_loop3A_753 = tpu.vector_load %arg9[%parallel_loop3A_751, %parallel_loop3A_752] {strides = array<i32>} : memref<32x1024xf32, #tpu.memory_space<vmem>>, vector<1x16xf32>,
        %parallel_loop3A_754 = vector.shape_cast %parallel_loop3A_753 : vector<1x16xf32> to vector<16xf32>
        %parallel_loop3A_755 = vector.shape_cast %parallel_loop3A_743 : vector<16xf32> to vector<1x16xf32>
        tpu.vector_store %arg9[%parallel_loop3A_751, %parallel_loop3A_752], %parallel_loop3A_755 {add = true, strides = array<i32>} : memref<32x1024xf32, #tpu.memory_space<vmem>>, vector<1x16xf32>,
        %parallel_loop3A_756 = arith.index_cast %parallel_loop3A_342 : i32 to index
        %parallel_loop3A_757 = arith.constant 496 : index
        %parallel_loop3A_758 = tpu.vector_load %arg9[%parallel_loop3A_756, %parallel_loop3A_757] {strides = array<i32>} : memref<32x1024xf32, #tpu.memory_space<vmem>>, vector<1x16xf32>,
        %parallel_loop3A_759 = vector.shape_cast %parallel_loop3A_758 : vector<1x16xf32> to vector<16xf32>
        %parallel_loop3A_760 = vector.shape_cast %parallel_loop3A_750 : vector<16xf32> to vector<1x16xf32>
        tpu.vector_store %arg9[%parallel_loop3A_756, %parallel_loop3A_757], %parallel_loop3A_760 {add = true, strides = array<i32>} : memref<32x1024xf32, #tpu.memory_space<vmem>>, vector<1x16xf32>,
        %parallel_loop3A_761 = arith.constant 256 : i32
        %parallel_loop3A_762 = arith.addi %parallel_loop3A_344, %parallel_loop3A_761 : i32
        %parallel_loop3A_763 = arith.index_cast %parallel_loop3A_762 : i32 to index
        %parallel_loop3A_764 = tpu.vector_load %arg8[%parallel_loop3A_763] {strides = array<i32>} : memref<16384xi32, #tpu.memory_space<vmem>>, vector<16xi32>,
        %parallel_loop3A_765 = vector.shape_cast %parallel_loop3A_764 : vector<16xi32> to vector<16xi32>
        %parallel_loop3A_766 = arith.constant 16 : i32
        %parallel_loop3A_767 = vector.broadcast %parallel_loop3A_766 : i32 to vector<16xi32>
        %parallel_loop3A_768 = arith.shli %parallel_loop3A_765, %parallel_loop3A_767 : vector<16xi32>
        %parallel_loop3A_769 = tpu.bitcast %parallel_loop3A_768 : vector<16xi32> -> vector<16xf32>
        %parallel_loop3A_770 = arith.constant 16 : i32
        %parallel_loop3A_771 = vector.broadcast %parallel_loop3A_770 : i32 to vector<16xi32>
        %parallel_loop3A_772 = arith.shrsi %parallel_loop3A_765, %parallel_loop3A_771 : vector<16xi32>
        %parallel_loop3A_773 = arith.constant 16 : i32
        %parallel_loop3A_774 = vector.broadcast %parallel_loop3A_773 : i32 to vector<16xi32>
        %parallel_loop3A_775 = arith.shli %parallel_loop3A_772, %parallel_loop3A_774 : vector<16xi32>
        %parallel_loop3A_776 = tpu.bitcast %parallel_loop3A_775 : vector<16xi32> -> vector<16xf32>
        %parallel_loop3A_777 = arith.index_cast %parallel_loop3A_342 : i32 to index
        %parallel_loop3A_778 = arith.constant 512 : index
        %parallel_loop3A_779 = tpu.vector_load %arg9[%parallel_loop3A_777, %parallel_loop3A_778] {strides = array<i32>} : memref<32x1024xf32, #tpu.memory_space<vmem>>, vector<1x16xf32>,
        %parallel_loop3A_780 = vector.shape_cast %parallel_loop3A_779 : vector<1x16xf32> to vector<16xf32>
        %parallel_loop3A_781 = vector.shape_cast %parallel_loop3A_769 : vector<16xf32> to vector<1x16xf32>
        tpu.vector_store %arg9[%parallel_loop3A_777, %parallel_loop3A_778], %parallel_loop3A_781 {add = true, strides = array<i32>} : memref<32x1024xf32, #tpu.memory_space<vmem>>, vector<1x16xf32>,
        %parallel_loop3A_782 = arith.index_cast %parallel_loop3A_342 : i32 to index
        %parallel_loop3A_783 = arith.constant 528 : index
        %parallel_loop3A_784 = tpu.vector_load %arg9[%parallel_loop3A_782, %parallel_loop3A_783] {strides = array<i32>} : memref<32x1024xf32, #tpu.memory_space<vmem>>, vector<1x16xf32>,
        %parallel_loop3A_785 = vector.shape_cast %parallel_loop3A_784 : vector<1x16xf32> to vector<16xf32>
        %parallel_loop3A_786 = vector.shape_cast %parallel_loop3A_776 : vector<16xf32> to vector<1x16xf32>
        tpu.vector_store %arg9[%parallel_loop3A_782, %parallel_loop3A_783], %parallel_loop3A_786 {add = true, strides = array<i32>} : memref<32x1024xf32, #tpu.memory_space<vmem>>, vector<1x16xf32>,
        %parallel_loop3A_787 = arith.constant 272 : i32
        %parallel_loop3A_788 = arith.addi %parallel_loop3A_344, %parallel_loop3A_787 : i32
        %parallel_loop3A_789 = arith.index_cast %parallel_loop3A_788 : i32 to index
        %parallel_loop3A_790 = tpu.vector_load %arg8[%parallel_loop3A_789] {strides = array<i32>} : memref<16384xi32, #tpu.memory_space<vmem>>, vector<16xi32>,
        %parallel_loop3A_791 = vector.shape_cast %parallel_loop3A_790 : vector<16xi32> to vector<16xi32>
        %parallel_loop3A_792 = arith.constant 16 : i32
        %parallel_loop3A_793 = vector.broadcast %parallel_loop3A_792 : i32 to vector<16xi32>
        %parallel_loop3A_794 = arith.shli %parallel_loop3A_791, %parallel_loop3A_793 : vector<16xi32>
        %parallel_loop3A_795 = tpu.bitcast %parallel_loop3A_794 : vector<16xi32> -> vector<16xf32>
        %parallel_loop3A_796 = arith.constant 16 : i32
        %parallel_loop3A_797 = vector.broadcast %parallel_loop3A_796 : i32 to vector<16xi32>
        %parallel_loop3A_798 = arith.shrsi %parallel_loop3A_791, %parallel_loop3A_797 : vector<16xi32>
        %parallel_loop3A_799 = arith.constant 16 : i32
        %parallel_loop3A_800 = vector.broadcast %parallel_loop3A_799 : i32 to vector<16xi32>
        %parallel_loop3A_801 = arith.shli %parallel_loop3A_798, %parallel_loop3A_800 : vector<16xi32>
        %parallel_loop3A_802 = tpu.bitcast %parallel_loop3A_801 : vector<16xi32> -> vector<16xf32>
        %parallel_loop3A_803 = arith.index_cast %parallel_loop3A_342 : i32 to index
        %parallel_loop3A_804 = arith.constant 544 : index
        %parallel_loop3A_805 = tpu.vector_load %arg9[%parallel_loop3A_803, %parallel_loop3A_804] {strides = array<i32>} : memref<32x1024xf32, #tpu.memory_space<vmem>>, vector<1x16xf32>,
        %parallel_loop3A_806 = vector.shape_cast %parallel_loop3A_805 : vector<1x16xf32> to vector<16xf32>
        %parallel_loop3A_807 = vector.shape_cast %parallel_loop3A_795 : vector<16xf32> to vector<1x16xf32>
        tpu.vector_store %arg9[%parallel_loop3A_803, %parallel_loop3A_804], %parallel_loop3A_807 {add = true, strides = array<i32>} : memref<32x1024xf32, #tpu.memory_space<vmem>>, vector<1x16xf32>,
        %parallel_loop3A_808 = arith.index_cast %parallel_loop3A_342 : i32 to index
        %parallel_loop3A_809 = arith.constant 560 : index
        %parallel_loop3A_810 = tpu.vector_load %arg9[%parallel_loop3A_808, %parallel_loop3A_809] {strides = array<i32>} : memref<32x1024xf32, #tpu.memory_space<vmem>>, vector<1x16xf32>,
        %parallel_loop3A_811 = vector.shape_cast %parallel_loop3A_810 : vector<1x16xf32> to vector<16xf32>
        %parallel_loop3A_812 = vector.shape_cast %parallel_loop3A_802 : vector<16xf32> to vector<1x16xf32>
        tpu.vector_store %arg9[%parallel_loop3A_808, %parallel_loop3A_809], %parallel_loop3A_812 {add = true, strides = array<i32>} : memref<32x1024xf32, #tpu.memory_space<vmem>>, vector<1x16xf32>,
        %parallel_loop3A_813 = arith.constant 288 : i32
        %parallel_loop3A_814 = arith.addi %parallel_loop3A_344, %parallel_loop3A_813 : i32
        %parallel_loop3A_815 = arith.index_cast %parallel_loop3A_814 : i32 to index
        %parallel_loop3A_816 = tpu.vector_load %arg8[%parallel_loop3A_815] {strides = array<i32>} : memref<16384xi32, #tpu.memory_space<vmem>>, vector<16xi32>,
        %parallel_loop3A_817 = vector.shape_cast %parallel_loop3A_816 : vector<16xi32> to vector<16xi32>
        %parallel_loop3A_818 = arith.constant 16 : i32
        %parallel_loop3A_819 = vector.broadcast %parallel_loop3A_818 : i32 to vector<16xi32>
        %parallel_loop3A_820 = arith.shli %parallel_loop3A_817, %parallel_loop3A_819 : vector<16xi32>
        %parallel_loop3A_821 = tpu.bitcast %parallel_loop3A_820 : vector<16xi32> -> vector<16xf32>
        %parallel_loop3A_822 = arith.constant 16 : i32
        %parallel_loop3A_823 = vector.broadcast %parallel_loop3A_822 : i32 to vector<16xi32>
        %parallel_loop3A_824 = arith.shrsi %parallel_loop3A_817, %parallel_loop3A_823 : vector<16xi32>
        %parallel_loop3A_825 = arith.constant 16 : i32
        %parallel_loop3A_826 = vector.broadcast %parallel_loop3A_825 : i32 to vector<16xi32>
        %parallel_loop3A_827 = arith.shli %parallel_loop3A_824, %parallel_loop3A_826 : vector<16xi32>
        %parallel_loop3A_828 = tpu.bitcast %parallel_loop3A_827 : vector<16xi32> -> vector<16xf32>
        %parallel_loop3A_829 = arith.index_cast %parallel_loop3A_342 : i32 to index
        %parallel_loop3A_830 = arith.constant 576 : index
        %parallel_loop3A_831 = tpu.vector_load %arg9[%parallel_loop3A_829, %parallel_loop3A_830] {strides = array<i32>} : memref<32x1024xf32, #tpu.memory_space<vmem>>, vector<1x16xf32>,
        %parallel_loop3A_832 = vector.shape_cast %parallel_loop3A_831 : vector<1x16xf32> to vector<16xf32>
        %parallel_loop3A_833 = vector.shape_cast %parallel_loop3A_821 : vector<16xf32> to vector<1x16xf32>
        tpu.vector_store %arg9[%parallel_loop3A_829, %parallel_loop3A_830], %parallel_loop3A_833 {add = true, strides = array<i32>} : memref<32x1024xf32, #tpu.memory_space<vmem>>, vector<1x16xf32>,
        %parallel_loop3A_834 = arith.index_cast %parallel_loop3A_342 : i32 to index
        %parallel_loop3A_835 = arith.constant 592 : index
        %parallel_loop3A_836 = tpu.vector_load %arg9[%parallel_loop3A_834, %parallel_loop3A_835] {strides = array<i32>} : memref<32x1024xf32, #tpu.memory_space<vmem>>, vector<1x16xf32>,
        %parallel_loop3A_837 = vector.shape_cast %parallel_loop3A_836 : vector<1x16xf32> to vector<16xf32>
        %parallel_loop3A_838 = vector.shape_cast %parallel_loop3A_828 : vector<16xf32> to vector<1x16xf32>
        tpu.vector_store %arg9[%parallel_loop3A_834, %parallel_loop3A_835], %parallel_loop3A_838 {add = true, strides = array<i32>} : memref<32x1024xf32, #tpu.memory_space<vmem>>, vector<1x16xf32>,
        %parallel_loop3A_839 = arith.constant 304 : i32
        %parallel_loop3A_840 = arith.addi %parallel_loop3A_344, %parallel_loop3A_839 : i32
        %parallel_loop3A_841 = arith.index_cast %parallel_loop3A_840 : i32 to index
        %parallel_loop3A_842 = tpu.vector_load %arg8[%parallel_loop3A_841] {strides = array<i32>} : memref<16384xi32, #tpu.memory_space<vmem>>, vector<16xi32>,
        %parallel_loop3A_843 = vector.shape_cast %parallel_loop3A_842 : vector<16xi32> to vector<16xi32>
        %parallel_loop3A_844 = arith.constant 16 : i32
        %parallel_loop3A_845 = vector.broadcast %parallel_loop3A_844 : i32 to vector<16xi32>
        %parallel_loop3A_846 = arith.shli %parallel_loop3A_843, %parallel_loop3A_845 : vector<16xi32>
        %parallel_loop3A_847 = tpu.bitcast %parallel_loop3A_846 : vector<16xi32> -> vector<16xf32>
        %parallel_loop3A_848 = arith.constant 16 : i32
        %parallel_loop3A_849 = vector.broadcast %parallel_loop3A_848 : i32 to vector<16xi32>
        %parallel_loop3A_850 = arith.shrsi %parallel_loop3A_843, %parallel_loop3A_849 : vector<16xi32>
        %parallel_loop3A_851 = arith.constant 16 : i32
        %parallel_loop3A_852 = vector.broadcast %parallel_loop3A_851 : i32 to vector<16xi32>
        %parallel_loop3A_853 = arith.shli %parallel_loop3A_850, %parallel_loop3A_852 : vector<16xi32>
        %parallel_loop3A_854 = tpu.bitcast %parallel_loop3A_853 : vector<16xi32> -> vector<16xf32>
        %parallel_loop3A_855 = arith.index_cast %parallel_loop3A_342 : i32 to index
        %parallel_loop3A_856 = arith.constant 608 : index
        %parallel_loop3A_857 = tpu.vector_load %arg9[%parallel_loop3A_855, %parallel_loop3A_856] {strides = array<i32>} : memref<32x1024xf32, #tpu.memory_space<vmem>>, vector<1x16xf32>,
        %parallel_loop3A_858 = vector.shape_cast %parallel_loop3A_857 : vector<1x16xf32> to vector<16xf32>
        %parallel_loop3A_859 = vector.shape_cast %parallel_loop3A_847 : vector<16xf32> to vector<1x16xf32>
        tpu.vector_store %arg9[%parallel_loop3A_855, %parallel_loop3A_856], %parallel_loop3A_859 {add = true, strides = array<i32>} : memref<32x1024xf32, #tpu.memory_space<vmem>>, vector<1x16xf32>,
        %parallel_loop3A_860 = arith.index_cast %parallel_loop3A_342 : i32 to index
        %parallel_loop3A_861 = arith.constant 624 : index
        %parallel_loop3A_862 = tpu.vector_load %arg9[%parallel_loop3A_860, %parallel_loop3A_861] {strides = array<i32>} : memref<32x1024xf32, #tpu.memory_space<vmem>>, vector<1x16xf32>,
        %parallel_loop3A_863 = vector.shape_cast %parallel_loop3A_862 : vector<1x16xf32> to vector<16xf32>
        %parallel_loop3A_864 = vector.shape_cast %parallel_loop3A_854 : vector<16xf32> to vector<1x16xf32>
        tpu.vector_store %arg9[%parallel_loop3A_860, %parallel_loop3A_861], %parallel_loop3A_864 {add = true, strides = array<i32>} : memref<32x1024xf32, #tpu.memory_space<vmem>>, vector<1x16xf32>,
        %parallel_loop3A_865 = arith.constant 320 : i32
        %parallel_loop3A_866 = arith.addi %parallel_loop3A_344, %parallel_loop3A_865 : i32
        %parallel_loop3A_867 = arith.index_cast %parallel_loop3A_866 : i32 to index
        %parallel_loop3A_868 = tpu.vector_load %arg8[%parallel_loop3A_867] {strides = array<i32>} : memref<16384xi32, #tpu.memory_space<vmem>>, vector<16xi32>,
        %parallel_loop3A_869 = vector.shape_cast %parallel_loop3A_868 : vector<16xi32> to vector<16xi32>
        %parallel_loop3A_870 = arith.constant 16 : i32
        %parallel_loop3A_871 = vector.broadcast %parallel_loop3A_870 : i32 to vector<16xi32>
        %parallel_loop3A_872 = arith.shli %parallel_loop3A_869, %parallel_loop3A_871 : vector<16xi32>
        %parallel_loop3A_873 = tpu.bitcast %parallel_loop3A_872 : vector<16xi32> -> vector<16xf32>
        %parallel_loop3A_874 = arith.constant 16 : i32
        %parallel_loop3A_875 = vector.broadcast %parallel_loop3A_874 : i32 to vector<16xi32>
        %parallel_loop3A_876 = arith.shrsi %parallel_loop3A_869, %parallel_loop3A_875 : vector<16xi32>
        %parallel_loop3A_877 = arith.constant 16 : i32
        %parallel_loop3A_878 = vector.broadcast %parallel_loop3A_877 : i32 to vector<16xi32>
        %parallel_loop3A_879 = arith.shli %parallel_loop3A_876, %parallel_loop3A_878 : vector<16xi32>
        %parallel_loop3A_880 = tpu.bitcast %parallel_loop3A_879 : vector<16xi32> -> vector<16xf32>
        %parallel_loop3A_881 = arith.index_cast %parallel_loop3A_342 : i32 to index
        %parallel_loop3A_882 = arith.constant 640 : index
        %parallel_loop3A_883 = tpu.vector_load %arg9[%parallel_loop3A_881, %parallel_loop3A_882] {strides = array<i32>} : memref<32x1024xf32, #tpu.memory_space<vmem>>, vector<1x16xf32>,
        %parallel_loop3A_884 = vector.shape_cast %parallel_loop3A_883 : vector<1x16xf32> to vector<16xf32>
        %parallel_loop3A_885 = vector.shape_cast %parallel_loop3A_873 : vector<16xf32> to vector<1x16xf32>
        tpu.vector_store %arg9[%parallel_loop3A_881, %parallel_loop3A_882], %parallel_loop3A_885 {add = true, strides = array<i32>} : memref<32x1024xf32, #tpu.memory_space<vmem>>, vector<1x16xf32>,
        %parallel_loop3A_886 = arith.index_cast %parallel_loop3A_342 : i32 to index
        %parallel_loop3A_887 = arith.constant 656 : index
        %parallel_loop3A_888 = tpu.vector_load %arg9[%parallel_loop3A_886, %parallel_loop3A_887] {strides = array<i32>} : memref<32x1024xf32, #tpu.memory_space<vmem>>, vector<1x16xf32>,
        %parallel_loop3A_889 = vector.shape_cast %parallel_loop3A_888 : vector<1x16xf32> to vector<16xf32>
        %parallel_loop3A_890 = vector.shape_cast %parallel_loop3A_880 : vector<16xf32> to vector<1x16xf32>
        tpu.vector_store %arg9[%parallel_loop3A_886, %parallel_loop3A_887], %parallel_loop3A_890 {add = true, strides = array<i32>} : memref<32x1024xf32, #tpu.memory_space<vmem>>, vector<1x16xf32>,
        %parallel_loop3A_891 = arith.constant 336 : i32
        %parallel_loop3A_892 = arith.addi %parallel_loop3A_344, %parallel_loop3A_891 : i32
        %parallel_loop3A_893 = arith.index_cast %parallel_loop3A_892 : i32 to index
        %parallel_loop3A_894 = tpu.vector_load %arg8[%parallel_loop3A_893] {strides = array<i32>} : memref<16384xi32, #tpu.memory_space<vmem>>, vector<16xi32>,
        %parallel_loop3A_895 = vector.shape_cast %parallel_loop3A_894 : vector<16xi32> to vector<16xi32>
        %parallel_loop3A_896 = arith.constant 16 : i32
        %parallel_loop3A_897 = vector.broadcast %parallel_loop3A_896 : i32 to vector<16xi32>
        %parallel_loop3A_898 = arith.shli %parallel_loop3A_895, %parallel_loop3A_897 : vector<16xi32>
        %parallel_loop3A_899 = tpu.bitcast %parallel_loop3A_898 : vector<16xi32> -> vector<16xf32>
        %parallel_loop3A_900 = arith.constant 16 : i32
        %parallel_loop3A_901 = vector.broadcast %parallel_loop3A_900 : i32 to vector<16xi32>
        %parallel_loop3A_902 = arith.shrsi %parallel_loop3A_895, %parallel_loop3A_901 : vector<16xi32>
        %parallel_loop3A_903 = arith.constant 16 : i32
        %parallel_loop3A_904 = vector.broadcast %parallel_loop3A_903 : i32 to vector<16xi32>
        %parallel_loop3A_905 = arith.shli %parallel_loop3A_902, %parallel_loop3A_904 : vector<16xi32>
        %parallel_loop3A_906 = tpu.bitcast %parallel_loop3A_905 : vector<16xi32> -> vector<16xf32>
        %parallel_loop3A_907 = arith.index_cast %parallel_loop3A_342 : i32 to index
        %parallel_loop3A_908 = arith.constant 672 : index
        %parallel_loop3A_909 = tpu.vector_load %arg9[%parallel_loop3A_907, %parallel_loop3A_908] {strides = array<i32>} : memref<32x1024xf32, #tpu.memory_space<vmem>>, vector<1x16xf32>,
        %parallel_loop3A_910 = vector.shape_cast %parallel_loop3A_909 : vector<1x16xf32> to vector<16xf32>
        %parallel_loop3A_911 = vector.shape_cast %parallel_loop3A_899 : vector<16xf32> to vector<1x16xf32>
        tpu.vector_store %arg9[%parallel_loop3A_907, %parallel_loop3A_908], %parallel_loop3A_911 {add = true, strides = array<i32>} : memref<32x1024xf32, #tpu.memory_space<vmem>>, vector<1x16xf32>,
        %parallel_loop3A_912 = arith.index_cast %parallel_loop3A_342 : i32 to index
        %parallel_loop3A_913 = arith.constant 688 : index
        %parallel_loop3A_914 = tpu.vector_load %arg9[%parallel_loop3A_912, %parallel_loop3A_913] {strides = array<i32>} : memref<32x1024xf32, #tpu.memory_space<vmem>>, vector<1x16xf32>,
        %parallel_loop3A_915 = vector.shape_cast %parallel_loop3A_914 : vector<1x16xf32> to vector<16xf32>
        %parallel_loop3A_916 = vector.shape_cast %parallel_loop3A_906 : vector<16xf32> to vector<1x16xf32>
        tpu.vector_store %arg9[%parallel_loop3A_912, %parallel_loop3A_913], %parallel_loop3A_916 {add = true, strides = array<i32>} : memref<32x1024xf32, #tpu.memory_space<vmem>>, vector<1x16xf32>,
        %parallel_loop3A_917 = arith.constant 352 : i32
        %parallel_loop3A_918 = arith.addi %parallel_loop3A_344, %parallel_loop3A_917 : i32
        %parallel_loop3A_919 = arith.index_cast %parallel_loop3A_918 : i32 to index
        %parallel_loop3A_920 = tpu.vector_load %arg8[%parallel_loop3A_919] {strides = array<i32>} : memref<16384xi32, #tpu.memory_space<vmem>>, vector<16xi32>,
        %parallel_loop3A_921 = vector.shape_cast %parallel_loop3A_920 : vector<16xi32> to vector<16xi32>
        %parallel_loop3A_922 = arith.constant 16 : i32
        %parallel_loop3A_923 = vector.broadcast %parallel_loop3A_922 : i32 to vector<16xi32>
        %parallel_loop3A_924 = arith.shli %parallel_loop3A_921, %parallel_loop3A_923 : vector<16xi32>
        %parallel_loop3A_925 = tpu.bitcast %parallel_loop3A_924 : vector<16xi32> -> vector<16xf32>
        %parallel_loop3A_926 = arith.constant 16 : i32
        %parallel_loop3A_927 = vector.broadcast %parallel_loop3A_926 : i32 to vector<16xi32>
        %parallel_loop3A_928 = arith.shrsi %parallel_loop3A_921, %parallel_loop3A_927 : vector<16xi32>
        %parallel_loop3A_929 = arith.constant 16 : i32
        %parallel_loop3A_930 = vector.broadcast %parallel_loop3A_929 : i32 to vector<16xi32>
        %parallel_loop3A_931 = arith.shli %parallel_loop3A_928, %parallel_loop3A_930 : vector<16xi32>
        %parallel_loop3A_932 = tpu.bitcast %parallel_loop3A_931 : vector<16xi32> -> vector<16xf32>
        %parallel_loop3A_933 = arith.index_cast %parallel_loop3A_342 : i32 to index
        %parallel_loop3A_934 = arith.constant 704 : index
        %parallel_loop3A_935 = tpu.vector_load %arg9[%parallel_loop3A_933, %parallel_loop3A_934] {strides = array<i32>} : memref<32x1024xf32, #tpu.memory_space<vmem>>, vector<1x16xf32>,
        %parallel_loop3A_936 = vector.shape_cast %parallel_loop3A_935 : vector<1x16xf32> to vector<16xf32>
        %parallel_loop3A_937 = vector.shape_cast %parallel_loop3A_925 : vector<16xf32> to vector<1x16xf32>
        tpu.vector_store %arg9[%parallel_loop3A_933, %parallel_loop3A_934], %parallel_loop3A_937 {add = true, strides = array<i32>} : memref<32x1024xf32, #tpu.memory_space<vmem>>, vector<1x16xf32>,
        %parallel_loop3A_938 = arith.index_cast %parallel_loop3A_342 : i32 to index
        %parallel_loop3A_939 = arith.constant 720 : index
        %parallel_loop3A_940 = tpu.vector_load %arg9[%parallel_loop3A_938, %parallel_loop3A_939] {strides = array<i32>} : memref<32x1024xf32, #tpu.memory_space<vmem>>, vector<1x16xf32>,
        %parallel_loop3A_941 = vector.shape_cast %parallel_loop3A_940 : vector<1x16xf32> to vector<16xf32>
        %parallel_loop3A_942 = vector.shape_cast %parallel_loop3A_932 : vector<16xf32> to vector<1x16xf32>
        tpu.vector_store %arg9[%parallel_loop3A_938, %parallel_loop3A_939], %parallel_loop3A_942 {add = true, strides = array<i32>} : memref<32x1024xf32, #tpu.memory_space<vmem>>, vector<1x16xf32>,
        %parallel_loop3A_943 = arith.constant 368 : i32
        %parallel_loop3A_944 = arith.addi %parallel_loop3A_344, %parallel_loop3A_943 : i32
        %parallel_loop3A_945 = arith.index_cast %parallel_loop3A_944 : i32 to index
        %parallel_loop3A_946 = tpu.vector_load %arg8[%parallel_loop3A_945] {strides = array<i32>} : memref<16384xi32, #tpu.memory_space<vmem>>, vector<16xi32>,
        %parallel_loop3A_947 = vector.shape_cast %parallel_loop3A_946 : vector<16xi32> to vector<16xi32>
        %parallel_loop3A_948 = arith.constant 16 : i32
        %parallel_loop3A_949 = vector.broadcast %parallel_loop3A_948 : i32 to vector<16xi32>
        %parallel_loop3A_950 = arith.shli %parallel_loop3A_947, %parallel_loop3A_949 : vector<16xi32>
        %parallel_loop3A_951 = tpu.bitcast %parallel_loop3A_950 : vector<16xi32> -> vector<16xf32>
        %parallel_loop3A_952 = arith.constant 16 : i32
        %parallel_loop3A_953 = vector.broadcast %parallel_loop3A_952 : i32 to vector<16xi32>
        %parallel_loop3A_954 = arith.shrsi %parallel_loop3A_947, %parallel_loop3A_953 : vector<16xi32>
        %parallel_loop3A_955 = arith.constant 16 : i32
        %parallel_loop3A_956 = vector.broadcast %parallel_loop3A_955 : i32 to vector<16xi32>
        %parallel_loop3A_957 = arith.shli %parallel_loop3A_954, %parallel_loop3A_956 : vector<16xi32>
        %parallel_loop3A_958 = tpu.bitcast %parallel_loop3A_957 : vector<16xi32> -> vector<16xf32>
        %parallel_loop3A_959 = arith.index_cast %parallel_loop3A_342 : i32 to index
        %parallel_loop3A_960 = arith.constant 736 : index
        %parallel_loop3A_961 = tpu.vector_load %arg9[%parallel_loop3A_959, %parallel_loop3A_960] {strides = array<i32>} : memref<32x1024xf32, #tpu.memory_space<vmem>>, vector<1x16xf32>,
        %parallel_loop3A_962 = vector.shape_cast %parallel_loop3A_961 : vector<1x16xf32> to vector<16xf32>
        %parallel_loop3A_963 = vector.shape_cast %parallel_loop3A_951 : vector<16xf32> to vector<1x16xf32>
        tpu.vector_store %arg9[%parallel_loop3A_959, %parallel_loop3A_960], %parallel_loop3A_963 {add = true, strides = array<i32>} : memref<32x1024xf32, #tpu.memory_space<vmem>>, vector<1x16xf32>,
        %parallel_loop3A_964 = arith.index_cast %parallel_loop3A_342 : i32 to index
        %parallel_loop3A_965 = arith.constant 752 : index
        %parallel_loop3A_966 = tpu.vector_load %arg9[%parallel_loop3A_964, %parallel_loop3A_965] {strides = array<i32>} : memref<32x1024xf32, #tpu.memory_space<vmem>>, vector<1x16xf32>,
        %parallel_loop3A_967 = vector.shape_cast %parallel_loop3A_966 : vector<1x16xf32> to vector<16xf32>
        %parallel_loop3A_968 = vector.shape_cast %parallel_loop3A_958 : vector<16xf32> to vector<1x16xf32>
        tpu.vector_store %arg9[%parallel_loop3A_964, %parallel_loop3A_965], %parallel_loop3A_968 {add = true, strides = array<i32>} : memref<32x1024xf32, #tpu.memory_space<vmem>>, vector<1x16xf32>,
        %parallel_loop3A_969 = arith.constant 384 : i32
        %parallel_loop3A_970 = arith.addi %parallel_loop3A_344, %parallel_loop3A_969 : i32
        %parallel_loop3A_971 = arith.index_cast %parallel_loop3A_970 : i32 to index
        %parallel_loop3A_972 = tpu.vector_load %arg8[%parallel_loop3A_971] {strides = array<i32>} : memref<16384xi32, #tpu.memory_space<vmem>>, vector<16xi32>,
        %parallel_loop3A_973 = vector.shape_cast %parallel_loop3A_972 : vector<16xi32> to vector<16xi32>
        %parallel_loop3A_974 = arith.constant 16 : i32
        %parallel_loop3A_975 = vector.broadcast %parallel_loop3A_974 : i32 to vector<16xi32>
        %parallel_loop3A_976 = arith.shli %parallel_loop3A_973, %parallel_loop3A_975 : vector<16xi32>
        %parallel_loop3A_977 = tpu.bitcast %parallel_loop3A_976 : vector<16xi32> -> vector<16xf32>
        %parallel_loop3A_978 = arith.constant 16 : i32
        %parallel_loop3A_979 = vector.broadcast %parallel_loop3A_978 : i32 to vector<16xi32>
        %parallel_loop3A_980 = arith.shrsi %parallel_loop3A_973, %parallel_loop3A_979 : vector<16xi32>
        %parallel_loop3A_981 = arith.constant 16 : i32
        %parallel_loop3A_982 = vector.broadcast %parallel_loop3A_981 : i32 to vector<16xi32>
        %parallel_loop3A_983 = arith.shli %parallel_loop3A_980, %parallel_loop3A_982 : vector<16xi32>
        %parallel_loop3A_984 = tpu.bitcast %parallel_loop3A_983 : vector<16xi32> -> vector<16xf32>
        %parallel_loop3A_985 = arith.index_cast %parallel_loop3A_342 : i32 to index
        %parallel_loop3A_986 = arith.constant 768 : index
        %parallel_loop3A_987 = tpu.vector_load %arg9[%parallel_loop3A_985, %parallel_loop3A_986] {strides = array<i32>} : memref<32x1024xf32, #tpu.memory_space<vmem>>, vector<1x16xf32>,
        %parallel_loop3A_988 = vector.shape_cast %parallel_loop3A_987 : vector<1x16xf32> to vector<16xf32>
        %parallel_loop3A_989 = vector.shape_cast %parallel_loop3A_977 : vector<16xf32> to vector<1x16xf32>
        tpu.vector_store %arg9[%parallel_loop3A_985, %parallel_loop3A_986], %parallel_loop3A_989 {add = true, strides = array<i32>} : memref<32x1024xf32, #tpu.memory_space<vmem>>, vector<1x16xf32>,
        %parallel_loop3A_990 = arith.index_cast %parallel_loop3A_342 : i32 to index
        %parallel_loop3A_991 = arith.constant 784 : index
        %parallel_loop3A_992 = tpu.vector_load %arg9[%parallel_loop3A_990, %parallel_loop3A_991] {strides = array<i32>} : memref<32x1024xf32, #tpu.memory_space<vmem>>, vector<1x16xf32>,
        %parallel_loop3A_993 = vector.shape_cast %parallel_loop3A_992 : vector<1x16xf32> to vector<16xf32>
        %parallel_loop3A_994 = vector.shape_cast %parallel_loop3A_984 : vector<16xf32> to vector<1x16xf32>
        tpu.vector_store %arg9[%parallel_loop3A_990, %parallel_loop3A_991], %parallel_loop3A_994 {add = true, strides = array<i32>} : memref<32x1024xf32, #tpu.memory_space<vmem>>, vector<1x16xf32>,
        %parallel_loop3A_995 = arith.constant 400 : i32
        %parallel_loop3A_996 = arith.addi %parallel_loop3A_344, %parallel_loop3A_995 : i32
        %parallel_loop3A_997 = arith.index_cast %parallel_loop3A_996 : i32 to index
        %parallel_loop3A_998 = tpu.vector_load %arg8[%parallel_loop3A_997] {strides = array<i32>} : memref<16384xi32, #tpu.memory_space<vmem>>, vector<16xi32>,
        %parallel_loop3A_999 = vector.shape_cast %parallel_loop3A_998 : vector<16xi32> to vector<16xi32>
        %parallel_loop3A_1000 = arith.constant 16 : i32
        %parallel_loop3A_1001 = vector.broadcast %parallel_loop3A_1000 : i32 to vector<16xi32>
        %parallel_loop3A_1002 = arith.shli %parallel_loop3A_999, %parallel_loop3A_1001 : vector<16xi32>
        %parallel_loop3A_1003 = tpu.bitcast %parallel_loop3A_1002 : vector<16xi32> -> vector<16xf32>
        %parallel_loop3A_1004 = arith.constant 16 : i32
        %parallel_loop3A_1005 = vector.broadcast %parallel_loop3A_1004 : i32 to vector<16xi32>
        %parallel_loop3A_1006 = arith.shrsi %parallel_loop3A_999, %parallel_loop3A_1005 : vector<16xi32>
        %parallel_loop3A_1007 = arith.constant 16 : i32
        %parallel_loop3A_1008 = vector.broadcast %parallel_loop3A_1007 : i32 to vector<16xi32>
        %parallel_loop3A_1009 = arith.shli %parallel_loop3A_1006, %parallel_loop3A_1008 : vector<16xi32>
        %parallel_loop3A_1010 = tpu.bitcast %parallel_loop3A_1009 : vector<16xi32> -> vector<16xf32>
        %parallel_loop3A_1011 = arith.index_cast %parallel_loop3A_342 : i32 to index
        %parallel_loop3A_1012 = arith.constant 800 : index
        %parallel_loop3A_1013 = tpu.vector_load %arg9[%parallel_loop3A_1011, %parallel_loop3A_1012] {strides = array<i32>} : memref<32x1024xf32, #tpu.memory_space<vmem>>, vector<1x16xf32>,
        %parallel_loop3A_1014 = vector.shape_cast %parallel_loop3A_1013 : vector<1x16xf32> to vector<16xf32>
        %parallel_loop3A_1015 = vector.shape_cast %parallel_loop3A_1003 : vector<16xf32> to vector<1x16xf32>
        tpu.vector_store %arg9[%parallel_loop3A_1011, %parallel_loop3A_1012], %parallel_loop3A_1015 {add = true, strides = array<i32>} : memref<32x1024xf32, #tpu.memory_space<vmem>>, vector<1x16xf32>,
        %parallel_loop3A_1016 = arith.index_cast %parallel_loop3A_342 : i32 to index
        %parallel_loop3A_1017 = arith.constant 816 : index
        %parallel_loop3A_1018 = tpu.vector_load %arg9[%parallel_loop3A_1016, %parallel_loop3A_1017] {strides = array<i32>} : memref<32x1024xf32, #tpu.memory_space<vmem>>, vector<1x16xf32>,
        %parallel_loop3A_1019 = vector.shape_cast %parallel_loop3A_1018 : vector<1x16xf32> to vector<16xf32>
        %parallel_loop3A_1020 = vector.shape_cast %parallel_loop3A_1010 : vector<16xf32> to vector<1x16xf32>
        tpu.vector_store %arg9[%parallel_loop3A_1016, %parallel_loop3A_1017], %parallel_loop3A_1020 {add = true, strides = array<i32>} : memref<32x1024xf32, #tpu.memory_space<vmem>>, vector<1x16xf32>,
        %parallel_loop3A_1021 = arith.constant 416 : i32
        %parallel_loop3A_1022 = arith.addi %parallel_loop3A_344, %parallel_loop3A_1021 : i32
        %parallel_loop3A_1023 = arith.index_cast %parallel_loop3A_1022 : i32 to index
        %parallel_loop3A_1024 = tpu.vector_load %arg8[%parallel_loop3A_1023] {strides = array<i32>} : memref<16384xi32, #tpu.memory_space<vmem>>, vector<16xi32>,
        %parallel_loop3A_1025 = vector.shape_cast %parallel_loop3A_1024 : vector<16xi32> to vector<16xi32>
        %parallel_loop3A_1026 = arith.constant 16 : i32
        %parallel_loop3A_1027 = vector.broadcast %parallel_loop3A_1026 : i32 to vector<16xi32>
        %parallel_loop3A_1028 = arith.shli %parallel_loop3A_1025, %parallel_loop3A_1027 : vector<16xi32>
        %parallel_loop3A_1029 = tpu.bitcast %parallel_loop3A_1028 : vector<16xi32> -> vector<16xf32>
        %parallel_loop3A_1030 = arith.constant 16 : i32
        %parallel_loop3A_1031 = vector.broadcast %parallel_loop3A_1030 : i32 to vector<16xi32>
        %parallel_loop3A_1032 = arith.shrsi %parallel_loop3A_1025, %parallel_loop3A_1031 : vector<16xi32>
        %parallel_loop3A_1033 = arith.constant 16 : i32
        %parallel_loop3A_1034 = vector.broadcast %parallel_loop3A_1033 : i32 to vector<16xi32>
        %parallel_loop3A_1035 = arith.shli %parallel_loop3A_1032, %parallel_loop3A_1034 : vector<16xi32>
        %parallel_loop3A_1036 = tpu.bitcast %parallel_loop3A_1035 : vector<16xi32> -> vector<16xf32>
        %parallel_loop3A_1037 = arith.index_cast %parallel_loop3A_342 : i32 to index
        %parallel_loop3A_1038 = arith.constant 832 : index
        %parallel_loop3A_1039 = tpu.vector_load %arg9[%parallel_loop3A_1037, %parallel_loop3A_1038] {strides = array<i32>} : memref<32x1024xf32, #tpu.memory_space<vmem>>, vector<1x16xf32>,
        %parallel_loop3A_1040 = vector.shape_cast %parallel_loop3A_1039 : vector<1x16xf32> to vector<16xf32>
        %parallel_loop3A_1041 = vector.shape_cast %parallel_loop3A_1029 : vector<16xf32> to vector<1x16xf32>
        tpu.vector_store %arg9[%parallel_loop3A_1037, %parallel_loop3A_1038], %parallel_loop3A_1041 {add = true, strides = array<i32>} : memref<32x1024xf32, #tpu.memory_space<vmem>>, vector<1x16xf32>,
        %parallel_loop3A_1042 = arith.index_cast %parallel_loop3A_342 : i32 to index
        %parallel_loop3A_1043 = arith.constant 848 : index
        %parallel_loop3A_1044 = tpu.vector_load %arg9[%parallel_loop3A_1042, %parallel_loop3A_1043] {strides = array<i32>} : memref<32x1024xf32, #tpu.memory_space<vmem>>, vector<1x16xf32>,
        %parallel_loop3A_1045 = vector.shape_cast %parallel_loop3A_1044 : vector<1x16xf32> to vector<16xf32>
        %parallel_loop3A_1046 = vector.shape_cast %parallel_loop3A_1036 : vector<16xf32> to vector<1x16xf32>
        tpu.vector_store %arg9[%parallel_loop3A_1042, %parallel_loop3A_1043], %parallel_loop3A_1046 {add = true, strides = array<i32>} : memref<32x1024xf32, #tpu.memory_space<vmem>>, vector<1x16xf32>,
        %parallel_loop3A_1047 = arith.constant 432 : i32
        %parallel_loop3A_1048 = arith.addi %parallel_loop3A_344, %parallel_loop3A_1047 : i32
        %parallel_loop3A_1049 = arith.index_cast %parallel_loop3A_1048 : i32 to index
        %parallel_loop3A_1050 = tpu.vector_load %arg8[%parallel_loop3A_1049] {strides = array<i32>} : memref<16384xi32, #tpu.memory_space<vmem>>, vector<16xi32>,
        %parallel_loop3A_1051 = vector.shape_cast %parallel_loop3A_1050 : vector<16xi32> to vector<16xi32>
        %parallel_loop3A_1052 = arith.constant 16 : i32
        %parallel_loop3A_1053 = vector.broadcast %parallel_loop3A_1052 : i32 to vector<16xi32>
        %parallel_loop3A_1054 = arith.shli %parallel_loop3A_1051, %parallel_loop3A_1053 : vector<16xi32>
        %parallel_loop3A_1055 = tpu.bitcast %parallel_loop3A_1054 : vector<16xi32> -> vector<16xf32>
        %parallel_loop3A_1056 = arith.constant 16 : i32
        %parallel_loop3A_1057 = vector.broadcast %parallel_loop3A_1056 : i32 to vector<16xi32>
        %parallel_loop3A_1058 = arith.shrsi %parallel_loop3A_1051, %parallel_loop3A_1057 : vector<16xi32>
        %parallel_loop3A_1059 = arith.constant 16 : i32
        %parallel_loop3A_1060 = vector.broadcast %parallel_loop3A_1059 : i32 to vector<16xi32>
        %parallel_loop3A_1061 = arith.shli %parallel_loop3A_1058, %parallel_loop3A_1060 : vector<16xi32>
        %parallel_loop3A_1062 = tpu.bitcast %parallel_loop3A_1061 : vector<16xi32> -> vector<16xf32>
        %parallel_loop3A_1063 = arith.index_cast %parallel_loop3A_342 : i32 to index
        %parallel_loop3A_1064 = arith.constant 864 : index
        %parallel_loop3A_1065 = tpu.vector_load %arg9[%parallel_loop3A_1063, %parallel_loop3A_1064] {strides = array<i32>} : memref<32x1024xf32, #tpu.memory_space<vmem>>, vector<1x16xf32>,
        %parallel_loop3A_1066 = vector.shape_cast %parallel_loop3A_1065 : vector<1x16xf32> to vector<16xf32>
        %parallel_loop3A_1067 = vector.shape_cast %parallel_loop3A_1055 : vector<16xf32> to vector<1x16xf32>
        tpu.vector_store %arg9[%parallel_loop3A_1063, %parallel_loop3A_1064], %parallel_loop3A_1067 {add = true, strides = array<i32>} : memref<32x1024xf32, #tpu.memory_space<vmem>>, vector<1x16xf32>,
        %parallel_loop3A_1068 = arith.index_cast %parallel_loop3A_342 : i32 to index
        %parallel_loop3A_1069 = arith.constant 880 : index
        %parallel_loop3A_1070 = tpu.vector_load %arg9[%parallel_loop3A_1068, %parallel_loop3A_1069] {strides = array<i32>} : memref<32x1024xf32, #tpu.memory_space<vmem>>, vector<1x16xf32>,
        %parallel_loop3A_1071 = vector.shape_cast %parallel_loop3A_1070 : vector<1x16xf32> to vector<16xf32>
        %parallel_loop3A_1072 = vector.shape_cast %parallel_loop3A_1062 : vector<16xf32> to vector<1x16xf32>
        tpu.vector_store %arg9[%parallel_loop3A_1068, %parallel_loop3A_1069], %parallel_loop3A_1072 {add = true, strides = array<i32>} : memref<32x1024xf32, #tpu.memory_space<vmem>>, vector<1x16xf32>,
        %parallel_loop3A_1073 = arith.constant 448 : i32
        %parallel_loop3A_1074 = arith.addi %parallel_loop3A_344, %parallel_loop3A_1073 : i32
        %parallel_loop3A_1075 = arith.index_cast %parallel_loop3A_1074 : i32 to index
        %parallel_loop3A_1076 = tpu.vector_load %arg8[%parallel_loop3A_1075] {strides = array<i32>} : memref<16384xi32, #tpu.memory_space<vmem>>, vector<16xi32>,
        %parallel_loop3A_1077 = vector.shape_cast %parallel_loop3A_1076 : vector<16xi32> to vector<16xi32>
        %parallel_loop3A_1078 = arith.constant 16 : i32
        %parallel_loop3A_1079 = vector.broadcast %parallel_loop3A_1078 : i32 to vector<16xi32>
        %parallel_loop3A_1080 = arith.shli %parallel_loop3A_1077, %parallel_loop3A_1079 : vector<16xi32>
        %parallel_loop3A_1081 = tpu.bitcast %parallel_loop3A_1080 : vector<16xi32> -> vector<16xf32>
        %parallel_loop3A_1082 = arith.constant 16 : i32
        %parallel_loop3A_1083 = vector.broadcast %parallel_loop3A_1082 : i32 to vector<16xi32>
        %parallel_loop3A_1084 = arith.shrsi %parallel_loop3A_1077, %parallel_loop3A_1083 : vector<16xi32>
        %parallel_loop3A_1085 = arith.constant 16 : i32
        %parallel_loop3A_1086 = vector.broadcast %parallel_loop3A_1085 : i32 to vector<16xi32>
        %parallel_loop3A_1087 = arith.shli %parallel_loop3A_1084, %parallel_loop3A_1086 : vector<16xi32>
        %parallel_loop3A_1088 = tpu.bitcast %parallel_loop3A_1087 : vector<16xi32> -> vector<16xf32>
        %parallel_loop3A_1089 = arith.index_cast %parallel_loop3A_342 : i32 to index
        %parallel_loop3A_1090 = arith.constant 896 : index
        %parallel_loop3A_1091 = tpu.vector_load %arg9[%parallel_loop3A_1089, %parallel_loop3A_1090] {strides = array<i32>} : memref<32x1024xf32, #tpu.memory_space<vmem>>, vector<1x16xf32>,
        %parallel_loop3A_1092 = vector.shape_cast %parallel_loop3A_1091 : vector<1x16xf32> to vector<16xf32>
        %parallel_loop3A_1093 = vector.shape_cast %parallel_loop3A_1081 : vector<16xf32> to vector<1x16xf32>
        tpu.vector_store %arg9[%parallel_loop3A_1089, %parallel_loop3A_1090], %parallel_loop3A_1093 {add = true, strides = array<i32>} : memref<32x1024xf32, #tpu.memory_space<vmem>>, vector<1x16xf32>,
        %parallel_loop3A_1094 = arith.index_cast %parallel_loop3A_342 : i32 to index
        %parallel_loop3A_1095 = arith.constant 912 : index
        %parallel_loop3A_1096 = tpu.vector_load %arg9[%parallel_loop3A_1094, %parallel_loop3A_1095] {strides = array<i32>} : memref<32x1024xf32, #tpu.memory_space<vmem>>, vector<1x16xf32>,
        %parallel_loop3A_1097 = vector.shape_cast %parallel_loop3A_1096 : vector<1x16xf32> to vector<16xf32>
        %parallel_loop3A_1098 = vector.shape_cast %parallel_loop3A_1088 : vector<16xf32> to vector<1x16xf32>
        tpu.vector_store %arg9[%parallel_loop3A_1094, %parallel_loop3A_1095], %parallel_loop3A_1098 {add = true, strides = array<i32>} : memref<32x1024xf32, #tpu.memory_space<vmem>>, vector<1x16xf32>,
        %parallel_loop3A_1099 = arith.constant 464 : i32
        %parallel_loop3A_1100 = arith.addi %parallel_loop3A_344, %parallel_loop3A_1099 : i32
        %parallel_loop3A_1101 = arith.index_cast %parallel_loop3A_1100 : i32 to index
        %parallel_loop3A_1102 = tpu.vector_load %arg8[%parallel_loop3A_1101] {strides = array<i32>} : memref<16384xi32, #tpu.memory_space<vmem>>, vector<16xi32>,
        %parallel_loop3A_1103 = vector.shape_cast %parallel_loop3A_1102 : vector<16xi32> to vector<16xi32>
        %parallel_loop3A_1104 = arith.constant 16 : i32
        %parallel_loop3A_1105 = vector.broadcast %parallel_loop3A_1104 : i32 to vector<16xi32>
        %parallel_loop3A_1106 = arith.shli %parallel_loop3A_1103, %parallel_loop3A_1105 : vector<16xi32>
        %parallel_loop3A_1107 = tpu.bitcast %parallel_loop3A_1106 : vector<16xi32> -> vector<16xf32>
        %parallel_loop3A_1108 = arith.constant 16 : i32
        %parallel_loop3A_1109 = vector.broadcast %parallel_loop3A_1108 : i32 to vector<16xi32>
        %parallel_loop3A_1110 = arith.shrsi %parallel_loop3A_1103, %parallel_loop3A_1109 : vector<16xi32>
        %parallel_loop3A_1111 = arith.constant 16 : i32
        %parallel_loop3A_1112 = vector.broadcast %parallel_loop3A_1111 : i32 to vector<16xi32>
        %parallel_loop3A_1113 = arith.shli %parallel_loop3A_1110, %parallel_loop3A_1112 : vector<16xi32>
        %parallel_loop3A_1114 = tpu.bitcast %parallel_loop3A_1113 : vector<16xi32> -> vector<16xf32>
        %parallel_loop3A_1115 = arith.index_cast %parallel_loop3A_342 : i32 to index
        %parallel_loop3A_1116 = arith.constant 928 : index
        %parallel_loop3A_1117 = tpu.vector_load %arg9[%parallel_loop3A_1115, %parallel_loop3A_1116] {strides = array<i32>} : memref<32x1024xf32, #tpu.memory_space<vmem>>, vector<1x16xf32>,
        %parallel_loop3A_1118 = vector.shape_cast %parallel_loop3A_1117 : vector<1x16xf32> to vector<16xf32>
        %parallel_loop3A_1119 = vector.shape_cast %parallel_loop3A_1107 : vector<16xf32> to vector<1x16xf32>
        tpu.vector_store %arg9[%parallel_loop3A_1115, %parallel_loop3A_1116], %parallel_loop3A_1119 {add = true, strides = array<i32>} : memref<32x1024xf32, #tpu.memory_space<vmem>>, vector<1x16xf32>,
        %parallel_loop3A_1120 = arith.index_cast %parallel_loop3A_342 : i32 to index
        %parallel_loop3A_1121 = arith.constant 944 : index
        %parallel_loop3A_1122 = tpu.vector_load %arg9[%parallel_loop3A_1120, %parallel_loop3A_1121] {strides = array<i32>} : memref<32x1024xf32, #tpu.memory_space<vmem>>, vector<1x16xf32>,
        %parallel_loop3A_1123 = vector.shape_cast %parallel_loop3A_1122 : vector<1x16xf32> to vector<16xf32>
        %parallel_loop3A_1124 = vector.shape_cast %parallel_loop3A_1114 : vector<16xf32> to vector<1x16xf32>
        tpu.vector_store %arg9[%parallel_loop3A_1120, %parallel_loop3A_1121], %parallel_loop3A_1124 {add = true, strides = array<i32>} : memref<32x1024xf32, #tpu.memory_space<vmem>>, vector<1x16xf32>,
        %parallel_loop3A_1125 = arith.constant 480 : i32
        %parallel_loop3A_1126 = arith.addi %parallel_loop3A_344, %parallel_loop3A_1125 : i32
        %parallel_loop3A_1127 = arith.index_cast %parallel_loop3A_1126 : i32 to index
        %parallel_loop3A_1128 = tpu.vector_load %arg8[%parallel_loop3A_1127] {strides = array<i32>} : memref<16384xi32, #tpu.memory_space<vmem>>, vector<16xi32>,
        %parallel_loop3A_1129 = vector.shape_cast %parallel_loop3A_1128 : vector<16xi32> to vector<16xi32>
        %parallel_loop3A_1130 = arith.constant 16 : i32
        %parallel_loop3A_1131 = vector.broadcast %parallel_loop3A_1130 : i32 to vector<16xi32>
        %parallel_loop3A_1132 = arith.shli %parallel_loop3A_1129, %parallel_loop3A_1131 : vector<16xi32>
        %parallel_loop3A_1133 = tpu.bitcast %parallel_loop3A_1132 : vector<16xi32> -> vector<16xf32>
        %parallel_loop3A_1134 = arith.constant 16 : i32
        %parallel_loop3A_1135 = vector.broadcast %parallel_loop3A_1134 : i32 to vector<16xi32>
        %parallel_loop3A_1136 = arith.shrsi %parallel_loop3A_1129, %parallel_loop3A_1135 : vector<16xi32>
        %parallel_loop3A_1137 = arith.constant 16 : i32
        %parallel_loop3A_1138 = vector.broadcast %parallel_loop3A_1137 : i32 to vector<16xi32>
        %parallel_loop3A_1139 = arith.shli %parallel_loop3A_1136, %parallel_loop3A_1138 : vector<16xi32>
        %parallel_loop3A_1140 = tpu.bitcast %parallel_loop3A_1139 : vector<16xi32> -> vector<16xf32>
        %parallel_loop3A_1141 = arith.index_cast %parallel_loop3A_342 : i32 to index
        %parallel_loop3A_1142 = arith.constant 960 : index
        %parallel_loop3A_1143 = tpu.vector_load %arg9[%parallel_loop3A_1141, %parallel_loop3A_1142] {strides = array<i32>} : memref<32x1024xf32, #tpu.memory_space<vmem>>, vector<1x16xf32>,
        %parallel_loop3A_1144 = vector.shape_cast %parallel_loop3A_1143 : vector<1x16xf32> to vector<16xf32>
        %parallel_loop3A_1145 = vector.shape_cast %parallel_loop3A_1133 : vector<16xf32> to vector<1x16xf32>
        tpu.vector_store %arg9[%parallel_loop3A_1141, %parallel_loop3A_1142], %parallel_loop3A_1145 {add = true, strides = array<i32>} : memref<32x1024xf32, #tpu.memory_space<vmem>>, vector<1x16xf32>,
        %parallel_loop3A_1146 = arith.index_cast %parallel_loop3A_342 : i32 to index
        %parallel_loop3A_1147 = arith.constant 976 : index
        %parallel_loop3A_1148 = tpu.vector_load %arg9[%parallel_loop3A_1146, %parallel_loop3A_1147] {strides = array<i32>} : memref<32x1024xf32, #tpu.memory_space<vmem>>, vector<1x16xf32>,
        %parallel_loop3A_1149 = vector.shape_cast %parallel_loop3A_1148 : vector<1x16xf32> to vector<16xf32>
        %parallel_loop3A_1150 = vector.shape_cast %parallel_loop3A_1140 : vector<16xf32> to vector<1x16xf32>
        tpu.vector_store %arg9[%parallel_loop3A_1146, %parallel_loop3A_1147], %parallel_loop3A_1150 {add = true, strides = array<i32>} : memref<32x1024xf32, #tpu.memory_space<vmem>>, vector<1x16xf32>,
        %parallel_loop3A_1151 = arith.constant 496 : i32
        %parallel_loop3A_1152 = arith.addi %parallel_loop3A_344, %parallel_loop3A_1151 : i32
        %parallel_loop3A_1153 = arith.index_cast %parallel_loop3A_1152 : i32 to index
        %parallel_loop3A_1154 = tpu.vector_load %arg8[%parallel_loop3A_1153] {strides = array<i32>} : memref<16384xi32, #tpu.memory_space<vmem>>, vector<16xi32>,
        %parallel_loop3A_1155 = vector.shape_cast %parallel_loop3A_1154 : vector<16xi32> to vector<16xi32>
        %parallel_loop3A_1156 = arith.constant 16 : i32
        %parallel_loop3A_1157 = vector.broadcast %parallel_loop3A_1156 : i32 to vector<16xi32>
        %parallel_loop3A_1158 = arith.shli %parallel_loop3A_1155, %parallel_loop3A_1157 : vector<16xi32>
        %parallel_loop3A_1159 = tpu.bitcast %parallel_loop3A_1158 : vector<16xi32> -> vector<16xf32>
        %parallel_loop3A_1160 = arith.constant 16 : i32
        %parallel_loop3A_1161 = vector.broadcast %parallel_loop3A_1160 : i32 to vector<16xi32>
        %parallel_loop3A_1162 = arith.shrsi %parallel_loop3A_1155, %parallel_loop3A_1161 : vector<16xi32>
        %parallel_loop3A_1163 = arith.constant 16 : i32
        %parallel_loop3A_1164 = vector.broadcast %parallel_loop3A_1163 : i32 to vector<16xi32>
        %parallel_loop3A_1165 = arith.shli %parallel_loop3A_1162, %parallel_loop3A_1164 : vector<16xi32>
        %parallel_loop3A_1166 = tpu.bitcast %parallel_loop3A_1165 : vector<16xi32> -> vector<16xf32>
        %parallel_loop3A_1167 = arith.index_cast %parallel_loop3A_342 : i32 to index
        %parallel_loop3A_1168 = arith.constant 992 : index
        %parallel_loop3A_1169 = tpu.vector_load %arg9[%parallel_loop3A_1167, %parallel_loop3A_1168] {strides = array<i32>} : memref<32x1024xf32, #tpu.memory_space<vmem>>, vector<1x16xf32>,
        %parallel_loop3A_1170 = vector.shape_cast %parallel_loop3A_1169 : vector<1x16xf32> to vector<16xf32>
        %parallel_loop3A_1171 = vector.shape_cast %parallel_loop3A_1159 : vector<16xf32> to vector<1x16xf32>
        tpu.vector_store %arg9[%parallel_loop3A_1167, %parallel_loop3A_1168], %parallel_loop3A_1171 {add = true, strides = array<i32>} : memref<32x1024xf32, #tpu.memory_space<vmem>>, vector<1x16xf32>,
        %parallel_loop3A_1172 = arith.index_cast %parallel_loop3A_342 : i32 to index
        %parallel_loop3A_1173 = arith.constant 1008 : index
        %parallel_loop3A_1174 = tpu.vector_load %arg9[%parallel_loop3A_1172, %parallel_loop3A_1173] {strides = array<i32>} : memref<32x1024xf32, #tpu.memory_space<vmem>>, vector<1x16xf32>,
        %parallel_loop3A_1175 = vector.shape_cast %parallel_loop3A_1174 : vector<1x16xf32> to vector<16xf32>
        %parallel_loop3A_1176 = vector.shape_cast %parallel_loop3A_1166 : vector<16xf32> to vector<1x16xf32>
        tpu.vector_store %arg9[%parallel_loop3A_1172, %parallel_loop3A_1173], %parallel_loop3A_1176 {add = true, strides = array<i32>} : memref<32x1024xf32, #tpu.memory_space<vmem>>, vector<1x16xf32>,
      } {sc.loop_unroll_factor = 1 : i64, sc.parallel_access}
      %jit3A_161 = arith.constant 4 : i32
      %eq3A_162 = arith.constant 0 : i32
      %eq3A_163 = arith.cmpi eq, %jit3A_161, %eq3A_162 : i32
      %jit3A_164 = arith.constant 1 : i32
      %select_n3A_165 = arith.select %eq3A_163, %jit3A_164, %jit3A_161 : i32
      %rem3A_166 = arith.remsi %add3A_116, %select_n3A_165 : i32
      %ne3A_167 = arith.constant 0 : i32
      %ne3A_168 = arith.cmpi ne, %rem3A_166, %ne3A_167 : i32
      %lt3A_169 = arith.constant 0 : i32
      %lt3A_170 = arith.cmpi slt, %rem3A_166, %lt3A_169 : i32
      %lt3A_171 = arith.constant 0 : i32
      %lt3A_172 = arith.cmpi slt, %select_n3A_165, %lt3A_171 : i32
      %ne3A_173 = arith.xori %lt3A_170, %lt3A_172 : i1
      %and3A_174 = arith.andi %ne3A_173, %ne3A_168 : i1
      %add3A_175 = arith.addi %rem3A_166, %select_n3A_165 : i32
      %select_n3A_176 = arith.select %and3A_174, %add3A_175, %rem3A_166 : i32
      %jit3A_177 = arith.constant 4 : i32
      %div3A_178 = arith.divsi %add3A_116, %jit3A_177 : i32
      %sign3A_179 = arith.constant 0 : i32
      %sign3A_180 = arith.cmpi sgt, %add3A_116, %sign3A_179 : i32
      %sign3A_181 = arith.extui %sign3A_180 : i1 to i32
      %sign3A_182 = arith.constant 0 : i32
      %sign3A_183 = arith.cmpi slt, %add3A_116, %sign3A_182 : i32
      %sign3A_184 = arith.extui %sign3A_183 : i1 to i32
      %sign3A_185 = arith.subi %sign3A_181, %sign3A_184 : i32
      %sign3A_186 = arith.constant 0 : i32
      %sign3A_187 = arith.cmpi sgt, %jit3A_177, %sign3A_186 : i32
      %sign3A_188 = arith.extui %sign3A_187 : i1 to i32
      %sign3A_189 = arith.constant 0 : i32
      %sign3A_190 = arith.cmpi slt, %jit3A_177, %sign3A_189 : i32
      %sign3A_191 = arith.extui %sign3A_190 : i1 to i32
      %sign3A_192 = arith.subi %sign3A_188, %sign3A_191 : i32
      %ne3A_193 = arith.cmpi ne, %sign3A_185, %sign3A_192 : i32
      %rem3A_194 = arith.remsi %add3A_116, %jit3A_177 : i32
      %ne3A_195 = arith.constant 0 : i32
      %ne3A_196 = arith.cmpi ne, %rem3A_194, %ne3A_195 : i32
      %and3A_197 = arith.andi %ne3A_193, %ne3A_196 : i1
      %sub3A_198 = arith.constant 1 : i32
      %sub3A_199 = arith.subi %div3A_178, %sub3A_198 : i32
      %select_n3A_200 = arith.select %and3A_197, %sub3A_199, %div3A_178 : i32
      %mul3A_201 = arith.constant 32 : i32
      %mul3A_202 = arith.muli %select_n3A_200, %mul3A_201 : i32
      %add3A_203 = arith.addi %mul3A_2, %mul3A_202 : i32
      %dma_start3A_204 = arith.constant 0 : i32
      %dma_start3A_205 = tpu.memref_slice %arg6[%select_n3A_176, %add3A_203, %dma_start3A_204] : memref<4x2048x1024xf32, #tpu.memory_space<hbm>> -> memref<1x32x1024xf32, #tpu.memory_space<hbm>>
      %dma_start3A_206 = tpu.memref_squeeze %dma_start3A_205 : memref<1x32x1024xf32, #tpu.memory_space<hbm>> -> memref<32x1024xf32, #tpu.memory_space<hbm>>
      %dma_start3A_207 = arith.constant 0 : i32
      %dma_start3A_208 = tpu.memref_slice %arg6[%select_n3A_176, %add3A_203, %dma_start3A_207] : memref<4x2048x1024xf32, #tpu.memory_space<hbm>> -> memref<1x32x1024xf32, #tpu.memory_space<hbm>>
      %dma_start3A_209 = tpu.memref_squeeze %dma_start3A_208 : memref<1x32x1024xf32, #tpu.memory_space<hbm>> -> memref<32x1024xf32, #tpu.memory_space<hbm>>
      tpu.enqueue_dma source(%arg9 : memref<32x1024xf32, #tpu.memory_space<vmem>>) target(%dma_start3A_209 : memref<32x1024xf32, #tpu.memory_space<hbm>>) target_semaphore(%arg15 : memref<!tpu.dma_semaphore, #tpu.memory_space<semaphore_mem>>)
      %eq3A_210 = arith.constant 3 : i32
      %eq3A_211 = arith.cmpi eq, %add3A_116, %eq3A_210 : i32
      %convert_element_type3A_212 = arith.extui %eq3A_211 : i1 to i32
      %cond3A_213 = arith.constant 0 : i32
      %cond3A_214 = arith.cmpi ne, %convert_element_type3A_212, %cond3A_213 : i32
      scf.if %cond3A_214 {
        %mul3A_342 = arith.constant 16384 : i32
        %mul3A_343 = arith.muli %add3A, %mul3A_342 : i32
        %dma_start3A_344 = tpu.memref_slice %arg5[%mul3A_343] : memref<524288xi32, #tpu.memory_space<hbm>> -> memref<16384xi32, #tpu.memory_space<hbm>>
        %dma_start3A_345 = tpu.memref_slice %arg5[%mul3A_343] : memref<524288xi32, #tpu.memory_space<hbm>> -> memref<16384xi32, #tpu.memory_space<hbm>>
        tpu.enqueue_dma source(%dma_start3A_345 : memref<16384xi32, #tpu.memory_space<hbm>>) target(%arg8 : memref<16384xi32, #tpu.memory_space<vmem>>) target_semaphore(%arg11 : memref<!tpu.dma_semaphore, #tpu.memory_space<semaphore_mem>>)
      } else {
      }
      %add3A_215 = arith.constant 2 : i32
      %add3A_216 = arith.addi %add3A_116, %add3A_215 : i32
      %lt3A_217 = arith.constant 8 : i32
      %lt3A_218 = arith.cmpi slt, %add3A_216, %lt3A_217 : i32
      %convert_element_type3A_219 = arith.extui %lt3A_218 : i1 to i32
      %cond3A_220 = arith.constant 0 : i32
      %cond3A_221 = arith.cmpi ne, %convert_element_type3A_219, %cond3A_220 : i32
      scf.if %cond3A_221 {
        %dma_wait3A_342 = arith.constant 0 : i32
        %dma_wait3A_343 = tpu.memref_slice %arg6[%select_n3A_176, %add3A_203, %dma_wait3A_342] : memref<4x2048x1024xf32, #tpu.memory_space<hbm>> -> memref<1x32x1024xf32, #tpu.memory_space<hbm>>
        %dma_wait3A_344 = tpu.memref_squeeze %dma_wait3A_343 : memref<1x32x1024xf32, #tpu.memory_space<hbm>> -> memref<32x1024xf32, #tpu.memory_space<hbm>>
        %dma_wait3A_345 = arith.constant 0 : i32
        %dma_wait3A_346 = tpu.memref_slice %arg6[%select_n3A_176, %add3A_203, %dma_wait3A_345] : memref<4x2048x1024xf32, #tpu.memory_space<hbm>> -> memref<1x32x1024xf32, #tpu.memory_space<hbm>>
        %dma_wait3A_347 = tpu.memref_squeeze %dma_wait3A_346 : memref<1x32x1024xf32, #tpu.memory_space<hbm>> -> memref<32x1024xf32, #tpu.memory_space<hbm>>
        tpu.wait_dma2 semaphore(%arg15 : memref<!tpu.dma_semaphore, #tpu.memory_space<semaphore_mem>>) src(%arg9 : memref<32x1024xf32, #tpu.memory_space<vmem>>) dst(%dma_wait3A_347 : memref<32x1024xf32, #tpu.memory_space<hbm>>)
        %add3A_348 = arith.constant 2 : i32
        %add3A_349 = arith.addi %add3A_116, %add3A_348 : i32
        %jit3A_350 = arith.constant 4 : i32
        %eq3A_351 = arith.constant 0 : i32
        %eq3A_352 = arith.cmpi eq, %jit3A_350, %eq3A_351 : i32
        %jit3A_353 = arith.constant 1 : i32
        %select_n3A_354 = arith.select %eq3A_352, %jit3A_353, %jit3A_350 : i32
        %rem3A_355 = arith.remsi %add3A_349, %select_n3A_354 : i32
        %ne3A_356 = arith.constant 0 : i32
        %ne3A_357 = arith.cmpi ne, %rem3A_355, %ne3A_356 : i32
        %lt3A_358 = arith.constant 0 : i32
        %lt3A_359 = arith.cmpi slt, %rem3A_355, %lt3A_358 : i32
        %lt3A_360 = arith.constant 0 : i32
        %lt3A_361 = arith.cmpi slt, %select_n3A_354, %lt3A_360 : i32
        %ne3A_362 = arith.xori %lt3A_359, %lt3A_361 : i1
        %and3A_363 = arith.andi %ne3A_362, %ne3A_357 : i1
        %add3A_364 = arith.addi %rem3A_355, %select_n3A_354 : i32
        %select_n3A_365 = arith.select %and3A_363, %add3A_364, %rem3A_355 : i32
        %mul3A_366 = arith.constant 64 : i32
        %mul3A_367 = arith.muli %select_n3A_365, %mul3A_366 : i32
        %jit3A_368 = arith.constant 4 : i32
        %div3A_369 = arith.divsi %add3A_349, %jit3A_368 : i32
        %sign3A_370 = arith.constant 0 : i32
        %sign3A_371 = arith.cmpi sgt, %add3A_349, %sign3A_370 : i32
        %sign3A_372 = arith.extui %sign3A_371 : i1 to i32
        %sign3A_373 = arith.constant 0 : i32
        %sign3A_374 = arith.cmpi slt, %add3A_349, %sign3A_373 : i32
        %sign3A_375 = arith.extui %sign3A_374 : i1 to i32
        %sign3A_376 = arith.subi %sign3A_372, %sign3A_375 : i32
        %sign3A_377 = arith.constant 0 : i32
        %sign3A_378 = arith.cmpi sgt, %jit3A_368, %sign3A_377 : i32
        %sign3A_379 = arith.extui %sign3A_378 : i1 to i32
        %sign3A_380 = arith.constant 0 : i32
        %sign3A_381 = arith.cmpi slt, %jit3A_368, %sign3A_380 : i32
        %sign3A_382 = arith.extui %sign3A_381 : i1 to i32
        %sign3A_383 = arith.subi %sign3A_379, %sign3A_382 : i32
        %ne3A_384 = arith.cmpi ne, %sign3A_376, %sign3A_383 : i32
        %rem3A_385 = arith.remsi %add3A_349, %jit3A_368 : i32
        %ne3A_386 = arith.constant 0 : i32
        %ne3A_387 = arith.cmpi ne, %rem3A_385, %ne3A_386 : i32
        %and3A_388 = arith.andi %ne3A_384, %ne3A_387 : i1
        %sub3A_389 = arith.constant 1 : i32
        %sub3A_390 = arith.subi %div3A_369, %sub3A_389 : i32
        %select_n3A_391 = arith.select %and3A_388, %sub3A_390, %div3A_369 : i32
        %mul3A_392 = arith.constant 32 : i32
        %mul3A_393 = arith.muli %select_n3A_391, %mul3A_392 : i32
        %add3A_394 = arith.addi %mul3A_367, %mul3A_393 : i32
        %dma_start3A_395 = tpu.memref_slice %arg7[%add3A_394] : memref<256xi32, #tpu.memory_space<vmem>> -> memref<32xi32, #tpu.memory_space<vmem>>
        %dma_start3A_396 = arith.constant 0 : i32
        %dma_start3A_397 = arith.constant 0 : i32
        %dma_start3A_398 = tpu.memref_slice %arg3[%dma_start3A_396, %dma_start3A_397] : memref<100000x1024xf32, #tpu.memory_space<hbm>> -> memref<100000x1024xf32, #tpu.memory_space<hbm>>
        tpu.enqueue_indirect_dma source(%dma_start3A_398 : memref<100000x1024xf32, #tpu.memory_space<hbm>>) target(%arg9 : memref<32x1024xf32, #tpu.memory_space<vmem>>) offsets(%dma_start3A_395 : memref<32xi32, #tpu.memory_space<vmem>>) semaphore(%arg13 : memref<!tpu.dma_semaphore, #tpu.memory_space<semaphore_mem>>)
      } else {
      }
      %add3A_222 = arith.constant 1 : i32
      %add3A_223 = arith.addi %mul3A_114, %add3A_222 : i32
      %jit3A_224 = arith.constant 4 : i32
      %eq3A_225 = arith.constant 0 : i32
      %eq3A_226 = arith.cmpi eq, %jit3A_224, %eq3A_225 : i32
      %jit3A_227 = arith.constant 1 : i32
      %select_n3A_228 = arith.select %eq3A_226, %jit3A_227, %jit3A_224 : i32
      %rem3A_229 = arith.remsi %add3A_223, %select_n3A_228 : i32
      %ne3A_230 = arith.constant 0 : i32
      %ne3A_231 = arith.cmpi ne, %rem3A_229, %ne3A_230 : i32
      %lt3A_232 = arith.constant 0 : i32
      %lt3A_233 = arith.cmpi slt, %rem3A_229, %lt3A_232 : i32
      %lt3A_234 = arith.constant 0 : i32
      %lt3A_235 = arith.cmpi slt, %select_n3A_228, %lt3A_234 : i32
      %ne3A_236 = arith.xori %lt3A_233, %lt3A_235 : i1
      %and3A_237 = arith.andi %ne3A_236, %ne3A_231 : i1
      %add3A_238 = arith.addi %rem3A_229, %select_n3A_228 : i32
      %select_n3A_239 = arith.select %and3A_237, %add3A_238, %rem3A_229 : i32
      %mul3A_240 = arith.constant 64 : i32
      %mul3A_241 = arith.muli %select_n3A_239, %mul3A_240 : i32
      %jit3A_242 = arith.constant 4 : i32
      %div3A_243 = arith.divsi %add3A_223, %jit3A_242 : i32
      %sign3A_244 = arith.constant 0 : i32
      %sign3A_245 = arith.cmpi sgt, %add3A_223, %sign3A_244 : i32
      %sign3A_246 = arith.extui %sign3A_245 : i1 to i32
      %sign3A_247 = arith.constant 0 : i32
      %sign3A_248 = arith.cmpi slt, %add3A_223, %sign3A_247 : i32
      %sign3A_249 = arith.extui %sign3A_248 : i1 to i32
      %sign3A_250 = arith.subi %sign3A_246, %sign3A_249 : i32
      %sign3A_251 = arith.constant 0 : i32
      %sign3A_252 = arith.cmpi sgt, %jit3A_242, %sign3A_251 : i32
      %sign3A_253 = arith.extui %sign3A_252 : i1 to i32
      %sign3A_254 = arith.constant 0 : i32
      %sign3A_255 = arith.cmpi slt, %jit3A_242, %sign3A_254 : i32
      %sign3A_256 = arith.extui %sign3A_255 : i1 to i32
      %sign3A_257 = arith.subi %sign3A_253, %sign3A_256 : i32
      %ne3A_258 = arith.cmpi ne, %sign3A_250, %sign3A_257 : i32
      %rem3A_259 = arith.remsi %add3A_223, %jit3A_242 : i32
      %ne3A_260 = arith.constant 0 : i32
      %ne3A_261 = arith.cmpi ne, %rem3A_259, %ne3A_260 : i32
      %and3A_262 = arith.andi %ne3A_258, %ne3A_261 : i1
      %sub3A_263 = arith.constant 1 : i32
      %sub3A_264 = arith.subi %div3A_243, %sub3A_263 : i32
      %select_n3A_265 = arith.select %and3A_262, %sub3A_264, %div3A_243 : i32
      %mul3A_266 = arith.constant 32 : i32
      %mul3A_267 = arith.muli %select_n3A_265, %mul3A_266 : i32
      %add3A_268 = arith.addi %mul3A_241, %mul3A_267 : i32
      %dma_wait3A_269 = tpu.memref_slice %arg7[%add3A_268] : memref<256xi32, #tpu.memory_space<vmem>> -> memref<32xi32, #tpu.memory_space<vmem>>
      %dma_wait3A_270 = arith.constant 0 : i32
      %dma_wait3A_271 = arith.constant 0 : i32
      %dma_wait3A_272 = tpu.memref_slice %arg3[%dma_wait3A_270, %dma_wait3A_271] : memref<100000x1024xf32, #tpu.memory_space<hbm>> -> memref<100000x1024xf32, #tpu.memory_space<hbm>>
      tpu.wait_indirect_dma semaphore(%arg14 : memref<!tpu.dma_semaphore, #tpu.memory_space<semaphore_mem>>) src(%dma_wait3A_272 : memref<100000x1024xf32, #tpu.memory_space<hbm>>) dst(%arg10 : memref<32x1024xf32, #tpu.memory_space<vmem>>)
      %eq3A_273 = arith.constant 4 : i32
      %eq3A_274 = arith.cmpi eq, %add3A_223, %eq3A_273 : i32
      %convert_element_type3A_275 = arith.extui %eq3A_274 : i1 to i32
      %cond3A_276 = arith.constant 0 : i32
      %cond3A_277 = arith.cmpi ne, %convert_element_type3A_275, %cond3A_276 : i32
      scf.if %cond3A_277 {
        %mul3A_342 = arith.constant 16384 : i32
        %mul3A_343 = arith.muli %add3A, %mul3A_342 : i32
        %dma_wait3A_344 = tpu.memref_slice %arg5[%mul3A_343] : memref<524288xi32, #tpu.memory_space<hbm>> -> memref<16384xi32, #tpu.memory_space<hbm>>
        %dma_wait3A_345 = tpu.memref_slice %arg5[%mul3A_343] : memref<524288xi32, #tpu.memory_space<hbm>> -> memref<16384xi32, #tpu.memory_space<hbm>>
        tpu.wait_dma2 semaphore(%arg11 : memref<!tpu.dma_semaphore, #tpu.memory_space<semaphore_mem>>) src(%dma_wait3A_345 : memref<16384xi32, #tpu.memory_space<hbm>>) dst(%arg8 : memref<16384xi32, #tpu.memory_space<vmem>>)
      } else {
      }
      %parallel_loop3A_278 = arith.constant 0 : i32
      %parallel_loop3A_279 = arith.constant 32 : i32
      %parallel_loop3A_280 = arith.constant 1 : i32
      scf.for %parallel_loop3A_342 = %parallel_loop3A_278 to %parallel_loop3A_279 step %parallel_loop3A_280  : i32 {
        %parallel_loop3A_343 = arith.constant 512 : i32
        %parallel_loop3A_344 = arith.muli %parallel_loop3A_342, %parallel_loop3A_343 : i32
        %parallel_loop3A_345 = arith.constant 0 : i32
        %parallel_loop3A_346 = arith.addi %parallel_loop3A_344, %parallel_loop3A_345 : i32
        %parallel_loop3A_347 = arith.index_cast %parallel_loop3A_346 : i32 to index
        %parallel_loop3A_348 = tpu.vector_load %arg8[%parallel_loop3A_347] {strides = array<i32>} : memref<16384xi32, #tpu.memory_space<vmem>>, vector<16xi32>,
        %parallel_loop3A_349 = vector.shape_cast %parallel_loop3A_348 : vector<16xi32> to vector<16xi32>
        %parallel_loop3A_350 = arith.constant 16 : i32
        %parallel_loop3A_351 = vector.broadcast %parallel_loop3A_350 : i32 to vector<16xi32>
        %parallel_loop3A_352 = arith.shli %parallel_loop3A_349, %parallel_loop3A_351 : vector<16xi32>
        %parallel_loop3A_353 = tpu.bitcast %parallel_loop3A_352 : vector<16xi32> -> vector<16xf32>
        %parallel_loop3A_354 = arith.constant 16 : i32
        %parallel_loop3A_355 = vector.broadcast %parallel_loop3A_354 : i32 to vector<16xi32>
        %parallel_loop3A_356 = arith.shrsi %parallel_loop3A_349, %parallel_loop3A_355 : vector<16xi32>
        %parallel_loop3A_357 = arith.constant 16 : i32
        %parallel_loop3A_358 = vector.broadcast %parallel_loop3A_357 : i32 to vector<16xi32>
        %parallel_loop3A_359 = arith.shli %parallel_loop3A_356, %parallel_loop3A_358 : vector<16xi32>
        %parallel_loop3A_360 = tpu.bitcast %parallel_loop3A_359 : vector<16xi32> -> vector<16xf32>
        %parallel_loop3A_361 = arith.index_cast %parallel_loop3A_342 : i32 to index
        %parallel_loop3A_362 = arith.constant 0 : index
        %parallel_loop3A_363 = tpu.vector_load %arg10[%parallel_loop3A_361, %parallel_loop3A_362] {strides = array<i32>} : memref<32x1024xf32, #tpu.memory_space<vmem>>, vector<1x16xf32>,
        %parallel_loop3A_364 = vector.shape_cast %parallel_loop3A_363 : vector<1x16xf32> to vector<16xf32>
        %parallel_loop3A_365 = vector.shape_cast %parallel_loop3A_353 : vector<16xf32> to vector<1x16xf32>
        tpu.vector_store %arg10[%parallel_loop3A_361, %parallel_loop3A_362], %parallel_loop3A_365 {add = true, strides = array<i32>} : memref<32x1024xf32, #tpu.memory_space<vmem>>, vector<1x16xf32>,
        %parallel_loop3A_366 = arith.index_cast %parallel_loop3A_342 : i32 to index
        %parallel_loop3A_367 = arith.constant 16 : index
        %parallel_loop3A_368 = tpu.vector_load %arg10[%parallel_loop3A_366, %parallel_loop3A_367] {strides = array<i32>} : memref<32x1024xf32, #tpu.memory_space<vmem>>, vector<1x16xf32>,
        %parallel_loop3A_369 = vector.shape_cast %parallel_loop3A_368 : vector<1x16xf32> to vector<16xf32>
        %parallel_loop3A_370 = vector.shape_cast %parallel_loop3A_360 : vector<16xf32> to vector<1x16xf32>
        tpu.vector_store %arg10[%parallel_loop3A_366, %parallel_loop3A_367], %parallel_loop3A_370 {add = true, strides = array<i32>} : memref<32x1024xf32, #tpu.memory_space<vmem>>, vector<1x16xf32>,
        %parallel_loop3A_371 = arith.constant 16 : i32
        %parallel_loop3A_372 = arith.addi %parallel_loop3A_344, %parallel_loop3A_371 : i32
        %parallel_loop3A_373 = arith.index_cast %parallel_loop3A_372 : i32 to index
        %parallel_loop3A_374 = tpu.vector_load %arg8[%parallel_loop3A_373] {strides = array<i32>} : memref<16384xi32, #tpu.memory_space<vmem>>, vector<16xi32>,
        %parallel_loop3A_375 = vector.shape_cast %parallel_loop3A_374 : vector<16xi32> to vector<16xi32>
        %parallel_loop3A_376 = arith.constant 16 : i32
        %parallel_loop3A_377 = vector.broadcast %parallel_loop3A_376 : i32 to vector<16xi32>
        %parallel_loop3A_378 = arith.shli %parallel_loop3A_375, %parallel_loop3A_377 : vector<16xi32>
        %parallel_loop3A_379 = tpu.bitcast %parallel_loop3A_378 : vector<16xi32> -> vector<16xf32>
        %parallel_loop3A_380 = arith.constant 16 : i32
        %parallel_loop3A_381 = vector.broadcast %parallel_loop3A_380 : i32 to vector<16xi32>
        %parallel_loop3A_382 = arith.shrsi %parallel_loop3A_375, %parallel_loop3A_381 : vector<16xi32>
        %parallel_loop3A_383 = arith.constant 16 : i32
        %parallel_loop3A_384 = vector.broadcast %parallel_loop3A_383 : i32 to vector<16xi32>
        %parallel_loop3A_385 = arith.shli %parallel_loop3A_382, %parallel_loop3A_384 : vector<16xi32>
        %parallel_loop3A_386 = tpu.bitcast %parallel_loop3A_385 : vector<16xi32> -> vector<16xf32>
        %parallel_loop3A_387 = arith.index_cast %parallel_loop3A_342 : i32 to index
        %parallel_loop3A_388 = arith.constant 32 : index
        %parallel_loop3A_389 = tpu.vector_load %arg10[%parallel_loop3A_387, %parallel_loop3A_388] {strides = array<i32>} : memref<32x1024xf32, #tpu.memory_space<vmem>>, vector<1x16xf32>,
        %parallel_loop3A_390 = vector.shape_cast %parallel_loop3A_389 : vector<1x16xf32> to vector<16xf32>
        %parallel_loop3A_391 = vector.shape_cast %parallel_loop3A_379 : vector<16xf32> to vector<1x16xf32>
        tpu.vector_store %arg10[%parallel_loop3A_387, %parallel_loop3A_388], %parallel_loop3A_391 {add = true, strides = array<i32>} : memref<32x1024xf32, #tpu.memory_space<vmem>>, vector<1x16xf32>,
        %parallel_loop3A_392 = arith.index_cast %parallel_loop3A_342 : i32 to index
        %parallel_loop3A_393 = arith.constant 48 : index
        %parallel_loop3A_394 = tpu.vector_load %arg10[%parallel_loop3A_392, %parallel_loop3A_393] {strides = array<i32>} : memref<32x1024xf32, #tpu.memory_space<vmem>>, vector<1x16xf32>,
        %parallel_loop3A_395 = vector.shape_cast %parallel_loop3A_394 : vector<1x16xf32> to vector<16xf32>
        %parallel_loop3A_396 = vector.shape_cast %parallel_loop3A_386 : vector<16xf32> to vector<1x16xf32>
        tpu.vector_store %arg10[%parallel_loop3A_392, %parallel_loop3A_393], %parallel_loop3A_396 {add = true, strides = array<i32>} : memref<32x1024xf32, #tpu.memory_space<vmem>>, vector<1x16xf32>,
        %parallel_loop3A_397 = arith.constant 32 : i32
        %parallel_loop3A_398 = arith.addi %parallel_loop3A_344, %parallel_loop3A_397 : i32
        %parallel_loop3A_399 = arith.index_cast %parallel_loop3A_398 : i32 to index
        %parallel_loop3A_400 = tpu.vector_load %arg8[%parallel_loop3A_399] {strides = array<i32>} : memref<16384xi32, #tpu.memory_space<vmem>>, vector<16xi32>,
        %parallel_loop3A_401 = vector.shape_cast %parallel_loop3A_400 : vector<16xi32> to vector<16xi32>
        %parallel_loop3A_402 = arith.constant 16 : i32
        %parallel_loop3A_403 = vector.broadcast %parallel_loop3A_402 : i32 to vector<16xi32>
        %parallel_loop3A_404 = arith.shli %parallel_loop3A_401, %parallel_loop3A_403 : vector<16xi32>
        %parallel_loop3A_405 = tpu.bitcast %parallel_loop3A_404 : vector<16xi32> -> vector<16xf32>
        %parallel_loop3A_406 = arith.constant 16 : i32
        %parallel_loop3A_407 = vector.broadcast %parallel_loop3A_406 : i32 to vector<16xi32>
        %parallel_loop3A_408 = arith.shrsi %parallel_loop3A_401, %parallel_loop3A_407 : vector<16xi32>
        %parallel_loop3A_409 = arith.constant 16 : i32
        %parallel_loop3A_410 = vector.broadcast %parallel_loop3A_409 : i32 to vector<16xi32>
        %parallel_loop3A_411 = arith.shli %parallel_loop3A_408, %parallel_loop3A_410 : vector<16xi32>
        %parallel_loop3A_412 = tpu.bitcast %parallel_loop3A_411 : vector<16xi32> -> vector<16xf32>
        %parallel_loop3A_413 = arith.index_cast %parallel_loop3A_342 : i32 to index
        %parallel_loop3A_414 = arith.constant 64 : index
        %parallel_loop3A_415 = tpu.vector_load %arg10[%parallel_loop3A_413, %parallel_loop3A_414] {strides = array<i32>} : memref<32x1024xf32, #tpu.memory_space<vmem>>, vector<1x16xf32>,
        %parallel_loop3A_416 = vector.shape_cast %parallel_loop3A_415 : vector<1x16xf32> to vector<16xf32>
        %parallel_loop3A_417 = vector.shape_cast %parallel_loop3A_405 : vector<16xf32> to vector<1x16xf32>
        tpu.vector_store %arg10[%parallel_loop3A_413, %parallel_loop3A_414], %parallel_loop3A_417 {add = true, strides = array<i32>} : memref<32x1024xf32, #tpu.memory_space<vmem>>, vector<1x16xf32>,
        %parallel_loop3A_418 = arith.index_cast %parallel_loop3A_342 : i32 to index
        %parallel_loop3A_419 = arith.constant 80 : index
        %parallel_loop3A_420 = tpu.vector_load %arg10[%parallel_loop3A_418, %parallel_loop3A_419] {strides = array<i32>} : memref<32x1024xf32, #tpu.memory_space<vmem>>, vector<1x16xf32>,
        %parallel_loop3A_421 = vector.shape_cast %parallel_loop3A_420 : vector<1x16xf32> to vector<16xf32>
        %parallel_loop3A_422 = vector.shape_cast %parallel_loop3A_412 : vector<16xf32> to vector<1x16xf32>
        tpu.vector_store %arg10[%parallel_loop3A_418, %parallel_loop3A_419], %parallel_loop3A_422 {add = true, strides = array<i32>} : memref<32x1024xf32, #tpu.memory_space<vmem>>, vector<1x16xf32>,
        %parallel_loop3A_423 = arith.constant 48 : i32
        %parallel_loop3A_424 = arith.addi %parallel_loop3A_344, %parallel_loop3A_423 : i32
        %parallel_loop3A_425 = arith.index_cast %parallel_loop3A_424 : i32 to index
        %parallel_loop3A_426 = tpu.vector_load %arg8[%parallel_loop3A_425] {strides = array<i32>} : memref<16384xi32, #tpu.memory_space<vmem>>, vector<16xi32>,
        %parallel_loop3A_427 = vector.shape_cast %parallel_loop3A_426 : vector<16xi32> to vector<16xi32>
        %parallel_loop3A_428 = arith.constant 16 : i32
        %parallel_loop3A_429 = vector.broadcast %parallel_loop3A_428 : i32 to vector<16xi32>
        %parallel_loop3A_430 = arith.shli %parallel_loop3A_427, %parallel_loop3A_429 : vector<16xi32>
        %parallel_loop3A_431 = tpu.bitcast %parallel_loop3A_430 : vector<16xi32> -> vector<16xf32>
        %parallel_loop3A_432 = arith.constant 16 : i32
        %parallel_loop3A_433 = vector.broadcast %parallel_loop3A_432 : i32 to vector<16xi32>
        %parallel_loop3A_434 = arith.shrsi %parallel_loop3A_427, %parallel_loop3A_433 : vector<16xi32>
        %parallel_loop3A_435 = arith.constant 16 : i32
        %parallel_loop3A_436 = vector.broadcast %parallel_loop3A_435 : i32 to vector<16xi32>
        %parallel_loop3A_437 = arith.shli %parallel_loop3A_434, %parallel_loop3A_436 : vector<16xi32>
        %parallel_loop3A_438 = tpu.bitcast %parallel_loop3A_437 : vector<16xi32> -> vector<16xf32>
        %parallel_loop3A_439 = arith.index_cast %parallel_loop3A_342 : i32 to index
        %parallel_loop3A_440 = arith.constant 96 : index
        %parallel_loop3A_441 = tpu.vector_load %arg10[%parallel_loop3A_439, %parallel_loop3A_440] {strides = array<i32>} : memref<32x1024xf32, #tpu.memory_space<vmem>>, vector<1x16xf32>,
        %parallel_loop3A_442 = vector.shape_cast %parallel_loop3A_441 : vector<1x16xf32> to vector<16xf32>
        %parallel_loop3A_443 = vector.shape_cast %parallel_loop3A_431 : vector<16xf32> to vector<1x16xf32>
        tpu.vector_store %arg10[%parallel_loop3A_439, %parallel_loop3A_440], %parallel_loop3A_443 {add = true, strides = array<i32>} : memref<32x1024xf32, #tpu.memory_space<vmem>>, vector<1x16xf32>,
        %parallel_loop3A_444 = arith.index_cast %parallel_loop3A_342 : i32 to index
        %parallel_loop3A_445 = arith.constant 112 : index
        %parallel_loop3A_446 = tpu.vector_load %arg10[%parallel_loop3A_444, %parallel_loop3A_445] {strides = array<i32>} : memref<32x1024xf32, #tpu.memory_space<vmem>>, vector<1x16xf32>,
        %parallel_loop3A_447 = vector.shape_cast %parallel_loop3A_446 : vector<1x16xf32> to vector<16xf32>
        %parallel_loop3A_448 = vector.shape_cast %parallel_loop3A_438 : vector<16xf32> to vector<1x16xf32>
        tpu.vector_store %arg10[%parallel_loop3A_444, %parallel_loop3A_445], %parallel_loop3A_448 {add = true, strides = array<i32>} : memref<32x1024xf32, #tpu.memory_space<vmem>>, vector<1x16xf32>,
        %parallel_loop3A_449 = arith.constant 64 : i32
        %parallel_loop3A_450 = arith.addi %parallel_loop3A_344, %parallel_loop3A_449 : i32
        %parallel_loop3A_451 = arith.index_cast %parallel_loop3A_450 : i32 to index
        %parallel_loop3A_452 = tpu.vector_load %arg8[%parallel_loop3A_451] {strides = array<i32>} : memref<16384xi32, #tpu.memory_space<vmem>>, vector<16xi32>,
        %parallel_loop3A_453 = vector.shape_cast %parallel_loop3A_452 : vector<16xi32> to vector<16xi32>
        %parallel_loop3A_454 = arith.constant 16 : i32
        %parallel_loop3A_455 = vector.broadcast %parallel_loop3A_454 : i32 to vector<16xi32>
        %parallel_loop3A_456 = arith.shli %parallel_loop3A_453, %parallel_loop3A_455 : vector<16xi32>
        %parallel_loop3A_457 = tpu.bitcast %parallel_loop3A_456 : vector<16xi32> -> vector<16xf32>
        %parallel_loop3A_458 = arith.constant 16 : i32
        %parallel_loop3A_459 = vector.broadcast %parallel_loop3A_458 : i32 to vector<16xi32>
        %parallel_loop3A_460 = arith.shrsi %parallel_loop3A_453, %parallel_loop3A_459 : vector<16xi32>
        %parallel_loop3A_461 = arith.constant 16 : i32
        %parallel_loop3A_462 = vector.broadcast %parallel_loop3A_461 : i32 to vector<16xi32>
        %parallel_loop3A_463 = arith.shli %parallel_loop3A_460, %parallel_loop3A_462 : vector<16xi32>
        %parallel_loop3A_464 = tpu.bitcast %parallel_loop3A_463 : vector<16xi32> -> vector<16xf32>
        %parallel_loop3A_465 = arith.index_cast %parallel_loop3A_342 : i32 to index
        %parallel_loop3A_466 = arith.constant 128 : index
        %parallel_loop3A_467 = tpu.vector_load %arg10[%parallel_loop3A_465, %parallel_loop3A_466] {strides = array<i32>} : memref<32x1024xf32, #tpu.memory_space<vmem>>, vector<1x16xf32>,
        %parallel_loop3A_468 = vector.shape_cast %parallel_loop3A_467 : vector<1x16xf32> to vector<16xf32>
        %parallel_loop3A_469 = vector.shape_cast %parallel_loop3A_457 : vector<16xf32> to vector<1x16xf32>
        tpu.vector_store %arg10[%parallel_loop3A_465, %parallel_loop3A_466], %parallel_loop3A_469 {add = true, strides = array<i32>} : memref<32x1024xf32, #tpu.memory_space<vmem>>, vector<1x16xf32>,
        %parallel_loop3A_470 = arith.index_cast %parallel_loop3A_342 : i32 to index
        %parallel_loop3A_471 = arith.constant 144 : index
        %parallel_loop3A_472 = tpu.vector_load %arg10[%parallel_loop3A_470, %parallel_loop3A_471] {strides = array<i32>} : memref<32x1024xf32, #tpu.memory_space<vmem>>, vector<1x16xf32>,
        %parallel_loop3A_473 = vector.shape_cast %parallel_loop3A_472 : vector<1x16xf32> to vector<16xf32>
        %parallel_loop3A_474 = vector.shape_cast %parallel_loop3A_464 : vector<16xf32> to vector<1x16xf32>
        tpu.vector_store %arg10[%parallel_loop3A_470, %parallel_loop3A_471], %parallel_loop3A_474 {add = true, strides = array<i32>} : memref<32x1024xf32, #tpu.memory_space<vmem>>, vector<1x16xf32>,
        %parallel_loop3A_475 = arith.constant 80 : i32
        %parallel_loop3A_476 = arith.addi %parallel_loop3A_344, %parallel_loop3A_475 : i32
        %parallel_loop3A_477 = arith.index_cast %parallel_loop3A_476 : i32 to index
        %parallel_loop3A_478 = tpu.vector_load %arg8[%parallel_loop3A_477] {strides = array<i32>} : memref<16384xi32, #tpu.memory_space<vmem>>, vector<16xi32>,
        %parallel_loop3A_479 = vector.shape_cast %parallel_loop3A_478 : vector<16xi32> to vector<16xi32>
        %parallel_loop3A_480 = arith.constant 16 : i32
        %parallel_loop3A_481 = vector.broadcast %parallel_loop3A_480 : i32 to vector<16xi32>
        %parallel_loop3A_482 = arith.shli %parallel_loop3A_479, %parallel_loop3A_481 : vector<16xi32>
        %parallel_loop3A_483 = tpu.bitcast %parallel_loop3A_482 : vector<16xi32> -> vector<16xf32>
        %parallel_loop3A_484 = arith.constant 16 : i32
        %parallel_loop3A_485 = vector.broadcast %parallel_loop3A_484 : i32 to vector<16xi32>
        %parallel_loop3A_486 = arith.shrsi %parallel_loop3A_479, %parallel_loop3A_485 : vector<16xi32>
        %parallel_loop3A_487 = arith.constant 16 : i32
        %parallel_loop3A_488 = vector.broadcast %parallel_loop3A_487 : i32 to vector<16xi32>
        %parallel_loop3A_489 = arith.shli %parallel_loop3A_486, %parallel_loop3A_488 : vector<16xi32>
        %parallel_loop3A_490 = tpu.bitcast %parallel_loop3A_489 : vector<16xi32> -> vector<16xf32>
        %parallel_loop3A_491 = arith.index_cast %parallel_loop3A_342 : i32 to index
        %parallel_loop3A_492 = arith.constant 160 : index
        %parallel_loop3A_493 = tpu.vector_load %arg10[%parallel_loop3A_491, %parallel_loop3A_492] {strides = array<i32>} : memref<32x1024xf32, #tpu.memory_space<vmem>>, vector<1x16xf32>,
        %parallel_loop3A_494 = vector.shape_cast %parallel_loop3A_493 : vector<1x16xf32> to vector<16xf32>
        %parallel_loop3A_495 = vector.shape_cast %parallel_loop3A_483 : vector<16xf32> to vector<1x16xf32>
        tpu.vector_store %arg10[%parallel_loop3A_491, %parallel_loop3A_492], %parallel_loop3A_495 {add = true, strides = array<i32>} : memref<32x1024xf32, #tpu.memory_space<vmem>>, vector<1x16xf32>,
        %parallel_loop3A_496 = arith.index_cast %parallel_loop3A_342 : i32 to index
        %parallel_loop3A_497 = arith.constant 176 : index
        %parallel_loop3A_498 = tpu.vector_load %arg10[%parallel_loop3A_496, %parallel_loop3A_497] {strides = array<i32>} : memref<32x1024xf32, #tpu.memory_space<vmem>>, vector<1x16xf32>,
        %parallel_loop3A_499 = vector.shape_cast %parallel_loop3A_498 : vector<1x16xf32> to vector<16xf32>
        %parallel_loop3A_500 = vector.shape_cast %parallel_loop3A_490 : vector<16xf32> to vector<1x16xf32>
        tpu.vector_store %arg10[%parallel_loop3A_496, %parallel_loop3A_497], %parallel_loop3A_500 {add = true, strides = array<i32>} : memref<32x1024xf32, #tpu.memory_space<vmem>>, vector<1x16xf32>,
        %parallel_loop3A_501 = arith.constant 96 : i32
        %parallel_loop3A_502 = arith.addi %parallel_loop3A_344, %parallel_loop3A_501 : i32
        %parallel_loop3A_503 = arith.index_cast %parallel_loop3A_502 : i32 to index
        %parallel_loop3A_504 = tpu.vector_load %arg8[%parallel_loop3A_503] {strides = array<i32>} : memref<16384xi32, #tpu.memory_space<vmem>>, vector<16xi32>,
        %parallel_loop3A_505 = vector.shape_cast %parallel_loop3A_504 : vector<16xi32> to vector<16xi32>
        %parallel_loop3A_506 = arith.constant 16 : i32
        %parallel_loop3A_507 = vector.broadcast %parallel_loop3A_506 : i32 to vector<16xi32>
        %parallel_loop3A_508 = arith.shli %parallel_loop3A_505, %parallel_loop3A_507 : vector<16xi32>
        %parallel_loop3A_509 = tpu.bitcast %parallel_loop3A_508 : vector<16xi32> -> vector<16xf32>
        %parallel_loop3A_510 = arith.constant 16 : i32
        %parallel_loop3A_511 = vector.broadcast %parallel_loop3A_510 : i32 to vector<16xi32>
        %parallel_loop3A_512 = arith.shrsi %parallel_loop3A_505, %parallel_loop3A_511 : vector<16xi32>
        %parallel_loop3A_513 = arith.constant 16 : i32
        %parallel_loop3A_514 = vector.broadcast %parallel_loop3A_513 : i32 to vector<16xi32>
        %parallel_loop3A_515 = arith.shli %parallel_loop3A_512, %parallel_loop3A_514 : vector<16xi32>
        %parallel_loop3A_516 = tpu.bitcast %parallel_loop3A_515 : vector<16xi32> -> vector<16xf32>
        %parallel_loop3A_517 = arith.index_cast %parallel_loop3A_342 : i32 to index
        %parallel_loop3A_518 = arith.constant 192 : index
        %parallel_loop3A_519 = tpu.vector_load %arg10[%parallel_loop3A_517, %parallel_loop3A_518] {strides = array<i32>} : memref<32x1024xf32, #tpu.memory_space<vmem>>, vector<1x16xf32>,
        %parallel_loop3A_520 = vector.shape_cast %parallel_loop3A_519 : vector<1x16xf32> to vector<16xf32>
        %parallel_loop3A_521 = vector.shape_cast %parallel_loop3A_509 : vector<16xf32> to vector<1x16xf32>
        tpu.vector_store %arg10[%parallel_loop3A_517, %parallel_loop3A_518], %parallel_loop3A_521 {add = true, strides = array<i32>} : memref<32x1024xf32, #tpu.memory_space<vmem>>, vector<1x16xf32>,
        %parallel_loop3A_522 = arith.index_cast %parallel_loop3A_342 : i32 to index
        %parallel_loop3A_523 = arith.constant 208 : index
        %parallel_loop3A_524 = tpu.vector_load %arg10[%parallel_loop3A_522, %parallel_loop3A_523] {strides = array<i32>} : memref<32x1024xf32, #tpu.memory_space<vmem>>, vector<1x16xf32>,
        %parallel_loop3A_525 = vector.shape_cast %parallel_loop3A_524 : vector<1x16xf32> to vector<16xf32>
        %parallel_loop3A_526 = vector.shape_cast %parallel_loop3A_516 : vector<16xf32> to vector<1x16xf32>
        tpu.vector_store %arg10[%parallel_loop3A_522, %parallel_loop3A_523], %parallel_loop3A_526 {add = true, strides = array<i32>} : memref<32x1024xf32, #tpu.memory_space<vmem>>, vector<1x16xf32>,
        %parallel_loop3A_527 = arith.constant 112 : i32
        %parallel_loop3A_528 = arith.addi %parallel_loop3A_344, %parallel_loop3A_527 : i32
        %parallel_loop3A_529 = arith.index_cast %parallel_loop3A_528 : i32 to index
        %parallel_loop3A_530 = tpu.vector_load %arg8[%parallel_loop3A_529] {strides = array<i32>} : memref<16384xi32, #tpu.memory_space<vmem>>, vector<16xi32>,
        %parallel_loop3A_531 = vector.shape_cast %parallel_loop3A_530 : vector<16xi32> to vector<16xi32>
        %parallel_loop3A_532 = arith.constant 16 : i32
        %parallel_loop3A_533 = vector.broadcast %parallel_loop3A_532 : i32 to vector<16xi32>
        %parallel_loop3A_534 = arith.shli %parallel_loop3A_531, %parallel_loop3A_533 : vector<16xi32>
        %parallel_loop3A_535 = tpu.bitcast %parallel_loop3A_534 : vector<16xi32> -> vector<16xf32>
        %parallel_loop3A_536 = arith.constant 16 : i32
        %parallel_loop3A_537 = vector.broadcast %parallel_loop3A_536 : i32 to vector<16xi32>
        %parallel_loop3A_538 = arith.shrsi %parallel_loop3A_531, %parallel_loop3A_537 : vector<16xi32>
        %parallel_loop3A_539 = arith.constant 16 : i32
        %parallel_loop3A_540 = vector.broadcast %parallel_loop3A_539 : i32 to vector<16xi32>
        %parallel_loop3A_541 = arith.shli %parallel_loop3A_538, %parallel_loop3A_540 : vector<16xi32>
        %parallel_loop3A_542 = tpu.bitcast %parallel_loop3A_541 : vector<16xi32> -> vector<16xf32>
        %parallel_loop3A_543 = arith.index_cast %parallel_loop3A_342 : i32 to index
        %parallel_loop3A_544 = arith.constant 224 : index
        %parallel_loop3A_545 = tpu.vector_load %arg10[%parallel_loop3A_543, %parallel_loop3A_544] {strides = array<i32>} : memref<32x1024xf32, #tpu.memory_space<vmem>>, vector<1x16xf32>,
        %parallel_loop3A_546 = vector.shape_cast %parallel_loop3A_545 : vector<1x16xf32> to vector<16xf32>
        %parallel_loop3A_547 = vector.shape_cast %parallel_loop3A_535 : vector<16xf32> to vector<1x16xf32>
        tpu.vector_store %arg10[%parallel_loop3A_543, %parallel_loop3A_544], %parallel_loop3A_547 {add = true, strides = array<i32>} : memref<32x1024xf32, #tpu.memory_space<vmem>>, vector<1x16xf32>,
        %parallel_loop3A_548 = arith.index_cast %parallel_loop3A_342 : i32 to index
        %parallel_loop3A_549 = arith.constant 240 : index
        %parallel_loop3A_550 = tpu.vector_load %arg10[%parallel_loop3A_548, %parallel_loop3A_549] {strides = array<i32>} : memref<32x1024xf32, #tpu.memory_space<vmem>>, vector<1x16xf32>,
        %parallel_loop3A_551 = vector.shape_cast %parallel_loop3A_550 : vector<1x16xf32> to vector<16xf32>
        %parallel_loop3A_552 = vector.shape_cast %parallel_loop3A_542 : vector<16xf32> to vector<1x16xf32>
        tpu.vector_store %arg10[%parallel_loop3A_548, %parallel_loop3A_549], %parallel_loop3A_552 {add = true, strides = array<i32>} : memref<32x1024xf32, #tpu.memory_space<vmem>>, vector<1x16xf32>,
        %parallel_loop3A_553 = arith.constant 128 : i32
        %parallel_loop3A_554 = arith.addi %parallel_loop3A_344, %parallel_loop3A_553 : i32
        %parallel_loop3A_555 = arith.index_cast %parallel_loop3A_554 : i32 to index
        %parallel_loop3A_556 = tpu.vector_load %arg8[%parallel_loop3A_555] {strides = array<i32>} : memref<16384xi32, #tpu.memory_space<vmem>>, vector<16xi32>,
        %parallel_loop3A_557 = vector.shape_cast %parallel_loop3A_556 : vector<16xi32> to vector<16xi32>
        %parallel_loop3A_558 = arith.constant 16 : i32
        %parallel_loop3A_559 = vector.broadcast %parallel_loop3A_558 : i32 to vector<16xi32>
        %parallel_loop3A_560 = arith.shli %parallel_loop3A_557, %parallel_loop3A_559 : vector<16xi32>
        %parallel_loop3A_561 = tpu.bitcast %parallel_loop3A_560 : vector<16xi32> -> vector<16xf32>
        %parallel_loop3A_562 = arith.constant 16 : i32
        %parallel_loop3A_563 = vector.broadcast %parallel_loop3A_562 : i32 to vector<16xi32>
        %parallel_loop3A_564 = arith.shrsi %parallel_loop3A_557, %parallel_loop3A_563 : vector<16xi32>
        %parallel_loop3A_565 = arith.constant 16 : i32
        %parallel_loop3A_566 = vector.broadcast %parallel_loop3A_565 : i32 to vector<16xi32>
        %parallel_loop3A_567 = arith.shli %parallel_loop3A_564, %parallel_loop3A_566 : vector<16xi32>
        %parallel_loop3A_568 = tpu.bitcast %parallel_loop3A_567 : vector<16xi32> -> vector<16xf32>
        %parallel_loop3A_569 = arith.index_cast %parallel_loop3A_342 : i32 to index
        %parallel_loop3A_570 = arith.constant 256 : index
        %parallel_loop3A_571 = tpu.vector_load %arg10[%parallel_loop3A_569, %parallel_loop3A_570] {strides = array<i32>} : memref<32x1024xf32, #tpu.memory_space<vmem>>, vector<1x16xf32>,
        %parallel_loop3A_572 = vector.shape_cast %parallel_loop3A_571 : vector<1x16xf32> to vector<16xf32>
        %parallel_loop3A_573 = vector.shape_cast %parallel_loop3A_561 : vector<16xf32> to vector<1x16xf32>
        tpu.vector_store %arg10[%parallel_loop3A_569, %parallel_loop3A_570], %parallel_loop3A_573 {add = true, strides = array<i32>} : memref<32x1024xf32, #tpu.memory_space<vmem>>, vector<1x16xf32>,
        %parallel_loop3A_574 = arith.index_cast %parallel_loop3A_342 : i32 to index
        %parallel_loop3A_575 = arith.constant 272 : index
        %parallel_loop3A_576 = tpu.vector_load %arg10[%parallel_loop3A_574, %parallel_loop3A_575] {strides = array<i32>} : memref<32x1024xf32, #tpu.memory_space<vmem>>, vector<1x16xf32>,
        %parallel_loop3A_577 = vector.shape_cast %parallel_loop3A_576 : vector<1x16xf32> to vector<16xf32>
        %parallel_loop3A_578 = vector.shape_cast %parallel_loop3A_568 : vector<16xf32> to vector<1x16xf32>
        tpu.vector_store %arg10[%parallel_loop3A_574, %parallel_loop3A_575], %parallel_loop3A_578 {add = true, strides = array<i32>} : memref<32x1024xf32, #tpu.memory_space<vmem>>, vector<1x16xf32>,
        %parallel_loop3A_579 = arith.constant 144 : i32
        %parallel_loop3A_580 = arith.addi %parallel_loop3A_344, %parallel_loop3A_579 : i32
        %parallel_loop3A_581 = arith.index_cast %parallel_loop3A_580 : i32 to index
        %parallel_loop3A_582 = tpu.vector_load %arg8[%parallel_loop3A_581] {strides = array<i32>} : memref<16384xi32, #tpu.memory_space<vmem>>, vector<16xi32>,
        %parallel_loop3A_583 = vector.shape_cast %parallel_loop3A_582 : vector<16xi32> to vector<16xi32>
        %parallel_loop3A_584 = arith.constant 16 : i32
        %parallel_loop3A_585 = vector.broadcast %parallel_loop3A_584 : i32 to vector<16xi32>
        %parallel_loop3A_586 = arith.shli %parallel_loop3A_583, %parallel_loop3A_585 : vector<16xi32>
        %parallel_loop3A_587 = tpu.bitcast %parallel_loop3A_586 : vector<16xi32> -> vector<16xf32>
        %parallel_loop3A_588 = arith.constant 16 : i32
        %parallel_loop3A_589 = vector.broadcast %parallel_loop3A_588 : i32 to vector<16xi32>
        %parallel_loop3A_590 = arith.shrsi %parallel_loop3A_583, %parallel_loop3A_589 : vector<16xi32>
        %parallel_loop3A_591 = arith.constant 16 : i32
        %parallel_loop3A_592 = vector.broadcast %parallel_loop3A_591 : i32 to vector<16xi32>
        %parallel_loop3A_593 = arith.shli %parallel_loop3A_590, %parallel_loop3A_592 : vector<16xi32>
        %parallel_loop3A_594 = tpu.bitcast %parallel_loop3A_593 : vector<16xi32> -> vector<16xf32>
        %parallel_loop3A_595 = arith.index_cast %parallel_loop3A_342 : i32 to index
        %parallel_loop3A_596 = arith.constant 288 : index
        %parallel_loop3A_597 = tpu.vector_load %arg10[%parallel_loop3A_595, %parallel_loop3A_596] {strides = array<i32>} : memref<32x1024xf32, #tpu.memory_space<vmem>>, vector<1x16xf32>,
        %parallel_loop3A_598 = vector.shape_cast %parallel_loop3A_597 : vector<1x16xf32> to vector<16xf32>
        %parallel_loop3A_599 = vector.shape_cast %parallel_loop3A_587 : vector<16xf32> to vector<1x16xf32>
        tpu.vector_store %arg10[%parallel_loop3A_595, %parallel_loop3A_596], %parallel_loop3A_599 {add = true, strides = array<i32>} : memref<32x1024xf32, #tpu.memory_space<vmem>>, vector<1x16xf32>,
        %parallel_loop3A_600 = arith.index_cast %parallel_loop3A_342 : i32 to index
        %parallel_loop3A_601 = arith.constant 304 : index
        %parallel_loop3A_602 = tpu.vector_load %arg10[%parallel_loop3A_600, %parallel_loop3A_601] {strides = array<i32>} : memref<32x1024xf32, #tpu.memory_space<vmem>>, vector<1x16xf32>,
        %parallel_loop3A_603 = vector.shape_cast %parallel_loop3A_602 : vector<1x16xf32> to vector<16xf32>
        %parallel_loop3A_604 = vector.shape_cast %parallel_loop3A_594 : vector<16xf32> to vector<1x16xf32>
        tpu.vector_store %arg10[%parallel_loop3A_600, %parallel_loop3A_601], %parallel_loop3A_604 {add = true, strides = array<i32>} : memref<32x1024xf32, #tpu.memory_space<vmem>>, vector<1x16xf32>,
        %parallel_loop3A_605 = arith.constant 160 : i32
        %parallel_loop3A_606 = arith.addi %parallel_loop3A_344, %parallel_loop3A_605 : i32
        %parallel_loop3A_607 = arith.index_cast %parallel_loop3A_606 : i32 to index
        %parallel_loop3A_608 = tpu.vector_load %arg8[%parallel_loop3A_607] {strides = array<i32>} : memref<16384xi32, #tpu.memory_space<vmem>>, vector<16xi32>,
        %parallel_loop3A_609 = vector.shape_cast %parallel_loop3A_608 : vector<16xi32> to vector<16xi32>
        %parallel_loop3A_610 = arith.constant 16 : i32
        %parallel_loop3A_611 = vector.broadcast %parallel_loop3A_610 : i32 to vector<16xi32>
        %parallel_loop3A_612 = arith.shli %parallel_loop3A_609, %parallel_loop3A_611 : vector<16xi32>
        %parallel_loop3A_613 = tpu.bitcast %parallel_loop3A_612 : vector<16xi32> -> vector<16xf32>
        %parallel_loop3A_614 = arith.constant 16 : i32
        %parallel_loop3A_615 = vector.broadcast %parallel_loop3A_614 : i32 to vector<16xi32>
        %parallel_loop3A_616 = arith.shrsi %parallel_loop3A_609, %parallel_loop3A_615 : vector<16xi32>
        %parallel_loop3A_617 = arith.constant 16 : i32
        %parallel_loop3A_618 = vector.broadcast %parallel_loop3A_617 : i32 to vector<16xi32>
        %parallel_loop3A_619 = arith.shli %parallel_loop3A_616, %parallel_loop3A_618 : vector<16xi32>
        %parallel_loop3A_620 = tpu.bitcast %parallel_loop3A_619 : vector<16xi32> -> vector<16xf32>
        %parallel_loop3A_621 = arith.index_cast %parallel_loop3A_342 : i32 to index
        %parallel_loop3A_622 = arith.constant 320 : index
        %parallel_loop3A_623 = tpu.vector_load %arg10[%parallel_loop3A_621, %parallel_loop3A_622] {strides = array<i32>} : memref<32x1024xf32, #tpu.memory_space<vmem>>, vector<1x16xf32>,
        %parallel_loop3A_624 = vector.shape_cast %parallel_loop3A_623 : vector<1x16xf32> to vector<16xf32>
        %parallel_loop3A_625 = vector.shape_cast %parallel_loop3A_613 : vector<16xf32> to vector<1x16xf32>
        tpu.vector_store %arg10[%parallel_loop3A_621, %parallel_loop3A_622], %parallel_loop3A_625 {add = true, strides = array<i32>} : memref<32x1024xf32, #tpu.memory_space<vmem>>, vector<1x16xf32>,
        %parallel_loop3A_626 = arith.index_cast %parallel_loop3A_342 : i32 to index
        %parallel_loop3A_627 = arith.constant 336 : index
        %parallel_loop3A_628 = tpu.vector_load %arg10[%parallel_loop3A_626, %parallel_loop3A_627] {strides = array<i32>} : memref<32x1024xf32, #tpu.memory_space<vmem>>, vector<1x16xf32>,
        %parallel_loop3A_629 = vector.shape_cast %parallel_loop3A_628 : vector<1x16xf32> to vector<16xf32>
        %parallel_loop3A_630 = vector.shape_cast %parallel_loop3A_620 : vector<16xf32> to vector<1x16xf32>
        tpu.vector_store %arg10[%parallel_loop3A_626, %parallel_loop3A_627], %parallel_loop3A_630 {add = true, strides = array<i32>} : memref<32x1024xf32, #tpu.memory_space<vmem>>, vector<1x16xf32>,
        %parallel_loop3A_631 = arith.constant 176 : i32
        %parallel_loop3A_632 = arith.addi %parallel_loop3A_344, %parallel_loop3A_631 : i32
        %parallel_loop3A_633 = arith.index_cast %parallel_loop3A_632 : i32 to index
        %parallel_loop3A_634 = tpu.vector_load %arg8[%parallel_loop3A_633] {strides = array<i32>} : memref<16384xi32, #tpu.memory_space<vmem>>, vector<16xi32>,
        %parallel_loop3A_635 = vector.shape_cast %parallel_loop3A_634 : vector<16xi32> to vector<16xi32>
        %parallel_loop3A_636 = arith.constant 16 : i32
        %parallel_loop3A_637 = vector.broadcast %parallel_loop3A_636 : i32 to vector<16xi32>
        %parallel_loop3A_638 = arith.shli %parallel_loop3A_635, %parallel_loop3A_637 : vector<16xi32>
        %parallel_loop3A_639 = tpu.bitcast %parallel_loop3A_638 : vector<16xi32> -> vector<16xf32>
        %parallel_loop3A_640 = arith.constant 16 : i32
        %parallel_loop3A_641 = vector.broadcast %parallel_loop3A_640 : i32 to vector<16xi32>
        %parallel_loop3A_642 = arith.shrsi %parallel_loop3A_635, %parallel_loop3A_641 : vector<16xi32>
        %parallel_loop3A_643 = arith.constant 16 : i32
        %parallel_loop3A_644 = vector.broadcast %parallel_loop3A_643 : i32 to vector<16xi32>
        %parallel_loop3A_645 = arith.shli %parallel_loop3A_642, %parallel_loop3A_644 : vector<16xi32>
        %parallel_loop3A_646 = tpu.bitcast %parallel_loop3A_645 : vector<16xi32> -> vector<16xf32>
        %parallel_loop3A_647 = arith.index_cast %parallel_loop3A_342 : i32 to index
        %parallel_loop3A_648 = arith.constant 352 : index
        %parallel_loop3A_649 = tpu.vector_load %arg10[%parallel_loop3A_647, %parallel_loop3A_648] {strides = array<i32>} : memref<32x1024xf32, #tpu.memory_space<vmem>>, vector<1x16xf32>,
        %parallel_loop3A_650 = vector.shape_cast %parallel_loop3A_649 : vector<1x16xf32> to vector<16xf32>
        %parallel_loop3A_651 = vector.shape_cast %parallel_loop3A_639 : vector<16xf32> to vector<1x16xf32>
        tpu.vector_store %arg10[%parallel_loop3A_647, %parallel_loop3A_648], %parallel_loop3A_651 {add = true, strides = array<i32>} : memref<32x1024xf32, #tpu.memory_space<vmem>>, vector<1x16xf32>,
        %parallel_loop3A_652 = arith.index_cast %parallel_loop3A_342 : i32 to index
        %parallel_loop3A_653 = arith.constant 368 : index
        %parallel_loop3A_654 = tpu.vector_load %arg10[%parallel_loop3A_652, %parallel_loop3A_653] {strides = array<i32>} : memref<32x1024xf32, #tpu.memory_space<vmem>>, vector<1x16xf32>,
        %parallel_loop3A_655 = vector.shape_cast %parallel_loop3A_654 : vector<1x16xf32> to vector<16xf32>
        %parallel_loop3A_656 = vector.shape_cast %parallel_loop3A_646 : vector<16xf32> to vector<1x16xf32>
        tpu.vector_store %arg10[%parallel_loop3A_652, %parallel_loop3A_653], %parallel_loop3A_656 {add = true, strides = array<i32>} : memref<32x1024xf32, #tpu.memory_space<vmem>>, vector<1x16xf32>,
        %parallel_loop3A_657 = arith.constant 192 : i32
        %parallel_loop3A_658 = arith.addi %parallel_loop3A_344, %parallel_loop3A_657 : i32
        %parallel_loop3A_659 = arith.index_cast %parallel_loop3A_658 : i32 to index
        %parallel_loop3A_660 = tpu.vector_load %arg8[%parallel_loop3A_659] {strides = array<i32>} : memref<16384xi32, #tpu.memory_space<vmem>>, vector<16xi32>,
        %parallel_loop3A_661 = vector.shape_cast %parallel_loop3A_660 : vector<16xi32> to vector<16xi32>
        %parallel_loop3A_662 = arith.constant 16 : i32
        %parallel_loop3A_663 = vector.broadcast %parallel_loop3A_662 : i32 to vector<16xi32>
        %parallel_loop3A_664 = arith.shli %parallel_loop3A_661, %parallel_loop3A_663 : vector<16xi32>
        %parallel_loop3A_665 = tpu.bitcast %parallel_loop3A_664 : vector<16xi32> -> vector<16xf32>
        %parallel_loop3A_666 = arith.constant 16 : i32
        %parallel_loop3A_667 = vector.broadcast %parallel_loop3A_666 : i32 to vector<16xi32>
        %parallel_loop3A_668 = arith.shrsi %parallel_loop3A_661, %parallel_loop3A_667 : vector<16xi32>
        %parallel_loop3A_669 = arith.constant 16 : i32
        %parallel_loop3A_670 = vector.broadcast %parallel_loop3A_669 : i32 to vector<16xi32>
        %parallel_loop3A_671 = arith.shli %parallel_loop3A_668, %parallel_loop3A_670 : vector<16xi32>
        %parallel_loop3A_672 = tpu.bitcast %parallel_loop3A_671 : vector<16xi32> -> vector<16xf32>
        %parallel_loop3A_673 = arith.index_cast %parallel_loop3A_342 : i32 to index
        %parallel_loop3A_674 = arith.constant 384 : index
        %parallel_loop3A_675 = tpu.vector_load %arg10[%parallel_loop3A_673, %parallel_loop3A_674] {strides = array<i32>} : memref<32x1024xf32, #tpu.memory_space<vmem>>, vector<1x16xf32>,
        %parallel_loop3A_676 = vector.shape_cast %parallel_loop3A_675 : vector<1x16xf32> to vector<16xf32>
        %parallel_loop3A_677 = vector.shape_cast %parallel_loop3A_665 : vector<16xf32> to vector<1x16xf32>
        tpu.vector_store %arg10[%parallel_loop3A_673, %parallel_loop3A_674], %parallel_loop3A_677 {add = true, strides = array<i32>} : memref<32x1024xf32, #tpu.memory_space<vmem>>, vector<1x16xf32>,
        %parallel_loop3A_678 = arith.index_cast %parallel_loop3A_342 : i32 to index
        %parallel_loop3A_679 = arith.constant 400 : index
        %parallel_loop3A_680 = tpu.vector_load %arg10[%parallel_loop3A_678, %parallel_loop3A_679] {strides = array<i32>} : memref<32x1024xf32, #tpu.memory_space<vmem>>, vector<1x16xf32>,
        %parallel_loop3A_681 = vector.shape_cast %parallel_loop3A_680 : vector<1x16xf32> to vector<16xf32>
        %parallel_loop3A_682 = vector.shape_cast %parallel_loop3A_672 : vector<16xf32> to vector<1x16xf32>
        tpu.vector_store %arg10[%parallel_loop3A_678, %parallel_loop3A_679], %parallel_loop3A_682 {add = true, strides = array<i32>} : memref<32x1024xf32, #tpu.memory_space<vmem>>, vector<1x16xf32>,
        %parallel_loop3A_683 = arith.constant 208 : i32
        %parallel_loop3A_684 = arith.addi %parallel_loop3A_344, %parallel_loop3A_683 : i32
        %parallel_loop3A_685 = arith.index_cast %parallel_loop3A_684 : i32 to index
        %parallel_loop3A_686 = tpu.vector_load %arg8[%parallel_loop3A_685] {strides = array<i32>} : memref<16384xi32, #tpu.memory_space<vmem>>, vector<16xi32>,
        %parallel_loop3A_687 = vector.shape_cast %parallel_loop3A_686 : vector<16xi32> to vector<16xi32>
        %parallel_loop3A_688 = arith.constant 16 : i32
        %parallel_loop3A_689 = vector.broadcast %parallel_loop3A_688 : i32 to vector<16xi32>
        %parallel_loop3A_690 = arith.shli %parallel_loop3A_687, %parallel_loop3A_689 : vector<16xi32>
        %parallel_loop3A_691 = tpu.bitcast %parallel_loop3A_690 : vector<16xi32> -> vector<16xf32>
        %parallel_loop3A_692 = arith.constant 16 : i32
        %parallel_loop3A_693 = vector.broadcast %parallel_loop3A_692 : i32 to vector<16xi32>
        %parallel_loop3A_694 = arith.shrsi %parallel_loop3A_687, %parallel_loop3A_693 : vector<16xi32>
        %parallel_loop3A_695 = arith.constant 16 : i32
        %parallel_loop3A_696 = vector.broadcast %parallel_loop3A_695 : i32 to vector<16xi32>
        %parallel_loop3A_697 = arith.shli %parallel_loop3A_694, %parallel_loop3A_696 : vector<16xi32>
        %parallel_loop3A_698 = tpu.bitcast %parallel_loop3A_697 : vector<16xi32> -> vector<16xf32>
        %parallel_loop3A_699 = arith.index_cast %parallel_loop3A_342 : i32 to index
        %parallel_loop3A_700 = arith.constant 416 : index
        %parallel_loop3A_701 = tpu.vector_load %arg10[%parallel_loop3A_699, %parallel_loop3A_700] {strides = array<i32>} : memref<32x1024xf32, #tpu.memory_space<vmem>>, vector<1x16xf32>,
        %parallel_loop3A_702 = vector.shape_cast %parallel_loop3A_701 : vector<1x16xf32> to vector<16xf32>
        %parallel_loop3A_703 = vector.shape_cast %parallel_loop3A_691 : vector<16xf32> to vector<1x16xf32>
        tpu.vector_store %arg10[%parallel_loop3A_699, %parallel_loop3A_700], %parallel_loop3A_703 {add = true, strides = array<i32>} : memref<32x1024xf32, #tpu.memory_space<vmem>>, vector<1x16xf32>,
        %parallel_loop3A_704 = arith.index_cast %parallel_loop3A_342 : i32 to index
        %parallel_loop3A_705 = arith.constant 432 : index
        %parallel_loop3A_706 = tpu.vector_load %arg10[%parallel_loop3A_704, %parallel_loop3A_705] {strides = array<i32>} : memref<32x1024xf32, #tpu.memory_space<vmem>>, vector<1x16xf32>,
        %parallel_loop3A_707 = vector.shape_cast %parallel_loop3A_706 : vector<1x16xf32> to vector<16xf32>
        %parallel_loop3A_708 = vector.shape_cast %parallel_loop3A_698 : vector<16xf32> to vector<1x16xf32>
        tpu.vector_store %arg10[%parallel_loop3A_704, %parallel_loop3A_705], %parallel_loop3A_708 {add = true, strides = array<i32>} : memref<32x1024xf32, #tpu.memory_space<vmem>>, vector<1x16xf32>,
        %parallel_loop3A_709 = arith.constant 224 : i32
        %parallel_loop3A_710 = arith.addi %parallel_loop3A_344, %parallel_loop3A_709 : i32
        %parallel_loop3A_711 = arith.index_cast %parallel_loop3A_710 : i32 to index
        %parallel_loop3A_712 = tpu.vector_load %arg8[%parallel_loop3A_711] {strides = array<i32>} : memref<16384xi32, #tpu.memory_space<vmem>>, vector<16xi32>,
        %parallel_loop3A_713 = vector.shape_cast %parallel_loop3A_712 : vector<16xi32> to vector<16xi32>
        %parallel_loop3A_714 = arith.constant 16 : i32
        %parallel_loop3A_715 = vector.broadcast %parallel_loop3A_714 : i32 to vector<16xi32>
        %parallel_loop3A_716 = arith.shli %parallel_loop3A_713, %parallel_loop3A_715 : vector<16xi32>
        %parallel_loop3A_717 = tpu.bitcast %parallel_loop3A_716 : vector<16xi32> -> vector<16xf32>
        %parallel_loop3A_718 = arith.constant 16 : i32
        %parallel_loop3A_719 = vector.broadcast %parallel_loop3A_718 : i32 to vector<16xi32>
        %parallel_loop3A_720 = arith.shrsi %parallel_loop3A_713, %parallel_loop3A_719 : vector<16xi32>
        %parallel_loop3A_721 = arith.constant 16 : i32
        %parallel_loop3A_722 = vector.broadcast %parallel_loop3A_721 : i32 to vector<16xi32>
        %parallel_loop3A_723 = arith.shli %parallel_loop3A_720, %parallel_loop3A_722 : vector<16xi32>
        %parallel_loop3A_724 = tpu.bitcast %parallel_loop3A_723 : vector<16xi32> -> vector<16xf32>
        %parallel_loop3A_725 = arith.index_cast %parallel_loop3A_342 : i32 to index
        %parallel_loop3A_726 = arith.constant 448 : index
        %parallel_loop3A_727 = tpu.vector_load %arg10[%parallel_loop3A_725, %parallel_loop3A_726] {strides = array<i32>} : memref<32x1024xf32, #tpu.memory_space<vmem>>, vector<1x16xf32>,
        %parallel_loop3A_728 = vector.shape_cast %parallel_loop3A_727 : vector<1x16xf32> to vector<16xf32>
        %parallel_loop3A_729 = vector.shape_cast %parallel_loop3A_717 : vector<16xf32> to vector<1x16xf32>
        tpu.vector_store %arg10[%parallel_loop3A_725, %parallel_loop3A_726], %parallel_loop3A_729 {add = true, strides = array<i32>} : memref<32x1024xf32, #tpu.memory_space<vmem>>, vector<1x16xf32>,
        %parallel_loop3A_730 = arith.index_cast %parallel_loop3A_342 : i32 to index
        %parallel_loop3A_731 = arith.constant 464 : index
        %parallel_loop3A_732 = tpu.vector_load %arg10[%parallel_loop3A_730, %parallel_loop3A_731] {strides = array<i32>} : memref<32x1024xf32, #tpu.memory_space<vmem>>, vector<1x16xf32>,
        %parallel_loop3A_733 = vector.shape_cast %parallel_loop3A_732 : vector<1x16xf32> to vector<16xf32>
        %parallel_loop3A_734 = vector.shape_cast %parallel_loop3A_724 : vector<16xf32> to vector<1x16xf32>
        tpu.vector_store %arg10[%parallel_loop3A_730, %parallel_loop3A_731], %parallel_loop3A_734 {add = true, strides = array<i32>} : memref<32x1024xf32, #tpu.memory_space<vmem>>, vector<1x16xf32>,
        %parallel_loop3A_735 = arith.constant 240 : i32
        %parallel_loop3A_736 = arith.addi %parallel_loop3A_344, %parallel_loop3A_735 : i32
        %parallel_loop3A_737 = arith.index_cast %parallel_loop3A_736 : i32 to index
        %parallel_loop3A_738 = tpu.vector_load %arg8[%parallel_loop3A_737] {strides = array<i32>} : memref<16384xi32, #tpu.memory_space<vmem>>, vector<16xi32>,
        %parallel_loop3A_739 = vector.shape_cast %parallel_loop3A_738 : vector<16xi32> to vector<16xi32>
        %parallel_loop3A_740 = arith.constant 16 : i32
        %parallel_loop3A_741 = vector.broadcast %parallel_loop3A_740 : i32 to vector<16xi32>
        %parallel_loop3A_742 = arith.shli %parallel_loop3A_739, %parallel_loop3A_741 : vector<16xi32>
        %parallel_loop3A_743 = tpu.bitcast %parallel_loop3A_742 : vector<16xi32> -> vector<16xf32>
        %parallel_loop3A_744 = arith.constant 16 : i32
        %parallel_loop3A_745 = vector.broadcast %parallel_loop3A_744 : i32 to vector<16xi32>
        %parallel_loop3A_746 = arith.shrsi %parallel_loop3A_739, %parallel_loop3A_745 : vector<16xi32>
        %parallel_loop3A_747 = arith.constant 16 : i32
        %parallel_loop3A_748 = vector.broadcast %parallel_loop3A_747 : i32 to vector<16xi32>
        %parallel_loop3A_749 = arith.shli %parallel_loop3A_746, %parallel_loop3A_748 : vector<16xi32>
        %parallel_loop3A_750 = tpu.bitcast %parallel_loop3A_749 : vector<16xi32> -> vector<16xf32>
        %parallel_loop3A_751 = arith.index_cast %parallel_loop3A_342 : i32 to index
        %parallel_loop3A_752 = arith.constant 480 : index
        %parallel_loop3A_753 = tpu.vector_load %arg10[%parallel_loop3A_751, %parallel_loop3A_752] {strides = array<i32>} : memref<32x1024xf32, #tpu.memory_space<vmem>>, vector<1x16xf32>,
        %parallel_loop3A_754 = vector.shape_cast %parallel_loop3A_753 : vector<1x16xf32> to vector<16xf32>
        %parallel_loop3A_755 = vector.shape_cast %parallel_loop3A_743 : vector<16xf32> to vector<1x16xf32>
        tpu.vector_store %arg10[%parallel_loop3A_751, %parallel_loop3A_752], %parallel_loop3A_755 {add = true, strides = array<i32>} : memref<32x1024xf32, #tpu.memory_space<vmem>>, vector<1x16xf32>,
        %parallel_loop3A_756 = arith.index_cast %parallel_loop3A_342 : i32 to index
        %parallel_loop3A_757 = arith.constant 496 : index
        %parallel_loop3A_758 = tpu.vector_load %arg10[%parallel_loop3A_756, %parallel_loop3A_757] {strides = array<i32>} : memref<32x1024xf32, #tpu.memory_space<vmem>>, vector<1x16xf32>,
        %parallel_loop3A_759 = vector.shape_cast %parallel_loop3A_758 : vector<1x16xf32> to vector<16xf32>
        %parallel_loop3A_760 = vector.shape_cast %parallel_loop3A_750 : vector<16xf32> to vector<1x16xf32>
        tpu.vector_store %arg10[%parallel_loop3A_756, %parallel_loop3A_757], %parallel_loop3A_760 {add = true, strides = array<i32>} : memref<32x1024xf32, #tpu.memory_space<vmem>>, vector<1x16xf32>,
        %parallel_loop3A_761 = arith.constant 256 : i32
        %parallel_loop3A_762 = arith.addi %parallel_loop3A_344, %parallel_loop3A_761 : i32
        %parallel_loop3A_763 = arith.index_cast %parallel_loop3A_762 : i32 to index
        %parallel_loop3A_764 = tpu.vector_load %arg8[%parallel_loop3A_763] {strides = array<i32>} : memref<16384xi32, #tpu.memory_space<vmem>>, vector<16xi32>,
        %parallel_loop3A_765 = vector.shape_cast %parallel_loop3A_764 : vector<16xi32> to vector<16xi32>
        %parallel_loop3A_766 = arith.constant 16 : i32
        %parallel_loop3A_767 = vector.broadcast %parallel_loop3A_766 : i32 to vector<16xi32>
        %parallel_loop3A_768 = arith.shli %parallel_loop3A_765, %parallel_loop3A_767 : vector<16xi32>
        %parallel_loop3A_769 = tpu.bitcast %parallel_loop3A_768 : vector<16xi32> -> vector<16xf32>
        %parallel_loop3A_770 = arith.constant 16 : i32
        %parallel_loop3A_771 = vector.broadcast %parallel_loop3A_770 : i32 to vector<16xi32>
        %parallel_loop3A_772 = arith.shrsi %parallel_loop3A_765, %parallel_loop3A_771 : vector<16xi32>
        %parallel_loop3A_773 = arith.constant 16 : i32
        %parallel_loop3A_774 = vector.broadcast %parallel_loop3A_773 : i32 to vector<16xi32>
        %parallel_loop3A_775 = arith.shli %parallel_loop3A_772, %parallel_loop3A_774 : vector<16xi32>
        %parallel_loop3A_776 = tpu.bitcast %parallel_loop3A_775 : vector<16xi32> -> vector<16xf32>
        %parallel_loop3A_777 = arith.index_cast %parallel_loop3A_342 : i32 to index
        %parallel_loop3A_778 = arith.constant 512 : index
        %parallel_loop3A_779 = tpu.vector_load %arg10[%parallel_loop3A_777, %parallel_loop3A_778] {strides = array<i32>} : memref<32x1024xf32, #tpu.memory_space<vmem>>, vector<1x16xf32>,
        %parallel_loop3A_780 = vector.shape_cast %parallel_loop3A_779 : vector<1x16xf32> to vector<16xf32>
        %parallel_loop3A_781 = vector.shape_cast %parallel_loop3A_769 : vector<16xf32> to vector<1x16xf32>
        tpu.vector_store %arg10[%parallel_loop3A_777, %parallel_loop3A_778], %parallel_loop3A_781 {add = true, strides = array<i32>} : memref<32x1024xf32, #tpu.memory_space<vmem>>, vector<1x16xf32>,
        %parallel_loop3A_782 = arith.index_cast %parallel_loop3A_342 : i32 to index
        %parallel_loop3A_783 = arith.constant 528 : index
        %parallel_loop3A_784 = tpu.vector_load %arg10[%parallel_loop3A_782, %parallel_loop3A_783] {strides = array<i32>} : memref<32x1024xf32, #tpu.memory_space<vmem>>, vector<1x16xf32>,
        %parallel_loop3A_785 = vector.shape_cast %parallel_loop3A_784 : vector<1x16xf32> to vector<16xf32>
        %parallel_loop3A_786 = vector.shape_cast %parallel_loop3A_776 : vector<16xf32> to vector<1x16xf32>
        tpu.vector_store %arg10[%parallel_loop3A_782, %parallel_loop3A_783], %parallel_loop3A_786 {add = true, strides = array<i32>} : memref<32x1024xf32, #tpu.memory_space<vmem>>, vector<1x16xf32>,
        %parallel_loop3A_787 = arith.constant 272 : i32
        %parallel_loop3A_788 = arith.addi %parallel_loop3A_344, %parallel_loop3A_787 : i32
        %parallel_loop3A_789 = arith.index_cast %parallel_loop3A_788 : i32 to index
        %parallel_loop3A_790 = tpu.vector_load %arg8[%parallel_loop3A_789] {strides = array<i32>} : memref<16384xi32, #tpu.memory_space<vmem>>, vector<16xi32>,
        %parallel_loop3A_791 = vector.shape_cast %parallel_loop3A_790 : vector<16xi32> to vector<16xi32>
        %parallel_loop3A_792 = arith.constant 16 : i32
        %parallel_loop3A_793 = vector.broadcast %parallel_loop3A_792 : i32 to vector<16xi32>
        %parallel_loop3A_794 = arith.shli %parallel_loop3A_791, %parallel_loop3A_793 : vector<16xi32>
        %parallel_loop3A_795 = tpu.bitcast %parallel_loop3A_794 : vector<16xi32> -> vector<16xf32>
        %parallel_loop3A_796 = arith.constant 16 : i32
        %parallel_loop3A_797 = vector.broadcast %parallel_loop3A_796 : i32 to vector<16xi32>
        %parallel_loop3A_798 = arith.shrsi %parallel_loop3A_791, %parallel_loop3A_797 : vector<16xi32>
        %parallel_loop3A_799 = arith.constant 16 : i32
        %parallel_loop3A_800 = vector.broadcast %parallel_loop3A_799 : i32 to vector<16xi32>
        %parallel_loop3A_801 = arith.shli %parallel_loop3A_798, %parallel_loop3A_800 : vector<16xi32>
        %parallel_loop3A_802 = tpu.bitcast %parallel_loop3A_801 : vector<16xi32> -> vector<16xf32>
        %parallel_loop3A_803 = arith.index_cast %parallel_loop3A_342 : i32 to index
        %parallel_loop3A_804 = arith.constant 544 : index
        %parallel_loop3A_805 = tpu.vector_load %arg10[%parallel_loop3A_803, %parallel_loop3A_804] {strides = array<i32>} : memref<32x1024xf32, #tpu.memory_space<vmem>>, vector<1x16xf32>,
        %parallel_loop3A_806 = vector.shape_cast %parallel_loop3A_805 : vector<1x16xf32> to vector<16xf32>
        %parallel_loop3A_807 = vector.shape_cast %parallel_loop3A_795 : vector<16xf32> to vector<1x16xf32>
        tpu.vector_store %arg10[%parallel_loop3A_803, %parallel_loop3A_804], %parallel_loop3A_807 {add = true, strides = array<i32>} : memref<32x1024xf32, #tpu.memory_space<vmem>>, vector<1x16xf32>,
        %parallel_loop3A_808 = arith.index_cast %parallel_loop3A_342 : i32 to index
        %parallel_loop3A_809 = arith.constant 560 : index
        %parallel_loop3A_810 = tpu.vector_load %arg10[%parallel_loop3A_808, %parallel_loop3A_809] {strides = array<i32>} : memref<32x1024xf32, #tpu.memory_space<vmem>>, vector<1x16xf32>,
        %parallel_loop3A_811 = vector.shape_cast %parallel_loop3A_810 : vector<1x16xf32> to vector<16xf32>
        %parallel_loop3A_812 = vector.shape_cast %parallel_loop3A_802 : vector<16xf32> to vector<1x16xf32>
        tpu.vector_store %arg10[%parallel_loop3A_808, %parallel_loop3A_809], %parallel_loop3A_812 {add = true, strides = array<i32>} : memref<32x1024xf32, #tpu.memory_space<vmem>>, vector<1x16xf32>,
        %parallel_loop3A_813 = arith.constant 288 : i32
        %parallel_loop3A_814 = arith.addi %parallel_loop3A_344, %parallel_loop3A_813 : i32
        %parallel_loop3A_815 = arith.index_cast %parallel_loop3A_814 : i32 to index
        %parallel_loop3A_816 = tpu.vector_load %arg8[%parallel_loop3A_815] {strides = array<i32>} : memref<16384xi32, #tpu.memory_space<vmem>>, vector<16xi32>,
        %parallel_loop3A_817 = vector.shape_cast %parallel_loop3A_816 : vector<16xi32> to vector<16xi32>
        %parallel_loop3A_818 = arith.constant 16 : i32
        %parallel_loop3A_819 = vector.broadcast %parallel_loop3A_818 : i32 to vector<16xi32>
        %parallel_loop3A_820 = arith.shli %parallel_loop3A_817, %parallel_loop3A_819 : vector<16xi32>
        %parallel_loop3A_821 = tpu.bitcast %parallel_loop3A_820 : vector<16xi32> -> vector<16xf32>
        %parallel_loop3A_822 = arith.constant 16 : i32
        %parallel_loop3A_823 = vector.broadcast %parallel_loop3A_822 : i32 to vector<16xi32>
        %parallel_loop3A_824 = arith.shrsi %parallel_loop3A_817, %parallel_loop3A_823 : vector<16xi32>
        %parallel_loop3A_825 = arith.constant 16 : i32
        %parallel_loop3A_826 = vector.broadcast %parallel_loop3A_825 : i32 to vector<16xi32>
        %parallel_loop3A_827 = arith.shli %parallel_loop3A_824, %parallel_loop3A_826 : vector<16xi32>
        %parallel_loop3A_828 = tpu.bitcast %parallel_loop3A_827 : vector<16xi32> -> vector<16xf32>
        %parallel_loop3A_829 = arith.index_cast %parallel_loop3A_342 : i32 to index
        %parallel_loop3A_830 = arith.constant 576 : index
        %parallel_loop3A_831 = tpu.vector_load %arg10[%parallel_loop3A_829, %parallel_loop3A_830] {strides = array<i32>} : memref<32x1024xf32, #tpu.memory_space<vmem>>, vector<1x16xf32>,
        %parallel_loop3A_832 = vector.shape_cast %parallel_loop3A_831 : vector<1x16xf32> to vector<16xf32>
        %parallel_loop3A_833 = vector.shape_cast %parallel_loop3A_821 : vector<16xf32> to vector<1x16xf32>
        tpu.vector_store %arg10[%parallel_loop3A_829, %parallel_loop3A_830], %parallel_loop3A_833 {add = true, strides = array<i32>} : memref<32x1024xf32, #tpu.memory_space<vmem>>, vector<1x16xf32>,
        %parallel_loop3A_834 = arith.index_cast %parallel_loop3A_342 : i32 to index
        %parallel_loop3A_835 = arith.constant 592 : index
        %parallel_loop3A_836 = tpu.vector_load %arg10[%parallel_loop3A_834, %parallel_loop3A_835] {strides = array<i32>} : memref<32x1024xf32, #tpu.memory_space<vmem>>, vector<1x16xf32>,
        %parallel_loop3A_837 = vector.shape_cast %parallel_loop3A_836 : vector<1x16xf32> to vector<16xf32>
        %parallel_loop3A_838 = vector.shape_cast %parallel_loop3A_828 : vector<16xf32> to vector<1x16xf32>
        tpu.vector_store %arg10[%parallel_loop3A_834, %parallel_loop3A_835], %parallel_loop3A_838 {add = true, strides = array<i32>} : memref<32x1024xf32, #tpu.memory_space<vmem>>, vector<1x16xf32>,
        %parallel_loop3A_839 = arith.constant 304 : i32
        %parallel_loop3A_840 = arith.addi %parallel_loop3A_344, %parallel_loop3A_839 : i32
        %parallel_loop3A_841 = arith.index_cast %parallel_loop3A_840 : i32 to index
        %parallel_loop3A_842 = tpu.vector_load %arg8[%parallel_loop3A_841] {strides = array<i32>} : memref<16384xi32, #tpu.memory_space<vmem>>, vector<16xi32>,
        %parallel_loop3A_843 = vector.shape_cast %parallel_loop3A_842 : vector<16xi32> to vector<16xi32>
        %parallel_loop3A_844 = arith.constant 16 : i32
        %parallel_loop3A_845 = vector.broadcast %parallel_loop3A_844 : i32 to vector<16xi32>
        %parallel_loop3A_846 = arith.shli %parallel_loop3A_843, %parallel_loop3A_845 : vector<16xi32>
        %parallel_loop3A_847 = tpu.bitcast %parallel_loop3A_846 : vector<16xi32> -> vector<16xf32>
        %parallel_loop3A_848 = arith.constant 16 : i32
        %parallel_loop3A_849 = vector.broadcast %parallel_loop3A_848 : i32 to vector<16xi32>
        %parallel_loop3A_850 = arith.shrsi %parallel_loop3A_843, %parallel_loop3A_849 : vector<16xi32>
        %parallel_loop3A_851 = arith.constant 16 : i32
        %parallel_loop3A_852 = vector.broadcast %parallel_loop3A_851 : i32 to vector<16xi32>
        %parallel_loop3A_853 = arith.shli %parallel_loop3A_850, %parallel_loop3A_852 : vector<16xi32>
        %parallel_loop3A_854 = tpu.bitcast %parallel_loop3A_853 : vector<16xi32> -> vector<16xf32>
        %parallel_loop3A_855 = arith.index_cast %parallel_loop3A_342 : i32 to index
        %parallel_loop3A_856 = arith.constant 608 : index
        %parallel_loop3A_857 = tpu.vector_load %arg10[%parallel_loop3A_855, %parallel_loop3A_856] {strides = array<i32>} : memref<32x1024xf32, #tpu.memory_space<vmem>>, vector<1x16xf32>,
        %parallel_loop3A_858 = vector.shape_cast %parallel_loop3A_857 : vector<1x16xf32> to vector<16xf32>
        %parallel_loop3A_859 = vector.shape_cast %parallel_loop3A_847 : vector<16xf32> to vector<1x16xf32>
        tpu.vector_store %arg10[%parallel_loop3A_855, %parallel_loop3A_856], %parallel_loop3A_859 {add = true, strides = array<i32>} : memref<32x1024xf32, #tpu.memory_space<vmem>>, vector<1x16xf32>,
        %parallel_loop3A_860 = arith.index_cast %parallel_loop3A_342 : i32 to index
        %parallel_loop3A_861 = arith.constant 624 : index
        %parallel_loop3A_862 = tpu.vector_load %arg10[%parallel_loop3A_860, %parallel_loop3A_861] {strides = array<i32>} : memref<32x1024xf32, #tpu.memory_space<vmem>>, vector<1x16xf32>,
        %parallel_loop3A_863 = vector.shape_cast %parallel_loop3A_862 : vector<1x16xf32> to vector<16xf32>
        %parallel_loop3A_864 = vector.shape_cast %parallel_loop3A_854 : vector<16xf32> to vector<1x16xf32>
        tpu.vector_store %arg10[%parallel_loop3A_860, %parallel_loop3A_861], %parallel_loop3A_864 {add = true, strides = array<i32>} : memref<32x1024xf32, #tpu.memory_space<vmem>>, vector<1x16xf32>,
        %parallel_loop3A_865 = arith.constant 320 : i32
        %parallel_loop3A_866 = arith.addi %parallel_loop3A_344, %parallel_loop3A_865 : i32
        %parallel_loop3A_867 = arith.index_cast %parallel_loop3A_866 : i32 to index
        %parallel_loop3A_868 = tpu.vector_load %arg8[%parallel_loop3A_867] {strides = array<i32>} : memref<16384xi32, #tpu.memory_space<vmem>>, vector<16xi32>,
        %parallel_loop3A_869 = vector.shape_cast %parallel_loop3A_868 : vector<16xi32> to vector<16xi32>
        %parallel_loop3A_870 = arith.constant 16 : i32
        %parallel_loop3A_871 = vector.broadcast %parallel_loop3A_870 : i32 to vector<16xi32>
        %parallel_loop3A_872 = arith.shli %parallel_loop3A_869, %parallel_loop3A_871 : vector<16xi32>
        %parallel_loop3A_873 = tpu.bitcast %parallel_loop3A_872 : vector<16xi32> -> vector<16xf32>
        %parallel_loop3A_874 = arith.constant 16 : i32
        %parallel_loop3A_875 = vector.broadcast %parallel_loop3A_874 : i32 to vector<16xi32>
        %parallel_loop3A_876 = arith.shrsi %parallel_loop3A_869, %parallel_loop3A_875 : vector<16xi32>
        %parallel_loop3A_877 = arith.constant 16 : i32
        %parallel_loop3A_878 = vector.broadcast %parallel_loop3A_877 : i32 to vector<16xi32>
        %parallel_loop3A_879 = arith.shli %parallel_loop3A_876, %parallel_loop3A_878 : vector<16xi32>
        %parallel_loop3A_880 = tpu.bitcast %parallel_loop3A_879 : vector<16xi32> -> vector<16xf32>
        %parallel_loop3A_881 = arith.index_cast %parallel_loop3A_342 : i32 to index
        %parallel_loop3A_882 = arith.constant 640 : index
        %parallel_loop3A_883 = tpu.vector_load %arg10[%parallel_loop3A_881, %parallel_loop3A_882] {strides = array<i32>} : memref<32x1024xf32, #tpu.memory_space<vmem>>, vector<1x16xf32>,
        %parallel_loop3A_884 = vector.shape_cast %parallel_loop3A_883 : vector<1x16xf32> to vector<16xf32>
        %parallel_loop3A_885 = vector.shape_cast %parallel_loop3A_873 : vector<16xf32> to vector<1x16xf32>
        tpu.vector_store %arg10[%parallel_loop3A_881, %parallel_loop3A_882], %parallel_loop3A_885 {add = true, strides = array<i32>} : memref<32x1024xf32, #tpu.memory_space<vmem>>, vector<1x16xf32>,
        %parallel_loop3A_886 = arith.index_cast %parallel_loop3A_342 : i32 to index
        %parallel_loop3A_887 = arith.constant 656 : index
        %parallel_loop3A_888 = tpu.vector_load %arg10[%parallel_loop3A_886, %parallel_loop3A_887] {strides = array<i32>} : memref<32x1024xf32, #tpu.memory_space<vmem>>, vector<1x16xf32>,
        %parallel_loop3A_889 = vector.shape_cast %parallel_loop3A_888 : vector<1x16xf32> to vector<16xf32>
        %parallel_loop3A_890 = vector.shape_cast %parallel_loop3A_880 : vector<16xf32> to vector<1x16xf32>
        tpu.vector_store %arg10[%parallel_loop3A_886, %parallel_loop3A_887], %parallel_loop3A_890 {add = true, strides = array<i32>} : memref<32x1024xf32, #tpu.memory_space<vmem>>, vector<1x16xf32>,
        %parallel_loop3A_891 = arith.constant 336 : i32
        %parallel_loop3A_892 = arith.addi %parallel_loop3A_344, %parallel_loop3A_891 : i32
        %parallel_loop3A_893 = arith.index_cast %parallel_loop3A_892 : i32 to index
        %parallel_loop3A_894 = tpu.vector_load %arg8[%parallel_loop3A_893] {strides = array<i32>} : memref<16384xi32, #tpu.memory_space<vmem>>, vector<16xi32>,
        %parallel_loop3A_895 = vector.shape_cast %parallel_loop3A_894 : vector<16xi32> to vector<16xi32>
        %parallel_loop3A_896 = arith.constant 16 : i32
        %parallel_loop3A_897 = vector.broadcast %parallel_loop3A_896 : i32 to vector<16xi32>
        %parallel_loop3A_898 = arith.shli %parallel_loop3A_895, %parallel_loop3A_897 : vector<16xi32>
        %parallel_loop3A_899 = tpu.bitcast %parallel_loop3A_898 : vector<16xi32> -> vector<16xf32>
        %parallel_loop3A_900 = arith.constant 16 : i32
        %parallel_loop3A_901 = vector.broadcast %parallel_loop3A_900 : i32 to vector<16xi32>
        %parallel_loop3A_902 = arith.shrsi %parallel_loop3A_895, %parallel_loop3A_901 : vector<16xi32>
        %parallel_loop3A_903 = arith.constant 16 : i32
        %parallel_loop3A_904 = vector.broadcast %parallel_loop3A_903 : i32 to vector<16xi32>
        %parallel_loop3A_905 = arith.shli %parallel_loop3A_902, %parallel_loop3A_904 : vector<16xi32>
        %parallel_loop3A_906 = tpu.bitcast %parallel_loop3A_905 : vector<16xi32> -> vector<16xf32>
        %parallel_loop3A_907 = arith.index_cast %parallel_loop3A_342 : i32 to index
        %parallel_loop3A_908 = arith.constant 672 : index
        %parallel_loop3A_909 = tpu.vector_load %arg10[%parallel_loop3A_907, %parallel_loop3A_908] {strides = array<i32>} : memref<32x1024xf32, #tpu.memory_space<vmem>>, vector<1x16xf32>,
        %parallel_loop3A_910 = vector.shape_cast %parallel_loop3A_909 : vector<1x16xf32> to vector<16xf32>
        %parallel_loop3A_911 = vector.shape_cast %parallel_loop3A_899 : vector<16xf32> to vector<1x16xf32>
        tpu.vector_store %arg10[%parallel_loop3A_907, %parallel_loop3A_908], %parallel_loop3A_911 {add = true, strides = array<i32>} : memref<32x1024xf32, #tpu.memory_space<vmem>>, vector<1x16xf32>,
        %parallel_loop3A_912 = arith.index_cast %parallel_loop3A_342 : i32 to index
        %parallel_loop3A_913 = arith.constant 688 : index
        %parallel_loop3A_914 = tpu.vector_load %arg10[%parallel_loop3A_912, %parallel_loop3A_913] {strides = array<i32>} : memref<32x1024xf32, #tpu.memory_space<vmem>>, vector<1x16xf32>,
        %parallel_loop3A_915 = vector.shape_cast %parallel_loop3A_914 : vector<1x16xf32> to vector<16xf32>
        %parallel_loop3A_916 = vector.shape_cast %parallel_loop3A_906 : vector<16xf32> to vector<1x16xf32>
        tpu.vector_store %arg10[%parallel_loop3A_912, %parallel_loop3A_913], %parallel_loop3A_916 {add = true, strides = array<i32>} : memref<32x1024xf32, #tpu.memory_space<vmem>>, vector<1x16xf32>,
        %parallel_loop3A_917 = arith.constant 352 : i32
        %parallel_loop3A_918 = arith.addi %parallel_loop3A_344, %parallel_loop3A_917 : i32
        %parallel_loop3A_919 = arith.index_cast %parallel_loop3A_918 : i32 to index
        %parallel_loop3A_920 = tpu.vector_load %arg8[%parallel_loop3A_919] {strides = array<i32>} : memref<16384xi32, #tpu.memory_space<vmem>>, vector<16xi32>,
        %parallel_loop3A_921 = vector.shape_cast %parallel_loop3A_920 : vector<16xi32> to vector<16xi32>
        %parallel_loop3A_922 = arith.constant 16 : i32
        %parallel_loop3A_923 = vector.broadcast %parallel_loop3A_922 : i32 to vector<16xi32>
        %parallel_loop3A_924 = arith.shli %parallel_loop3A_921, %parallel_loop3A_923 : vector<16xi32>
        %parallel_loop3A_925 = tpu.bitcast %parallel_loop3A_924 : vector<16xi32> -> vector<16xf32>
        %parallel_loop3A_926 = arith.constant 16 : i32
        %parallel_loop3A_927 = vector.broadcast %parallel_loop3A_926 : i32 to vector<16xi32>
        %parallel_loop3A_928 = arith.shrsi %parallel_loop3A_921, %parallel_loop3A_927 : vector<16xi32>
        %parallel_loop3A_929 = arith.constant 16 : i32
        %parallel_loop3A_930 = vector.broadcast %parallel_loop3A_929 : i32 to vector<16xi32>
        %parallel_loop3A_931 = arith.shli %parallel_loop3A_928, %parallel_loop3A_930 : vector<16xi32>
        %parallel_loop3A_932 = tpu.bitcast %parallel_loop3A_931 : vector<16xi32> -> vector<16xf32>
        %parallel_loop3A_933 = arith.index_cast %parallel_loop3A_342 : i32 to index
        %parallel_loop3A_934 = arith.constant 704 : index
        %parallel_loop3A_935 = tpu.vector_load %arg10[%parallel_loop3A_933, %parallel_loop3A_934] {strides = array<i32>} : memref<32x1024xf32, #tpu.memory_space<vmem>>, vector<1x16xf32>,
        %parallel_loop3A_936 = vector.shape_cast %parallel_loop3A_935 : vector<1x16xf32> to vector<16xf32>
        %parallel_loop3A_937 = vector.shape_cast %parallel_loop3A_925 : vector<16xf32> to vector<1x16xf32>
        tpu.vector_store %arg10[%parallel_loop3A_933, %parallel_loop3A_934], %parallel_loop3A_937 {add = true, strides = array<i32>} : memref<32x1024xf32, #tpu.memory_space<vmem>>, vector<1x16xf32>,
        %parallel_loop3A_938 = arith.index_cast %parallel_loop3A_342 : i32 to index
        %parallel_loop3A_939 = arith.constant 720 : index
        %parallel_loop3A_940 = tpu.vector_load %arg10[%parallel_loop3A_938, %parallel_loop3A_939] {strides = array<i32>} : memref<32x1024xf32, #tpu.memory_space<vmem>>, vector<1x16xf32>,
        %parallel_loop3A_941 = vector.shape_cast %parallel_loop3A_940 : vector<1x16xf32> to vector<16xf32>
        %parallel_loop3A_942 = vector.shape_cast %parallel_loop3A_932 : vector<16xf32> to vector<1x16xf32>
        tpu.vector_store %arg10[%parallel_loop3A_938, %parallel_loop3A_939], %parallel_loop3A_942 {add = true, strides = array<i32>} : memref<32x1024xf32, #tpu.memory_space<vmem>>, vector<1x16xf32>,
        %parallel_loop3A_943 = arith.constant 368 : i32
        %parallel_loop3A_944 = arith.addi %parallel_loop3A_344, %parallel_loop3A_943 : i32
        %parallel_loop3A_945 = arith.index_cast %parallel_loop3A_944 : i32 to index
        %parallel_loop3A_946 = tpu.vector_load %arg8[%parallel_loop3A_945] {strides = array<i32>} : memref<16384xi32, #tpu.memory_space<vmem>>, vector<16xi32>,
        %parallel_loop3A_947 = vector.shape_cast %parallel_loop3A_946 : vector<16xi32> to vector<16xi32>
        %parallel_loop3A_948 = arith.constant 16 : i32
        %parallel_loop3A_949 = vector.broadcast %parallel_loop3A_948 : i32 to vector<16xi32>
        %parallel_loop3A_950 = arith.shli %parallel_loop3A_947, %parallel_loop3A_949 : vector<16xi32>
        %parallel_loop3A_951 = tpu.bitcast %parallel_loop3A_950 : vector<16xi32> -> vector<16xf32>
        %parallel_loop3A_952 = arith.constant 16 : i32
        %parallel_loop3A_953 = vector.broadcast %parallel_loop3A_952 : i32 to vector<16xi32>
        %parallel_loop3A_954 = arith.shrsi %parallel_loop3A_947, %parallel_loop3A_953 : vector<16xi32>
        %parallel_loop3A_955 = arith.constant 16 : i32
        %parallel_loop3A_956 = vector.broadcast %parallel_loop3A_955 : i32 to vector<16xi32>
        %parallel_loop3A_957 = arith.shli %parallel_loop3A_954, %parallel_loop3A_956 : vector<16xi32>
        %parallel_loop3A_958 = tpu.bitcast %parallel_loop3A_957 : vector<16xi32> -> vector<16xf32>
        %parallel_loop3A_959 = arith.index_cast %parallel_loop3A_342 : i32 to index
        %parallel_loop3A_960 = arith.constant 736 : index
        %parallel_loop3A_961 = tpu.vector_load %arg10[%parallel_loop3A_959, %parallel_loop3A_960] {strides = array<i32>} : memref<32x1024xf32, #tpu.memory_space<vmem>>, vector<1x16xf32>,
        %parallel_loop3A_962 = vector.shape_cast %parallel_loop3A_961 : vector<1x16xf32> to vector<16xf32>
        %parallel_loop3A_963 = vector.shape_cast %parallel_loop3A_951 : vector<16xf32> to vector<1x16xf32>
        tpu.vector_store %arg10[%parallel_loop3A_959, %parallel_loop3A_960], %parallel_loop3A_963 {add = true, strides = array<i32>} : memref<32x1024xf32, #tpu.memory_space<vmem>>, vector<1x16xf32>,
        %parallel_loop3A_964 = arith.index_cast %parallel_loop3A_342 : i32 to index
        %parallel_loop3A_965 = arith.constant 752 : index
        %parallel_loop3A_966 = tpu.vector_load %arg10[%parallel_loop3A_964, %parallel_loop3A_965] {strides = array<i32>} : memref<32x1024xf32, #tpu.memory_space<vmem>>, vector<1x16xf32>,
        %parallel_loop3A_967 = vector.shape_cast %parallel_loop3A_966 : vector<1x16xf32> to vector<16xf32>
        %parallel_loop3A_968 = vector.shape_cast %parallel_loop3A_958 : vector<16xf32> to vector<1x16xf32>
        tpu.vector_store %arg10[%parallel_loop3A_964, %parallel_loop3A_965], %parallel_loop3A_968 {add = true, strides = array<i32>} : memref<32x1024xf32, #tpu.memory_space<vmem>>, vector<1x16xf32>,
        %parallel_loop3A_969 = arith.constant 384 : i32
        %parallel_loop3A_970 = arith.addi %parallel_loop3A_344, %parallel_loop3A_969 : i32
        %parallel_loop3A_971 = arith.index_cast %parallel_loop3A_970 : i32 to index
        %parallel_loop3A_972 = tpu.vector_load %arg8[%parallel_loop3A_971] {strides = array<i32>} : memref<16384xi32, #tpu.memory_space<vmem>>, vector<16xi32>,
        %parallel_loop3A_973 = vector.shape_cast %parallel_loop3A_972 : vector<16xi32> to vector<16xi32>
        %parallel_loop3A_974 = arith.constant 16 : i32
        %parallel_loop3A_975 = vector.broadcast %parallel_loop3A_974 : i32 to vector<16xi32>
        %parallel_loop3A_976 = arith.shli %parallel_loop3A_973, %parallel_loop3A_975 : vector<16xi32>
        %parallel_loop3A_977 = tpu.bitcast %parallel_loop3A_976 : vector<16xi32> -> vector<16xf32>
        %parallel_loop3A_978 = arith.constant 16 : i32
        %parallel_loop3A_979 = vector.broadcast %parallel_loop3A_978 : i32 to vector<16xi32>
        %parallel_loop3A_980 = arith.shrsi %parallel_loop3A_973, %parallel_loop3A_979 : vector<16xi32>
        %parallel_loop3A_981 = arith.constant 16 : i32
        %parallel_loop3A_982 = vector.broadcast %parallel_loop3A_981 : i32 to vector<16xi32>
        %parallel_loop3A_983 = arith.shli %parallel_loop3A_980, %parallel_loop3A_982 : vector<16xi32>
        %parallel_loop3A_984 = tpu.bitcast %parallel_loop3A_983 : vector<16xi32> -> vector<16xf32>
        %parallel_loop3A_985 = arith.index_cast %parallel_loop3A_342 : i32 to index
        %parallel_loop3A_986 = arith.constant 768 : index
        %parallel_loop3A_987 = tpu.vector_load %arg10[%parallel_loop3A_985, %parallel_loop3A_986] {strides = array<i32>} : memref<32x1024xf32, #tpu.memory_space<vmem>>, vector<1x16xf32>,
        %parallel_loop3A_988 = vector.shape_cast %parallel_loop3A_987 : vector<1x16xf32> to vector<16xf32>
        %parallel_loop3A_989 = vector.shape_cast %parallel_loop3A_977 : vector<16xf32> to vector<1x16xf32>
        tpu.vector_store %arg10[%parallel_loop3A_985, %parallel_loop3A_986], %parallel_loop3A_989 {add = true, strides = array<i32>} : memref<32x1024xf32, #tpu.memory_space<vmem>>, vector<1x16xf32>,
        %parallel_loop3A_990 = arith.index_cast %parallel_loop3A_342 : i32 to index
        %parallel_loop3A_991 = arith.constant 784 : index
        %parallel_loop3A_992 = tpu.vector_load %arg10[%parallel_loop3A_990, %parallel_loop3A_991] {strides = array<i32>} : memref<32x1024xf32, #tpu.memory_space<vmem>>, vector<1x16xf32>,
        %parallel_loop3A_993 = vector.shape_cast %parallel_loop3A_992 : vector<1x16xf32> to vector<16xf32>
        %parallel_loop3A_994 = vector.shape_cast %parallel_loop3A_984 : vector<16xf32> to vector<1x16xf32>
        tpu.vector_store %arg10[%parallel_loop3A_990, %parallel_loop3A_991], %parallel_loop3A_994 {add = true, strides = array<i32>} : memref<32x1024xf32, #tpu.memory_space<vmem>>, vector<1x16xf32>,
        %parallel_loop3A_995 = arith.constant 400 : i32
        %parallel_loop3A_996 = arith.addi %parallel_loop3A_344, %parallel_loop3A_995 : i32
        %parallel_loop3A_997 = arith.index_cast %parallel_loop3A_996 : i32 to index
        %parallel_loop3A_998 = tpu.vector_load %arg8[%parallel_loop3A_997] {strides = array<i32>} : memref<16384xi32, #tpu.memory_space<vmem>>, vector<16xi32>,
        %parallel_loop3A_999 = vector.shape_cast %parallel_loop3A_998 : vector<16xi32> to vector<16xi32>
        %parallel_loop3A_1000 = arith.constant 16 : i32
        %parallel_loop3A_1001 = vector.broadcast %parallel_loop3A_1000 : i32 to vector<16xi32>
        %parallel_loop3A_1002 = arith.shli %parallel_loop3A_999, %parallel_loop3A_1001 : vector<16xi32>
        %parallel_loop3A_1003 = tpu.bitcast %parallel_loop3A_1002 : vector<16xi32> -> vector<16xf32>
        %parallel_loop3A_1004 = arith.constant 16 : i32
        %parallel_loop3A_1005 = vector.broadcast %parallel_loop3A_1004 : i32 to vector<16xi32>
        %parallel_loop3A_1006 = arith.shrsi %parallel_loop3A_999, %parallel_loop3A_1005 : vector<16xi32>
        %parallel_loop3A_1007 = arith.constant 16 : i32
        %parallel_loop3A_1008 = vector.broadcast %parallel_loop3A_1007 : i32 to vector<16xi32>
        %parallel_loop3A_1009 = arith.shli %parallel_loop3A_1006, %parallel_loop3A_1008 : vector<16xi32>
        %parallel_loop3A_1010 = tpu.bitcast %parallel_loop3A_1009 : vector<16xi32> -> vector<16xf32>
        %parallel_loop3A_1011 = arith.index_cast %parallel_loop3A_342 : i32 to index
        %parallel_loop3A_1012 = arith.constant 800 : index
        %parallel_loop3A_1013 = tpu.vector_load %arg10[%parallel_loop3A_1011, %parallel_loop3A_1012] {strides = array<i32>} : memref<32x1024xf32, #tpu.memory_space<vmem>>, vector<1x16xf32>,
        %parallel_loop3A_1014 = vector.shape_cast %parallel_loop3A_1013 : vector<1x16xf32> to vector<16xf32>
        %parallel_loop3A_1015 = vector.shape_cast %parallel_loop3A_1003 : vector<16xf32> to vector<1x16xf32>
        tpu.vector_store %arg10[%parallel_loop3A_1011, %parallel_loop3A_1012], %parallel_loop3A_1015 {add = true, strides = array<i32>} : memref<32x1024xf32, #tpu.memory_space<vmem>>, vector<1x16xf32>,
        %parallel_loop3A_1016 = arith.index_cast %parallel_loop3A_342 : i32 to index
        %parallel_loop3A_1017 = arith.constant 816 : index
        %parallel_loop3A_1018 = tpu.vector_load %arg10[%parallel_loop3A_1016, %parallel_loop3A_1017] {strides = array<i32>} : memref<32x1024xf32, #tpu.memory_space<vmem>>, vector<1x16xf32>,
        %parallel_loop3A_1019 = vector.shape_cast %parallel_loop3A_1018 : vector<1x16xf32> to vector<16xf32>
        %parallel_loop3A_1020 = vector.shape_cast %parallel_loop3A_1010 : vector<16xf32> to vector<1x16xf32>
        tpu.vector_store %arg10[%parallel_loop3A_1016, %parallel_loop3A_1017], %parallel_loop3A_1020 {add = true, strides = array<i32>} : memref<32x1024xf32, #tpu.memory_space<vmem>>, vector<1x16xf32>,
        %parallel_loop3A_1021 = arith.constant 416 : i32
        %parallel_loop3A_1022 = arith.addi %parallel_loop3A_344, %parallel_loop3A_1021 : i32
        %parallel_loop3A_1023 = arith.index_cast %parallel_loop3A_1022 : i32 to index
        %parallel_loop3A_1024 = tpu.vector_load %arg8[%parallel_loop3A_1023] {strides = array<i32>} : memref<16384xi32, #tpu.memory_space<vmem>>, vector<16xi32>,
        %parallel_loop3A_1025 = vector.shape_cast %parallel_loop3A_1024 : vector<16xi32> to vector<16xi32>
        %parallel_loop3A_1026 = arith.constant 16 : i32
        %parallel_loop3A_1027 = vector.broadcast %parallel_loop3A_1026 : i32 to vector<16xi32>
        %parallel_loop3A_1028 = arith.shli %parallel_loop3A_1025, %parallel_loop3A_1027 : vector<16xi32>
        %parallel_loop3A_1029 = tpu.bitcast %parallel_loop3A_1028 : vector<16xi32> -> vector<16xf32>
        %parallel_loop3A_1030 = arith.constant 16 : i32
        %parallel_loop3A_1031 = vector.broadcast %parallel_loop3A_1030 : i32 to vector<16xi32>
        %parallel_loop3A_1032 = arith.shrsi %parallel_loop3A_1025, %parallel_loop3A_1031 : vector<16xi32>
        %parallel_loop3A_1033 = arith.constant 16 : i32
        %parallel_loop3A_1034 = vector.broadcast %parallel_loop3A_1033 : i32 to vector<16xi32>
        %parallel_loop3A_1035 = arith.shli %parallel_loop3A_1032, %parallel_loop3A_1034 : vector<16xi32>
        %parallel_loop3A_1036 = tpu.bitcast %parallel_loop3A_1035 : vector<16xi32> -> vector<16xf32>
        %parallel_loop3A_1037 = arith.index_cast %parallel_loop3A_342 : i32 to index
        %parallel_loop3A_1038 = arith.constant 832 : index
        %parallel_loop3A_1039 = tpu.vector_load %arg10[%parallel_loop3A_1037, %parallel_loop3A_1038] {strides = array<i32>} : memref<32x1024xf32, #tpu.memory_space<vmem>>, vector<1x16xf32>,
        %parallel_loop3A_1040 = vector.shape_cast %parallel_loop3A_1039 : vector<1x16xf32> to vector<16xf32>
        %parallel_loop3A_1041 = vector.shape_cast %parallel_loop3A_1029 : vector<16xf32> to vector<1x16xf32>
        tpu.vector_store %arg10[%parallel_loop3A_1037, %parallel_loop3A_1038], %parallel_loop3A_1041 {add = true, strides = array<i32>} : memref<32x1024xf32, #tpu.memory_space<vmem>>, vector<1x16xf32>,
        %parallel_loop3A_1042 = arith.index_cast %parallel_loop3A_342 : i32 to index
        %parallel_loop3A_1043 = arith.constant 848 : index
        %parallel_loop3A_1044 = tpu.vector_load %arg10[%parallel_loop3A_1042, %parallel_loop3A_1043] {strides = array<i32>} : memref<32x1024xf32, #tpu.memory_space<vmem>>, vector<1x16xf32>,
        %parallel_loop3A_1045 = vector.shape_cast %parallel_loop3A_1044 : vector<1x16xf32> to vector<16xf32>
        %parallel_loop3A_1046 = vector.shape_cast %parallel_loop3A_1036 : vector<16xf32> to vector<1x16xf32>
        tpu.vector_store %arg10[%parallel_loop3A_1042, %parallel_loop3A_1043], %parallel_loop3A_1046 {add = true, strides = array<i32>} : memref<32x1024xf32, #tpu.memory_space<vmem>>, vector<1x16xf32>,
        %parallel_loop3A_1047 = arith.constant 432 : i32
        %parallel_loop3A_1048 = arith.addi %parallel_loop3A_344, %parallel_loop3A_1047 : i32
        %parallel_loop3A_1049 = arith.index_cast %parallel_loop3A_1048 : i32 to index
        %parallel_loop3A_1050 = tpu.vector_load %arg8[%parallel_loop3A_1049] {strides = array<i32>} : memref<16384xi32, #tpu.memory_space<vmem>>, vector<16xi32>,
        %parallel_loop3A_1051 = vector.shape_cast %parallel_loop3A_1050 : vector<16xi32> to vector<16xi32>
        %parallel_loop3A_1052 = arith.constant 16 : i32
        %parallel_loop3A_1053 = vector.broadcast %parallel_loop3A_1052 : i32 to vector<16xi32>
        %parallel_loop3A_1054 = arith.shli %parallel_loop3A_1051, %parallel_loop3A_1053 : vector<16xi32>
        %parallel_loop3A_1055 = tpu.bitcast %parallel_loop3A_1054 : vector<16xi32> -> vector<16xf32>
        %parallel_loop3A_1056 = arith.constant 16 : i32
        %parallel_loop3A_1057 = vector.broadcast %parallel_loop3A_1056 : i32 to vector<16xi32>
        %parallel_loop3A_1058 = arith.shrsi %parallel_loop3A_1051, %parallel_loop3A_1057 : vector<16xi32>
        %parallel_loop3A_1059 = arith.constant 16 : i32
        %parallel_loop3A_1060 = vector.broadcast %parallel_loop3A_1059 : i32 to vector<16xi32>
        %parallel_loop3A_1061 = arith.shli %parallel_loop3A_1058, %parallel_loop3A_1060 : vector<16xi32>
        %parallel_loop3A_1062 = tpu.bitcast %parallel_loop3A_1061 : vector<16xi32> -> vector<16xf32>
        %parallel_loop3A_1063 = arith.index_cast %parallel_loop3A_342 : i32 to index
        %parallel_loop3A_1064 = arith.constant 864 : index
        %parallel_loop3A_1065 = tpu.vector_load %arg10[%parallel_loop3A_1063, %parallel_loop3A_1064] {strides = array<i32>} : memref<32x1024xf32, #tpu.memory_space<vmem>>, vector<1x16xf32>,
        %parallel_loop3A_1066 = vector.shape_cast %parallel_loop3A_1065 : vector<1x16xf32> to vector<16xf32>
        %parallel_loop3A_1067 = vector.shape_cast %parallel_loop3A_1055 : vector<16xf32> to vector<1x16xf32>
        tpu.vector_store %arg10[%parallel_loop3A_1063, %parallel_loop3A_1064], %parallel_loop3A_1067 {add = true, strides = array<i32>} : memref<32x1024xf32, #tpu.memory_space<vmem>>, vector<1x16xf32>,
        %parallel_loop3A_1068 = arith.index_cast %parallel_loop3A_342 : i32 to index
        %parallel_loop3A_1069 = arith.constant 880 : index
        %parallel_loop3A_1070 = tpu.vector_load %arg10[%parallel_loop3A_1068, %parallel_loop3A_1069] {strides = array<i32>} : memref<32x1024xf32, #tpu.memory_space<vmem>>, vector<1x16xf32>,
        %parallel_loop3A_1071 = vector.shape_cast %parallel_loop3A_1070 : vector<1x16xf32> to vector<16xf32>
        %parallel_loop3A_1072 = vector.shape_cast %parallel_loop3A_1062 : vector<16xf32> to vector<1x16xf32>
        tpu.vector_store %arg10[%parallel_loop3A_1068, %parallel_loop3A_1069], %parallel_loop3A_1072 {add = true, strides = array<i32>} : memref<32x1024xf32, #tpu.memory_space<vmem>>, vector<1x16xf32>,
        %parallel_loop3A_1073 = arith.constant 448 : i32
        %parallel_loop3A_1074 = arith.addi %parallel_loop3A_344, %parallel_loop3A_1073 : i32
        %parallel_loop3A_1075 = arith.index_cast %parallel_loop3A_1074 : i32 to index
        %parallel_loop3A_1076 = tpu.vector_load %arg8[%parallel_loop3A_1075] {strides = array<i32>} : memref<16384xi32, #tpu.memory_space<vmem>>, vector<16xi32>,
        %parallel_loop3A_1077 = vector.shape_cast %parallel_loop3A_1076 : vector<16xi32> to vector<16xi32>
        %parallel_loop3A_1078 = arith.constant 16 : i32
        %parallel_loop3A_1079 = vector.broadcast %parallel_loop3A_1078 : i32 to vector<16xi32>
        %parallel_loop3A_1080 = arith.shli %parallel_loop3A_1077, %parallel_loop3A_1079 : vector<16xi32>
        %parallel_loop3A_1081 = tpu.bitcast %parallel_loop3A_1080 : vector<16xi32> -> vector<16xf32>
        %parallel_loop3A_1082 = arith.constant 16 : i32
        %parallel_loop3A_1083 = vector.broadcast %parallel_loop3A_1082 : i32 to vector<16xi32>
        %parallel_loop3A_1084 = arith.shrsi %parallel_loop3A_1077, %parallel_loop3A_1083 : vector<16xi32>
        %parallel_loop3A_1085 = arith.constant 16 : i32
        %parallel_loop3A_1086 = vector.broadcast %parallel_loop3A_1085 : i32 to vector<16xi32>
        %parallel_loop3A_1087 = arith.shli %parallel_loop3A_1084, %parallel_loop3A_1086 : vector<16xi32>
        %parallel_loop3A_1088 = tpu.bitcast %parallel_loop3A_1087 : vector<16xi32> -> vector<16xf32>
        %parallel_loop3A_1089 = arith.index_cast %parallel_loop3A_342 : i32 to index
        %parallel_loop3A_1090 = arith.constant 896 : index
        %parallel_loop3A_1091 = tpu.vector_load %arg10[%parallel_loop3A_1089, %parallel_loop3A_1090] {strides = array<i32>} : memref<32x1024xf32, #tpu.memory_space<vmem>>, vector<1x16xf32>,
        %parallel_loop3A_1092 = vector.shape_cast %parallel_loop3A_1091 : vector<1x16xf32> to vector<16xf32>
        %parallel_loop3A_1093 = vector.shape_cast %parallel_loop3A_1081 : vector<16xf32> to vector<1x16xf32>
        tpu.vector_store %arg10[%parallel_loop3A_1089, %parallel_loop3A_1090], %parallel_loop3A_1093 {add = true, strides = array<i32>} : memref<32x1024xf32, #tpu.memory_space<vmem>>, vector<1x16xf32>,
        %parallel_loop3A_1094 = arith.index_cast %parallel_loop3A_342 : i32 to index
        %parallel_loop3A_1095 = arith.constant 912 : index
        %parallel_loop3A_1096 = tpu.vector_load %arg10[%parallel_loop3A_1094, %parallel_loop3A_1095] {strides = array<i32>} : memref<32x1024xf32, #tpu.memory_space<vmem>>, vector<1x16xf32>,
        %parallel_loop3A_1097 = vector.shape_cast %parallel_loop3A_1096 : vector<1x16xf32> to vector<16xf32>
        %parallel_loop3A_1098 = vector.shape_cast %parallel_loop3A_1088 : vector<16xf32> to vector<1x16xf32>
        tpu.vector_store %arg10[%parallel_loop3A_1094, %parallel_loop3A_1095], %parallel_loop3A_1098 {add = true, strides = array<i32>} : memref<32x1024xf32, #tpu.memory_space<vmem>>, vector<1x16xf32>,
        %parallel_loop3A_1099 = arith.constant 464 : i32
        %parallel_loop3A_1100 = arith.addi %parallel_loop3A_344, %parallel_loop3A_1099 : i32
        %parallel_loop3A_1101 = arith.index_cast %parallel_loop3A_1100 : i32 to index
        %parallel_loop3A_1102 = tpu.vector_load %arg8[%parallel_loop3A_1101] {strides = array<i32>} : memref<16384xi32, #tpu.memory_space<vmem>>, vector<16xi32>,
        %parallel_loop3A_1103 = vector.shape_cast %parallel_loop3A_1102 : vector<16xi32> to vector<16xi32>
        %parallel_loop3A_1104 = arith.constant 16 : i32
        %parallel_loop3A_1105 = vector.broadcast %parallel_loop3A_1104 : i32 to vector<16xi32>
        %parallel_loop3A_1106 = arith.shli %parallel_loop3A_1103, %parallel_loop3A_1105 : vector<16xi32>
        %parallel_loop3A_1107 = tpu.bitcast %parallel_loop3A_1106 : vector<16xi32> -> vector<16xf32>
        %parallel_loop3A_1108 = arith.constant 16 : i32
        %parallel_loop3A_1109 = vector.broadcast %parallel_loop3A_1108 : i32 to vector<16xi32>
        %parallel_loop3A_1110 = arith.shrsi %parallel_loop3A_1103, %parallel_loop3A_1109 : vector<16xi32>
        %parallel_loop3A_1111 = arith.constant 16 : i32
        %parallel_loop3A_1112 = vector.broadcast %parallel_loop3A_1111 : i32 to vector<16xi32>
        %parallel_loop3A_1113 = arith.shli %parallel_loop3A_1110, %parallel_loop3A_1112 : vector<16xi32>
        %parallel_loop3A_1114 = tpu.bitcast %parallel_loop3A_1113 : vector<16xi32> -> vector<16xf32>
        %parallel_loop3A_1115 = arith.index_cast %parallel_loop3A_342 : i32 to index
        %parallel_loop3A_1116 = arith.constant 928 : index
        %parallel_loop3A_1117 = tpu.vector_load %arg10[%parallel_loop3A_1115, %parallel_loop3A_1116] {strides = array<i32>} : memref<32x1024xf32, #tpu.memory_space<vmem>>, vector<1x16xf32>,
        %parallel_loop3A_1118 = vector.shape_cast %parallel_loop3A_1117 : vector<1x16xf32> to vector<16xf32>
        %parallel_loop3A_1119 = vector.shape_cast %parallel_loop3A_1107 : vector<16xf32> to vector<1x16xf32>
        tpu.vector_store %arg10[%parallel_loop3A_1115, %parallel_loop3A_1116], %parallel_loop3A_1119 {add = true, strides = array<i32>} : memref<32x1024xf32, #tpu.memory_space<vmem>>, vector<1x16xf32>,
        %parallel_loop3A_1120 = arith.index_cast %parallel_loop3A_342 : i32 to index
        %parallel_loop3A_1121 = arith.constant 944 : index
        %parallel_loop3A_1122 = tpu.vector_load %arg10[%parallel_loop3A_1120, %parallel_loop3A_1121] {strides = array<i32>} : memref<32x1024xf32, #tpu.memory_space<vmem>>, vector<1x16xf32>,
        %parallel_loop3A_1123 = vector.shape_cast %parallel_loop3A_1122 : vector<1x16xf32> to vector<16xf32>
        %parallel_loop3A_1124 = vector.shape_cast %parallel_loop3A_1114 : vector<16xf32> to vector<1x16xf32>
        tpu.vector_store %arg10[%parallel_loop3A_1120, %parallel_loop3A_1121], %parallel_loop3A_1124 {add = true, strides = array<i32>} : memref<32x1024xf32, #tpu.memory_space<vmem>>, vector<1x16xf32>,
        %parallel_loop3A_1125 = arith.constant 480 : i32
        %parallel_loop3A_1126 = arith.addi %parallel_loop3A_344, %parallel_loop3A_1125 : i32
        %parallel_loop3A_1127 = arith.index_cast %parallel_loop3A_1126 : i32 to index
        %parallel_loop3A_1128 = tpu.vector_load %arg8[%parallel_loop3A_1127] {strides = array<i32>} : memref<16384xi32, #tpu.memory_space<vmem>>, vector<16xi32>,
        %parallel_loop3A_1129 = vector.shape_cast %parallel_loop3A_1128 : vector<16xi32> to vector<16xi32>
        %parallel_loop3A_1130 = arith.constant 16 : i32
        %parallel_loop3A_1131 = vector.broadcast %parallel_loop3A_1130 : i32 to vector<16xi32>
        %parallel_loop3A_1132 = arith.shli %parallel_loop3A_1129, %parallel_loop3A_1131 : vector<16xi32>
        %parallel_loop3A_1133 = tpu.bitcast %parallel_loop3A_1132 : vector<16xi32> -> vector<16xf32>
        %parallel_loop3A_1134 = arith.constant 16 : i32
        %parallel_loop3A_1135 = vector.broadcast %parallel_loop3A_1134 : i32 to vector<16xi32>
        %parallel_loop3A_1136 = arith.shrsi %parallel_loop3A_1129, %parallel_loop3A_1135 : vector<16xi32>
        %parallel_loop3A_1137 = arith.constant 16 : i32
        %parallel_loop3A_1138 = vector.broadcast %parallel_loop3A_1137 : i32 to vector<16xi32>
        %parallel_loop3A_1139 = arith.shli %parallel_loop3A_1136, %parallel_loop3A_1138 : vector<16xi32>
        %parallel_loop3A_1140 = tpu.bitcast %parallel_loop3A_1139 : vector<16xi32> -> vector<16xf32>
        %parallel_loop3A_1141 = arith.index_cast %parallel_loop3A_342 : i32 to index
        %parallel_loop3A_1142 = arith.constant 960 : index
        %parallel_loop3A_1143 = tpu.vector_load %arg10[%parallel_loop3A_1141, %parallel_loop3A_1142] {strides = array<i32>} : memref<32x1024xf32, #tpu.memory_space<vmem>>, vector<1x16xf32>,
        %parallel_loop3A_1144 = vector.shape_cast %parallel_loop3A_1143 : vector<1x16xf32> to vector<16xf32>
        %parallel_loop3A_1145 = vector.shape_cast %parallel_loop3A_1133 : vector<16xf32> to vector<1x16xf32>
        tpu.vector_store %arg10[%parallel_loop3A_1141, %parallel_loop3A_1142], %parallel_loop3A_1145 {add = true, strides = array<i32>} : memref<32x1024xf32, #tpu.memory_space<vmem>>, vector<1x16xf32>,
        %parallel_loop3A_1146 = arith.index_cast %parallel_loop3A_342 : i32 to index
        %parallel_loop3A_1147 = arith.constant 976 : index
        %parallel_loop3A_1148 = tpu.vector_load %arg10[%parallel_loop3A_1146, %parallel_loop3A_1147] {strides = array<i32>} : memref<32x1024xf32, #tpu.memory_space<vmem>>, vector<1x16xf32>,
        %parallel_loop3A_1149 = vector.shape_cast %parallel_loop3A_1148 : vector<1x16xf32> to vector<16xf32>
        %parallel_loop3A_1150 = vector.shape_cast %parallel_loop3A_1140 : vector<16xf32> to vector<1x16xf32>
        tpu.vector_store %arg10[%parallel_loop3A_1146, %parallel_loop3A_1147], %parallel_loop3A_1150 {add = true, strides = array<i32>} : memref<32x1024xf32, #tpu.memory_space<vmem>>, vector<1x16xf32>,
        %parallel_loop3A_1151 = arith.constant 496 : i32
        %parallel_loop3A_1152 = arith.addi %parallel_loop3A_344, %parallel_loop3A_1151 : i32
        %parallel_loop3A_1153 = arith.index_cast %parallel_loop3A_1152 : i32 to index
        %parallel_loop3A_1154 = tpu.vector_load %arg8[%parallel_loop3A_1153] {strides = array<i32>} : memref<16384xi32, #tpu.memory_space<vmem>>, vector<16xi32>,
        %parallel_loop3A_1155 = vector.shape_cast %parallel_loop3A_1154 : vector<16xi32> to vector<16xi32>
        %parallel_loop3A_1156 = arith.constant 16 : i32
        %parallel_loop3A_1157 = vector.broadcast %parallel_loop3A_1156 : i32 to vector<16xi32>
        %parallel_loop3A_1158 = arith.shli %parallel_loop3A_1155, %parallel_loop3A_1157 : vector<16xi32>
        %parallel_loop3A_1159 = tpu.bitcast %parallel_loop3A_1158 : vector<16xi32> -> vector<16xf32>
        %parallel_loop3A_1160 = arith.constant 16 : i32
        %parallel_loop3A_1161 = vector.broadcast %parallel_loop3A_1160 : i32 to vector<16xi32>
        %parallel_loop3A_1162 = arith.shrsi %parallel_loop3A_1155, %parallel_loop3A_1161 : vector<16xi32>
        %parallel_loop3A_1163 = arith.constant 16 : i32
        %parallel_loop3A_1164 = vector.broadcast %parallel_loop3A_1163 : i32 to vector<16xi32>
        %parallel_loop3A_1165 = arith.shli %parallel_loop3A_1162, %parallel_loop3A_1164 : vector<16xi32>
        %parallel_loop3A_1166 = tpu.bitcast %parallel_loop3A_1165 : vector<16xi32> -> vector<16xf32>
        %parallel_loop3A_1167 = arith.index_cast %parallel_loop3A_342 : i32 to index
        %parallel_loop3A_1168 = arith.constant 992 : index
        %parallel_loop3A_1169 = tpu.vector_load %arg10[%parallel_loop3A_1167, %parallel_loop3A_1168] {strides = array<i32>} : memref<32x1024xf32, #tpu.memory_space<vmem>>, vector<1x16xf32>,
        %parallel_loop3A_1170 = vector.shape_cast %parallel_loop3A_1169 : vector<1x16xf32> to vector<16xf32>
        %parallel_loop3A_1171 = vector.shape_cast %parallel_loop3A_1159 : vector<16xf32> to vector<1x16xf32>
        tpu.vector_store %arg10[%parallel_loop3A_1167, %parallel_loop3A_1168], %parallel_loop3A_1171 {add = true, strides = array<i32>} : memref<32x1024xf32, #tpu.memory_space<vmem>>, vector<1x16xf32>,
        %parallel_loop3A_1172 = arith.index_cast %parallel_loop3A_342 : i32 to index
        %parallel_loop3A_1173 = arith.constant 1008 : index
        %parallel_loop3A_1174 = tpu.vector_load %arg10[%parallel_loop3A_1172, %parallel_loop3A_1173] {strides = array<i32>} : memref<32x1024xf32, #tpu.memory_space<vmem>>, vector<1x16xf32>,
        %parallel_loop3A_1175 = vector.shape_cast %parallel_loop3A_1174 : vector<1x16xf32> to vector<16xf32>
        %parallel_loop3A_1176 = vector.shape_cast %parallel_loop3A_1166 : vector<16xf32> to vector<1x16xf32>
        tpu.vector_store %arg10[%parallel_loop3A_1172, %parallel_loop3A_1173], %parallel_loop3A_1176 {add = true, strides = array<i32>} : memref<32x1024xf32, #tpu.memory_space<vmem>>, vector<1x16xf32>,
      } {sc.loop_unroll_factor = 1 : i64, sc.parallel_access}
      %jit3A_281 = arith.constant 4 : i32
      %eq3A_282 = arith.constant 0 : i32
      %eq3A_283 = arith.cmpi eq, %jit3A_281, %eq3A_282 : i32
      %jit3A_284 = arith.constant 1 : i32
      %select_n3A_285 = arith.select %eq3A_283, %jit3A_284, %jit3A_281 : i32
      %rem3A_286 = arith.remsi %add3A_223, %select_n3A_285 : i32
      %ne3A_287 = arith.constant 0 : i32
      %ne3A_288 = arith.cmpi ne, %rem3A_286, %ne3A_287 : i32
      %lt3A_289 = arith.constant 0 : i32
      %lt3A_290 = arith.cmpi slt, %rem3A_286, %lt3A_289 : i32
      %lt3A_291 = arith.constant 0 : i32
      %lt3A_292 = arith.cmpi slt, %select_n3A_285, %lt3A_291 : i32
      %ne3A_293 = arith.xori %lt3A_290, %lt3A_292 : i1
      %and3A_294 = arith.andi %ne3A_293, %ne3A_288 : i1
      %add3A_295 = arith.addi %rem3A_286, %select_n3A_285 : i32
      %select_n3A_296 = arith.select %and3A_294, %add3A_295, %rem3A_286 : i32
      %jit3A_297 = arith.constant 4 : i32
      %div3A_298 = arith.divsi %add3A_223, %jit3A_297 : i32
      %sign3A_299 = arith.constant 0 : i32
      %sign3A_300 = arith.cmpi sgt, %add3A_223, %sign3A_299 : i32
      %sign3A_301 = arith.extui %sign3A_300 : i1 to i32
      %sign3A_302 = arith.constant 0 : i32
      %sign3A_303 = arith.cmpi slt, %add3A_223, %sign3A_302 : i32
      %sign3A_304 = arith.extui %sign3A_303 : i1 to i32
      %sign3A_305 = arith.subi %sign3A_301, %sign3A_304 : i32
      %sign3A_306 = arith.constant 0 : i32
      %sign3A_307 = arith.cmpi sgt, %jit3A_297, %sign3A_306 : i32
      %sign3A_308 = arith.extui %sign3A_307 : i1 to i32
      %sign3A_309 = arith.constant 0 : i32
      %sign3A_310 = arith.cmpi slt, %jit3A_297, %sign3A_309 : i32
      %sign3A_311 = arith.extui %sign3A_310 : i1 to i32
      %sign3A_312 = arith.subi %sign3A_308, %sign3A_311 : i32
      %ne3A_313 = arith.cmpi ne, %sign3A_305, %sign3A_312 : i32
      %rem3A_314 = arith.remsi %add3A_223, %jit3A_297 : i32
      %ne3A_315 = arith.constant 0 : i32
      %ne3A_316 = arith.cmpi ne, %rem3A_314, %ne3A_315 : i32
      %and3A_317 = arith.andi %ne3A_313, %ne3A_316 : i1
      %sub3A_318 = arith.constant 1 : i32
      %sub3A_319 = arith.subi %div3A_298, %sub3A_318 : i32
      %select_n3A_320 = arith.select %and3A_317, %sub3A_319, %div3A_298 : i32
      %mul3A_321 = arith.constant 32 : i32
      %mul3A_322 = arith.muli %select_n3A_320, %mul3A_321 : i32
      %add3A_323 = arith.addi %mul3A_2, %mul3A_322 : i32
      %dma_start3A_324 = arith.constant 0 : i32
      %dma_start3A_325 = tpu.memref_slice %arg6[%select_n3A_296, %add3A_323, %dma_start3A_324] : memref<4x2048x1024xf32, #tpu.memory_space<hbm>> -> memref<1x32x1024xf32, #tpu.memory_space<hbm>>
      %dma_start3A_326 = tpu.memref_squeeze %dma_start3A_325 : memref<1x32x1024xf32, #tpu.memory_space<hbm>> -> memref<32x1024xf32, #tpu.memory_space<hbm>>
      %dma_start3A_327 = arith.constant 0 : i32
      %dma_start3A_328 = tpu.memref_slice %arg6[%select_n3A_296, %add3A_323, %dma_start3A_327] : memref<4x2048x1024xf32, #tpu.memory_space<hbm>> -> memref<1x32x1024xf32, #tpu.memory_space<hbm>>
      %dma_start3A_329 = tpu.memref_squeeze %dma_start3A_328 : memref<1x32x1024xf32, #tpu.memory_space<hbm>> -> memref<32x1024xf32, #tpu.memory_space<hbm>>
      tpu.enqueue_dma source(%arg10 : memref<32x1024xf32, #tpu.memory_space<vmem>>) target(%dma_start3A_329 : memref<32x1024xf32, #tpu.memory_space<hbm>>) target_semaphore(%arg16 : memref<!tpu.dma_semaphore, #tpu.memory_space<semaphore_mem>>)
      %eq3A_330 = arith.constant 3 : i32
      %eq3A_331 = arith.cmpi eq, %add3A_223, %eq3A_330 : i32
      %convert_element_type3A_332 = arith.extui %eq3A_331 : i1 to i32
      %cond3A_333 = arith.constant 0 : i32
      %cond3A_334 = arith.cmpi ne, %convert_element_type3A_332, %cond3A_333 : i32
      scf.if %cond3A_334 {
        %mul3A_342 = arith.constant 16384 : i32
        %mul3A_343 = arith.muli %add3A, %mul3A_342 : i32
        %dma_start3A_344 = tpu.memref_slice %arg5[%mul3A_343] : memref<524288xi32, #tpu.memory_space<hbm>> -> memref<16384xi32, #tpu.memory_space<hbm>>
        %dma_start3A_345 = tpu.memref_slice %arg5[%mul3A_343] : memref<524288xi32, #tpu.memory_space<hbm>> -> memref<16384xi32, #tpu.memory_space<hbm>>
        tpu.enqueue_dma source(%dma_start3A_345 : memref<16384xi32, #tpu.memory_space<hbm>>) target(%arg8 : memref<16384xi32, #tpu.memory_space<vmem>>) target_semaphore(%arg11 : memref<!tpu.dma_semaphore, #tpu.memory_space<semaphore_mem>>)
      } else {
      }
      %add3A_335 = arith.constant 2 : i32
      %add3A_336 = arith.addi %add3A_223, %add3A_335 : i32
      %lt3A_337 = arith.constant 8 : i32
      %lt3A_338 = arith.cmpi slt, %add3A_336, %lt3A_337 : i32
      %convert_element_type3A_339 = arith.extui %lt3A_338 : i1 to i32
      %cond3A_340 = arith.constant 0 : i32
      %cond3A_341 = arith.cmpi ne, %convert_element_type3A_339, %cond3A_340 : i32
      scf.if %cond3A_341 {
        %dma_wait3A_342 = arith.constant 0 : i32
        %dma_wait3A_343 = tpu.memref_slice %arg6[%select_n3A_296, %add3A_323, %dma_wait3A_342] : memref<4x2048x1024xf32, #tpu.memory_space<hbm>> -> memref<1x32x1024xf32, #tpu.memory_space<hbm>>
        %dma_wait3A_344 = tpu.memref_squeeze %dma_wait3A_343 : memref<1x32x1024xf32, #tpu.memory_space<hbm>> -> memref<32x1024xf32, #tpu.memory_space<hbm>>
        %dma_wait3A_345 = arith.constant 0 : i32
        %dma_wait3A_346 = tpu.memref_slice %arg6[%select_n3A_296, %add3A_323, %dma_wait3A_345] : memref<4x2048x1024xf32, #tpu.memory_space<hbm>> -> memref<1x32x1024xf32, #tpu.memory_space<hbm>>
        %dma_wait3A_347 = tpu.memref_squeeze %dma_wait3A_346 : memref<1x32x1024xf32, #tpu.memory_space<hbm>> -> memref<32x1024xf32, #tpu.memory_space<hbm>>
        tpu.wait_dma2 semaphore(%arg16 : memref<!tpu.dma_semaphore, #tpu.memory_space<semaphore_mem>>) src(%arg10 : memref<32x1024xf32, #tpu.memory_space<vmem>>) dst(%dma_wait3A_347 : memref<32x1024xf32, #tpu.memory_space<hbm>>)
        %add3A_348 = arith.constant 2 : i32
        %add3A_349 = arith.addi %add3A_223, %add3A_348 : i32
        %jit3A_350 = arith.constant 4 : i32
        %eq3A_351 = arith.constant 0 : i32
        %eq3A_352 = arith.cmpi eq, %jit3A_350, %eq3A_351 : i32
        %jit3A_353 = arith.constant 1 : i32
        %select_n3A_354 = arith.select %eq3A_352, %jit3A_353, %jit3A_350 : i32
        %rem3A_355 = arith.remsi %add3A_349, %select_n3A_354 : i32
        %ne3A_356 = arith.constant 0 : i32
        %ne3A_357 = arith.cmpi ne, %rem3A_355, %ne3A_356 : i32
        %lt3A_358 = arith.constant 0 : i32
        %lt3A_359 = arith.cmpi slt, %rem3A_355, %lt3A_358 : i32
        %lt3A_360 = arith.constant 0 : i32
        %lt3A_361 = arith.cmpi slt, %select_n3A_354, %lt3A_360 : i32
        %ne3A_362 = arith.xori %lt3A_359, %lt3A_361 : i1
        %and3A_363 = arith.andi %ne3A_362, %ne3A_357 : i1
        %add3A_364 = arith.addi %rem3A_355, %select_n3A_354 : i32
        %select_n3A_365 = arith.select %and3A_363, %add3A_364, %rem3A_355 : i32
        %mul3A_366 = arith.constant 64 : i32
        %mul3A_367 = arith.muli %select_n3A_365, %mul3A_366 : i32
        %jit3A_368 = arith.constant 4 : i32
        %div3A_369 = arith.divsi %add3A_349, %jit3A_368 : i32
        %sign3A_370 = arith.constant 0 : i32
        %sign3A_371 = arith.cmpi sgt, %add3A_349, %sign3A_370 : i32
        %sign3A_372 = arith.extui %sign3A_371 : i1 to i32
        %sign3A_373 = arith.constant 0 : i32
        %sign3A_374 = arith.cmpi slt, %add3A_349, %sign3A_373 : i32
        %sign3A_375 = arith.extui %sign3A_374 : i1 to i32
        %sign3A_376 = arith.subi %sign3A_372, %sign3A_375 : i32
        %sign3A_377 = arith.constant 0 : i32
        %sign3A_378 = arith.cmpi sgt, %jit3A_368, %sign3A_377 : i32
        %sign3A_379 = arith.extui %sign3A_378 : i1 to i32
        %sign3A_380 = arith.constant 0 : i32
        %sign3A_381 = arith.cmpi slt, %jit3A_368, %sign3A_380 : i32
        %sign3A_382 = arith.extui %sign3A_381 : i1 to i32
        %sign3A_383 = arith.subi %sign3A_379, %sign3A_382 : i32
        %ne3A_384 = arith.cmpi ne, %sign3A_376, %sign3A_383 : i32
        %rem3A_385 = arith.remsi %add3A_349, %jit3A_368 : i32
        %ne3A_386 = arith.constant 0 : i32
        %ne3A_387 = arith.cmpi ne, %rem3A_385, %ne3A_386 : i32
        %and3A_388 = arith.andi %ne3A_384, %ne3A_387 : i1
        %sub3A_389 = arith.constant 1 : i32
        %sub3A_390 = arith.subi %div3A_369, %sub3A_389 : i32
        %select_n3A_391 = arith.select %and3A_388, %sub3A_390, %div3A_369 : i32
        %mul3A_392 = arith.constant 32 : i32
        %mul3A_393 = arith.muli %select_n3A_391, %mul3A_392 : i32
        %add3A_394 = arith.addi %mul3A_367, %mul3A_393 : i32
        %dma_start3A_395 = tpu.memref_slice %arg7[%add3A_394] : memref<256xi32, #tpu.memory_space<vmem>> -> memref<32xi32, #tpu.memory_space<vmem>>
        %dma_start3A_396 = arith.constant 0 : i32
        %dma_start3A_397 = arith.constant 0 : i32
        %dma_start3A_398 = tpu.memref_slice %arg3[%dma_start3A_396, %dma_start3A_397] : memref<100000x1024xf32, #tpu.memory_space<hbm>> -> memref<100000x1024xf32, #tpu.memory_space<hbm>>
        tpu.enqueue_indirect_dma source(%dma_start3A_398 : memref<100000x1024xf32, #tpu.memory_space<hbm>>) target(%arg10 : memref<32x1024xf32, #tpu.memory_space<vmem>>) offsets(%dma_start3A_395 : memref<32xi32, #tpu.memory_space<vmem>>) semaphore(%arg14 : memref<!tpu.dma_semaphore, #tpu.memory_space<semaphore_mem>>)
      } else {
      }
    }
    %scan3A_93 = arith.constant 4 : i32
    %add3A_94 = arith.constant 32 : i32
    %add3A_95 = arith.addi %mul3A_2, %add3A_94 : i32
    %dma_wait3A_96 = arith.constant 2 : i32
    %dma_wait3A_97 = arith.constant 0 : i32
    %dma_wait3A_98 = tpu.memref_slice %arg6[%dma_wait3A_96, %add3A_95, %dma_wait3A_97] : memref<4x2048x1024xf32, #tpu.memory_space<hbm>> -> memref<1x32x1024xf32, #tpu.memory_space<hbm>>
    %dma_wait3A_99 = tpu.memref_squeeze %dma_wait3A_98 : memref<1x32x1024xf32, #tpu.memory_space<hbm>> -> memref<32x1024xf32, #tpu.memory_space<hbm>>
    %dma_wait3A_100 = arith.constant 0 : i32
    %dma_wait3A_101 = tpu.memref_slice %arg6[%dma_wait3A_96, %add3A_95, %dma_wait3A_100] : memref<4x2048x1024xf32, #tpu.memory_space<hbm>> -> memref<1x32x1024xf32, #tpu.memory_space<hbm>>
    %dma_wait3A_102 = tpu.memref_squeeze %dma_wait3A_101 : memref<1x32x1024xf32, #tpu.memory_space<hbm>> -> memref<32x1024xf32, #tpu.memory_space<hbm>>
    tpu.wait_dma2 semaphore(%arg15 : memref<!tpu.dma_semaphore, #tpu.memory_space<semaphore_mem>>) src(%arg9 : memref<32x1024xf32, #tpu.memory_space<vmem>>) dst(%dma_wait3A_102 : memref<32x1024xf32, #tpu.memory_space<hbm>>)
    %add3A_103 = arith.constant 32 : i32
    %add3A_104 = arith.addi %mul3A_2, %add3A_103 : i32
    %dma_wait3A_105 = arith.constant 3 : i32
    %dma_wait3A_106 = arith.constant 0 : i32
    %dma_wait3A_107 = tpu.memref_slice %arg6[%dma_wait3A_105, %add3A_104, %dma_wait3A_106] : memref<4x2048x1024xf32, #tpu.memory_space<hbm>> -> memref<1x32x1024xf32, #tpu.memory_space<hbm>>
    %dma_wait3A_108 = tpu.memref_squeeze %dma_wait3A_107 : memref<1x32x1024xf32, #tpu.memory_space<hbm>> -> memref<32x1024xf32, #tpu.memory_space<hbm>>
    %dma_wait3A_109 = arith.constant 0 : i32
    %dma_wait3A_110 = tpu.memref_slice %arg6[%dma_wait3A_105, %add3A_104, %dma_wait3A_109] : memref<4x2048x1024xf32, #tpu.memory_space<hbm>> -> memref<1x32x1024xf32, #tpu.memory_space<hbm>>
    %dma_wait3A_111 = tpu.memref_squeeze %dma_wait3A_110 : memref<1x32x1024xf32, #tpu.memory_space<hbm>> -> memref<32x1024xf32, #tpu.memory_space<hbm>>
    tpu.wait_dma2 semaphore(%arg16 : memref<!tpu.dma_semaphore, #tpu.memory_space<semaphore_mem>>) src(%arg10 : memref<32x1024xf32, #tpu.memory_space<vmem>>) dst(%dma_wait3A_111 : memref<32x1024xf32, #tpu.memory_space<hbm>>)
    return
  }
}

</mosaic_0001>

<sc_bundles>
// kernel: kernel.3.cloned.1.call-start
scs
__scs_entry_jumppad:
0x0: {  	(pc) =	sbr.rel $0x88, $3  }
0x1: {  	(tag) =	ssettag $0x0;
	lr =	simm.s32 $0x1  }
0x2: {  	[smem:$0x3F9F] =	sst lr;
	_ =	strace $0xD0000000  }
0x3: {  	_ = 	snop  }
0x4: {  	_ = 	snop  }
0x5: {  	_ = 	snop  }
0x6: {  	_ = 	snop  }
0x7: {  	_ = 	snop  }
__scs_overlays_trampoline_lowered:
0x8: {  	[smem:$0x3FAE] =	sst s0  }
0x9: {  	[smem:$0x3FAF] =	sst s1  }
0xa: {  	[smem:$0x3FB0] =	sst s2  }
0xb: {  	[smem:$0x3FB1] =	sst s3  }
0xc: {  	[smem:$0x3FB2] =	sst s4  }
0xd: {  	[smem:$0x3FB3] =	sst s5  }
0xe: {  	[smem:$0x3FB4] =	sst s6  }
0xf: {  	[smem:$0x3FB5] =	sst s7  }
0x10: {  	[smem:$0x3FB6] =	sst s8  }
0x11: {  	[smem:$0x3FB7] =	sst s9;
	s0 =	simm.s32 @!p0 $0x0  }
0x12: {  	s1 =	sld [smem:$0x3F9D];
	s0 =	simm.s32 @p0 $0x1  }
0x13: {  	[smem:$0x3FB8] =	sst s0;
	s0 =	simm.s32 @!p1 $0x0  }
0x14: {  	s2 =	sld [smem:$0x3F9C];
	s0 =	simm.s32 @p1 $0x1  }
0x15: {  	[smem:$0x3FB9] =	sst s0;
	s0 =	simm.s32 @!p2 $0x0  }
0x16: {  	s3 =	sld [smem:$0x3FDB];
	s0 =	simm.s32 @p2 $0x1  }
0x17: {  	s4 =	simm.s32 $0x1BF5;
	[smem:$0x3FBB] =	sst s0  }
0x18: {  	s0 =	sld [smem:$0x3F9E];
	_ =	swait.ge [sflag:s4], $0x0  }
0x19: {  	s7 =	sld [smem:$0x3F9F]  }
0x1a: {  	s8 =	sadd.s32 $0xFFFFE003, lr  }
0x1b: {  	s9 =	sadd.s32 $0xFFFFFEF7, lr;
	s5 =	simm.s32 $0xFFFFFFFF;
	p2 =	slt.u32 s8, $0xFFFFF086  }
0x1c: {  	p1 =	slt.u32 s9, $0xF7A;
	s5 =	simm.s32 @!p2 $0x0  }
0x1d: {  	s5 =	simm.s32 @p1 $0x1;
	p0 =	seq.s32 s7, s2  }
0x1e: {  	s7 =	smul.u32 @!p0 $0xF7A, s2;
	p2 =	seq.s32 @!p0 s5, $0x0  }
0x1f: {  	s9 =	smul.u32 $0xF7A, s1;
	s8 =	simm.s32 @!p0 $0x1BF5;
	p2 =	por !p2, p0  }
0x20: {  	[sflag:s8] =	ssyncset.s32 @!p0 $0xFFFFF086;
	s6 =	sadd.s32 @!p0 s3, s7;
	s7 =	simm.s32 @!p0 $0x108  }
0x21: {  	s3 =	sadd.s32 s3, s9;
	s6 =	sadd.s32 @!p0 $0x88, s6;
	s7 =	simm.s32 @p2 $0x1082  }
0x22: {  	[simem:s7], [sflag:s8] =	dma.local @!p0 [hbm:s6], $0xF7A  }
0x23: {  	s9 =	sor.u32 $0xD0000000, s2;
	s6 =	simm.s32 $0x108;
	_ =	swait.ge @!p0 [sflag:s8], $0x0  }
0x24: {  	s3 =	sadd.s32 $0x88, s3;
	s6 =	simm.s32 @!p1 $0x1082;
	[sflag:s4] =	ssyncset.s32 $0xFFFFF086  }
0x25: {  	[simem:s6], [sflag:s4] =	dma.local [hbm:s3], $0xF7A  }
0x26: {  	[smem:$0x3F9F] =	sst s1;
	(tag) =	ssettag s2;
	_ =	strace s9  }
0x27: {  	s1 =	sld [smem:$0x3FAF]  }
0x28: {  	s2 =	sld [smem:$0x3FB0]  }
0x29: {  	s4 =	sld [smem:$0x3FB2]  }
0x2a: {  	p0 =	seq.s32 s5, $0x0;
	s5 =	sld [smem:$0x3FB3]  }
0x2b: {  	s6 =	sld [smem:$0x3FB4]  }
0x2c: {  	s7 =	sld [smem:$0x3FB5]  }
0x2d: {  	s3 =	simm.s32 $0x108;
	s8 =	sld [smem:$0x3FB6]  }
0x2e: {  	s3 =	simm.s32 @!p0 $0x1082;
	s9 =	sld [smem:$0x3FB7]  }
0x2f: {  	lr =	sadd.s32 s0, s3;
	s0 =	sld [smem:$0x3FAE]  }
0x30: {  	s3 =	sld [smem:$0x3FB1]  }
0x31: {  	[smem:$0x3FBA] =	sst s10  }
0x32: {  	s10 =	sld [smem:$0x3FB8];
	_ =	sdelay $0x3  }
0x33: {  	p0 =	seq.s32 s10, $0x1;
	s10 =	sld [smem:$0x3FBA];
	_ =	sdelay $0x3  }
0x34: {  	[smem:$0x3FBA] =	sst s10  }
0x35: {  	s10 =	sld [smem:$0x3FB9];
	_ =	sdelay $0x3  }
0x36: {  	p1 =	seq.s32 s10, $0x1;
	s10 =	sld [smem:$0x3FBA];
	_ =	sdelay $0x3  }
0x37: {  	[smem:$0x3FBA] =	sst s10  }
0x38: {  	s10 =	sld [smem:$0x3FBB]  }
0x39: {  	_ = 	snop;
	(pc) =	sbr.ind lr, $3  }
0x3a: {  	_ = 	snop  }
0x3b: {  	_ = 	snop  }
0x3c: {  	p2 =	seq.s32 s10, $0x1;
	s10 =	sld [smem:$0x3FBA]  }
0x3d: {  	_ =	shalt  }
0x3e: {  	_ =	shalt  }
0x3f: {  	_ =	shalt  }
0x40: {  	_ =	shalt  }
0x41: {  	_ =	shalt  }
0x42: {  	_ =	shalt  }
0x43: {  	_ =	shalt  }
0x44: {  	_ =	shalt  }
0x45: {  	_ =	shalt  }
0x46: {  	_ =	shalt  }
0x47: {  	_ =	shalt  }
0x48: {  	_ =	shalt  }
0x49: {  	_ =	shalt  }
0x4a: {  	_ =	shalt  }
0x4b: {  	_ =	shalt  }
0x4c: {  	_ =	shalt  }
0x4d: {  	_ =	shalt  }
0x4e: {  	_ =	shalt  }
0x4f: {  	_ =	shalt  }
0x50: {  	_ =	shalt  }
0x51: {  	_ =	shalt  }
0x52: {  	_ =	shalt  }
0x53: {  	_ =	shalt  }
0x54: {  	_ =	shalt  }
0x55: {  	_ =	shalt  }
0x56: {  	_ =	shalt  }
0x57: {  	_ =	shalt  }
0x58: {  	_ =	shalt  }
0x59: {  	_ =	shalt  }
0x5a: {  	_ =	shalt  }
0x5b: {  	_ =	shalt  }
0x5c: {  	_ =	shalt  }
0x5d: {  	_ =	shalt  }
0x5e: {  	_ =	shalt  }
0x5f: {  	_ =	shalt  }
0x60: {  	_ =	shalt  }
0x61: {  	_ =	shalt  }
0x62: {  	_ =	shalt  }
0x63: {  	_ =	shalt  }
0x64: {  	_ =	shalt  }
0x65: {  	_ =	shalt  }
0x66: {  	_ =	shalt  }
0x67: {  	_ =	shalt  }
0x68: {  	_ =	shalt  }
0x69: {  	_ =	shalt  }
0x6a: {  	_ =	shalt  }
0x6b: {  	_ =	shalt  }
0x6c: {  	_ =	shalt  }
0x6d: {  	_ =	shalt  }
0x6e: {  	_ =	shalt  }
0x6f: {  	_ =	shalt  }
0x70: {  	_ =	shalt  }
0x71: {  	_ =	shalt  }
0x72: {  	_ =	shalt  }
0x73: {  	_ =	shalt  }
0x74: {  	_ =	shalt  }
0x75: {  	_ =	shalt  }
0x76: {  	_ =	shalt  }
0x77: {  	_ =	shalt  }
0x78: {  	_ =	shalt  }
0x79: {  	_ =	shalt  }
0x7a: {  	_ =	shalt  }
0x7b: {  	_ =	shalt  }
0x7c: {  	_ =	shalt  }
0x7d: {  	_ =	shalt  }
0x7e: {  	_ =	shalt  }
0x7f: {  	_ =	shalt  }
0x80: {  	_ =	shalt  }
0x81: {  	_ =	shalt  }
0x82: {  	_ =	shalt  }
0x83: {  	_ =	shalt  }
0x84: {  	_ =	shalt  }
0x85: {  	_ =	shalt  }
0x86: {  	_ =	shalt  }
0x87: {  	_ =	shalt  }
.Lfunc_end0:
.L_simem_size_0:
called_computation_lowered:
.L_overlay_start_0:
0x88: {  	s2 =	sld [smem:$0x3FD9]  }
0x89: {  	s3 =	sld [smem:$0x3FFE];
	_ =	sdelay $0x1  }
0x8a: {  	s1 =	srdreg.scid  }
0x8b: {  	s0 =	sand.u32 $0x1, s1  }
0x8c: {  	s17 =	sshll.u32 s0, $0xA;
	s2 =	sadd.s32 s3, s2  }
0x8d: {  	s2 =	sadd.s32 s2, s17  }
0x8e: {  	[smem:$0x3FC6] =	sst s2  }
0x8f: {  	_ = 	snop  }
0x90: {  	s2 =	sld [smem:$0x3FC9]  }
0x91: {  	s18 =	sld [smem:$0x3FC8]  }
0x92: {  	s4 =	sld [smem:$0x3FD0];
	(tm) =	ssettm $0x1  }
0x93: {  	s5 =	sld [smem:$0x3FFB];
	_ =	sdelay $0x3  }
0x94: {  	_ =	strace s5  }
0x95: {  	s5 =	sld [smem:$0x3FFC];
	_ =	sdelay $0x3  }
0x96: {  	_ =	strace s5  }
0x97: {  	s5 =	sld [smem:$0x3FFD];
	_ =	sdelay $0x3  }
0x98: {  	_ =	strace s5  }
0x99: {  	_ =	strace $0x8FFFFFFF  }
0x9a: {  	s19 =	sld [smem:$0x3FDB];
	_ =	sdelay $0x1  }
0x9b: {  	s6 =	simm.s32 $_scs_section_size  }
0x9c: {  	s7 =	simm.s32 $_size__tile_overlayer_lowered;
	s8 =	simm.s32 $_tile_overlayer_lowered  }
0x9d: {  	s22 =	simm.s32 $0x1BFF;
	s21 =	sshll.u32 s8, $0x1;
	s5 =	sadd.s32 s6, s19  }
0x9e: {  	s9 =	simm.s32 $0x0;
	s20 =	sshll.u32 s7, $0x1;
	s7 =	sadd.s32 s21, s5  }
0x9f: {  	[timem:s9], [sflag:s22] =	dma.local [hbm:s7], s20  }
0xa0: {  	_ =	swait.ge [sflag:s22], s20  }
0xa1: {  	s6 =	ssub.s32 $0x0, s20;
	[sflag:s22] =	ssyncset.done $0x0  }
0xa2: {  	[sflag:s22] =	ssyncadd.s32 s6;
	_ =	sdelay $0x1  }
0xa3: {  	s23 =	simm.s32 $0x1B8B  }
0xa4: {  	_ =	swait.ge [sflag:s23], $0x1  }
0xa5: {  	[sflag:s23] =	ssyncset.done $0x0  }
0xa6: {  	s25 =	simm.s32 $0x1B8E;
	s24 =	sld [smem:$0x3FFE];
	[sflag:s23] =	ssyncadd.s32 $0xFFFFFFFF  }
0xa7: {  	s26 =	simm.s32 $execute0_lowered;
	[smem:$0x3FD2] =	sst s25  }
0xa8: {  	s7 =	sshll.u32 s26, $0x1;
	_ =	strace $0x80000046;
	[dreg:$0x1] =	wrdreg $0xFFFFFFFF  }
0xa9: {  	s28 =	simm.s32 $_size_execute0_lowered;
	s5 =	sadd.s32 s5, s7;
	[dreg:$0x0] =	wrdreg $0x0  }
0xaa: {  	s7 =	sshll.u32 s28, $0x1;
	[dreg:$0x2] =	wrdreg s5  }
0xab: {  	[dreg:$0x3] =	wrdreg s7  }
0xac: {  	[dreg:$0x4] =	wrdreg $0xC0  }
0xad: {  	_ =	task [dreg:s9], $0x5FFFF  }
0xae: {  	[dreg:$0x1] =	wrdreg $0xFFFFFFFF  }
0xaf: {  	[dreg:$0x0] =	wrdreg $0x60  }
0xb0: {  	[dreg:$0x2] =	wrdreg s2  }
0xb1: {  	[dreg:$0x3] =	wrdreg s18  }
0xb2: {  	[dreg:$0x4] =	wrdreg s24  }
0xb3: {  	[dreg:$0x5] =	wrdreg s4  }
0xb4: {  	[dreg:$0x6] =	wrdreg $0x9  }
0xb5: {  	_ =	task.clear_ibuf [dreg:s9], $0x7FFFF;
	_ =	strace $0x90000046  }
0xb6: {  	s29 =	simm.s32 $0x9;
	_ =	strace $0x80000048  }
0xb7: {  	_ =	swait.ge [sflag:s29], $0x1  }
0xb8: {  	[sflag:s29] =	ssyncadd.s32 $0xFFFFFFFF  }
0xb9: {  	_ =	strace $0x90000048  }
0xba: {  	_ =	sfence  }
0xbb: {  	s30 =	sld [smem:$0x0];
	_ =	sdelay $0x2  }
0xbc: {  	s31 =	sshll.u32 s1, $0xD;
	s1 =	sshrl.u32 s1, $0x2  }
0xbd: {  	s3 =	sand.u32 $0x4000, s31;
	s1 =	sadd.s32 s1, s30  }
0xbe: {  	s0 =	sor.u32 s3, s0;
	s1 =	sshll.u32 s1, $0x11  }
0xbf: {  	s0 =	sor.u32 s1, s0  }
0xc0: {  	s0 =	sadd.s32 $0x8F2B, s0  }
0xc1: {  	[sflag:s0] =	ssyncadd.remote.s32 $0x1  }
0xc2: {  	_ =	sfence.sel $0xFFFF  }
0xc3: {  	[dreg:$0x0] =	wrdreg $0xFFFFFFFF;
	(pc) =	sbr.abs _section_cstart, $3  }
0xc4: {  	[dreg:$0x1] =	wrdreg $0xFFFFFFFF  }
0xc5: {  	_ =	task.clear_ibuf [dreg:s9], $0x2FFFF;
	_ =	strace $0x9FFFFFFF  }
0xc6: {  	(tm) =	ssettm $0x7FFFFFFF  }
0xc7: {  	_ =	shalt  }
tec
execute0_lowered:
.L_overlay_start_1:
0x0: {  	(tag) =	ssettag $0x1  }
0x1: {  	s0 =	rddreg [dreg:$0x0]  }
0x2: {  	s1 =	rddreg [dreg:$0x1]  }
0x3: {  	s2 =	rddreg [dreg:$0x2];
	s3 =	srdreg.scid  }
0x4: {  	s4 =	stileid.u32;
	s14 =	rddreg [dreg:$0x3];
	s31 =	simm.s32 $0x12900  }
0x5: {  	s18 =	simm.s32 $0x3;
	s19 =	simm.s32 $0x4;
	s20 =	simm.s32 $0x6  }
0x6: {  	s3 =	sand.u32 $0x1, s3;
	s5 =	sshll.u32 s4, $0x1;
	s4 =	simm.s32 $0x0  }
0x7: {  	s10 =	sadd.s32 $0x100, s1;
	s11 =	sadd.s32 $0x200, s1;
	s12 =	sadd.s32 $0x300, s1  }
0x8: {  	s14 =	sadd.s32 $0x40000, s14;
	s5 =	sor.u32 s3, s5;
	[smem:$0x7FF] =	sst s4  }
0x9: {  	s7 =	ssub.s32 $0x2, s3;
	s3 =	sshll.u32 s3, $0x6;
	s6 =	sshll.u32 s5, $0xB  }
0xa: {  	_ =	strace $0x80000047;
	s22 =	sshll.u32 s5, $0x8;
	s9 =	sshrl.u32 s7, $0x1  }
0xb: {  	s13 =	sshll.u32 s5, $0xD;
	s5 =	simm.s32 $0x5;
	s2 =	sadd.s32 s6, s2  }
0xc: {  	s8 =	sand.u32 $0x1E00, s22;
	s23 =	ssub.s32 s7, s9;
	s6 =	simm.s32 $0x0  }
0xd: {  	s8 =	sor.u32 s3, s8;
	s3 =	sor.u32 s3, s22;
	s25 =	sadd.s32 $0x10600, s2  }
0xe: {  	s29 =	sadd.s32 $0x600, s2;
	s30 =	smax.u32 s23, $0x1;
	[dreg:$0x5] =	wrdreg s25  }
0xf: {  	s22 =	simm.s32 $0x4100;
	s24 =	sshrl.u32 s8, $0x3;
	[dreg:$0xa] =	wrdreg s29  }
0x10: {  	s3 =	sshrl.u32 s3, $0x3;
	[dreg:$0xb] =	wrdreg s30;
	s26 =	sadd.s32 s0, s24  }
0x11: {  	s28 =	sor.u32 $0x20, s3;
	[dreg:$0x6] =	wrdreg s26;
	s8 =	sadd.s32 $0x10, s26  }
0x12: {  	v2 =	vlaneseq.u32;
	s3 =	sor.u32 $0x30, s3;
	s7 =	sadd.s32 s0, s28;
	[dreg:$0x7] =	wrdreg s8  }
0x13: {  	vm0 =	vmmov $0xffff;
	v1 =	vshrl.u32 v2, $0x3;
	s2 =	simm.s32 $0x13100;
	s0 =	sadd.s32 s0, s3;
	[dreg:$0x8] =	wrdreg s7  }
0x14: {  	v0 =	vand.u32 $0x7, v2;
	v2 =	vor.u32 $0x8, v2;
	v1 =	vmul.u32 $0x8, v1;
	[dreg:$0x9] =	wrdreg s0;
	s8 =	simm.s32 $0xC100;
	s0 =	simm.s32 $0x13900  }
.LBB2_1:
0x15: {  	[dreg:$0xc] =	wrdreg s6  }
0x16: {  	s3 =	rddreg [dreg:$0x5];
	s17 =	simm.s32 $0x100  }
0x17: {  	[tilespmem:s17], [sflag:$0x1] =	stream.linear.gather [hbm4b:s3+s4], $0x4000, $0x38;
	[tilespmem:$0x14100] =	vst v63  }
0x18: {  	s21 =	rddreg [dreg:$0x6]  }
0x19: {  	[tilespmem:s4], [sflag:$0x2] =	stream.linear.gather [hbm4b:s21+s4], $0x40, $0x38;
	[tilespmem:$0x14100] =	vst v63  }
0x1a: {  	s23 =	rddreg [dreg:$0x7];
	s24 =	simm.s32 $0x40  }
0x1b: {  	[tilespmem:s24], [sflag:$0x2] =	stream.linear.gather [hbm4b:s23+s4], $0x40, $0x38;
	[tilespmem:$0x14100] =	vst v63  }
0x1c: {  	s25 =	rddreg [dreg:$0x8];
	s26 =	simm.s32 $0x80  }
0x1d: {  	[tilespmem:s26], [sflag:$0x2] =	stream.linear.gather [hbm4b:s25+s4], $0x40, $0x38;
	[tilespmem:$0x14100] =	vst v63  }
0x1e: {  	s28 =	rddreg [dreg:$0x9];
	s29 =	simm.s32 $0xC0;
	s30 =	simm.s32 $0x2  }
0x1f: {  	[tilespmem:s29], [sflag:$0x2] =	stream.linear.gather [hbm4b:s28+s4], $0x40, $0x38;
	[tilespmem:$0x14100] =	vst v63  }
0x20: {  	_ =	swait.ge [sflag:s30], $0x40  }
0x21: {  	[sflag:s30] =	ssyncset.done $0x0  }
0x22: {  	[sflag:s30] =	ssyncadd.s32 $0xFFFFFFC0  }
0x23: {  	_ =	swait.ge [sflag:s30], $0x40  }
0x24: {  	[sflag:s30] =	ssyncset.done $0x0  }
0x25: {  	[sflag:s30] =	ssyncadd.s32 $0xFFFFFFC0  }
0x26: {  	_ =	swait.ge [sflag:s30], $0x40  }
0x27: {  	[sflag:s30] =	ssyncset.done $0x0  }
0x28: {  	[sflag:s30] =	ssyncadd.s32 $0xFFFFFFC0  }
0x29: {  	_ =	swait.ge [sflag:s30], $0x40  }
0x2a: {  	[sflag:s30] =	ssyncset.done $0x0  }
0x2b: {  	[sflag:s30] =	ssyncadd.s32 $0xFFFFFFC0  }
0x2c: {  	v3 =	vld [tilespmem:$0x0];
	_ =	sdelay $0x4  }
0x2d: {  	v4 =	vshll.u32 v3, $0x3  }
0x2e: {  	v3 =	vand.u32 $0x7, v3;
	v4 =	vand.u32 $0xFFFFFFC0, v4  }
0x2f: {  	v3 =	vor.u32 v3, v4  }
0x30: {  	v4 =	vperm.xlane v3, v0;
	_ =	sdelay $0x1  }
0x31: {  	v4 =	vadd.s32 v1, v4;
	_ =	sdelay $0x4  }
0x32: {  	[tilespmem:s22], [sflag:$0x3] =	stream.indirect_vreg.gather [hbm4b:s1+s4], $0x80, v4, vm0, $0xb8;
	[tilespmem:$0x14100] =	vst v63  }
0x33: {  	s6 =	simm.s32 $0x4900;
	v3 =	vperm.xlane v3, v2  }
0x34: {  	[tilespmem:s6], [sflag:$0x3] =	stream.indirect_vreg.gather [hbm4b:s10+s4], $0x80, v4, vm0, $0xb8;
	[tilespmem:$0x14100] =	vst v63  }
0x35: {  	s7 =	simm.s32 $0x5100;
	v3 =	vadd.s32 v1, v3  }
0x36: {  	[tilespmem:s7], [sflag:$0x3] =	stream.indirect_vreg.gather [hbm4b:s11+s4], $0x80, v4, vm0, $0xb8;
	[tilespmem:$0x14100] =	vst v63  }
0x37: {  	s9 =	simm.s32 $0x5900  }
0x38: {  	[tilespmem:s9], [sflag:$0x3] =	stream.indirect_vreg.gather [hbm4b:s12+s4], $0x80, v4, vm0, $0xb8;
	[tilespmem:$0x14100] =	vst v63  }
0x39: {  	s15 =	simm.s32 $0x6100  }
0x3a: {  	[tilespmem:s15], [sflag:$0x3] =	stream.indirect_vreg.gather [hbm4b:s1+s4], $0x80, v3, vm0, $0xb8;
	[tilespmem:$0x14100] =	vst v63  }
0x3b: {  	s16 =	simm.s32 $0x6900  }
0x3c: {  	[tilespmem:s16], [sflag:$0x3] =	stream.indirect_vreg.gather [hbm4b:s10+s4], $0x80, v3, vm0, $0xb8;
	[tilespmem:$0x14100] =	vst v63  }
0x3d: {  	s17 =	simm.s32 $0x7100  }
0x3e: {  	[tilespmem:s17], [sflag:$0x3] =	stream.indirect_vreg.gather [hbm4b:s11+s4], $0x80, v3, vm0, $0xb8;
	[tilespmem:$0x14100] =	vst v63  }
0x3f: {  	s21 =	simm.s32 $0x7900  }
0x40: {  	[tilespmem:s21], [sflag:$0x3] =	stream.indirect_vreg.gather [hbm4b:s12+s4], $0x80, v3, vm0, $0xb8;
	[tilespmem:$0x14100] =	vst v63  }
0x41: {  	v3 =	vld [tilespmem:$0x10];
	_ =	sdelay $0x4  }
0x42: {  	v61 =	vshll.u32 v3, $0x3  }
0x43: {  	v3 =	vand.u32 $0x7, v3;
	v4 =	vand.u32 $0xFFFFFFC0, v61  }
0x44: {  	v3 =	vor.u32 v3, v4  }
0x45: {  	v4 =	vperm.xlane v3, v0;
	_ =	sdelay $0x1  }
0x46: {  	v4 =	vadd.s32 v1, v4;
	_ =	sdelay $0x3  }
0x47: {  	s23 =	simm.s32 $0x8100  }
0x48: {  	[tilespmem:s23], [sflag:$0x3] =	stream.indirect_vreg.gather [hbm4b:s1+s4], $0x80, v4, vm0, $0xb8;
	[tilespmem:$0x14100] =	vst v63  }
0x49: {  	s24 =	simm.s32 $0x8900;
	v3 =	vperm.xlane v3, v2  }
0x4a: {  	[tilespmem:s24], [sflag:$0x3] =	stream.indirect_vreg.gather [hbm4b:s10+s4], $0x80, v4, vm0, $0xb8;
	[tilespmem:$0x14100] =	vst v63  }
0x4b: {  	s25 =	simm.s32 $0x9100;
	v3 =	vadd.s32 v1, v3  }
0x4c: {  	[tilespmem:s25], [sflag:$0x3] =	stream.indirect_vreg.gather [hbm4b:s11+s4], $0x80, v4, vm0, $0xb8;
	[tilespmem:$0x14100] =	vst v63  }
0x4d: {  	s26 =	simm.s32 $0x9900  }
0x4e: {  	[tilespmem:s26], [sflag:$0x3] =	stream.indirect_vreg.gather [hbm4b:s12+s4], $0x80, v4, vm0, $0xb8;
	[tilespmem:$0x14100] =	vst v63  }
0x4f: {  	s28 =	simm.s32 $0xA100  }
0x50: {  	[tilespmem:s28], [sflag:$0x3] =	stream.indirect_vreg.gather [hbm4b:s1+s4], $0x80, v3, vm0, $0xb8;
	[tilespmem:$0x14100] =	vst v63  }
0x51: {  	s29 =	simm.s32 $0xA900  }
0x52: {  	[tilespmem:s29], [sflag:$0x3] =	stream.indirect_vreg.gather [hbm4b:s10+s4], $0x80, v3, vm0, $0xb8;
	[tilespmem:$0x14100] =	vst v63  }
0x53: {  	s30 =	simm.s32 $0xB100  }
0x54: {  	[tilespmem:s30], [sflag:$0x3] =	stream.indirect_vreg.gather [hbm4b:s11+s4], $0x80, v3, vm0, $0xb8;
	[tilespmem:$0x14100] =	vst v63  }
0x55: {  	s6 =	simm.s32 $0xB900  }
0x56: {  	[tilespmem:s6], [sflag:$0x3] =	stream.indirect_vreg.gather [hbm4b:s12+s4], $0x80, v3, vm0, $0xb8;
	[tilespmem:$0x14100] =	vst v63  }
0x57: {  	v3 =	vld [tilespmem:$0x40];
	_ =	sdelay $0x4  }
0x58: {  	v62 =	vshll.u32 v3, $0x3  }
0x59: {  	v3 =	vand.u32 $0x7, v3;
	v4 =	vand.u32 $0xFFFFFFC0, v62  }
0x5a: {  	v3 =	vor.u32 v3, v4  }
0x5b: {  	v4 =	vperm.xlane v3, v0;
	_ =	sdelay $0x1  }
0x5c: {  	v4 =	vadd.s32 v1, v4;
	_ =	sdelay $0x4  }
0x5d: {  	[tilespmem:s8], [sflag:$0x4] =	stream.indirect_vreg.gather [hbm4b:s1+s4], $0x80, v4, vm0, $0xb8;
	[tilespmem:$0x14100] =	vst v63  }
0x5e: {  	s7 =	simm.s32 $0xC900;
	v3 =	vperm.xlane v3, v2  }
0x5f: {  	[tilespmem:s7], [sflag:$0x4] =	stream.indirect_vreg.gather [hbm4b:s10+s4], $0x80, v4, vm0, $0xb8;
	[tilespmem:$0x14100] =	vst v63  }
0x60: {  	s9 =	simm.s32 $0xD100;
	v3 =	vadd.s32 v1, v3  }
0x61: {  	[tilespmem:s9], [sflag:$0x4] =	stream.indirect_vreg.gather [hbm4b:s11+s4], $0x80, v4, vm0, $0xb8;
	[tilespmem:$0x14100] =	vst v63  }
0x62: {  	s15 =	simm.s32 $0xD900  }
0x63: {  	[tilespmem:s15], [sflag:$0x4] =	stream.indirect_vreg.gather [hbm4b:s12+s4], $0x80, v4, vm0, $0xb8;
	[tilespmem:$0x14100] =	vst v63  }
0x64: {  	s16 =	simm.s32 $0xE100  }
0x65: {  	[tilespmem:s16], [sflag:$0x4] =	stream.indirect_vreg.gather [hbm4b:s1+s4], $0x80, v3, vm0, $0xb8;
	[tilespmem:$0x14100] =	vst v63  }
0x66: {  	s17 =	simm.s32 $0xE900  }
0x67: {  	[tilespmem:s17], [sflag:$0x4] =	stream.indirect_vreg.gather [hbm4b:s10+s4], $0x80, v3, vm0, $0xb8;
	[tilespmem:$0x14100] =	vst v63  }
0x68: {  	s21 =	simm.s32 $0xF100  }
0x69: {  	[tilespmem:s21], [sflag:$0x4] =	stream.indirect_vreg.gather [hbm4b:s11+s4], $0x80, v3, vm0, $0xb8;
	[tilespmem:$0x14100] =	vst v63  }
0x6a: {  	s23 =	simm.s32 $0xF900  }
0x6b: {  	[tilespmem:s23], [sflag:$0x4] =	stream.indirect_vreg.gather [hbm4b:s12+s4], $0x80, v3, vm0, $0xb8;
	[tilespmem:$0x14100] =	vst v63  }
0x6c: {  	v3 =	vld [tilespmem:$0x50];
	_ =	sdelay $0x4  }
0x6d: {  	v63 =	vshll.u32 v3, $0x3  }
0x6e: {  	v3 =	vand.u32 $0x7, v3;
	v4 =	vand.u32 $0xFFFFFFC0, v63  }
0x6f: {  	v3 =	vor.u32 v3, v4  }
0x70: {  	v4 =	vperm.xlane v3, v0;
	_ =	sdelay $0x1  }
0x71: {  	v4 =	vadd.s32 v1, v4;
	_ =	sdelay $0x3  }
0x72: {  	s24 =	simm.s32 $0x10100  }
0x73: {  	[tilespmem:s24], [sflag:$0x4] =	stream.indirect_vreg.gather [hbm4b:s1+s4], $0x80, v4, vm0, $0xb8;
	[tilespmem:$0x14100] =	vst v63  }
0x74: {  	s25 =	simm.s32 $0x10900;
	v3 =	vperm.xlane v3, v2  }
0x75: {  	[tilespmem:s25], [sflag:$0x4] =	stream.indirect_vreg.gather [hbm4b:s10+s4], $0x80, v4, vm0, $0xb8;
	[tilespmem:$0x14100] =	vst v63  }
0x76: {  	s26 =	simm.s32 $0x11100;
	v3 =	vadd.s32 v1, v3  }
0x77: {  	[tilespmem:s26], [sflag:$0x4] =	stream.indirect_vreg.gather [hbm4b:s11+s4], $0x80, v4, vm0, $0xb8;
	[tilespmem:$0x14100] =	vst v63  }
0x78: {  	s28 =	simm.s32 $0x11900  }
0x79: {  	[tilespmem:s28], [sflag:$0x4] =	stream.indirect_vreg.gather [hbm4b:s12+s4], $0x80, v4, vm0, $0xb8;
	[tilespmem:$0x14100] =	vst v63  }
0x7a: {  	s29 =	simm.s32 $0x12100  }
0x7b: {  	[tilespmem:s29], [sflag:$0x4] =	stream.indirect_vreg.gather [hbm4b:s1+s4], $0x80, v3, vm0, $0xb8;
	[tilespmem:$0x14100] =	vst v63  }
0x7c: {  	_ = 	snop  }
0x7d: {  	[tilespmem:s31], [sflag:$0x4] =	stream.indirect_vreg.gather [hbm4b:s10+s4], $0x80, v3, vm0, $0xb8;
	[tilespmem:$0x14100] =	vst v63  }
0x7e: {  	_ = 	snop  }
0x7f: {  	[tilespmem:s2], [sflag:$0x4] =	stream.indirect_vreg.gather [hbm4b:s11+s4], $0x80, v3, vm0, $0xb8;
	[tilespmem:$0x14100] =	vst v63  }
.Ltmp0:
0x80: {  	s30 =	simm.s32 $0x1;
	(pc) =	sbr.rel .LBB2_2-.Ltmp0, $4  }
0x81: {  	[tilespmem:s0], [sflag:$0x4] =	stream.indirect_vreg.gather [hbm4b:s12+s4], $0x80, v3, vm0, $0xb8;
	[tilespmem:$0x14100] =	vst v63  }
0x82: {  	_ =	swait.ge [sflag:s30], $0x4000  }
0x83: {  	[sflag:s30] =	ssyncset.done $0x0  }
0x84: {  	s7 =	simm.s32 $0x0;
	[sflag:s30] =	ssyncadd.s32 $0xFFFFC000  }
.LBB2_12:
0x85: {  	s6 =	rddreg [dreg:$0xa];
	s9 =	simm.s32 $0x100  }
0x86: {  	[tilespmem:s9], [sflag:$0x1] =	stream.linear.gather [hbm4b:s6+s4], $0x4000, $0x38;
	[tilespmem:$0x14100] =	vst v63  }
.LBB2_13:
0x87: {  	s3 =	sadd.s32 $0x3, s3  }
0x88: {  	_ =	swait.ge [sflag:s20], $0x8000;
	s6 =	sshll.u32 s3, $0x6;
	s3 =	sshll.u32 s3, $0x3  }
0x89: {  	[sflag:s20] =	ssyncset.done $0x0;
	s6 =	sand.u32 $0xC0, s6;
	s3 =	sand.u32 $0x60, s3  }
0x8a: {  	[sflag:s20] =	ssyncadd.s32 $0xFFFF8000;
	s3 =	sadd.s32 s3, s6  }
0x8b: {  	v3 =	vld [tilespmem:s3+$0x0];
	_ =	sdelay $0x4  }
0x8c: {  	v4 =	vshll.u32 v3, $0x3  }
0x8d: {  	v3 =	vand.u32 $0x7, v3;
	v4 =	vand.u32 $0xFFFFFFC0, v4  }
0x8e: {  	v3 =	vor.u32 v3, v4  }
0x8f: {  	v4 =	vperm.xlane v3, v0;
	_ =	sdelay $0x1  }
0x90: {  	v4 =	vadd.s32 v1, v4;
	_ =	sdelay $0x4  }
0x91: {  	[tilespmem:s8], [sflag:$0x4] =	stream.indirect_vreg.gather [hbm4b:s1+s4], $0x80, v4, vm0, $0xb8;
	[tilespmem:$0x14100] =	vst v63  }
0x92: {  	s9 =	simm.s32 $0xC900;
	v3 =	vperm.xlane v3, v2  }
0x93: {  	[tilespmem:s9], [sflag:$0x4] =	stream.indirect_vreg.gather [hbm4b:s10+s4], $0x80, v4, vm0, $0xb8;
	[tilespmem:$0x14100] =	vst v63  }
0x94: {  	s15 =	simm.s32 $0xD100;
	v3 =	vadd.s32 v1, v3  }
0x95: {  	[tilespmem:s15], [sflag:$0x4] =	stream.indirect_vreg.gather [hbm4b:s11+s4], $0x80, v4, vm0, $0xb8;
	[tilespmem:$0x14100] =	vst v63  }
0x96: {  	s16 =	simm.s32 $0xD900  }
0x97: {  	[tilespmem:s16], [sflag:$0x4] =	stream.indirect_vreg.gather [hbm4b:s12+s4], $0x80, v4, vm0, $0xb8;
	[tilespmem:$0x14100] =	vst v63  }
0x98: {  	s17 =	simm.s32 $0xE100  }
0x99: {  	[tilespmem:s17], [sflag:$0x4] =	stream.indirect_vreg.gather [hbm4b:s1+s4], $0x80, v3, vm0, $0xb8;
	[tilespmem:$0x14100] =	vst v63  }
0x9a: {  	s21 =	simm.s32 $0xE900  }
0x9b: {  	[tilespmem:s21], [sflag:$0x4] =	stream.indirect_vreg.gather [hbm4b:s10+s4], $0x80, v3, vm0, $0xb8;
	[tilespmem:$0x14100] =	vst v63  }
0x9c: {  	s23 =	simm.s32 $0xF100  }
0x9d: {  	[tilespmem:s23], [sflag:$0x4] =	stream.indirect_vreg.gather [hbm4b:s11+s4], $0x80, v3, vm0, $0xb8;
	[tilespmem:$0x14100] =	vst v63  }
0x9e: {  	s24 =	simm.s32 $0xF900  }
0x9f: {  	[tilespmem:s24], [sflag:$0x4] =	stream.indirect_vreg.gather [hbm4b:s12+s4], $0x80, v3, vm0, $0xb8;
	[tilespmem:$0x14100] =	vst v63  }
0xa0: {  	v3 =	vld [tilespmem:s3+$0x10];
	_ =	sdelay $0x4  }
0xa1: {  	v63 =	vshll.u32 v3, $0x3  }
0xa2: {  	v3 =	vand.u32 $0x7, v3;
	v4 =	vand.u32 $0xFFFFFFC0, v63  }
0xa3: {  	v3 =	vor.u32 v3, v4  }
0xa4: {  	v4 =	vperm.xlane v3, v0;
	_ =	sdelay $0x1  }
0xa5: {  	v4 =	vadd.s32 v1, v4;
	_ =	sdelay $0x3  }
0xa6: {  	s25 =	simm.s32 $0x10100  }
0xa7: {  	[tilespmem:s25], [sflag:$0x4] =	stream.indirect_vreg.gather [hbm4b:s1+s4], $0x80, v4, vm0, $0xb8;
	[tilespmem:$0x14100] =	vst v63  }
0xa8: {  	s26 =	simm.s32 $0x10900;
	v3 =	vperm.xlane v3, v2  }
0xa9: {  	[tilespmem:s26], [sflag:$0x4] =	stream.indirect_vreg.gather [hbm4b:s10+s4], $0x80, v4, vm0, $0xb8;
	[tilespmem:$0x14100] =	vst v63  }
0xaa: {  	s28 =	simm.s32 $0x11100;
	v3 =	vadd.s32 v1, v3  }
0xab: {  	[tilespmem:s28], [sflag:$0x4] =	stream.indirect_vreg.gather [hbm4b:s11+s4], $0x80, v4, vm0, $0xb8;
	[tilespmem:$0x14100] =	vst v63  }
0xac: {  	s29 =	simm.s32 $0x11900  }
0xad: {  	[tilespmem:s29], [sflag:$0x4] =	stream.indirect_vreg.gather [hbm4b:s12+s4], $0x80, v4, vm0, $0xb8;
	[tilespmem:$0x14100] =	vst v63  }
0xae: {  	s30 =	simm.s32 $0x12100  }
0xaf: {  	[tilespmem:s30], [sflag:$0x4] =	stream.indirect_vreg.gather [hbm4b:s1+s4], $0x80, v3, vm0, $0xb8;
	[tilespmem:$0x14100] =	vst v63  }
0xb0: {  	_ = 	snop  }
0xb1: {  	[tilespmem:s31], [sflag:$0x4] =	stream.indirect_vreg.gather [hbm4b:s10+s4], $0x80, v3, vm0, $0xb8;
	[tilespmem:$0x14100] =	vst v63  }
0xb2: {  	_ = 	snop  }
0xb3: {  	[tilespmem:s2], [sflag:$0x4] =	stream.indirect_vreg.gather [hbm4b:s11+s4], $0x80, v3, vm0, $0xb8;
	[tilespmem:$0x14100] =	vst v63  }
0xb4: {  	s7 =	sadd.s32 $0x1, s7  }
0xb5: {  	[tilespmem:s0], [sflag:$0x4] =	stream.indirect_vreg.gather [hbm4b:s12+s4], $0x80, v3, vm0, $0xb8;
	[tilespmem:$0x14100] =	vst v63  }
.LBB2_2:
0xb6: {  	_ =	swait.ge [sflag:s18], $0x8000  }
0xb7: {  	p0 =	sne.s32 s7, $0x2;
	[sflag:s18] =	ssyncset.done $0x0  }
0xb8: {  	s3 =	simm.s32 @!p0 $0x1;
	[sflag:s18] =	ssyncadd.s32 $0xFFFF8000  }
0xb9: {  	_ =	swait.ge @!p0 [sflag:s3], $0x4000  }
0xba: {  	[sflag:s3] =	ssyncset.done @!p0 $0x0  }
0xbb: {  	s15 =	simm.s32 $0x200;
	[sflag:s3] =	ssyncadd.s32 @!p0 $0xFFFFC000  }
0xbc: {  	v3 =	vld [tilespmem:s15+$0xFFFFFF00];
	_ =	sdelay $0x2  }
0xbd: {  	s9 =	simm.s32 $0x0;
	s24 =	simm.s32 $0x0  }
0xbe: {  	s6 =	sand.u32 $0x380, s9;
	s3 =	sand.u32 $0x6000, s24  }
0xbf: {  	s3 =	sor.u32 s6, s3;
	v4 =	vshll.u32 v3, $0x10  }
0xc0: {  	v3 =	vand.u32 $0xFFFF0000, v3;
	[tilespmem:s3+$0x4100] =	vst.add.f32.msk $0xffff, v4  }
0xc1: {  	[tilespmem:s3+$0x4110] =	vst.add.f32.msk $0xffff, v3  }
0xc2: {  	v3 =	vld [tilespmem:s15+$0xFFFFFF10];
	_ =	sdelay $0x4  }
0xc3: {  	v4 =	vshll.u32 v3, $0x10  }
0xc4: {  	v3 =	vand.u32 $0xFFFF0000, v3;
	[tilespmem:s3+$0x4120] =	vst.add.f32.msk $0xffff, v4  }
0xc5: {  	[tilespmem:s3+$0x4130] =	vst.add.f32.msk $0xffff, v3  }
0xc6: {  	v3 =	vld [tilespmem:s15+$0xFFFFFF20];
	_ =	sdelay $0x4  }
0xc7: {  	v4 =	vshll.u32 v3, $0x10  }
0xc8: {  	v3 =	vand.u32 $0xFFFF0000, v3;
	[tilespmem:s3+$0x4140] =	vst.add.f32.msk $0xffff, v4  }
0xc9: {  	[tilespmem:s3+$0x4150] =	vst.add.f32.msk $0xffff, v3  }
0xca: {  	v3 =	vld [tilespmem:s15+$0xFFFFFF30];
	_ =	sdelay $0x4  }
0xcb: {  	v4 =	vshll.u32 v3, $0x10  }
0xcc: {  	v3 =	vand.u32 $0xFFFF0000, v3;
	[tilespmem:s3+$0x4160] =	vst.add.f32.msk $0xffff, v4  }
0xcd: {  	[tilespmem:s3+$0x4170] =	vst.add.f32.msk $0xffff, v3  }
0xce: {  	v3 =	vld [tilespmem:s15+$0xFFFFFF40];
	_ =	sdelay $0x4  }
0xcf: {  	v4 =	vshll.u32 v3, $0x10  }
0xd0: {  	v3 =	vand.u32 $0xFFFF0000, v3;
	[tilespmem:s3+$0x4500] =	vst.add.f32.msk $0xffff, v4  }
0xd1: {  	[tilespmem:s3+$0x4510] =	vst.add.f32.msk $0xffff, v3  }
0xd2: {  	v3 =	vld [tilespmem:s15+$0xFFFFFF50];
	_ =	sdelay $0x4  }
0xd3: {  	v4 =	vshll.u32 v3, $0x10  }
0xd4: {  	v3 =	vand.u32 $0xFFFF0000, v3;
	[tilespmem:s3+$0x4520] =	vst.add.f32.msk $0xffff, v4  }
0xd5: {  	[tilespmem:s3+$0x4530] =	vst.add.f32.msk $0xffff, v3  }
0xd6: {  	v3 =	vld [tilespmem:s15+$0xFFFFFF60];
	_ =	sdelay $0x4  }
0xd7: {  	v4 =	vshll.u32 v3, $0x10  }
0xd8: {  	v3 =	vand.u32 $0xFFFF0000, v3;
	[tilespmem:s3+$0x4540] =	vst.add.f32.msk $0xffff, v4  }
0xd9: {  	[tilespmem:s3+$0x4550] =	vst.add.f32.msk $0xffff, v3  }
0xda: {  	v3 =	vld [tilespmem:s15+$0xFFFFFF70];
	_ =	sdelay $0x4  }
0xdb: {  	v4 =	vshll.u32 v3, $0x10  }
0xdc: {  	v3 =	vand.u32 $0xFFFF0000, v3;
	[tilespmem:s3+$0x4560] =	vst.add.f32.msk $0xffff, v4  }
0xdd: {  	[tilespmem:s3+$0x4570] =	vst.add.f32.msk $0xffff, v3  }
0xde: {  	v3 =	vld [tilespmem:s15+$0xFFFFFF80];
	_ =	sdelay $0x4  }
0xdf: {  	v4 =	vshll.u32 v3, $0x10  }
0xe0: {  	v3 =	vand.u32 $0xFFFF0000, v3;
	[tilespmem:s3+$0x4900] =	vst.add.f32.msk $0xffff, v4  }
0xe1: {  	[tilespmem:s3+$0x4910] =	vst.add.f32.msk $0xffff, v3  }
0xe2: {  	v3 =	vld [tilespmem:s15+$0xFFFFFF90];
	_ =	sdelay $0x4  }
0xe3: {  	v4 =	vshll.u32 v3, $0x10  }
0xe4: {  	v3 =	vand.u32 $0xFFFF0000, v3;
	[tilespmem:s3+$0x4920] =	vst.add.f32.msk $0xffff, v4  }
0xe5: {  	[tilespmem:s3+$0x4930] =	vst.add.f32.msk $0xffff, v3  }
0xe6: {  	v3 =	vld [tilespmem:s15+$0xFFFFFFA0];
	_ =	sdelay $0x4  }
0xe7: {  	v4 =	vshll.u32 v3, $0x10  }
0xe8: {  	v3 =	vand.u32 $0xFFFF0000, v3;
	[tilespmem:s3+$0x4940] =	vst.add.f32.msk $0xffff, v4  }
0xe9: {  	[tilespmem:s3+$0x4950] =	vst.add.f32.msk $0xffff, v3  }
0xea: {  	v3 =	vld [tilespmem:s15+$0xFFFFFFB0];
	_ =	sdelay $0x4  }
0xeb: {  	v4 =	vshll.u32 v3, $0x10  }
0xec: {  	v3 =	vand.u32 $0xFFFF0000, v3;
	[tilespmem:s3+$0x4960] =	vst.add.f32.msk $0xffff, v4  }
0xed: {  	[tilespmem:s3+$0x4970] =	vst.add.f32.msk $0xffff, v3  }
0xee: {  	v3 =	vld [tilespmem:s15+$0xFFFFFFC0];
	_ =	sdelay $0x3  }
0xef: {  	s16 =	simm.s32 $0x400  }
0xf0: {  	v4 =	vld [tilespmem:s16+$0xFFFFFF00];
	v5 =	vshll.u32 v3, $0x10  }
0xf1: {  	v3 =	vand.u32 $0xFFFF0000, v3;
	[tilespmem:s3+$0x4D00] =	vst.add.f32.msk $0xffff, v5  }
0xf2: {  	[tilespmem:s3+$0x4D10] =	vst.add.f32.msk $0xffff, v3  }
0xf3: {  	s25 =	simm.s32 $0x80;
	s17 =	simm.s32 $0x400;
	v3 =	vld [tilespmem:s15+$0xFFFFFFD0]  }
0xf4: {  	s17 =	sand.u32 $0x6000, s17;
	s6 =	sand.u32 $0x380, s25  }
0xf5: {  	s6 =	sor.u32 s6, s17;
	v5 =	vshll.u32 v4, $0x10  }
0xf6: {  	v4 =	vand.u32 $0xFFFF0000, v4;
	[tilespmem:s6+$0x4100] =	vst.add.f32.msk $0xffff, v5  }
0xf7: {  	[tilespmem:s6+$0x4110] =	vst.add.f32.msk $0xffff, v4  }
0xf8: {  	v4 =	vld [tilespmem:s16+$0xFFFFFF10];
	v5 =	vshll.u32 v3, $0x10  }
0xf9: {  	v3 =	vand.u32 $0xFFFF0000, v3;
	[tilespmem:s3+$0x4D20] =	vst.add.f32.msk $0xffff, v5  }
0xfa: {  	[tilespmem:s3+$0x4D30] =	vst.add.f32.msk $0xffff, v3  }
0xfb: {  	v3 =	vld [tilespmem:s15+$0xFFFFFFE0];
	_ =	sdelay $0x1  }
0xfc: {  	v5 =	vshll.u32 v4, $0x10  }
0xfd: {  	v4 =	vand.u32 $0xFFFF0000, v4;
	[tilespmem:s6+$0x4120] =	vst.add.f32.msk $0xffff, v5  }
0xfe: {  	[tilespmem:s6+$0x4130] =	vst.add.f32.msk $0xffff, v4  }
0xff: {  	v4 =	vld [tilespmem:s16+$0xFFFFFF20];
	v5 =	vshll.u32 v3, $0x10  }
0x100: {  	v3 =	vand.u32 $0xFFFF0000, v3;
	[tilespmem:s3+$0x4D40] =	vst.add.f32.msk $0xffff, v5  }
0x101: {  	[tilespmem:s3+$0x4D50] =	vst.add.f32.msk $0xffff, v3  }
0x102: {  	v3 =	vld [tilespmem:s15+$0xFFFFFFF0];
	_ =	sdelay $0x1  }
0x103: {  	v5 =	vshll.u32 v4, $0x10  }
0x104: {  	v4 =	vand.u32 $0xFFFF0000, v4;
	[tilespmem:s6+$0x4140] =	vst.add.f32.msk $0xffff, v5  }
0x105: {  	[tilespmem:s6+$0x4150] =	vst.add.f32.msk $0xffff, v4  }
0x106: {  	v4 =	vld [tilespmem:s16+$0xFFFFFF30];
	v5 =	vshll.u32 v3, $0x10  }
0x107: {  	v3 =	vand.u32 $0xFFFF0000, v3;
	[tilespmem:s3+$0x4D60] =	vst.add.f32.msk $0xffff, v5  }
0x108: {  	[tilespmem:s3+$0x4D70] =	vst.add.f32.msk $0xffff, v3  }
0x109: {  	v3 =	vld [tilespmem:s15+$0x0];
	_ =	sdelay $0x1  }
0x10a: {  	v5 =	vshll.u32 v4, $0x10  }
0x10b: {  	v4 =	vand.u32 $0xFFFF0000, v4;
	[tilespmem:s6+$0x4160] =	vst.add.f32.msk $0xffff, v5  }
0x10c: {  	[tilespmem:s6+$0x4170] =	vst.add.f32.msk $0xffff, v4  }
0x10d: {  	v4 =	vld [tilespmem:s16+$0xFFFFFF40];
	v5 =	vshll.u32 v3, $0x10  }
0x10e: {  	v3 =	vand.u32 $0xFFFF0000, v3;
	[tilespmem:s3+$0x5100] =	vst.add.f32.msk $0xffff, v5  }
0x10f: {  	[tilespmem:s3+$0x5110] =	vst.add.f32.msk $0xffff, v3  }
0x110: {  	v3 =	vld [tilespmem:s15+$0x10];
	_ =	sdelay $0x1  }
0x111: {  	v5 =	vshll.u32 v4, $0x10  }
0x112: {  	v4 =	vand.u32 $0xFFFF0000, v4;
	[tilespmem:s6+$0x4500] =	vst.add.f32.msk $0xffff, v5  }
0x113: {  	[tilespmem:s6+$0x4510] =	vst.add.f32.msk $0xffff, v4  }
0x114: {  	v4 =	vld [tilespmem:s16+$0xFFFFFF50];
	v5 =	vshll.u32 v3, $0x10  }
0x115: {  	v3 =	vand.u32 $0xFFFF0000, v3;
	[tilespmem:s3+$0x5120] =	vst.add.f32.msk $0xffff, v5  }
0x116: {  	[tilespmem:s3+$0x5130] =	vst.add.f32.msk $0xffff, v3  }
0x117: {  	v3 =	vld [tilespmem:s15+$0x20];
	_ =	sdelay $0x1  }
0x118: {  	v5 =	vshll.u32 v4, $0x10  }
0x119: {  	v4 =	vand.u32 $0xFFFF0000, v4;
	[tilespmem:s6+$0x4520] =	vst.add.f32.msk $0xffff, v5  }
0x11a: {  	[tilespmem:s6+$0x4530] =	vst.add.f32.msk $0xffff, v4  }
0x11b: {  	v4 =	vld [tilespmem:s16+$0xFFFFFF60];
	v5 =	vshll.u32 v3, $0x10  }
0x11c: {  	v3 =	vand.u32 $0xFFFF0000, v3;
	[tilespmem:s3+$0x5140] =	vst.add.f32.msk $0xffff, v5  }
0x11d: {  	[tilespmem:s3+$0x5150] =	vst.add.f32.msk $0xffff, v3  }
0x11e: {  	v3 =	vld [tilespmem:s15+$0x30]  }
0x11f: {  	s24 =	simm.s32 $0x600  }
0x120: {  	v5 =	vld [tilespmem:s24+$0xFFFFFF00];
	v6 =	vshll.u32 v4, $0x10  }
0x121: {  	v4 =	vand.u32 $0xFFFF0000, v4;
	[tilespmem:s6+$0x4540] =	vst.add.f32.msk $0xffff, v6  }
0x122: {  	[tilespmem:s6+$0x4550] =	vst.add.f32.msk $0xffff, v4  }
0x123: {  	v4 =	vld [tilespmem:s16+$0xFFFFFF70];
	v6 =	vshll.u32 v3, $0x10  }
0x124: {  	v3 =	vand.u32 $0xFFFF0000, v3;
	[tilespmem:s3+$0x5160] =	vst.add.f32.msk $0xffff, v6  }
0x125: {  	s26 =	simm.s32 $0x100;
	s21 =	simm.s32 $0x800;
	[tilespmem:s3+$0x5170] =	vst.add.f32.msk $0xffff, v3  }
0x126: {  	s21 =	sand.u32 $0x6000, s21;
	s17 =	sand.u32 $0x380, s26;
	v3 =	vld [tilespmem:s15+$0x40]  }
0x127: {  	s21 =	sor.u32 s17, s21;
	v6 =	vshll.u32 v5, $0x10  }
0x128: {  	[tilespmem:s21+$0x4100] =	vst.add.f32.msk $0xffff, v6;
	v6 =	vshll.u32 v4, $0x10  }
0x129: {  	v4 =	vand.u32 $0xFFFF0000, v4;
	[tilespmem:s6+$0x4560] =	vst.add.f32.msk $0xffff, v6  }
0x12a: {  	[tilespmem:s6+$0x4570] =	vst.add.f32.msk $0xffff, v4  }
0x12b: {  	v4 =	vld [tilespmem:s16+$0xFFFFFF80];
	v6 =	vshll.u32 v3, $0x10  }
0x12c: {  	v3 =	vand.u32 $0xFFFF0000, v3;
	[tilespmem:s3+$0x5500] =	vst.add.f32.msk $0xffff, v6  }
0x12d: {  	[tilespmem:s3+$0x5510] =	vst.add.f32.msk $0xffff, v3  }
0x12e: {  	v3 =	vand.u32 $0xFFFF0000, v5;
	v5 =	vld [tilespmem:s15+$0x50]  }
0x12f: {  	[tilespmem:s21+$0x4110] =	vst.add.f32.msk $0xffff, v3  }
0x130: {  	v6 =	vshll.u32 v4, $0x10;
	v3 =	vld [tilespmem:s24+$0xFFFFFF10]  }
0x131: {  	v4 =	vand.u32 $0xFFFF0000, v4;
	[tilespmem:s6+$0x4900] =	vst.add.f32.msk $0xffff, v6  }
0x132: {  	[tilespmem:s6+$0x4910] =	vst.add.f32.msk $0xffff, v4  }
0x133: {  	v4 =	vld [tilespmem:s16+$0xFFFFFF90];
	v6 =	vshll.u32 v5, $0x10  }
0x134: {  	v5 =	vand.u32 $0xFFFF0000, v5;
	[tilespmem:s3+$0x5520] =	vst.add.f32.msk $0xffff, v6  }
0x135: {  	[tilespmem:s3+$0x5530] =	vst.add.f32.msk $0xffff, v5  }
0x136: {  	v5 =	vld [tilespmem:s15+$0x60]  }
0x137: {  	v6 =	vshll.u32 v3, $0x10  }
0x138: {  	[tilespmem:s21+$0x4120] =	vst.add.f32.msk $0xffff, v6;
	v6 =	vshll.u32 v4, $0x10  }
0x139: {  	v4 =	vand.u32 $0xFFFF0000, v4;
	[tilespmem:s6+$0x4920] =	vst.add.f32.msk $0xffff, v6  }
0x13a: {  	[tilespmem:s6+$0x4930] =	vst.add.f32.msk $0xffff, v4  }
0x13b: {  	v4 =	vld [tilespmem:s16+$0xFFFFFFA0];
	v6 =	vshll.u32 v5, $0x10  }
0x13c: {  	v5 =	vand.u32 $0xFFFF0000, v5;
	[tilespmem:s3+$0x5540] =	vst.add.f32.msk $0xffff, v6  }
0x13d: {  	[tilespmem:s3+$0x5550] =	vst.add.f32.msk $0xffff, v5  }
0x13e: {  	v3 =	vand.u32 $0xFFFF0000, v3;
	v5 =	vld [tilespmem:s15+$0x70]  }
0x13f: {  	[tilespmem:s21+$0x4130] =	vst.add.f32.msk $0xffff, v3  }
0x140: {  	v3 =	vld [tilespmem:s24+$0xFFFFFF20];
	v6 =	vshll.u32 v4, $0x10  }
0x141: {  	v4 =	vand.u32 $0xFFFF0000, v4;
	[tilespmem:s6+$0x4940] =	vst.add.f32.msk $0xffff, v6  }
0x142: {  	[tilespmem:s6+$0x4950] =	vst.add.f32.msk $0xffff, v4  }
0x143: {  	v4 =	vld [tilespmem:s16+$0xFFFFFFB0];
	v6 =	vshll.u32 v5, $0x10  }
0x144: {  	v5 =	vand.u32 $0xFFFF0000, v5;
	[tilespmem:s3+$0x5560] =	vst.add.f32.msk $0xffff, v6  }
0x145: {  	[tilespmem:s3+$0x5570] =	vst.add.f32.msk $0xffff, v5  }
0x146: {  	v5 =	vld [tilespmem:s15+$0x80]  }
0x147: {  	v6 =	vshll.u32 v3, $0x10  }
0x148: {  	[tilespmem:s21+$0x4140] =	vst.add.f32.msk $0xffff, v6;
	v6 =	vshll.u32 v4, $0x10  }
0x149: {  	v4 =	vand.u32 $0xFFFF0000, v4;
	[tilespmem:s6+$0x4960] =	vst.add.f32.msk $0xffff, v6  }
0x14a: {  	[tilespmem:s6+$0x4970] =	vst.add.f32.msk $0xffff, v4  }
0x14b: {  	v4 =	vld [tilespmem:s16+$0xFFFFFFC0];
	v6 =	vshll.u32 v5, $0x10  }
0x14c: {  	v5 =	vand.u32 $0xFFFF0000, v5;
	[tilespmem:s3+$0x5900] =	vst.add.f32.msk $0xffff, v6  }
0x14d: {  	[tilespmem:s3+$0x5910] =	vst.add.f32.msk $0xffff, v5  }
0x14e: {  	v3 =	vand.u32 $0xFFFF0000, v3;
	v5 =	vld [tilespmem:s15+$0x90]  }
0x14f: {  	[tilespmem:s21+$0x4150] =	vst.add.f32.msk $0xffff, v3  }
0x150: {  	v3 =	vld [tilespmem:s24+$0xFFFFFF30];
	v6 =	vshll.u32 v4, $0x10  }
0x151: {  	v4 =	vand.u32 $0xFFFF0000, v4;
	[tilespmem:s6+$0x4D00] =	vst.add.f32.msk $0xffff, v6  }
0x152: {  	[tilespmem:s6+$0x4D10] =	vst.add.f32.msk $0xffff, v4  }
0x153: {  	v4 =	vld [tilespmem:s16+$0xFFFFFFD0];
	v6 =	vshll.u32 v5, $0x10  }
0x154: {  	v5 =	vand.u32 $0xFFFF0000, v5;
	[tilespmem:s3+$0x5920] =	vst.add.f32.msk $0xffff, v6  }
0x155: {  	[tilespmem:s3+$0x5930] =	vst.add.f32.msk $0xffff, v5  }
0x156: {  	v5 =	vld [tilespmem:s15+$0xA0]  }
0x157: {  	v6 =	vshll.u32 v3, $0x10  }
0x158: {  	[tilespmem:s21+$0x4160] =	vst.add.f32.msk $0xffff, v6;
	v6 =	vshll.u32 v4, $0x10  }
0x159: {  	v4 =	vand.u32 $0xFFFF0000, v4;
	[tilespmem:s6+$0x4D20] =	vst.add.f32.msk $0xffff, v6  }
0x15a: {  	[tilespmem:s6+$0x4D30] =	vst.add.f32.msk $0xffff, v4  }
0x15b: {  	v4 =	vld [tilespmem:s16+$0xFFFFFFE0];
	v6 =	vshll.u32 v5, $0x10  }
0x15c: {  	v5 =	vand.u32 $0xFFFF0000, v5;
	[tilespmem:s3+$0x5940] =	vst.add.f32.msk $0xffff, v6  }
0x15d: {  	[tilespmem:s3+$0x5950] =	vst.add.f32.msk $0xffff, v5  }
0x15e: {  	v3 =	vand.u32 $0xFFFF0000, v3;
	v5 =	vld [tilespmem:s15+$0xB0]  }
0x15f: {  	[tilespmem:s21+$0x4170] =	vst.add.f32.msk $0xffff, v3  }
0x160: {  	v3 =	vld [tilespmem:s24+$0xFFFFFF40];
	v6 =	vshll.u32 v4, $0x10  }
0x161: {  	v4 =	vand.u32 $0xFFFF0000, v4;
	[tilespmem:s6+$0x4D40] =	vst.add.f32.msk $0xffff, v6  }
0x162: {  	[tilespmem:s6+$0x4D50] =	vst.add.f32.msk $0xffff, v4  }
0x163: {  	v4 =	vld [tilespmem:s16+$0xFFFFFFF0];
	v6 =	vshll.u32 v5, $0x10  }
0x164: {  	v5 =	vand.u32 $0xFFFF0000, v5;
	[tilespmem:s3+$0x5960] =	vst.add.f32.msk $0xffff, v6  }
0x165: {  	[tilespmem:s3+$0x5970] =	vst.add.f32.msk $0xffff, v5  }
0x166: {  	v5 =	vld [tilespmem:s15+$0xC0]  }
0x167: {  	v6 =	vshll.u32 v3, $0x10  }
0x168: {  	s29 =	sand.u32 $0x7, s9;
	[tilespmem:s21+$0x4500] =	vst.add.f32.msk $0xffff, v6;
	v6 =	vshll.u32 v4, $0x10  }
0x169: {  	s3 =	sshll.u32 s29, $0x7;
	v4 =	vand.u32 $0xFFFF0000, v4;
	[tilespmem:s6+$0x4D60] =	vst.add.f32.msk $0xffff, v6  }
0x16a: {  	s25 =	sadd.s32 $0x0, s3;
	[tilespmem:s6+$0x4D70] =	vst.add.f32.msk $0xffff, v4  }
0x16b: {  	s3 =	sor.u32 $0x1C00, s25;
	v4 =	vld [tilespmem:s16+$0x0];
	v6 =	vshll.u32 v5, $0x10  }
0x16c: {  	s30 =	sor.u32 $0x1C10, s25;
	v5 =	vand.u32 $0xFFFF0000, v5;
	[tilespmem:s3+$0x4100] =	vst.add.f32.msk $0xffff, v6  }
0x16d: {  	[tilespmem:s30+$0x4100] =	vst.add.f32.msk $0xffff, v5  }
0x16e: {  	v5 =	vand.u32 $0xFFFF0000, v3;
	v3 =	vld [tilespmem:s15+$0xD0]  }
0x16f: {  	s28 =	simm.s32 $0x180;
	s23 =	simm.s32 $0x0;
	[tilespmem:s21+$0x4510] =	vst.add.f32.msk $0xffff, v5  }
0x170: {  	s26 =	simm.s32 $0xFFFF8800;
	s17 =	simm.s32 $0x600;
	s3 =	sshll.u32 s7, $0x1;
	v5 =	vshll.u32 v4, $0x10;
	v6 =	vld [tilespmem:s24+$0xFFFFFF50]  }
.LBB2_3:
0x171: {  	p0 =	sne.s32 s28, $0xF80;
	v4 =	vand.u32 $0xFFFF0000, v4;
	[tilespmem:s6+$0x5100] =	vst.add.f32.msk $0xffff, v5  }
0x172: {  	[tilespmem:s6+$0x5110] =	vst.add.f32.msk $0xffff, v4  }
0x173: {  	s29 =	sor.u32 $0x1C20, s25;
	v4 =	vld [tilespmem:s16+$0x10];
	v5 =	vshll.u32 v3, $0x10  }
0x174: {  	v3 =	vand.u32 $0xFFFF0000, v3;
	[tilespmem:s29+$0x4100] =	vst.add.f32.msk $0xffff, v5;
	s29 =	sor.u32 $0x1C30, s25  }
0x175: {  	[tilespmem:s29+$0x4100] =	vst.add.f32.msk $0xffff, v3  }
0x176: {  	s24 =	sadd.s32 $0x200, s24;
	v3 =	vld [tilespmem:s15+$0xE0]  }
0x177: {  	v7 =	vshll.u32 v6, $0x10;
	v5 =	vld [tilespmem:s24+$0xFFFFFF00]  }
0x178: {  	[tilespmem:s21+$0x4520] =	vst.add.f32.msk $0xffff, v7;
	v7 =	vshll.u32 v4, $0x10  }
0x179: {  	v4 =	vand.u32 $0xFFFF0000, v4;
	[tilespmem:s6+$0x5120] =	vst.add.f32.msk $0xffff, v7  }
0x17a: {  	[tilespmem:s6+$0x5130] =	vst.add.f32.msk $0xffff, v4  }
0x17b: {  	s29 =	sor.u32 $0x1C40, s25;
	v4 =	vld [tilespmem:s16+$0x20];
	v7 =	vshll.u32 v3, $0x10  }
0x17c: {  	v3 =	vand.u32 $0xFFFF0000, v3;
	[tilespmem:s29+$0x4100] =	vst.add.f32.msk $0xffff, v7;
	s29 =	sor.u32 $0x1C50, s25  }
0x17d: {  	[tilespmem:s29+$0x4100] =	vst.add.f32.msk $0xffff, v3  }
0x17e: {  	v3 =	vand.u32 $0xFFFF0000, v6;
	v6 =	vld [tilespmem:s15+$0xF0];
	s15 =	smov.u32 s16;
	s16 =	smov.u32 s17;
	s17 =	smov.u32 s24  }
0x17f: {  	[tilespmem:s21+$0x4530] =	vst.add.f32.msk $0xffff, v3  }
0x180: {  	v3 =	vld [tilespmem:s16+$0xFFFFFF60];
	v7 =	vshll.u32 v4, $0x10  }
0x181: {  	v4 =	vand.u32 $0xFFFF0000, v4;
	[tilespmem:s6+$0x5140] =	vst.add.f32.msk $0xffff, v7  }
0x182: {  	[tilespmem:s6+$0x5150] =	vst.add.f32.msk $0xffff, v4  }
0x183: {  	s29 =	sor.u32 $0x1C60, s25;
	v4 =	vld [tilespmem:s15+$0x30];
	v7 =	vshll.u32 v6, $0x10  }
0x184: {  	s25 =	sor.u32 $0x1C70, s25;
	v6 =	vand.u32 $0xFFFF0000, v6;
	[tilespmem:s29+$0x4100] =	vst.add.f32.msk $0xffff, v7  }
0x185: {  	v7 =	vshll.u32 v3, $0x10;
	[tilespmem:s25+$0x4100] =	vst.add.f32.msk $0xffff, v6  }
0x186: {  	v3 =	vand.u32 $0xFFFF0000, v3;
	[tilespmem:s21+$0x4540] =	vst.add.f32.msk $0xffff, v7  }
0x187: {  	[tilespmem:s21+$0x4550] =	vst.add.f32.msk $0xffff, v3  }
0x188: {  	v3 =	vld [tilespmem:s16+$0xFFFFFF70];
	v6 =	vshll.u32 v4, $0x10  }
0x189: {  	s26 =	sadd.s32 $0x400, s26;
	v4 =	vand.u32 $0xFFFF0000, v4;
	[tilespmem:s6+$0x5160] =	vst.add.f32.msk $0xffff, v6  }
0x18a: {  	s25 =	sadd.s32 $0x8000, s26;
	[tilespmem:s6+$0x5170] =	vst.add.f32.msk $0xffff, v4  }
0x18b: {  	s29 =	sand.u32 $0x380, s28;
	s25 =	sand.u32 $0x6000, s25;
	v4 =	vld [tilespmem:s15+$0x40]  }
0x18c: {  	s25 =	sor.u32 s29, s25;
	v6 =	vshll.u32 v5, $0x10  }
0x18d: {  	[tilespmem:s25+$0x4100] =	vst.add.f32.msk $0xffff, v6;
	v6 =	vshll.u32 v3, $0x10  }
0x18e: {  	v3 =	vand.u32 $0xFFFF0000, v3;
	[tilespmem:s21+$0x4560] =	vst.add.f32.msk $0xffff, v6  }
0x18f: {  	[tilespmem:s21+$0x4570] =	vst.add.f32.msk $0xffff, v3  }
0x190: {  	v3 =	vld [tilespmem:s16+$0xFFFFFF80];
	v6 =	vshll.u32 v4, $0x10  }
0x191: {  	v4 =	vand.u32 $0xFFFF0000, v4;
	[tilespmem:s6+$0x5500] =	vst.add.f32.msk $0xffff, v6  }
0x192: {  	[tilespmem:s6+$0x5510] =	vst.add.f32.msk $0xffff, v4  }
0x193: {  	v4 =	vand.u32 $0xFFFF0000, v5;
	v5 =	vld [tilespmem:s15+$0x50]  }
0x194: {  	[tilespmem:s25+$0x4110] =	vst.add.f32.msk $0xffff, v4  }
0x195: {  	v4 =	vld [tilespmem:s24+$0xFFFFFF10];
	v6 =	vshll.u32 v3, $0x10  }
0x196: {  	v3 =	vand.u32 $0xFFFF0000, v3;
	[tilespmem:s21+$0x4900] =	vst.add.f32.msk $0xffff, v6  }
0x197: {  	[tilespmem:s21+$0x4910] =	vst.add.f32.msk $0xffff, v3  }
0x198: {  	v3 =	vld [tilespmem:s16+$0xFFFFFF90];
	v6 =	vshll.u32 v5, $0x10  }
0x199: {  	v5 =	vand.u32 $0xFFFF0000, v5;
	[tilespmem:s6+$0x5520] =	vst.add.f32.msk $0xffff, v6  }
0x19a: {  	[tilespmem:s6+$0x5530] =	vst.add.f32.msk $0xffff, v5  }
0x19b: {  	v5 =	vld [tilespmem:s15+$0x60]  }
0x19c: {  	v6 =	vshll.u32 v4, $0x10  }
0x19d: {  	[tilespmem:s25+$0x4120] =	vst.add.f32.msk $0xffff, v6;
	v6 =	vshll.u32 v3, $0x10  }
0x19e: {  	v3 =	vand.u32 $0xFFFF0000, v3;
	[tilespmem:s21+$0x4920] =	vst.add.f32.msk $0xffff, v6  }
0x19f: {  	[tilespmem:s21+$0x4930] =	vst.add.f32.msk $0xffff, v3  }
0x1a0: {  	v3 =	vld [tilespmem:s16+$0xFFFFFFA0];
	v6 =	vshll.u32 v5, $0x10  }
0x1a1: {  	v5 =	vand.u32 $0xFFFF0000, v5;
	[tilespmem:s6+$0x5540] =	vst.add.f32.msk $0xffff, v6  }
0x1a2: {  	[tilespmem:s6+$0x5550] =	vst.add.f32.msk $0xffff, v5  }
0x1a3: {  	v4 =	vand.u32 $0xFFFF0000, v4;
	v5 =	vld [tilespmem:s15+$0x70]  }
0x1a4: {  	[tilespmem:s25+$0x4130] =	vst.add.f32.msk $0xffff, v4  }
0x1a5: {  	v4 =	vld [tilespmem:s24+$0xFFFFFF20];
	v6 =	vshll.u32 v3, $0x10  }
0x1a6: {  	v3 =	vand.u32 $0xFFFF0000, v3;
	[tilespmem:s21+$0x4940] =	vst.add.f32.msk $0xffff, v6  }
0x1a7: {  	[tilespmem:s21+$0x4950] =	vst.add.f32.msk $0xffff, v3  }
0x1a8: {  	v3 =	vld [tilespmem:s16+$0xFFFFFFB0];
	v6 =	vshll.u32 v5, $0x10  }
0x1a9: {  	v5 =	vand.u32 $0xFFFF0000, v5;
	[tilespmem:s6+$0x5560] =	vst.add.f32.msk $0xffff, v6  }
0x1aa: {  	[tilespmem:s6+$0x5570] =	vst.add.f32.msk $0xffff, v5  }
0x1ab: {  	v5 =	vld [tilespmem:s15+$0x80]  }
0x1ac: {  	v6 =	vshll.u32 v4, $0x10  }
0x1ad: {  	[tilespmem:s25+$0x4140] =	vst.add.f32.msk $0xffff, v6;
	v6 =	vshll.u32 v3, $0x10  }
0x1ae: {  	v3 =	vand.u32 $0xFFFF0000, v3;
	[tilespmem:s21+$0x4960] =	vst.add.f32.msk $0xffff, v6  }
0x1af: {  	[tilespmem:s21+$0x4970] =	vst.add.f32.msk $0xffff, v3  }
0x1b0: {  	v3 =	vld [tilespmem:s16+$0xFFFFFFC0];
	v6 =	vshll.u32 v5, $0x10  }
0x1b1: {  	v5 =	vand.u32 $0xFFFF0000, v5;
	[tilespmem:s6+$0x5900] =	vst.add.f32.msk $0xffff, v6  }
0x1b2: {  	[tilespmem:s6+$0x5910] =	vst.add.f32.msk $0xffff, v5  }
0x1b3: {  	v4 =	vand.u32 $0xFFFF0000, v4;
	v5 =	vld [tilespmem:s15+$0x90]  }
0x1b4: {  	[tilespmem:s25+$0x4150] =	vst.add.f32.msk $0xffff, v4  }
0x1b5: {  	v4 =	vld [tilespmem:s24+$0xFFFFFF30];
	v6 =	vshll.u32 v3, $0x10  }
0x1b6: {  	v3 =	vand.u32 $0xFFFF0000, v3;
	[tilespmem:s21+$0x4D00] =	vst.add.f32.msk $0xffff, v6  }
0x1b7: {  	[tilespmem:s21+$0x4D10] =	vst.add.f32.msk $0xffff, v3  }
0x1b8: {  	v3 =	vld [tilespmem:s16+$0xFFFFFFD0];
	v6 =	vshll.u32 v5, $0x10  }
0x1b9: {  	v5 =	vand.u32 $0xFFFF0000, v5;
	[tilespmem:s6+$0x5920] =	vst.add.f32.msk $0xffff, v6  }
0x1ba: {  	[tilespmem:s6+$0x5930] =	vst.add.f32.msk $0xffff, v5  }
0x1bb: {  	v5 =	vld [tilespmem:s15+$0xA0]  }
0x1bc: {  	v6 =	vshll.u32 v4, $0x10  }
0x1bd: {  	[tilespmem:s25+$0x4160] =	vst.add.f32.msk $0xffff, v6;
	v6 =	vshll.u32 v3, $0x10  }
0x1be: {  	v3 =	vand.u32 $0xFFFF0000, v3;
	[tilespmem:s21+$0x4D20] =	vst.add.f32.msk $0xffff, v6  }
0x1bf: {  	[tilespmem:s21+$0x4D30] =	vst.add.f32.msk $0xffff, v3  }
0x1c0: {  	v3 =	vld [tilespmem:s16+$0xFFFFFFE0];
	v6 =	vshll.u32 v5, $0x10  }
0x1c1: {  	v5 =	vand.u32 $0xFFFF0000, v5;
	[tilespmem:s6+$0x5940] =	vst.add.f32.msk $0xffff, v6  }
0x1c2: {  	[tilespmem:s6+$0x5950] =	vst.add.f32.msk $0xffff, v5  }
0x1c3: {  	v4 =	vand.u32 $0xFFFF0000, v4;
	v5 =	vld [tilespmem:s15+$0xB0]  }
0x1c4: {  	[tilespmem:s25+$0x4170] =	vst.add.f32.msk $0xffff, v4  }
0x1c5: {  	v6 =	vld [tilespmem:s24+$0xFFFFFF40];
	v4 =	vshll.u32 v3, $0x10  }
0x1c6: {  	v3 =	vand.u32 $0xFFFF0000, v3;
	[tilespmem:s21+$0x4D40] =	vst.add.f32.msk $0xffff, v4  }
0x1c7: {  	[tilespmem:s21+$0x4D50] =	vst.add.f32.msk $0xffff, v3  }
0x1c8: {  	v3 =	vld [tilespmem:s16+$0xFFFFFFF0];
	v4 =	vshll.u32 v5, $0x10  }
0x1c9: {  	v5 =	vand.u32 $0xFFFF0000, v5;
	[tilespmem:s6+$0x5960] =	vst.add.f32.msk $0xffff, v4  }
0x1ca: {  	[tilespmem:s6+$0x5970] =	vst.add.f32.msk $0xffff, v5;
	s6 =	smov.u32 s21;
	s21 =	smov.u32 s25  }
0x1cb: {  	v5 =	vld [tilespmem:s15+$0xC0]  }
0x1cc: {  	s9 =	sadd.s32 $0x1, s9;
	v4 =	vshll.u32 v6, $0x10  }
0x1cd: {  	s25 =	sand.u32 $0x7, s9;
	[tilespmem:s21+$0x4500] =	vst.add.f32.msk $0xffff, v4;
	v4 =	vshll.u32 v3, $0x10  }
0x1ce: {  	s23 =	sadd.s32 $0x400, s23;
	s25 =	sshll.u32 s25, $0x7;
	v3 =	vand.u32 $0xFFFF0000, v3;
	[tilespmem:s6+$0x4D60] =	vst.add.f32.msk $0xffff, v4  }
0x1cf: {  	s25 =	sadd.s32 s25, s23;
	[tilespmem:s6+$0x4D70] =	vst.add.f32.msk $0xffff, v3  }
0x1d0: {  	s29 =	sor.u32 $0x1C00, s25;
	v4 =	vld [tilespmem:s16+$0x0];
	v3 =	vshll.u32 v5, $0x10  }
.Ltmp1:
0x1d1: {  	v5 =	vand.u32 $0xFFFF0000, v5;
	[tilespmem:s29+$0x4100] =	vst.add.f32.msk $0xffff, v3;
	s29 =	sor.u32 $0x1C10, s25;
	(pc) =	sbr.rel @p0 .LBB2_3-.Ltmp1, $4  }
0x1d2: {  	[tilespmem:s29+$0x4100] =	vst.add.f32.msk $0xffff, v5  }
0x1d3: {  	v5 =	vand.u32 $0xFFFF0000, v6;
	v3 =	vld [tilespmem:s15+$0xD0]  }
0x1d4: {  	[tilespmem:s21+$0x4510] =	vst.add.f32.msk $0xffff, v5  }
0x1d5: {  	s28 =	sadd.s32 $0x80, s28;
	v6 =	vld [tilespmem:s24+$0xFFFFFF50];
	v5 =	vshll.u32 v4, $0x10  }
0x1d6: {  	_ =	sdelay $0x3  }
0x1d7: {  	v7 =	vshll.u32 v6, $0x10  }
0x1d8: {  	v20 =	vand.u32 $0xFFFF0000, v6;
	[tilespmem:s21+$0x4520] =	vst.add.f32.msk $0xffff, v7  }
0x1d9: {  	[tilespmem:s21+$0x4530] =	vst.add.f32.msk $0xffff, v20  }
0x1da: {  	v6 =	vld [tilespmem:s17+$0xFFFFFF60];
	_ =	sdelay $0x4  }
0x1db: {  	v21 =	vshll.u32 v6, $0x10  }
0x1dc: {  	v6 =	vand.u32 $0xFFFF0000, v6;
	[tilespmem:s21+$0x4540] =	vst.add.f32.msk $0xffff, v21  }
0x1dd: {  	[tilespmem:s21+$0x4550] =	vst.add.f32.msk $0xffff, v6  }
0x1de: {  	v6 =	vld [tilespmem:s17+$0xFFFFFF70];
	_ =	sdelay $0x4  }
0x1df: {  	v22 =	vshll.u32 v6, $0x10  }
0x1e0: {  	v6 =	vand.u32 $0xFFFF0000, v6;
	[tilespmem:s21+$0x4560] =	vst.add.f32.msk $0xffff, v22  }
0x1e1: {  	[tilespmem:s21+$0x4570] =	vst.add.f32.msk $0xffff, v6  }
0x1e2: {  	v6 =	vld [tilespmem:s17+$0xFFFFFF80];
	_ =	sdelay $0x4  }
0x1e3: {  	v23 =	vshll.u32 v6, $0x10  }
0x1e4: {  	v6 =	vand.u32 $0xFFFF0000, v6;
	[tilespmem:s21+$0x4900] =	vst.add.f32.msk $0xffff, v23  }
0x1e5: {  	[tilespmem:s21+$0x4910] =	vst.add.f32.msk $0xffff, v6  }
0x1e6: {  	v6 =	vld [tilespmem:s17+$0xFFFFFF90];
	_ =	sdelay $0x4  }
0x1e7: {  	v24 =	vshll.u32 v6, $0x10  }
0x1e8: {  	v6 =	vand.u32 $0xFFFF0000, v6;
	[tilespmem:s21+$0x4920] =	vst.add.f32.msk $0xffff, v24  }
0x1e9: {  	[tilespmem:s21+$0x4930] =	vst.add.f32.msk $0xffff, v6  }
0x1ea: {  	v6 =	vld [tilespmem:s17+$0xFFFFFFA0];
	_ =	sdelay $0x4  }
0x1eb: {  	v25 =	vshll.u32 v6, $0x10  }
0x1ec: {  	v6 =	vand.u32 $0xFFFF0000, v6;
	[tilespmem:s21+$0x4940] =	vst.add.f32.msk $0xffff, v25  }
0x1ed: {  	[tilespmem:s21+$0x4950] =	vst.add.f32.msk $0xffff, v6  }
0x1ee: {  	v6 =	vld [tilespmem:s17+$0xFFFFFFB0];
	_ =	sdelay $0x4  }
0x1ef: {  	v26 =	vshll.u32 v6, $0x10  }
0x1f0: {  	v6 =	vand.u32 $0xFFFF0000, v6;
	[tilespmem:s21+$0x4960] =	vst.add.f32.msk $0xffff, v26  }
0x1f1: {  	[tilespmem:s21+$0x4970] =	vst.add.f32.msk $0xffff, v6  }
0x1f2: {  	v6 =	vld [tilespmem:s17+$0xFFFFFFC0];
	_ =	sdelay $0x4  }
0x1f3: {  	v27 =	vshll.u32 v6, $0x10  }
0x1f4: {  	v6 =	vand.u32 $0xFFFF0000, v6;
	[tilespmem:s21+$0x4D00] =	vst.add.f32.msk $0xffff, v27  }
0x1f5: {  	[tilespmem:s21+$0x4D10] =	vst.add.f32.msk $0xffff, v6  }
0x1f6: {  	v6 =	vld [tilespmem:s17+$0xFFFFFFD0];
	_ =	sdelay $0x4  }
0x1f7: {  	v28 =	vshll.u32 v6, $0x10  }
0x1f8: {  	v6 =	vand.u32 $0xFFFF0000, v6;
	[tilespmem:s21+$0x4D20] =	vst.add.f32.msk $0xffff, v28  }
0x1f9: {  	[tilespmem:s21+$0x4D30] =	vst.add.f32.msk $0xffff, v6  }
0x1fa: {  	v6 =	vld [tilespmem:s17+$0xFFFFFFE0];
	_ =	sdelay $0x4  }
0x1fb: {  	v29 =	vshll.u32 v6, $0x10  }
0x1fc: {  	v6 =	vand.u32 $0xFFFF0000, v6;
	[tilespmem:s21+$0x4D40] =	vst.add.f32.msk $0xffff, v29  }
0x1fd: {  	[tilespmem:s21+$0x4D50] =	vst.add.f32.msk $0xffff, v6  }
0x1fe: {  	v6 =	vld [tilespmem:s17+$0xFFFFFFF0];
	_ =	sdelay $0x4  }
0x1ff: {  	v30 =	vshll.u32 v6, $0x10  }
0x200: {  	v6 =	vand.u32 $0xFFFF0000, v6;
	[tilespmem:s21+$0x4D60] =	vst.add.f32.msk $0xffff, v30  }
0x201: {  	[tilespmem:s21+$0x4D70] =	vst.add.f32.msk $0xffff, v6  }
0x202: {  	v6 =	vld [tilespmem:s17+$0x0]  }
0x203: {  	v4 =	vand.u32 $0xFFFF0000, v4;
	[tilespmem:s6+$0x5100] =	vst.add.f32.msk $0xffff, v5  }
0x204: {  	[tilespmem:s6+$0x5110] =	vst.add.f32.msk $0xffff, v4  }
0x205: {  	v4 =	vld [tilespmem:s16+$0x10];
	_ =	sdelay $0x1  }
0x206: {  	v31 =	vshll.u32 v6, $0x10  }
0x207: {  	v6 =	vand.u32 $0xFFFF0000, v6;
	[tilespmem:s21+$0x5100] =	vst.add.f32.msk $0xffff, v31  }
0x208: {  	[tilespmem:s21+$0x5110] =	vst.add.f32.msk $0xffff, v6  }
0x209: {  	v32 =	vshll.u32 v4, $0x10;
	v5 =	vld [tilespmem:s17+$0x10]  }
0x20a: {  	v4 =	vand.u32 $0xFFFF0000, v4;
	[tilespmem:s6+$0x5120] =	vst.add.f32.msk $0xffff, v32  }
0x20b: {  	[tilespmem:s6+$0x5130] =	vst.add.f32.msk $0xffff, v4  }
0x20c: {  	v4 =	vld [tilespmem:s16+$0x20];
	_ =	sdelay $0x1  }
0x20d: {  	v33 =	vshll.u32 v5, $0x10  }
0x20e: {  	v5 =	vand.u32 $0xFFFF0000, v5;
	[tilespmem:s21+$0x5120] =	vst.add.f32.msk $0xffff, v33  }
0x20f: {  	[tilespmem:s21+$0x5130] =	vst.add.f32.msk $0xffff, v5  }
0x210: {  	v34 =	vshll.u32 v4, $0x10;
	v5 =	vld [tilespmem:s17+$0x20]  }
0x211: {  	v4 =	vand.u32 $0xFFFF0000, v4;
	[tilespmem:s6+$0x5140] =	vst.add.f32.msk $0xffff, v34  }
0x212: {  	[tilespmem:s6+$0x5150] =	vst.add.f32.msk $0xffff, v4  }
0x213: {  	v4 =	vld [tilespmem:s16+$0x30];
	_ =	sdelay $0x1  }
0x214: {  	v35 =	vshll.u32 v5, $0x10  }
0x215: {  	v5 =	vand.u32 $0xFFFF0000, v5;
	[tilespmem:s21+$0x5140] =	vst.add.f32.msk $0xffff, v35  }
0x216: {  	[tilespmem:s21+$0x5150] =	vst.add.f32.msk $0xffff, v5  }
0x217: {  	v36 =	vshll.u32 v4, $0x10;
	v5 =	vld [tilespmem:s17+$0x30]  }
0x218: {  	v4 =	vand.u32 $0xFFFF0000, v4;
	[tilespmem:s6+$0x5160] =	vst.add.f32.msk $0xffff, v36  }
0x219: {  	[tilespmem:s6+$0x5170] =	vst.add.f32.msk $0xffff, v4  }
0x21a: {  	v4 =	vld [tilespmem:s16+$0x40];
	_ =	sdelay $0x1  }
0x21b: {  	v37 =	vshll.u32 v5, $0x10  }
0x21c: {  	v5 =	vand.u32 $0xFFFF0000, v5;
	[tilespmem:s21+$0x5160] =	vst.add.f32.msk $0xffff, v37  }
0x21d: {  	[tilespmem:s21+$0x5170] =	vst.add.f32.msk $0xffff, v5  }
0x21e: {  	v38 =	vshll.u32 v4, $0x10;
	v5 =	vld [tilespmem:s17+$0x40]  }
0x21f: {  	v4 =	vand.u32 $0xFFFF0000, v4;
	[tilespmem:s6+$0x5500] =	vst.add.f32.msk $0xffff, v38  }
0x220: {  	[tilespmem:s6+$0x5510] =	vst.add.f32.msk $0xffff, v4  }
0x221: {  	v4 =	vld [tilespmem:s16+$0x50];
	_ =	sdelay $0x1  }
0x222: {  	v39 =	vshll.u32 v5, $0x10  }
0x223: {  	v5 =	vand.u32 $0xFFFF0000, v5;
	[tilespmem:s21+$0x5500] =	vst.add.f32.msk $0xffff, v39  }
0x224: {  	[tilespmem:s21+$0x5510] =	vst.add.f32.msk $0xffff, v5  }
0x225: {  	v40 =	vshll.u32 v4, $0x10;
	v5 =	vld [tilespmem:s17+$0x50]  }
0x226: {  	v4 =	vand.u32 $0xFFFF0000, v4;
	[tilespmem:s6+$0x5520] =	vst.add.f32.msk $0xffff, v40  }
0x227: {  	[tilespmem:s6+$0x5530] =	vst.add.f32.msk $0xffff, v4  }
0x228: {  	v4 =	vld [tilespmem:s16+$0x60];
	_ =	sdelay $0x1  }
0x229: {  	v41 =	vshll.u32 v5, $0x10  }
0x22a: {  	v5 =	vand.u32 $0xFFFF0000, v5;
	[tilespmem:s21+$0x5520] =	vst.add.f32.msk $0xffff, v41  }
0x22b: {  	[tilespmem:s21+$0x5530] =	vst.add.f32.msk $0xffff, v5  }
0x22c: {  	v42 =	vshll.u32 v4, $0x10;
	v5 =	vld [tilespmem:s17+$0x60]  }
0x22d: {  	v4 =	vand.u32 $0xFFFF0000, v4;
	[tilespmem:s6+$0x5540] =	vst.add.f32.msk $0xffff, v42  }
0x22e: {  	[tilespmem:s6+$0x5550] =	vst.add.f32.msk $0xffff, v4  }
0x22f: {  	v4 =	vld [tilespmem:s16+$0x70];
	_ =	sdelay $0x1  }
0x230: {  	v43 =	vshll.u32 v5, $0x10  }
0x231: {  	v5 =	vand.u32 $0xFFFF0000, v5;
	[tilespmem:s21+$0x5540] =	vst.add.f32.msk $0xffff, v43  }
0x232: {  	[tilespmem:s21+$0x5550] =	vst.add.f32.msk $0xffff, v5  }
0x233: {  	v44 =	vshll.u32 v4, $0x10;
	v5 =	vld [tilespmem:s17+$0x70]  }
0x234: {  	v4 =	vand.u32 $0xFFFF0000, v4;
	[tilespmem:s6+$0x5560] =	vst.add.f32.msk $0xffff, v44  }
0x235: {  	[tilespmem:s6+$0x5570] =	vst.add.f32.msk $0xffff, v4  }
0x236: {  	v4 =	vld [tilespmem:s16+$0x80];
	_ =	sdelay $0x1  }
0x237: {  	v45 =	vshll.u32 v5, $0x10  }
0x238: {  	v5 =	vand.u32 $0xFFFF0000, v5;
	[tilespmem:s21+$0x5560] =	vst.add.f32.msk $0xffff, v45  }
0x239: {  	[tilespmem:s21+$0x5570] =	vst.add.f32.msk $0xffff, v5  }
0x23a: {  	v46 =	vshll.u32 v4, $0x10;
	v5 =	vld [tilespmem:s17+$0x80]  }
0x23b: {  	v4 =	vand.u32 $0xFFFF0000, v4;
	[tilespmem:s6+$0x5900] =	vst.add.f32.msk $0xffff, v46  }
0x23c: {  	[tilespmem:s6+$0x5910] =	vst.add.f32.msk $0xffff, v4  }
0x23d: {  	v4 =	vld [tilespmem:s16+$0x90];
	_ =	sdelay $0x1  }
0x23e: {  	v47 =	vshll.u32 v5, $0x10  }
0x23f: {  	v5 =	vand.u32 $0xFFFF0000, v5;
	[tilespmem:s21+$0x5900] =	vst.add.f32.msk $0xffff, v47  }
0x240: {  	[tilespmem:s21+$0x5910] =	vst.add.f32.msk $0xffff, v5  }
0x241: {  	v48 =	vshll.u32 v4, $0x10;
	v5 =	vld [tilespmem:s17+$0x90]  }
0x242: {  	v4 =	vand.u32 $0xFFFF0000, v4;
	[tilespmem:s6+$0x5920] =	vst.add.f32.msk $0xffff, v48  }
0x243: {  	[tilespmem:s6+$0x5930] =	vst.add.f32.msk $0xffff, v4  }
0x244: {  	v4 =	vld [tilespmem:s16+$0xA0];
	_ =	sdelay $0x1  }
0x245: {  	v49 =	vshll.u32 v5, $0x10  }
0x246: {  	v5 =	vand.u32 $0xFFFF0000, v5;
	[tilespmem:s21+$0x5920] =	vst.add.f32.msk $0xffff, v49  }
0x247: {  	[tilespmem:s21+$0x5930] =	vst.add.f32.msk $0xffff, v5  }
0x248: {  	v50 =	vshll.u32 v4, $0x10;
	v5 =	vld [tilespmem:s17+$0xA0]  }
0x249: {  	v4 =	vand.u32 $0xFFFF0000, v4;
	[tilespmem:s6+$0x5940] =	vst.add.f32.msk $0xffff, v50  }
0x24a: {  	[tilespmem:s6+$0x5950] =	vst.add.f32.msk $0xffff, v4  }
0x24b: {  	v4 =	vld [tilespmem:s16+$0xB0];
	_ =	sdelay $0x1  }
0x24c: {  	v51 =	vshll.u32 v5, $0x10  }
0x24d: {  	v5 =	vand.u32 $0xFFFF0000, v5;
	[tilespmem:s21+$0x5940] =	vst.add.f32.msk $0xffff, v51  }
0x24e: {  	[tilespmem:s21+$0x5950] =	vst.add.f32.msk $0xffff, v5  }
0x24f: {  	v53 =	vshll.u32 v4, $0x10;
	v5 =	vld [tilespmem:s17+$0xB0]  }
0x250: {  	v4 =	vand.u32 $0xFFFF0000, v4;
	[tilespmem:s6+$0x5960] =	vst.add.f32.msk $0xffff, v53  }
0x251: {  	[tilespmem:s6+$0x5970] =	vst.add.f32.msk $0xffff, v4  }
0x252: {  	v4 =	vld [tilespmem:s16+$0xC0]  }
0x253: {  	s24 =	sor.u32 $0x1C20, s25;
	s9 =	sadd.s32 $0x1, s9;
	v52 =	vshll.u32 v3, $0x10  }
0x254: {  	s26 =	sand.u32 $0x7, s9;
	[tilespmem:s24+$0x4100] =	vst.add.f32.msk $0xffff, v52;
	v54 =	vshll.u32 v5, $0x10  }
0x255: {  	s23 =	sadd.s32 $0x400, s23;
	s6 =	sshll.u32 s26, $0x7;
	v5 =	vand.u32 $0xFFFF0000, v5;
	[tilespmem:s21+$0x5960] =	vst.add.f32.msk $0xffff, v54  }
0x256: {  	s6 =	sadd.s32 s6, s23;
	[tilespmem:s21+$0x5970] =	vst.add.f32.msk $0xffff, v5  }
0x257: {  	s29 =	sor.u32 $0x1C00, s6;
	v55 =	vshll.u32 v4, $0x10;
	v5 =	vld [tilespmem:s17+$0xC0]  }
0x258: {  	s9 =	sadd.s32 $0x1, s9;
	s30 =	sor.u32 $0x1C10, s6;
	v4 =	vand.u32 $0xFFFF0000, v4;
	[tilespmem:s29+$0x4100] =	vst.add.f32.msk $0xffff, v55  }
0x259: {  	s9 =	sand.u32 $0x7, s9;
	[tilespmem:s30+$0x4100] =	vst.add.f32.msk $0xffff, v4  }
0x25a: {  	s28 =	sor.u32 $0x1C30, s25;
	v3 =	vand.u32 $0xFFFF0000, v3;
	s9 =	sshll.u32 s9, $0x7;
	s23 =	sadd.s32 $0x400, s23;
	v4 =	vld [tilespmem:s16+$0xD0]  }
0x25b: {  	[tilespmem:s28+$0x4100] =	vst.add.f32.msk $0xffff, v3;
	s9 =	sadd.s32 s9, s23  }
0x25c: {  	v3 =	vld [tilespmem:s15+$0xE0];
	s24 =	sor.u32 $0x1C00, s9;
	v56 =	vshll.u32 v5, $0x10  }
0x25d: {  	s26 =	sor.u32 $0x1C10, s9;
	v5 =	vand.u32 $0xFFFF0000, v5;
	[tilespmem:s24+$0x4100] =	vst.add.f32.msk $0xffff, v56  }
0x25e: {  	[tilespmem:s26+$0x4100] =	vst.add.f32.msk $0xffff, v5  }
0x25f: {  	s29 =	sor.u32 $0x1C20, s6;
	v58 =	vshll.u32 v4, $0x10;
	v5 =	vld [tilespmem:s17+$0xD0]  }
0x260: {  	s30 =	sor.u32 $0x1C30, s6;
	v4 =	vand.u32 $0xFFFF0000, v4;
	[tilespmem:s29+$0x4100] =	vst.add.f32.msk $0xffff, v58  }
0x261: {  	[tilespmem:s30+$0x4100] =	vst.add.f32.msk $0xffff, v4  }
0x262: {  	v4 =	vld [tilespmem:s16+$0xE0]  }
0x263: {  	s28 =	sor.u32 $0x1C40, s25;
	v57 =	vshll.u32 v3, $0x10  }
0x264: {  	[tilespmem:s28+$0x4100] =	vst.add.f32.msk $0xffff, v57;
	s23 =	sor.u32 $0x1C20, s9;
	v59 =	vshll.u32 v5, $0x10  }
0x265: {  	s24 =	sor.u32 $0x1C30, s9;
	v5 =	vand.u32 $0xFFFF0000, v5;
	[tilespmem:s23+$0x4100] =	vst.add.f32.msk $0xffff, v59  }
0x266: {  	[tilespmem:s24+$0x4100] =	vst.add.f32.msk $0xffff, v5  }
0x267: {  	s28 =	sor.u32 $0x1C40, s6;
	v60 =	vshll.u32 v4, $0x10;
	v5 =	vld [tilespmem:s17+$0xE0]  }
0x268: {  	s29 =	sor.u32 $0x1C50, s6;
	v4 =	vand.u32 $0xFFFF0000, v4;
	[tilespmem:s28+$0x4100] =	vst.add.f32.msk $0xffff, v60  }
0x269: {  	v3 =	vand.u32 $0xFFFF0000, v3;
	[tilespmem:s29+$0x4100] =	vst.add.f32.msk $0xffff, v4;
	s26 =	sor.u32 $0x1C50, s25  }
0x26a: {  	[tilespmem:s26+$0x4100] =	vst.add.f32.msk $0xffff, v3  }
0x26b: {  	v3 =	vld [tilespmem:s15+$0xF0]  }
0x26c: {  	s30 =	sor.u32 $0x1C40, s9;
	v4 =	vld [tilespmem:s16+$0xF0];
	v61 =	vshll.u32 v5, $0x10  }
0x26d: {  	s16 =	sor.u32 $0x1C50, s9;
	v5 =	vand.u32 $0xFFFF0000, v5;
	[tilespmem:s30+$0x4100] =	vst.add.f32.msk $0xffff, v61  }
0x26e: {  	[tilespmem:s16+$0x4100] =	vst.add.f32.msk $0xffff, v5  }
0x26f: {  	v5 =	vld [tilespmem:s17+$0xF0]  }
0x270: {  	s21 =	sor.u32 $0x1C60, s25;
	v62 =	vshll.u32 v3, $0x10  }
0x271: {  	p0 =	seq.s32 s7, $0x3;
	v3 =	vand.u32 $0xFFFF0000, v3;
	s23 =	sor.u32 $0x1C70, s25;
	[tilespmem:s21+$0x4100] =	vst.add.f32.msk $0xffff, v62  }
0x272: {  	s26 =	sshll.u32 s7, $0x13;
	s25 =	sshll.u32 s7, $0xB;
	s24 =	sor.u32 $0x1C60, s6;
	[tilespmem:s23+$0x4100] =	vst.add.f32.msk $0xffff, v3;
	v3 =	vshll.u32 v4, $0x10  }
.Ltmp2:
0x273: {  	s6 =	sor.u32 $0x1C70, s6;
	v4 =	vand.u32 $0xFFFF0000, v4;
	[tilespmem:s24+$0x4100] =	vst.add.f32.msk $0xffff, v3;
	s16 =	sand.u32 $0x1000, s25;
	(pc) =	sbr.rel @p0 .LBB2_6-.Ltmp2, $4  }
0x274: {  	s28 =	sor.u32 $0x1C60, s9;
	s15 =	sand.u32 $0x80000, s26;
	[tilespmem:s6+$0x4100] =	vst.add.f32.msk $0xffff, v4;
	s16 =	sor.u32 s13, s16;
	v3 =	vshll.u32 v5, $0x10  }
0x275: {  	s29 =	sor.u32 $0x1C70, s9;
	s30 =	rddreg [dreg:$0x3];
	s15 =	sor.u32 s15, s16;
	v63 =	vand.u32 $0xFFFF0000, v5;
	[tilespmem:s28+$0x4100] =	vst.add.f32.msk $0xffff, v3  }
0x276: {  	s6 =	sadd.s32 s30, s15;
	[tilespmem:s29+$0x4100] =	vst.add.f32.msk $0xffff, v63  }
0x277: {  	[hbm4b:s6+s4] =	stream.linear.scatter [tilespmem:s22], [sflag:$0x5], $0x8000, $0x38;
	[tilespmem:$0x14100] =	vst v63  }
0x278: {  	s6 =	sadd.s32 $0x2, s3  }
0x279: {  	_ =	swait.ge [sflag:s5], $0x8000;
	s9 =	sshll.u32 s6, $0x6;
	s6 =	sshll.u32 s6, $0x3  }
0x27a: {  	[sflag:s5] =	ssyncset.done $0x0;
	s9 =	sand.u32 $0x80, s9;
	s6 =	sand.u32 $0x60, s6  }
0x27b: {  	[sflag:s5] =	ssyncadd.s32 $0xFFFF8000;
	s6 =	sor.u32 s6, s9  }
0x27c: {  	v3 =	vld [tilespmem:s6+$0x0];
	_ =	sdelay $0x4  }
0x27d: {  	v4 =	vshll.u32 v3, $0x3  }
0x27e: {  	v3 =	vand.u32 $0x7, v3;
	v4 =	vand.u32 $0xFFFFFFC0, v4  }
0x27f: {  	v3 =	vor.u32 v3, v4  }
0x280: {  	v4 =	vperm.xlane v3, v0;
	_ =	sdelay $0x1  }
0x281: {  	v4 =	vadd.s32 v1, v4;
	_ =	sdelay $0x4  }
0x282: {  	[tilespmem:s22], [sflag:$0x3] =	stream.indirect_vreg.gather [hbm4b:s1+s4], $0x80, v4, vm0, $0xb8;
	[tilespmem:$0x14100] =	vst v63  }
0x283: {  	s25 =	simm.s32 $0x4900;
	v3 =	vperm.xlane v3, v2  }
0x284: {  	[tilespmem:s25], [sflag:$0x3] =	stream.indirect_vreg.gather [hbm4b:s10+s4], $0x80, v4, vm0, $0xb8;
	[tilespmem:$0x14100] =	vst v63  }
0x285: {  	s26 =	simm.s32 $0x5100;
	v3 =	vadd.s32 v1, v3  }
0x286: {  	[tilespmem:s26], [sflag:$0x3] =	stream.indirect_vreg.gather [hbm4b:s11+s4], $0x80, v4, vm0, $0xb8;
	[tilespmem:$0x14100] =	vst v63  }
0x287: {  	s28 =	simm.s32 $0x5900  }
0x288: {  	[tilespmem:s28], [sflag:$0x3] =	stream.indirect_vreg.gather [hbm4b:s12+s4], $0x80, v4, vm0, $0xb8;
	[tilespmem:$0x14100] =	vst v63  }
0x289: {  	s29 =	simm.s32 $0x6100  }
0x28a: {  	[tilespmem:s29], [sflag:$0x3] =	stream.indirect_vreg.gather [hbm4b:s1+s4], $0x80, v3, vm0, $0xb8;
	[tilespmem:$0x14100] =	vst v63  }
0x28b: {  	s30 =	simm.s32 $0x6900  }
0x28c: {  	[tilespmem:s30], [sflag:$0x3] =	stream.indirect_vreg.gather [hbm4b:s10+s4], $0x80, v3, vm0, $0xb8;
	[tilespmem:$0x14100] =	vst v63  }
0x28d: {  	s16 =	simm.s32 $0x7100  }
0x28e: {  	[tilespmem:s16], [sflag:$0x3] =	stream.indirect_vreg.gather [hbm4b:s11+s4], $0x80, v3, vm0, $0xb8;
	[tilespmem:$0x14100] =	vst v63  }
0x28f: {  	s17 =	simm.s32 $0x7900  }
0x290: {  	[tilespmem:s17], [sflag:$0x3] =	stream.indirect_vreg.gather [hbm4b:s12+s4], $0x80, v3, vm0, $0xb8;
	[tilespmem:$0x14100] =	vst v63  }
0x291: {  	v3 =	vld [tilespmem:s6+$0x10];
	_ =	sdelay $0x4  }
0x292: {  	v63 =	vshll.u32 v3, $0x3  }
0x293: {  	v3 =	vand.u32 $0x7, v3;
	v4 =	vand.u32 $0xFFFFFFC0, v63  }
0x294: {  	v3 =	vor.u32 v3, v4  }
0x295: {  	v4 =	vperm.xlane v3, v0;
	_ =	sdelay $0x1  }
0x296: {  	v4 =	vadd.s32 v1, v4;
	_ =	sdelay $0x3  }
0x297: {  	s21 =	simm.s32 $0x8100  }
0x298: {  	[tilespmem:s21], [sflag:$0x3] =	stream.indirect_vreg.gather [hbm4b:s1+s4], $0x80, v4, vm0, $0xb8;
	[tilespmem:$0x14100] =	vst v63  }
0x299: {  	s23 =	simm.s32 $0x8900;
	v3 =	vperm.xlane v3, v2  }
0x29a: {  	[tilespmem:s23], [sflag:$0x3] =	stream.indirect_vreg.gather [hbm4b:s10+s4], $0x80, v4, vm0, $0xb8;
	[tilespmem:$0x14100] =	vst v63  }
0x29b: {  	s24 =	simm.s32 $0x9100;
	v3 =	vadd.s32 v1, v3  }
0x29c: {  	[tilespmem:s24], [sflag:$0x3] =	stream.indirect_vreg.gather [hbm4b:s11+s4], $0x80, v4, vm0, $0xb8;
	[tilespmem:$0x14100] =	vst v63  }
0x29d: {  	s25 =	simm.s32 $0x9900  }
0x29e: {  	[tilespmem:s25], [sflag:$0x3] =	stream.indirect_vreg.gather [hbm4b:s12+s4], $0x80, v4, vm0, $0xb8;
	[tilespmem:$0x14100] =	vst v63  }
0x29f: {  	s26 =	simm.s32 $0xA100  }
0x2a0: {  	[tilespmem:s26], [sflag:$0x3] =	stream.indirect_vreg.gather [hbm4b:s1+s4], $0x80, v3, vm0, $0xb8;
	[tilespmem:$0x14100] =	vst v63  }
0x2a1: {  	s28 =	simm.s32 $0xA900  }
0x2a2: {  	[tilespmem:s28], [sflag:$0x3] =	stream.indirect_vreg.gather [hbm4b:s10+s4], $0x80, v3, vm0, $0xb8;
	[tilespmem:$0x14100] =	vst v63  }
0x2a3: {  	s29 =	simm.s32 $0xB100  }
0x2a4: {  	[tilespmem:s29], [sflag:$0x3] =	stream.indirect_vreg.gather [hbm4b:s11+s4], $0x80, v3, vm0, $0xb8;
	[tilespmem:$0x14100] =	vst v63  }
0x2a5: {  	s30 =	simm.s32 $0xB900  }
0x2a6: {  	[tilespmem:s30], [sflag:$0x3] =	stream.indirect_vreg.gather [hbm4b:s12+s4], $0x80, v3, vm0, $0xb8;
	[tilespmem:$0x14100] =	vst v63  }
.LBB2_6:
0x2a7: {  	_ =	swait.ge [sflag:s19], $0x8000  }
0x2a8: {  	[sflag:s19] =	ssyncset.done $0x0  }
0x2a9: {  	s9 =	simm.s32 $0x200;
	[sflag:s19] =	ssyncadd.s32 $0xFFFF8000  }
0x2aa: {  	v3 =	vld [tilespmem:s9+$0xFFFFFF00];
	_ =	sdelay $0x2  }
0x2ab: {  	s16 =	simm.s32 $0x0;
	s6 =	simm.s32 $0x0  }
0x2ac: {  	s6 =	sand.u32 $0x6000, s6;
	s17 =	sand.u32 $0x380, s16  }
0x2ad: {  	s23 =	sor.u32 s17, s6;
	v4 =	vshll.u32 v3, $0x10  }
0x2ae: {  	v3 =	vand.u32 $0xFFFF0000, v3;
	[tilespmem:s23+$0xC100] =	vst.add.f32.msk $0xffff, v4  }
0x2af: {  	[tilespmem:s23+$0xC110] =	vst.add.f32.msk $0xffff, v3  }
0x2b0: {  	v3 =	vld [tilespmem:s9+$0xFFFFFF10];
	_ =	sdelay $0x4  }
0x2b1: {  	v4 =	vshll.u32 v3, $0x10  }
0x2b2: {  	v3 =	vand.u32 $0xFFFF0000, v3;
	[tilespmem:s23+$0xC120] =	vst.add.f32.msk $0xffff, v4  }
0x2b3: {  	[tilespmem:s23+$0xC130] =	vst.add.f32.msk $0xffff, v3  }
0x2b4: {  	v3 =	vld [tilespmem:s9+$0xFFFFFF20];
	_ =	sdelay $0x4  }
0x2b5: {  	v4 =	vshll.u32 v3, $0x10  }
0x2b6: {  	v3 =	vand.u32 $0xFFFF0000, v3;
	[tilespmem:s23+$0xC140] =	vst.add.f32.msk $0xffff, v4  }
0x2b7: {  	[tilespmem:s23+$0xC150] =	vst.add.f32.msk $0xffff, v3  }
0x2b8: {  	v3 =	vld [tilespmem:s9+$0xFFFFFF30];
	_ =	sdelay $0x4  }
0x2b9: {  	v4 =	vshll.u32 v3, $0x10  }
0x2ba: {  	v3 =	vand.u32 $0xFFFF0000, v3;
	[tilespmem:s23+$0xC160] =	vst.add.f32.msk $0xffff, v4  }
0x2bb: {  	[tilespmem:s23+$0xC170] =	vst.add.f32.msk $0xffff, v3  }
0x2bc: {  	v3 =	vld [tilespmem:s9+$0xFFFFFF40];
	_ =	sdelay $0x4  }
0x2bd: {  	v4 =	vshll.u32 v3, $0x10  }
0x2be: {  	v3 =	vand.u32 $0xFFFF0000, v3;
	[tilespmem:s23+$0xC500] =	vst.add.f32.msk $0xffff, v4  }
0x2bf: {  	[tilespmem:s23+$0xC510] =	vst.add.f32.msk $0xffff, v3  }
0x2c0: {  	v3 =	vld [tilespmem:s9+$0xFFFFFF50];
	_ =	sdelay $0x4  }
0x2c1: {  	v4 =	vshll.u32 v3, $0x10  }
0x2c2: {  	v3 =	vand.u32 $0xFFFF0000, v3;
	[tilespmem:s23+$0xC520] =	vst.add.f32.msk $0xffff, v4  }
0x2c3: {  	[tilespmem:s23+$0xC530] =	vst.add.f32.msk $0xffff, v3  }
0x2c4: {  	v3 =	vld [tilespmem:s9+$0xFFFFFF60];
	_ =	sdelay $0x4  }
0x2c5: {  	v4 =	vshll.u32 v3, $0x10  }
0x2c6: {  	v3 =	vand.u32 $0xFFFF0000, v3;
	[tilespmem:s23+$0xC540] =	vst.add.f32.msk $0xffff, v4  }
0x2c7: {  	[tilespmem:s23+$0xC550] =	vst.add.f32.msk $0xffff, v3  }
0x2c8: {  	v3 =	vld [tilespmem:s9+$0xFFFFFF70];
	_ =	sdelay $0x4  }
0x2c9: {  	v4 =	vshll.u32 v3, $0x10  }
0x2ca: {  	v3 =	vand.u32 $0xFFFF0000, v3;
	[tilespmem:s23+$0xC560] =	vst.add.f32.msk $0xffff, v4  }
0x2cb: {  	[tilespmem:s23+$0xC570] =	vst.add.f32.msk $0xffff, v3  }
0x2cc: {  	v3 =	vld [tilespmem:s9+$0xFFFFFF80];
	_ =	sdelay $0x4  }
0x2cd: {  	v4 =	vshll.u32 v3, $0x10  }
0x2ce: {  	v3 =	vand.u32 $0xFFFF0000, v3;
	[tilespmem:s23+$0xC900] =	vst.add.f32.msk $0xffff, v4  }
0x2cf: {  	[tilespmem:s23+$0xC910] =	vst.add.f32.msk $0xffff, v3  }
0x2d0: {  	v3 =	vld [tilespmem:s9+$0xFFFFFF90];
	_ =	sdelay $0x4  }
0x2d1: {  	v4 =	vshll.u32 v3, $0x10  }
0x2d2: {  	v3 =	vand.u32 $0xFFFF0000, v3;
	[tilespmem:s23+$0xC920] =	vst.add.f32.msk $0xffff, v4  }
0x2d3: {  	[tilespmem:s23+$0xC930] =	vst.add.f32.msk $0xffff, v3  }
0x2d4: {  	v3 =	vld [tilespmem:s9+$0xFFFFFFA0];
	_ =	sdelay $0x4  }
0x2d5: {  	v4 =	vshll.u32 v3, $0x10  }
0x2d6: {  	v3 =	vand.u32 $0xFFFF0000, v3;
	[tilespmem:s23+$0xC940] =	vst.add.f32.msk $0xffff, v4  }
0x2d7: {  	[tilespmem:s23+$0xC950] =	vst.add.f32.msk $0xffff, v3  }
0x2d8: {  	v3 =	vld [tilespmem:s9+$0xFFFFFFB0];
	_ =	sdelay $0x4  }
0x2d9: {  	v4 =	vshll.u32 v3, $0x10  }
0x2da: {  	v3 =	vand.u32 $0xFFFF0000, v3;
	[tilespmem:s23+$0xC960] =	vst.add.f32.msk $0xffff, v4  }
0x2db: {  	[tilespmem:s23+$0xC970] =	vst.add.f32.msk $0xffff, v3  }
0x2dc: {  	v3 =	vld [tilespmem:s9+$0xFFFFFFC0];
	_ =	sdelay $0x3  }
0x2dd: {  	s6 =	simm.s32 $0x400  }
0x2de: {  	v4 =	vld [tilespmem:s6+$0xFFFFFF00];
	v5 =	vshll.u32 v3, $0x10  }
0x2df: {  	v3 =	vand.u32 $0xFFFF0000, v3;
	[tilespmem:s23+$0xCD00] =	vst.add.f32.msk $0xffff, v5  }
0x2e0: {  	[tilespmem:s23+$0xCD10] =	vst.add.f32.msk $0xffff, v3  }
0x2e1: {  	s26 =	simm.s32 $0x80;
	s21 =	simm.s32 $0x400;
	v3 =	vld [tilespmem:s9+$0xFFFFFFD0]  }
0x2e2: {  	s21 =	sand.u32 $0x6000, s21;
	s17 =	sand.u32 $0x380, s26  }
0x2e3: {  	s21 =	sor.u32 s17, s21;
	v5 =	vshll.u32 v4, $0x10  }
0x2e4: {  	v4 =	vand.u32 $0xFFFF0000, v4;
	[tilespmem:s21+$0xC100] =	vst.add.f32.msk $0xffff, v5  }
0x2e5: {  	[tilespmem:s21+$0xC110] =	vst.add.f32.msk $0xffff, v4  }
0x2e6: {  	v4 =	vld [tilespmem:s6+$0xFFFFFF10];
	v5 =	vshll.u32 v3, $0x10  }
0x2e7: {  	v3 =	vand.u32 $0xFFFF0000, v3;
	[tilespmem:s23+$0xCD20] =	vst.add.f32.msk $0xffff, v5  }
0x2e8: {  	[tilespmem:s23+$0xCD30] =	vst.add.f32.msk $0xffff, v3  }
0x2e9: {  	v3 =	vld [tilespmem:s9+$0xFFFFFFE0];
	_ =	sdelay $0x1  }
0x2ea: {  	v5 =	vshll.u32 v4, $0x10  }
0x2eb: {  	v4 =	vand.u32 $0xFFFF0000, v4;
	[tilespmem:s21+$0xC120] =	vst.add.f32.msk $0xffff, v5  }
0x2ec: {  	[tilespmem:s21+$0xC130] =	vst.add.f32.msk $0xffff, v4  }
0x2ed: {  	v4 =	vld [tilespmem:s6+$0xFFFFFF20];
	v5 =	vshll.u32 v3, $0x10  }
0x2ee: {  	v3 =	vand.u32 $0xFFFF0000, v3;
	[tilespmem:s23+$0xCD40] =	vst.add.f32.msk $0xffff, v5  }
0x2ef: {  	[tilespmem:s23+$0xCD50] =	vst.add.f32.msk $0xffff, v3  }
0x2f0: {  	v3 =	vld [tilespmem:s9+$0xFFFFFFF0];
	_ =	sdelay $0x1  }
0x2f1: {  	v5 =	vshll.u32 v4, $0x10  }
0x2f2: {  	v4 =	vand.u32 $0xFFFF0000, v4;
	[tilespmem:s21+$0xC140] =	vst.add.f32.msk $0xffff, v5  }
0x2f3: {  	[tilespmem:s21+$0xC150] =	vst.add.f32.msk $0xffff, v4  }
0x2f4: {  	v4 =	vld [tilespmem:s6+$0xFFFFFF30];
	v5 =	vshll.u32 v3, $0x10  }
0x2f5: {  	v3 =	vand.u32 $0xFFFF0000, v3;
	[tilespmem:s23+$0xCD60] =	vst.add.f32.msk $0xffff, v5  }
0x2f6: {  	[tilespmem:s23+$0xCD70] =	vst.add.f32.msk $0xffff, v3  }
0x2f7: {  	v3 =	vld [tilespmem:s9+$0x0];
	_ =	sdelay $0x1  }
0x2f8: {  	v5 =	vshll.u32 v4, $0x10  }
0x2f9: {  	v4 =	vand.u32 $0xFFFF0000, v4;
	[tilespmem:s21+$0xC160] =	vst.add.f32.msk $0xffff, v5  }
0x2fa: {  	[tilespmem:s21+$0xC170] =	vst.add.f32.msk $0xffff, v4  }
0x2fb: {  	v4 =	vld [tilespmem:s6+$0xFFFFFF40];
	v5 =	vshll.u32 v3, $0x10  }
0x2fc: {  	v3 =	vand.u32 $0xFFFF0000, v3;
	[tilespmem:s23+$0xD100] =	vst.add.f32.msk $0xffff, v5  }
0x2fd: {  	[tilespmem:s23+$0xD110] =	vst.add.f32.msk $0xffff, v3  }
0x2fe: {  	v3 =	vld [tilespmem:s9+$0x10];
	_ =	sdelay $0x1  }
0x2ff: {  	v5 =	vshll.u32 v4, $0x10  }
0x300: {  	v4 =	vand.u32 $0xFFFF0000, v4;
	[tilespmem:s21+$0xC500] =	vst.add.f32.msk $0xffff, v5  }
0x301: {  	[tilespmem:s21+$0xC510] =	vst.add.f32.msk $0xffff, v4  }
0x302: {  	v4 =	vld [tilespmem:s6+$0xFFFFFF50];
	v5 =	vshll.u32 v3, $0x10  }
0x303: {  	v3 =	vand.u32 $0xFFFF0000, v3;
	[tilespmem:s23+$0xD120] =	vst.add.f32.msk $0xffff, v5  }
0x304: {  	[tilespmem:s23+$0xD130] =	vst.add.f32.msk $0xffff, v3  }
0x305: {  	v3 =	vld [tilespmem:s9+$0x20];
	_ =	sdelay $0x1  }
0x306: {  	v5 =	vshll.u32 v4, $0x10  }
0x307: {  	v4 =	vand.u32 $0xFFFF0000, v4;
	[tilespmem:s21+$0xC520] =	vst.add.f32.msk $0xffff, v5  }
0x308: {  	[tilespmem:s21+$0xC530] =	vst.add.f32.msk $0xffff, v4  }
0x309: {  	v4 =	vld [tilespmem:s6+$0xFFFFFF60];
	v5 =	vshll.u32 v3, $0x10  }
0x30a: {  	v3 =	vand.u32 $0xFFFF0000, v3;
	[tilespmem:s23+$0xD140] =	vst.add.f32.msk $0xffff, v5  }
0x30b: {  	[tilespmem:s23+$0xD150] =	vst.add.f32.msk $0xffff, v3  }
0x30c: {  	v3 =	vld [tilespmem:s9+$0x30]  }
0x30d: {  	s25 =	simm.s32 $0x600  }
0x30e: {  	v5 =	vld [tilespmem:s25+$0xFFFFFF00];
	v6 =	vshll.u32 v4, $0x10  }
0x30f: {  	v4 =	vand.u32 $0xFFFF0000, v4;
	[tilespmem:s21+$0xC540] =	vst.add.f32.msk $0xffff, v6  }
0x310: {  	[tilespmem:s21+$0xC550] =	vst.add.f32.msk $0xffff, v4  }
0x311: {  	v4 =	vld [tilespmem:s6+$0xFFFFFF70];
	v6 =	vshll.u32 v3, $0x10  }
0x312: {  	v3 =	vand.u32 $0xFFFF0000, v3;
	[tilespmem:s23+$0xD160] =	vst.add.f32.msk $0xffff, v6  }
0x313: {  	s30 =	simm.s32 $0x100;
	s24 =	simm.s32 $0x800;
	[tilespmem:s23+$0xD170] =	vst.add.f32.msk $0xffff, v3  }
0x314: {  	s24 =	sand.u32 $0x6000, s24;
	s17 =	sand.u32 $0x380, s30;
	v3 =	vld [tilespmem:s9+$0x40]  }
0x315: {  	s17 =	sor.u32 s17, s24;
	v6 =	vshll.u32 v5, $0x10  }
0x316: {  	[tilespmem:s17+$0xC100] =	vst.add.f32.msk $0xffff, v6;
	v6 =	vshll.u32 v4, $0x10  }
0x317: {  	v4 =	vand.u32 $0xFFFF0000, v4;
	[tilespmem:s21+$0xC560] =	vst.add.f32.msk $0xffff, v6  }
0x318: {  	[tilespmem:s21+$0xC570] =	vst.add.f32.msk $0xffff, v4  }
0x319: {  	v4 =	vld [tilespmem:s6+$0xFFFFFF80];
	v6 =	vshll.u32 v3, $0x10  }
0x31a: {  	v3 =	vand.u32 $0xFFFF0000, v3;
	[tilespmem:s23+$0xD500] =	vst.add.f32.msk $0xffff, v6  }
0x31b: {  	[tilespmem:s23+$0xD510] =	vst.add.f32.msk $0xffff, v3  }
0x31c: {  	v3 =	vand.u32 $0xFFFF0000, v5;
	v5 =	vld [tilespmem:s9+$0x50]  }
0x31d: {  	[tilespmem:s17+$0xC110] =	vst.add.f32.msk $0xffff, v3  }
0x31e: {  	v6 =	vshll.u32 v4, $0x10;
	v3 =	vld [tilespmem:s25+$0xFFFFFF10]  }
0x31f: {  	v4 =	vand.u32 $0xFFFF0000, v4;
	[tilespmem:s21+$0xC900] =	vst.add.f32.msk $0xffff, v6  }
0x320: {  	[tilespmem:s21+$0xC910] =	vst.add.f32.msk $0xffff, v4  }
0x321: {  	v4 =	vld [tilespmem:s6+$0xFFFFFF90];
	v6 =	vshll.u32 v5, $0x10  }
0x322: {  	v5 =	vand.u32 $0xFFFF0000, v5;
	[tilespmem:s23+$0xD520] =	vst.add.f32.msk $0xffff, v6  }
0x323: {  	[tilespmem:s23+$0xD530] =	vst.add.f32.msk $0xffff, v5  }
0x324: {  	v5 =	vld [tilespmem:s9+$0x60]  }
0x325: {  	v6 =	vshll.u32 v3, $0x10  }
0x326: {  	[tilespmem:s17+$0xC120] =	vst.add.f32.msk $0xffff, v6;
	v6 =	vshll.u32 v4, $0x10  }
0x327: {  	v4 =	vand.u32 $0xFFFF0000, v4;
	[tilespmem:s21+$0xC920] =	vst.add.f32.msk $0xffff, v6  }
0x328: {  	[tilespmem:s21+$0xC930] =	vst.add.f32.msk $0xffff, v4  }
0x329: {  	v4 =	vld [tilespmem:s6+$0xFFFFFFA0];
	v6 =	vshll.u32 v5, $0x10  }
0x32a: {  	v5 =	vand.u32 $0xFFFF0000, v5;
	[tilespmem:s23+$0xD540] =	vst.add.f32.msk $0xffff, v6  }
0x32b: {  	[tilespmem:s23+$0xD550] =	vst.add.f32.msk $0xffff, v5  }
0x32c: {  	v3 =	vand.u32 $0xFFFF0000, v3;
	v5 =	vld [tilespmem:s9+$0x70]  }
0x32d: {  	[tilespmem:s17+$0xC130] =	vst.add.f32.msk $0xffff, v3  }
0x32e: {  	v3 =	vld [tilespmem:s25+$0xFFFFFF20];
	v6 =	vshll.u32 v4, $0x10  }
0x32f: {  	v4 =	vand.u32 $0xFFFF0000, v4;
	[tilespmem:s21+$0xC940] =	vst.add.f32.msk $0xffff, v6  }
0x330: {  	[tilespmem:s21+$0xC950] =	vst.add.f32.msk $0xffff, v4  }
0x331: {  	v4 =	vld [tilespmem:s6+$0xFFFFFFB0];
	v6 =	vshll.u32 v5, $0x10  }
0x332: {  	v5 =	vand.u32 $0xFFFF0000, v5;
	[tilespmem:s23+$0xD560] =	vst.add.f32.msk $0xffff, v6  }
0x333: {  	[tilespmem:s23+$0xD570] =	vst.add.f32.msk $0xffff, v5  }
0x334: {  	v5 =	vld [tilespmem:s9+$0x80]  }
0x335: {  	v6 =	vshll.u32 v3, $0x10  }
0x336: {  	[tilespmem:s17+$0xC140] =	vst.add.f32.msk $0xffff, v6;
	v6 =	vshll.u32 v4, $0x10  }
0x337: {  	v4 =	vand.u32 $0xFFFF0000, v4;
	[tilespmem:s21+$0xC960] =	vst.add.f32.msk $0xffff, v6  }
0x338: {  	[tilespmem:s21+$0xC970] =	vst.add.f32.msk $0xffff, v4  }
0x339: {  	v4 =	vld [tilespmem:s6+$0xFFFFFFC0];
	v6 =	vshll.u32 v5, $0x10  }
0x33a: {  	v5 =	vand.u32 $0xFFFF0000, v5;
	[tilespmem:s23+$0xD900] =	vst.add.f32.msk $0xffff, v6  }
0x33b: {  	[tilespmem:s23+$0xD910] =	vst.add.f32.msk $0xffff, v5  }
0x33c: {  	v3 =	vand.u32 $0xFFFF0000, v3;
	v5 =	vld [tilespmem:s9+$0x90]  }
0x33d: {  	[tilespmem:s17+$0xC150] =	vst.add.f32.msk $0xffff, v3  }
0x33e: {  	v3 =	vld [tilespmem:s25+$0xFFFFFF30];
	v6 =	vshll.u32 v4, $0x10  }
0x33f: {  	v4 =	vand.u32 $0xFFFF0000, v4;
	[tilespmem:s21+$0xCD00] =	vst.add.f32.msk $0xffff, v6  }
0x340: {  	[tilespmem:s21+$0xCD10] =	vst.add.f32.msk $0xffff, v4  }
0x341: {  	v4 =	vld [tilespmem:s6+$0xFFFFFFD0];
	v6 =	vshll.u32 v5, $0x10  }
0x342: {  	v5 =	vand.u32 $0xFFFF0000, v5;
	[tilespmem:s23+$0xD920] =	vst.add.f32.msk $0xffff, v6  }
0x343: {  	[tilespmem:s23+$0xD930] =	vst.add.f32.msk $0xffff, v5  }
0x344: {  	v5 =	vld [tilespmem:s9+$0xA0]  }
0x345: {  	v6 =	vshll.u32 v3, $0x10  }
0x346: {  	[tilespmem:s17+$0xC160] =	vst.add.f32.msk $0xffff, v6;
	v6 =	vshll.u32 v4, $0x10  }
0x347: {  	v4 =	vand.u32 $0xFFFF0000, v4;
	[tilespmem:s21+$0xCD20] =	vst.add.f32.msk $0xffff, v6  }
0x348: {  	[tilespmem:s21+$0xCD30] =	vst.add.f32.msk $0xffff, v4  }
0x349: {  	v4 =	vld [tilespmem:s6+$0xFFFFFFE0];
	v6 =	vshll.u32 v5, $0x10  }
0x34a: {  	v5 =	vand.u32 $0xFFFF0000, v5;
	[tilespmem:s23+$0xD940] =	vst.add.f32.msk $0xffff, v6  }
0x34b: {  	[tilespmem:s23+$0xD950] =	vst.add.f32.msk $0xffff, v5  }
0x34c: {  	v3 =	vand.u32 $0xFFFF0000, v3;
	v5 =	vld [tilespmem:s9+$0xB0]  }
0x34d: {  	[tilespmem:s17+$0xC170] =	vst.add.f32.msk $0xffff, v3  }
0x34e: {  	v3 =	vld [tilespmem:s25+$0xFFFFFF40];
	v6 =	vshll.u32 v4, $0x10  }
0x34f: {  	v4 =	vand.u32 $0xFFFF0000, v4;
	[tilespmem:s21+$0xCD40] =	vst.add.f32.msk $0xffff, v6  }
0x350: {  	[tilespmem:s21+$0xCD50] =	vst.add.f32.msk $0xffff, v4  }
0x351: {  	v4 =	vld [tilespmem:s6+$0xFFFFFFF0];
	v6 =	vshll.u32 v5, $0x10  }
0x352: {  	v5 =	vand.u32 $0xFFFF0000, v5;
	[tilespmem:s23+$0xD960] =	vst.add.f32.msk $0xffff, v6  }
0x353: {  	[tilespmem:s23+$0xD970] =	vst.add.f32.msk $0xffff, v5  }
0x354: {  	v5 =	vld [tilespmem:s9+$0xC0]  }
0x355: {  	v6 =	vshll.u32 v3, $0x10  }
0x356: {  	s26 =	sand.u32 $0x7, s16;
	[tilespmem:s17+$0xC500] =	vst.add.f32.msk $0xffff, v6;
	v6 =	vshll.u32 v4, $0x10  }
0x357: {  	s23 =	sshll.u32 s26, $0x7;
	v4 =	vand.u32 $0xFFFF0000, v4;
	[tilespmem:s21+$0xCD60] =	vst.add.f32.msk $0xffff, v6  }
0x358: {  	s26 =	sadd.s32 $0x0, s23;
	[tilespmem:s21+$0xCD70] =	vst.add.f32.msk $0xffff, v4  }
0x359: {  	s23 =	sor.u32 $0x1C00, s26;
	v4 =	vld [tilespmem:s6+$0x0];
	v6 =	vshll.u32 v5, $0x10  }
0x35a: {  	s30 =	sor.u32 $0x1C10, s26;
	v5 =	vand.u32 $0xFFFF0000, v5;
	[tilespmem:s23+$0xC100] =	vst.add.f32.msk $0xffff, v6  }
0x35b: {  	[tilespmem:s30+$0xC100] =	vst.add.f32.msk $0xffff, v5  }
0x35c: {  	v5 =	vand.u32 $0xFFFF0000, v3;
	v3 =	vld [tilespmem:s9+$0xD0]  }
0x35d: {  	s28 =	simm.s32 $0xFFFF8800;
	[tilespmem:s17+$0xC510] =	vst.add.f32.msk $0xffff, v5  }
0x35e: {  	s29 =	simm.s32 $0x180;
	s24 =	simm.s32 $0x0;
	s23 =	simm.s32 $0x600;
	v5 =	vshll.u32 v4, $0x10;
	v6 =	vld [tilespmem:s25+$0xFFFFFF50]  }
.LBB2_7:
0x35f: {  	p1 =	sne.s32 s29, $0xF80;
	v4 =	vand.u32 $0xFFFF0000, v4;
	[tilespmem:s21+$0xD100] =	vst.add.f32.msk $0xffff, v5  }
0x360: {  	[tilespmem:s21+$0xD110] =	vst.add.f32.msk $0xffff, v4  }
0x361: {  	s30 =	sor.u32 $0x1C20, s26;
	v4 =	vld [tilespmem:s6+$0x10];
	v5 =	vshll.u32 v3, $0x10  }
0x362: {  	v3 =	vand.u32 $0xFFFF0000, v3;
	[tilespmem:s30+$0xC100] =	vst.add.f32.msk $0xffff, v5;
	s30 =	sor.u32 $0x1C30, s26  }
0x363: {  	[tilespmem:s30+$0xC100] =	vst.add.f32.msk $0xffff, v3  }
0x364: {  	s25 =	sadd.s32 $0x200, s25;
	v3 =	vld [tilespmem:s9+$0xE0]  }
0x365: {  	v7 =	vshll.u32 v6, $0x10;
	v5 =	vld [tilespmem:s25+$0xFFFFFF00]  }
0x366: {  	[tilespmem:s17+$0xC520] =	vst.add.f32.msk $0xffff, v7;
	v7 =	vshll.u32 v4, $0x10  }
0x367: {  	v4 =	vand.u32 $0xFFFF0000, v4;
	[tilespmem:s21+$0xD120] =	vst.add.f32.msk $0xffff, v7  }
0x368: {  	[tilespmem:s21+$0xD130] =	vst.add.f32.msk $0xffff, v4  }
0x369: {  	s30 =	sor.u32 $0x1C40, s26;
	v4 =	vld [tilespmem:s6+$0x20];
	v7 =	vshll.u32 v3, $0x10  }
0x36a: {  	v3 =	vand.u32 $0xFFFF0000, v3;
	[tilespmem:s30+$0xC100] =	vst.add.f32.msk $0xffff, v7;
	s30 =	sor.u32 $0x1C50, s26  }
0x36b: {  	[tilespmem:s30+$0xC100] =	vst.add.f32.msk $0xffff, v3  }
0x36c: {  	v3 =	vand.u32 $0xFFFF0000, v6;
	v6 =	vld [tilespmem:s9+$0xF0];
	s9 =	smov.u32 s6;
	s6 =	smov.u32 s23;
	s23 =	smov.u32 s25  }
0x36d: {  	[tilespmem:s17+$0xC530] =	vst.add.f32.msk $0xffff, v3  }
0x36e: {  	v3 =	vld [tilespmem:s6+$0xFFFFFF60];
	v7 =	vshll.u32 v4, $0x10  }
0x36f: {  	v4 =	vand.u32 $0xFFFF0000, v4;
	[tilespmem:s21+$0xD140] =	vst.add.f32.msk $0xffff, v7  }
0x370: {  	[tilespmem:s21+$0xD150] =	vst.add.f32.msk $0xffff, v4  }
0x371: {  	s30 =	sor.u32 $0x1C60, s26;
	v4 =	vld [tilespmem:s9+$0x30];
	v7 =	vshll.u32 v6, $0x10  }
0x372: {  	s26 =	sor.u32 $0x1C70, s26;
	v6 =	vand.u32 $0xFFFF0000, v6;
	[tilespmem:s30+$0xC100] =	vst.add.f32.msk $0xffff, v7  }
0x373: {  	v7 =	vshll.u32 v3, $0x10;
	[tilespmem:s26+$0xC100] =	vst.add.f32.msk $0xffff, v6  }
0x374: {  	v3 =	vand.u32 $0xFFFF0000, v3;
	[tilespmem:s17+$0xC540] =	vst.add.f32.msk $0xffff, v7  }
0x375: {  	[tilespmem:s17+$0xC550] =	vst.add.f32.msk $0xffff, v3  }
0x376: {  	v3 =	vld [tilespmem:s6+$0xFFFFFF70];
	v6 =	vshll.u32 v4, $0x10  }
0x377: {  	s28 =	sadd.s32 $0x400, s28;
	v4 =	vand.u32 $0xFFFF0000, v4;
	[tilespmem:s21+$0xD160] =	vst.add.f32.msk $0xffff, v6  }
0x378: {  	s26 =	sadd.s32 $0x8000, s28;
	[tilespmem:s21+$0xD170] =	vst.add.f32.msk $0xffff, v4  }
0x379: {  	s30 =	sand.u32 $0x380, s29;
	s26 =	sand.u32 $0x6000, s26;
	v4 =	vld [tilespmem:s9+$0x40]  }
0x37a: {  	s26 =	sor.u32 s30, s26;
	v6 =	vshll.u32 v5, $0x10  }
0x37b: {  	[tilespmem:s26+$0xC100] =	vst.add.f32.msk $0xffff, v6;
	v6 =	vshll.u32 v3, $0x10  }
0x37c: {  	v3 =	vand.u32 $0xFFFF0000, v3;
	[tilespmem:s17+$0xC560] =	vst.add.f32.msk $0xffff, v6  }
0x37d: {  	[tilespmem:s17+$0xC570] =	vst.add.f32.msk $0xffff, v3  }
0x37e: {  	v3 =	vld [tilespmem:s6+$0xFFFFFF80];
	v6 =	vshll.u32 v4, $0x10  }
0x37f: {  	v4 =	vand.u32 $0xFFFF0000, v4;
	[tilespmem:s21+$0xD500] =	vst.add.f32.msk $0xffff, v6  }
0x380: {  	[tilespmem:s21+$0xD510] =	vst.add.f32.msk $0xffff, v4  }
0x381: {  	v4 =	vand.u32 $0xFFFF0000, v5;
	v5 =	vld [tilespmem:s9+$0x50]  }
0x382: {  	[tilespmem:s26+$0xC110] =	vst.add.f32.msk $0xffff, v4  }
0x383: {  	v4 =	vld [tilespmem:s25+$0xFFFFFF10];
	v6 =	vshll.u32 v3, $0x10  }
0x384: {  	v3 =	vand.u32 $0xFFFF0000, v3;
	[tilespmem:s17+$0xC900] =	vst.add.f32.msk $0xffff, v6  }
0x385: {  	[tilespmem:s17+$0xC910] =	vst.add.f32.msk $0xffff, v3  }
0x386: {  	v3 =	vld [tilespmem:s6+$0xFFFFFF90];
	v6 =	vshll.u32 v5, $0x10  }
0x387: {  	v5 =	vand.u32 $0xFFFF0000, v5;
	[tilespmem:s21+$0xD520] =	vst.add.f32.msk $0xffff, v6  }
0x388: {  	[tilespmem:s21+$0xD530] =	vst.add.f32.msk $0xffff, v5  }
0x389: {  	v5 =	vld [tilespmem:s9+$0x60]  }
0x38a: {  	v6 =	vshll.u32 v4, $0x10  }
0x38b: {  	[tilespmem:s26+$0xC120] =	vst.add.f32.msk $0xffff, v6;
	v6 =	vshll.u32 v3, $0x10  }
0x38c: {  	v3 =	vand.u32 $0xFFFF0000, v3;
	[tilespmem:s17+$0xC920] =	vst.add.f32.msk $0xffff, v6  }
0x38d: {  	[tilespmem:s17+$0xC930] =	vst.add.f32.msk $0xffff, v3  }
0x38e: {  	v3 =	vld [tilespmem:s6+$0xFFFFFFA0];
	v6 =	vshll.u32 v5, $0x10  }
0x38f: {  	v5 =	vand.u32 $0xFFFF0000, v5;
	[tilespmem:s21+$0xD540] =	vst.add.f32.msk $0xffff, v6  }
0x390: {  	[tilespmem:s21+$0xD550] =	vst.add.f32.msk $0xffff, v5  }
0x391: {  	v4 =	vand.u32 $0xFFFF0000, v4;
	v5 =	vld [tilespmem:s9+$0x70]  }
0x392: {  	[tilespmem:s26+$0xC130] =	vst.add.f32.msk $0xffff, v4  }
0x393: {  	v4 =	vld [tilespmem:s25+$0xFFFFFF20];
	v6 =	vshll.u32 v3, $0x10  }
0x394: {  	v3 =	vand.u32 $0xFFFF0000, v3;
	[tilespmem:s17+$0xC940] =	vst.add.f32.msk $0xffff, v6  }
0x395: {  	[tilespmem:s17+$0xC950] =	vst.add.f32.msk $0xffff, v3  }
0x396: {  	v3 =	vld [tilespmem:s6+$0xFFFFFFB0];
	v6 =	vshll.u32 v5, $0x10  }
0x397: {  	v5 =	vand.u32 $0xFFFF0000, v5;
	[tilespmem:s21+$0xD560] =	vst.add.f32.msk $0xffff, v6  }
0x398: {  	[tilespmem:s21+$0xD570] =	vst.add.f32.msk $0xffff, v5  }
0x399: {  	v5 =	vld [tilespmem:s9+$0x80]  }
0x39a: {  	v6 =	vshll.u32 v4, $0x10  }
0x39b: {  	[tilespmem:s26+$0xC140] =	vst.add.f32.msk $0xffff, v6;
	v6 =	vshll.u32 v3, $0x10  }
0x39c: {  	v3 =	vand.u32 $0xFFFF0000, v3;
	[tilespmem:s17+$0xC960] =	vst.add.f32.msk $0xffff, v6  }
0x39d: {  	[tilespmem:s17+$0xC970] =	vst.add.f32.msk $0xffff, v3  }
0x39e: {  	v3 =	vld [tilespmem:s6+$0xFFFFFFC0];
	v6 =	vshll.u32 v5, $0x10  }
0x39f: {  	v5 =	vand.u32 $0xFFFF0000, v5;
	[tilespmem:s21+$0xD900] =	vst.add.f32.msk $0xffff, v6  }
0x3a0: {  	[tilespmem:s21+$0xD910] =	vst.add.f32.msk $0xffff, v5  }
0x3a1: {  	v4 =	vand.u32 $0xFFFF0000, v4;
	v5 =	vld [tilespmem:s9+$0x90]  }
0x3a2: {  	[tilespmem:s26+$0xC150] =	vst.add.f32.msk $0xffff, v4  }
0x3a3: {  	v4 =	vld [tilespmem:s25+$0xFFFFFF30];
	v6 =	vshll.u32 v3, $0x10  }
0x3a4: {  	v3 =	vand.u32 $0xFFFF0000, v3;
	[tilespmem:s17+$0xCD00] =	vst.add.f32.msk $0xffff, v6  }
0x3a5: {  	[tilespmem:s17+$0xCD10] =	vst.add.f32.msk $0xffff, v3  }
0x3a6: {  	v3 =	vld [tilespmem:s6+$0xFFFFFFD0];
	v6 =	vshll.u32 v5, $0x10  }
0x3a7: {  	v5 =	vand.u32 $0xFFFF0000, v5;
	[tilespmem:s21+$0xD920] =	vst.add.f32.msk $0xffff, v6  }
0x3a8: {  	[tilespmem:s21+$0xD930] =	vst.add.f32.msk $0xffff, v5  }
0x3a9: {  	v5 =	vld [tilespmem:s9+$0xA0]  }
0x3aa: {  	v6 =	vshll.u32 v4, $0x10  }
0x3ab: {  	[tilespmem:s26+$0xC160] =	vst.add.f32.msk $0xffff, v6;
	v6 =	vshll.u32 v3, $0x10  }
0x3ac: {  	v3 =	vand.u32 $0xFFFF0000, v3;
	[tilespmem:s17+$0xCD20] =	vst.add.f32.msk $0xffff, v6  }
0x3ad: {  	[tilespmem:s17+$0xCD30] =	vst.add.f32.msk $0xffff, v3  }
0x3ae: {  	v3 =	vld [tilespmem:s6+$0xFFFFFFE0];
	v6 =	vshll.u32 v5, $0x10  }
0x3af: {  	v5 =	vand.u32 $0xFFFF0000, v5;
	[tilespmem:s21+$0xD940] =	vst.add.f32.msk $0xffff, v6  }
0x3b0: {  	[tilespmem:s21+$0xD950] =	vst.add.f32.msk $0xffff, v5  }
0x3b1: {  	v4 =	vand.u32 $0xFFFF0000, v4;
	v5 =	vld [tilespmem:s9+$0xB0]  }
0x3b2: {  	[tilespmem:s26+$0xC170] =	vst.add.f32.msk $0xffff, v4  }
0x3b3: {  	v6 =	vld [tilespmem:s25+$0xFFFFFF40];
	v4 =	vshll.u32 v3, $0x10  }
0x3b4: {  	v3 =	vand.u32 $0xFFFF0000, v3;
	[tilespmem:s17+$0xCD40] =	vst.add.f32.msk $0xffff, v4  }
0x3b5: {  	[tilespmem:s17+$0xCD50] =	vst.add.f32.msk $0xffff, v3  }
0x3b6: {  	v3 =	vld [tilespmem:s6+$0xFFFFFFF0];
	v4 =	vshll.u32 v5, $0x10  }
0x3b7: {  	v5 =	vand.u32 $0xFFFF0000, v5;
	[tilespmem:s21+$0xD960] =	vst.add.f32.msk $0xffff, v4  }
0x3b8: {  	[tilespmem:s21+$0xD970] =	vst.add.f32.msk $0xffff, v5;
	s21 =	smov.u32 s17;
	s17 =	smov.u32 s26  }
0x3b9: {  	v5 =	vld [tilespmem:s9+$0xC0]  }
0x3ba: {  	s16 =	sadd.s32 $0x1, s16;
	v4 =	vshll.u32 v6, $0x10  }
0x3bb: {  	s26 =	sand.u32 $0x7, s16;
	[tilespmem:s17+$0xC500] =	vst.add.f32.msk $0xffff, v4;
	v4 =	vshll.u32 v3, $0x10  }
0x3bc: {  	s24 =	sadd.s32 $0x400, s24;
	s26 =	sshll.u32 s26, $0x7;
	v3 =	vand.u32 $0xFFFF0000, v3;
	[tilespmem:s21+$0xCD60] =	vst.add.f32.msk $0xffff, v4  }
0x3bd: {  	s26 =	sadd.s32 s26, s24;
	[tilespmem:s21+$0xCD70] =	vst.add.f32.msk $0xffff, v3  }
0x3be: {  	s30 =	sor.u32 $0x1C00, s26;
	v4 =	vld [tilespmem:s6+$0x0];
	v3 =	vshll.u32 v5, $0x10  }
.Ltmp3:
0x3bf: {  	v5 =	vand.u32 $0xFFFF0000, v5;
	[tilespmem:s30+$0xC100] =	vst.add.f32.msk $0xffff, v3;
	s30 =	sor.u32 $0x1C10, s26;
	(pc) =	sbr.rel @p1 .LBB2_7-.Ltmp3, $4  }
0x3c0: {  	[tilespmem:s30+$0xC100] =	vst.add.f32.msk $0xffff, v5  }
0x3c1: {  	v5 =	vand.u32 $0xFFFF0000, v6;
	v3 =	vld [tilespmem:s9+$0xD0]  }
0x3c2: {  	[tilespmem:s17+$0xC510] =	vst.add.f32.msk $0xffff, v5  }
0x3c3: {  	s29 =	sadd.s32 $0x80, s29;
	v6 =	vld [tilespmem:s25+$0xFFFFFF50];
	v5 =	vshll.u32 v4, $0x10  }
0x3c4: {  	_ =	sdelay $0x3  }
0x3c5: {  	v7 =	vshll.u32 v6, $0x10  }
0x3c6: {  	v20 =	vand.u32 $0xFFFF0000, v6;
	[tilespmem:s17+$0xC520] =	vst.add.f32.msk $0xffff, v7  }
0x3c7: {  	[tilespmem:s17+$0xC530] =	vst.add.f32.msk $0xffff, v20  }
0x3c8: {  	v6 =	vld [tilespmem:s23+$0xFFFFFF60];
	_ =	sdelay $0x4  }
0x3c9: {  	v21 =	vshll.u32 v6, $0x10  }
0x3ca: {  	v6 =	vand.u32 $0xFFFF0000, v6;
	[tilespmem:s17+$0xC540] =	vst.add.f32.msk $0xffff, v21  }
0x3cb: {  	[tilespmem:s17+$0xC550] =	vst.add.f32.msk $0xffff, v6  }
0x3cc: {  	v6 =	vld [tilespmem:s23+$0xFFFFFF70];
	_ =	sdelay $0x4  }
0x3cd: {  	v22 =	vshll.u32 v6, $0x10  }
0x3ce: {  	v6 =	vand.u32 $0xFFFF0000, v6;
	[tilespmem:s17+$0xC560] =	vst.add.f32.msk $0xffff, v22  }
0x3cf: {  	[tilespmem:s17+$0xC570] =	vst.add.f32.msk $0xffff, v6  }
0x3d0: {  	v6 =	vld [tilespmem:s23+$0xFFFFFF80];
	_ =	sdelay $0x4  }
0x3d1: {  	v23 =	vshll.u32 v6, $0x10  }
0x3d2: {  	v6 =	vand.u32 $0xFFFF0000, v6;
	[tilespmem:s17+$0xC900] =	vst.add.f32.msk $0xffff, v23  }
0x3d3: {  	[tilespmem:s17+$0xC910] =	vst.add.f32.msk $0xffff, v6  }
0x3d4: {  	v6 =	vld [tilespmem:s23+$0xFFFFFF90];
	_ =	sdelay $0x4  }
0x3d5: {  	v24 =	vshll.u32 v6, $0x10  }
0x3d6: {  	v6 =	vand.u32 $0xFFFF0000, v6;
	[tilespmem:s17+$0xC920] =	vst.add.f32.msk $0xffff, v24  }
0x3d7: {  	[tilespmem:s17+$0xC930] =	vst.add.f32.msk $0xffff, v6  }
0x3d8: {  	v6 =	vld [tilespmem:s23+$0xFFFFFFA0];
	_ =	sdelay $0x4  }
0x3d9: {  	v25 =	vshll.u32 v6, $0x10  }
0x3da: {  	v6 =	vand.u32 $0xFFFF0000, v6;
	[tilespmem:s17+$0xC940] =	vst.add.f32.msk $0xffff, v25  }
0x3db: {  	[tilespmem:s17+$0xC950] =	vst.add.f32.msk $0xffff, v6  }
0x3dc: {  	v6 =	vld [tilespmem:s23+$0xFFFFFFB0];
	_ =	sdelay $0x4  }
0x3dd: {  	v26 =	vshll.u32 v6, $0x10  }
0x3de: {  	v6 =	vand.u32 $0xFFFF0000, v6;
	[tilespmem:s17+$0xC960] =	vst.add.f32.msk $0xffff, v26  }
0x3df: {  	[tilespmem:s17+$0xC970] =	vst.add.f32.msk $0xffff, v6  }
0x3e0: {  	v6 =	vld [tilespmem:s23+$0xFFFFFFC0];
	_ =	sdelay $0x4  }
0x3e1: {  	v27 =	vshll.u32 v6, $0x10  }
0x3e2: {  	v6 =	vand.u32 $0xFFFF0000, v6;
	[tilespmem:s17+$0xCD00] =	vst.add.f32.msk $0xffff, v27  }
0x3e3: {  	[tilespmem:s17+$0xCD10] =	vst.add.f32.msk $0xffff, v6  }
0x3e4: {  	v6 =	vld [tilespmem:s23+$0xFFFFFFD0];
	_ =	sdelay $0x4  }
0x3e5: {  	v28 =	vshll.u32 v6, $0x10  }
0x3e6: {  	v6 =	vand.u32 $0xFFFF0000, v6;
	[tilespmem:s17+$0xCD20] =	vst.add.f32.msk $0xffff, v28  }
0x3e7: {  	[tilespmem:s17+$0xCD30] =	vst.add.f32.msk $0xffff, v6  }
0x3e8: {  	v6 =	vld [tilespmem:s23+$0xFFFFFFE0];
	_ =	sdelay $0x4  }
0x3e9: {  	v29 =	vshll.u32 v6, $0x10  }
0x3ea: {  	v6 =	vand.u32 $0xFFFF0000, v6;
	[tilespmem:s17+$0xCD40] =	vst.add.f32.msk $0xffff, v29  }
0x3eb: {  	[tilespmem:s17+$0xCD50] =	vst.add.f32.msk $0xffff, v6  }
0x3ec: {  	v6 =	vld [tilespmem:s23+$0xFFFFFFF0];
	_ =	sdelay $0x2  }
0x3ed: {  	v4 =	vand.u32 $0xFFFF0000, v4;
	[tilespmem:s21+$0xD100] =	vst.add.f32.msk $0xffff, v5  }
0x3ee: {  	[tilespmem:s21+$0xD110] =	vst.add.f32.msk $0xffff, v4  }
0x3ef: {  	v4 =	vld [tilespmem:s6+$0x10];
	v30 =	vshll.u32 v6, $0x10  }
0x3f0: {  	v6 =	vand.u32 $0xFFFF0000, v6;
	[tilespmem:s17+$0xCD60] =	vst.add.f32.msk $0xffff, v30  }
0x3f1: {  	[tilespmem:s17+$0xCD70] =	vst.add.f32.msk $0xffff, v6  }
0x3f2: {  	v6 =	vld [tilespmem:s23+$0x0];
	_ =	sdelay $0x1  }
0x3f3: {  	v32 =	vshll.u32 v4, $0x10  }
0x3f4: {  	v4 =	vand.u32 $0xFFFF0000, v4;
	[tilespmem:s21+$0xD120] =	vst.add.f32.msk $0xffff, v32  }
0x3f5: {  	[tilespmem:s21+$0xD130] =	vst.add.f32.msk $0xffff, v4  }
0x3f6: {  	v4 =	vld [tilespmem:s6+$0x20];
	v31 =	vshll.u32 v6, $0x10  }
0x3f7: {  	v6 =	vand.u32 $0xFFFF0000, v6;
	[tilespmem:s17+$0xD100] =	vst.add.f32.msk $0xffff, v31  }
0x3f8: {  	[tilespmem:s17+$0xD110] =	vst.add.f32.msk $0xffff, v6  }
0x3f9: {  	v5 =	vld [tilespmem:s23+$0x10];
	_ =	sdelay $0x1  }
0x3fa: {  	v34 =	vshll.u32 v4, $0x10  }
0x3fb: {  	v4 =	vand.u32 $0xFFFF0000, v4;
	[tilespmem:s21+$0xD140] =	vst.add.f32.msk $0xffff, v34  }
0x3fc: {  	[tilespmem:s21+$0xD150] =	vst.add.f32.msk $0xffff, v4  }
0x3fd: {  	v4 =	vld [tilespmem:s6+$0x30];
	v33 =	vshll.u32 v5, $0x10  }
0x3fe: {  	v5 =	vand.u32 $0xFFFF0000, v5;
	[tilespmem:s17+$0xD120] =	vst.add.f32.msk $0xffff, v33  }
0x3ff: {  	[tilespmem:s17+$0xD130] =	vst.add.f32.msk $0xffff, v5  }
0x400: {  	v5 =	vld [tilespmem:s23+$0x20];
	_ =	sdelay $0x1  }
0x401: {  	v36 =	vshll.u32 v4, $0x10  }
0x402: {  	v4 =	vand.u32 $0xFFFF0000, v4;
	[tilespmem:s21+$0xD160] =	vst.add.f32.msk $0xffff, v36  }
0x403: {  	[tilespmem:s21+$0xD170] =	vst.add.f32.msk $0xffff, v4  }
0x404: {  	v4 =	vld [tilespmem:s6+$0x40];
	v35 =	vshll.u32 v5, $0x10  }
0x405: {  	v5 =	vand.u32 $0xFFFF0000, v5;
	[tilespmem:s17+$0xD140] =	vst.add.f32.msk $0xffff, v35  }
0x406: {  	[tilespmem:s17+$0xD150] =	vst.add.f32.msk $0xffff, v5  }
0x407: {  	v5 =	vld [tilespmem:s23+$0x30];
	_ =	sdelay $0x1  }
0x408: {  	v38 =	vshll.u32 v4, $0x10  }
0x409: {  	v4 =	vand.u32 $0xFFFF0000, v4;
	[tilespmem:s21+$0xD500] =	vst.add.f32.msk $0xffff, v38  }
0x40a: {  	[tilespmem:s21+$0xD510] =	vst.add.f32.msk $0xffff, v4  }
0x40b: {  	v4 =	vld [tilespmem:s6+$0x50];
	v37 =	vshll.u32 v5, $0x10  }
0x40c: {  	v5 =	vand.u32 $0xFFFF0000, v5;
	[tilespmem:s17+$0xD160] =	vst.add.f32.msk $0xffff, v37  }
0x40d: {  	[tilespmem:s17+$0xD170] =	vst.add.f32.msk $0xffff, v5  }
0x40e: {  	v5 =	vld [tilespmem:s23+$0x40];
	_ =	sdelay $0x1  }
0x40f: {  	v40 =	vshll.u32 v4, $0x10  }
0x410: {  	v4 =	vand.u32 $0xFFFF0000, v4;
	[tilespmem:s21+$0xD520] =	vst.add.f32.msk $0xffff, v40  }
0x411: {  	[tilespmem:s21+$0xD530] =	vst.add.f32.msk $0xffff, v4  }
0x412: {  	v4 =	vld [tilespmem:s6+$0x60];
	v39 =	vshll.u32 v5, $0x10  }
0x413: {  	v5 =	vand.u32 $0xFFFF0000, v5;
	[tilespmem:s17+$0xD500] =	vst.add.f32.msk $0xffff, v39  }
0x414: {  	[tilespmem:s17+$0xD510] =	vst.add.f32.msk $0xffff, v5  }
0x415: {  	v5 =	vld [tilespmem:s23+$0x50];
	_ =	sdelay $0x1  }
0x416: {  	v42 =	vshll.u32 v4, $0x10  }
0x417: {  	v4 =	vand.u32 $0xFFFF0000, v4;
	[tilespmem:s21+$0xD540] =	vst.add.f32.msk $0xffff, v42  }
0x418: {  	[tilespmem:s21+$0xD550] =	vst.add.f32.msk $0xffff, v4  }
0x419: {  	v4 =	vld [tilespmem:s6+$0x70];
	v41 =	vshll.u32 v5, $0x10  }
0x41a: {  	v5 =	vand.u32 $0xFFFF0000, v5;
	[tilespmem:s17+$0xD520] =	vst.add.f32.msk $0xffff, v41  }
0x41b: {  	[tilespmem:s17+$0xD530] =	vst.add.f32.msk $0xffff, v5  }
0x41c: {  	v5 =	vld [tilespmem:s23+$0x60];
	_ =	sdelay $0x1  }
0x41d: {  	v44 =	vshll.u32 v4, $0x10  }
0x41e: {  	v4 =	vand.u32 $0xFFFF0000, v4;
	[tilespmem:s21+$0xD560] =	vst.add.f32.msk $0xffff, v44  }
0x41f: {  	[tilespmem:s21+$0xD570] =	vst.add.f32.msk $0xffff, v4  }
0x420: {  	v4 =	vld [tilespmem:s6+$0x80];
	v43 =	vshll.u32 v5, $0x10  }
0x421: {  	v5 =	vand.u32 $0xFFFF0000, v5;
	[tilespmem:s17+$0xD540] =	vst.add.f32.msk $0xffff, v43  }
0x422: {  	[tilespmem:s17+$0xD550] =	vst.add.f32.msk $0xffff, v5  }
0x423: {  	v5 =	vld [tilespmem:s23+$0x70];
	_ =	sdelay $0x1  }
0x424: {  	v46 =	vshll.u32 v4, $0x10  }
0x425: {  	v4 =	vand.u32 $0xFFFF0000, v4;
	[tilespmem:s21+$0xD900] =	vst.add.f32.msk $0xffff, v46  }
0x426: {  	[tilespmem:s21+$0xD910] =	vst.add.f32.msk $0xffff, v4  }
0x427: {  	v4 =	vld [tilespmem:s6+$0x90];
	v45 =	vshll.u32 v5, $0x10  }
0x428: {  	v5 =	vand.u32 $0xFFFF0000, v5;
	[tilespmem:s17+$0xD560] =	vst.add.f32.msk $0xffff, v45  }
0x429: {  	[tilespmem:s17+$0xD570] =	vst.add.f32.msk $0xffff, v5  }
0x42a: {  	v5 =	vld [tilespmem:s23+$0x80];
	_ =	sdelay $0x1  }
0x42b: {  	v48 =	vshll.u32 v4, $0x10  }
0x42c: {  	v4 =	vand.u32 $0xFFFF0000, v4;
	[tilespmem:s21+$0xD920] =	vst.add.f32.msk $0xffff, v48  }
0x42d: {  	[tilespmem:s21+$0xD930] =	vst.add.f32.msk $0xffff, v4  }
0x42e: {  	v4 =	vld [tilespmem:s6+$0xA0];
	v47 =	vshll.u32 v5, $0x10  }
0x42f: {  	v5 =	vand.u32 $0xFFFF0000, v5;
	[tilespmem:s17+$0xD900] =	vst.add.f32.msk $0xffff, v47  }
0x430: {  	[tilespmem:s17+$0xD910] =	vst.add.f32.msk $0xffff, v5  }
0x431: {  	v5 =	vld [tilespmem:s23+$0x90];
	_ =	sdelay $0x1  }
0x432: {  	v50 =	vshll.u32 v4, $0x10  }
0x433: {  	v4 =	vand.u32 $0xFFFF0000, v4;
	[tilespmem:s21+$0xD940] =	vst.add.f32.msk $0xffff, v50  }
0x434: {  	[tilespmem:s21+$0xD950] =	vst.add.f32.msk $0xffff, v4  }
0x435: {  	v4 =	vld [tilespmem:s6+$0xB0];
	v49 =	vshll.u32 v5, $0x10  }
0x436: {  	v5 =	vand.u32 $0xFFFF0000, v5;
	[tilespmem:s17+$0xD920] =	vst.add.f32.msk $0xffff, v49  }
0x437: {  	[tilespmem:s17+$0xD930] =	vst.add.f32.msk $0xffff, v5  }
0x438: {  	v5 =	vld [tilespmem:s23+$0xA0];
	_ =	sdelay $0x1  }
0x439: {  	v53 =	vshll.u32 v4, $0x10  }
0x43a: {  	v4 =	vand.u32 $0xFFFF0000, v4;
	[tilespmem:s21+$0xD960] =	vst.add.f32.msk $0xffff, v53  }
0x43b: {  	[tilespmem:s21+$0xD970] =	vst.add.f32.msk $0xffff, v4  }
0x43c: {  	v4 =	vld [tilespmem:s6+$0xC0];
	v51 =	vshll.u32 v5, $0x10  }
0x43d: {  	s30 =	sadd.s32 $0x1, s16;
	v5 =	vand.u32 $0xFFFF0000, v5;
	[tilespmem:s17+$0xD940] =	vst.add.f32.msk $0xffff, v51  }
0x43e: {  	s16 =	sand.u32 $0x7, s30;
	[tilespmem:s17+$0xD950] =	vst.add.f32.msk $0xffff, v5  }
0x43f: {  	s24 =	sadd.s32 $0x400, s24;
	s16 =	sshll.u32 s16, $0x7;
	v5 =	vld [tilespmem:s23+$0xB0]  }
0x440: {  	s16 =	sadd.s32 s16, s24  }
0x441: {  	s29 =	sor.u32 $0x1C00, s16;
	v55 =	vshll.u32 v4, $0x10  }
0x442: {  	s28 =	sadd.s32 $0x1, s30;
	s30 =	sor.u32 $0x1C10, s16;
	v4 =	vand.u32 $0xFFFF0000, v4;
	[tilespmem:s29+$0xC100] =	vst.add.f32.msk $0xffff, v55  }
0x443: {  	[tilespmem:s30+$0xC100] =	vst.add.f32.msk $0xffff, v4  }
0x444: {  	v4 =	vld [tilespmem:s6+$0xD0];
	v54 =	vshll.u32 v5, $0x10  }
0x445: {  	v5 =	vand.u32 $0xFFFF0000, v5;
	[tilespmem:s17+$0xD960] =	vst.add.f32.msk $0xffff, v54  }
0x446: {  	[tilespmem:s17+$0xD970] =	vst.add.f32.msk $0xffff, v5  }
0x447: {  	s25 =	sor.u32 $0x1C20, s26;
	v52 =	vshll.u32 v3, $0x10;
	v5 =	vld [tilespmem:s23+$0xC0]  }
0x448: {  	v3 =	vand.u32 $0xFFFF0000, v3;
	[tilespmem:s25+$0xC100] =	vst.add.f32.msk $0xffff, v52;
	s25 =	sor.u32 $0x1C30, s26  }
0x449: {  	[tilespmem:s25+$0xC100] =	vst.add.f32.msk $0xffff, v3;
	s29 =	sor.u32 $0x1C20, s16;
	v58 =	vshll.u32 v4, $0x10;
	s17 =	sand.u32 $0x7, s28  }
0x44a: {  	s24 =	sadd.s32 $0x400, s24;
	s30 =	sor.u32 $0x1C30, s16;
	v4 =	vand.u32 $0xFFFF0000, v4;
	[tilespmem:s29+$0xC100] =	vst.add.f32.msk $0xffff, v58;
	s17 =	sshll.u32 s17, $0x7  }
0x44b: {  	[tilespmem:s30+$0xC100] =	vst.add.f32.msk $0xffff, v4;
	s17 =	sadd.s32 s17, s24  }
0x44c: {  	v4 =	vld [tilespmem:s6+$0xE0];
	s24 =	sor.u32 $0x1C00, s17;
	v56 =	vshll.u32 v5, $0x10  }
0x44d: {  	s25 =	sor.u32 $0x1C10, s17;
	v5 =	vand.u32 $0xFFFF0000, v5;
	[tilespmem:s24+$0xC100] =	vst.add.f32.msk $0xffff, v56  }
0x44e: {  	[tilespmem:s25+$0xC100] =	vst.add.f32.msk $0xffff, v5  }
0x44f: {  	v5 =	vld [tilespmem:s23+$0xD0];
	_ =	sdelay $0x3  }
0x450: {  	v3 =	vld [tilespmem:s9+$0xE0];
	s29 =	sor.u32 $0x1C40, s16;
	v60 =	vshll.u32 v4, $0x10  }
0x451: {  	[tilespmem:s29+$0xC100] =	vst.add.f32.msk $0xffff, v60;
	s24 =	sor.u32 $0x1C20, s17;
	v59 =	vshll.u32 v5, $0x10  }
0x452: {  	s25 =	sor.u32 $0x1C30, s17;
	v5 =	vand.u32 $0xFFFF0000, v5;
	[tilespmem:s24+$0xC100] =	vst.add.f32.msk $0xffff, v59  }
0x453: {  	[tilespmem:s25+$0xC100] =	vst.add.f32.msk $0xffff, v5  }
0x454: {  	s30 =	sor.u32 $0x1C50, s16;
	v4 =	vand.u32 $0xFFFF0000, v4;
	v5 =	vld [tilespmem:s23+$0xE0]  }
0x455: {  	v57 =	vshll.u32 v3, $0x10;
	[tilespmem:s30+$0xC100] =	vst.add.f32.msk $0xffff, v4;
	s28 =	sor.u32 $0x1C40, s26  }
0x456: {  	v3 =	vand.u32 $0xFFFF0000, v3;
	[tilespmem:s28+$0xC100] =	vst.add.f32.msk $0xffff, v57;
	s28 =	sor.u32 $0x1C50, s26  }
0x457: {  	[tilespmem:s28+$0xC100] =	vst.add.f32.msk $0xffff, v3  }
0x458: {  	v3 =	vld [tilespmem:s9+$0xF0]  }
0x459: {  	v4 =	vld [tilespmem:s6+$0xF0];
	s9 =	sor.u32 $0x1C40, s17;
	v61 =	vshll.u32 v5, $0x10  }
0x45a: {  	s21 =	sor.u32 $0x1C50, s17;
	v5 =	vand.u32 $0xFFFF0000, v5;
	[tilespmem:s9+$0xC100] =	vst.add.f32.msk $0xffff, v61  }
0x45b: {  	[tilespmem:s21+$0xC100] =	vst.add.f32.msk $0xffff, v5  }
0x45c: {  	v5 =	vld [tilespmem:s23+$0xF0]  }
0x45d: {  	v62 =	vshll.u32 v3, $0x10;
	s23 =	sor.u32 $0x1C60, s26  }
0x45e: {  	v3 =	vand.u32 $0xFFFF0000, v3;
	s24 =	sor.u32 $0x1C70, s26;
	[tilespmem:s23+$0xC100] =	vst.add.f32.msk $0xffff, v62  }
0x45f: {  	p1 =	seq.s32 s7, $0x1;
	s25 =	sor.u32 $0x1C60, s16;
	[tilespmem:s24+$0xC100] =	vst.add.f32.msk $0xffff, v3;
	v3 =	vshll.u32 v4, $0x10  }
.Ltmp4:
0x460: {  	s26 =	sor.u32 $0x1C70, s16;
	v4 =	vand.u32 $0xFFFF0000, v4;
	[tilespmem:s25+$0xC100] =	vst.add.f32.msk $0xffff, v3;
	(pc) =	sbr.rel @p1 .LBB2_12-.Ltmp4, $4  }
0x461: {  	s28 =	sor.u32 $0x1C60, s17;
	[tilespmem:s26+$0xC100] =	vst.add.f32.msk $0xffff, v4;
	v3 =	vshll.u32 v5, $0x10  }
0x462: {  	s29 =	sor.u32 $0x1C70, s17;
	v63 =	vand.u32 $0xFFFF0000, v5;
	[tilespmem:s28+$0xC100] =	vst.add.f32.msk $0xffff, v3  }
0x463: {  	s30 =	sadd.s32 s15, s14;
	[tilespmem:s29+$0xC100] =	vst.add.f32.msk $0xffff, v63  }
0x464: {  	[hbm4b:s30+s4] =	stream.linear.scatter [tilespmem:s8], [sflag:$0x6], $0x8000, $0x38;
	[tilespmem:$0x14100] =	vst v63  }
.Ltmp5:
0x465: {  	(pc) =	sbr.rel @!p0 .LBB2_13-.Ltmp5, $1  }
0x466: {  	_ =	sdelay $0x3  }
0x467: {  	_ =	swait.ge [sflag:s5], $0x8000  }
0x468: {  	[sflag:s5] =	ssyncset.done $0x0  }
0x469: {  	[sflag:s5] =	ssyncadd.s32 $0xFFFF8000  }
0x46a: {  	_ =	swait.ge [sflag:s20], $0x8000  }
0x46b: {  	s6 =	rddreg [dreg:$0xc]  }
0x46c: {  	s3 =	rddreg [dreg:$0xb];
	s6 =	sadd.s32 $0x1, s6  }
0x46d: {  	p0 =	sne.s32 s6, s3  }
.Ltmp6:
0x46e: {  	_ = 	snop;
	(pc) =	sbr.rel @p0 .LBB2_1-.Ltmp6, $3  }
0x46f: {  	_ =	sdelay $0x1  }
0x470: {  	[sflag:s20] =	ssyncset.done $0x0  }
0x471: {  	[sflag:s20] =	ssyncadd.s32 $0xFFFF8000  }
0x472: {  	_ =	sfence.sel $0x180000  }
0x473: {  	[bflag:$0x0] =	sbarrier.arrive $0xFFFF  }
0x474: {  	_ =	strace $0x90000047  }
0x475: {  	s0 =	stileid.u32;
	[bflag:$0x2] =	sbarrier.arrive $0xFFFF  }
0x476: {  	p0 =	sne.s32 s0, $0x0;
	s0 =	rddreg [dreg:$0x4]  }
0x477: {  	s0 =	sadd.s32 @!p0 $0x100000, s0  }
0x478: {  	[sflag:s0] =	ssyncadd.tile.s32 @!p0 $0x1;
	_ =	shalt  }
.Lfunc_end2:
_tile_overlayer_lowered:
.L_overlay_start_2:
0x479: {  	(tag) =	ssettag $0x2  }
0x47a: {  	s0 =	rddreg [dreg:$0x0];
	s2 =	stileid.u32  }
0x47b: {  	s1 =	rddreg [dreg:$0x1];
	p0 =	sne.s32 s2, $0x0  }
0x47c: {  	s3 =	rddreg [dreg:$0x2];
	[bflag:$0x3] =	sbarrier.arrive $0xFFFF;
	s2 =	simm.s32 @!p0 $0x1C07  }
0x47d: {  	[timem:s3], [sflag:s2] =	dma.local @!p0 [hbm:s0], s1  }
0x47e: {  	s0 =	simm.s32 @!p0 $0x7  }
0x47f: {  	_ =	swait.ge @!p0 [sflag:s0], s1  }
0x480: {  	s1 =	ssub.s32 @!p0 $0x0, s1;
	[sflag:s0] =	ssyncset.done @!p0 $0x0  }
0x481: {  	[sflag:s0] =	ssyncadd.s32 @!p0 s1  }
0x482: {  	[bflag:$0x3] =	sbarrier.arrive $0xFFFF  }
0x483: {  	_ =	shalt  }

</sc_bundles>
